<compile_context>
chip_gen: v7x
topology: tpu7x:2x2x1
jax: 0.10.2.dev20260603
libtpu: 0.0.44.dev20260713+nightly
codegen_flags: <defaults>
</compile_context>

<pallas_src>
import functools

import jax
import jax.numpy as jnp
from jax import lax
from jax.experimental import pallas as pl
from jax.experimental.pallas import tpu as pltpu
from jax.experimental.pallas import tpu_sc as plsc

D = 64
NB = 16384
M = 8
K = 8
NC = 2
NS = 16
NW = NC * NS
BPW = NB // NW
CHUNK = 32
NCHUNKS = BPW // CHUNK
GROUPS = CHUNK // 16
XPC = CHUNK * M
XSTREAMS = XPC // 128

_mesh = plsc.VectorSubcoreMesh(core_axis_name="c", subcore_axis_name="s")


@functools.partial(
    pl.kernel,
    out_type=(
        jax.ShapeDtypeStruct((NB * M,), jnp.float32),
        jax.ShapeDtypeStruct((NB, D), jnp.float32),
        jax.ShapeDtypeStruct((K, D), jnp.float32),
    ),
    mesh=_mesh,
    compiler_params=pltpu.CompilerParams(needs_layout_passes=False),
    scratch_types=[
        pltpu.VMEM((2 * CHUNK,), jnp.int32),
        pltpu.VMEM((2 * CHUNK,), jnp.int32),
        pltpu.VMEM((2 * XSTREAMS, 128), jnp.int32),
        pltpu.VMEM((2 * XSTREAMS, 128), jnp.int32),
        pltpu.VMEM((2 * CHUNK, 2 * D), jnp.float32),
        pltpu.VMEM((2 * XPC, 2 * D), jnp.float32),
        pltpu.VMEM((XPC,), jnp.float32),
        pltpu.VMEM((CHUNK, D), jnp.float32),
        pltpu.VMEM((16,), jnp.int32),
        pltpu.VMEM((16,), jnp.int32),
        pltpu.VMEM((16, 2 * D), jnp.float32),
        pltpu.VMEM((K, D), jnp.float32),
        pltpu.SemaphoreType.DMA,
        pltpu.SemaphoreType.DMA,
    ],
)
def _sc_scores(cen_hbm, ctx_hbm, tab2_hbm, neg_hbm,
               pos_hbm, cemb_hbm, nemb_hbm,
               cidx_v, clin_v, xidx_v, xlin_v, crows_v, xrows_v, pos_v,
               cext_v, nidx_v, nlin_v, nrows_v, next_v, sem0, sem1):
    wid = lax.axis_index("s") * NC + lax.axis_index("c")
    iota = lax.iota(jnp.int32, 16)

    @pl.when(wid == 0)
    def _():
        pltpu.sync_copy(neg_hbm, nidx_v.at[pl.ds(0, K)])
        raw = nidx_v[...]
        nlin_v[...] = jnp.where(iota < K, raw >> 1, 0)
        pltpu.async_copy(tab2_hbm.at[nlin_v], nrows_v, sem0).wait()
        for kk in range(K):
            krow = jnp.full((16,), kk, jnp.int32)
            odd = (plsc.load_gather(nidx_v, [krow]) & 1) * D
            for ds_ in range(D // 16):
                v = plsc.load_gather(nrows_v, [krow, odd + ds_ * 16 + iota])
                plsc.store_scatter(next_v, [krow, ds_ * 16 + iota], v)
        pltpu.sync_copy(next_v, nemb_hbm)

    def issue(c, par, sem):
        base = wid * BPW + c * CHUNK
        po_c = par * CHUNK
        po_x = par * XSTREAMS
        pltpu.sync_copy(cen_hbm.at[pl.ds(base, CHUNK)],
                        cidx_v.at[pl.ds(po_c, CHUNK)])
        for j in range(XSTREAMS):
            pltpu.sync_copy(ctx_hbm.at[pl.ds(base * M + j * 128, 128)],
                            xidx_v.at[po_x + j])
        for t in range(CHUNK // 16):
            clin_v[pl.ds(po_c + t * 16, 16)] = (
                cidx_v[pl.ds(po_c + t * 16, 16)] >> 1)
        for j in range(XSTREAMS):
            for t in range(8):
                xlin_v[po_x + j, pl.ds(t * 16, 16)] = (
                    xidx_v[po_x + j, pl.ds(t * 16, 16)] >> 1)
        pltpu.async_copy(tab2_hbm.at[clin_v.at[pl.ds(po_c, CHUNK)]],
                         crows_v.at[pl.ds(po_c, CHUNK)], sem)
        for j in range(XSTREAMS):
            pltpu.async_copy(tab2_hbm.at[xlin_v.at[po_x + j]],
                             xrows_v.at[pl.ds(par * XPC + j * 128, 128)], sem)

    def drain(sem):
        pltpu.make_async_copy(tab2_hbm.at[pl.ds(0, CHUNK)],
                              crows_v.at[pl.ds(0, CHUNK)], sem).wait()
        for j in range(XSTREAMS):
            pltpu.make_async_copy(tab2_hbm.at[pl.ds(0, 128)],
                                  xrows_v.at[pl.ds(0, 128)], sem).wait()

    def compute(c, par):
        base = wid * BPW + c * CHUNK
        po_c = par * CHUNK
        po_x = par * XSTREAMS

        def group_body(g, carry2):
            bidx = g * 16 + iota
            crow = po_c + bidx
            codd = (plsc.load_gather(cidx_v, [crow]) & 1) * D
            rowv = [g * 128 + m + iota * 8 for m in range(M)]
            xrow = []
            xodd = []
            for m in range(M):
                raw = plsc.load_gather(
                    xidx_v, [po_x + (rowv[m] >> 7), rowv[m] & 127])
                xodd.append((raw & 1) * D)
                xrow.append(par * XPC + rowv[m])

            def d_body(dd, accs):
                out = accs
                for du in range(4):
                    dcol = jnp.full((16,), dd * 4 + du, dtype=jnp.int32)
                    cv = plsc.load_gather(crows_v, [crow, codd + dcol])
                    out = tuple(
                        out[m] + cv * plsc.load_gather(
                            xrows_v, [xrow[m], xodd[m] + dcol])
                        for m in range(M)
                    )
                return out

            accs = lax.fori_loop(
                0, D // 4, d_body,
                tuple(jnp.zeros((16,), jnp.float32) for _ in range(M)))
            for m in range(M):
                plsc.store_scatter(pos_v, [rowv[m]], accs[m])

            def b_body(t, carry3):
                brow = jnp.full((16,), g * 16, jnp.int32) + t
                bodd = plsc.load_gather(cidx_v, [po_c + brow]) & 1
                for ds_ in range(D // 16):
                    col = bodd * D + ds_ * 16 + iota
                    v = plsc.load_gather(crows_v, [po_c + brow, col])
                    plsc.store_scatter(cext_v, [brow, ds_ * 16 + iota], v)
                return carry3

            lax.fori_loop(0, 16, b_body, 0)
            return carry2

        lax.fori_loop(0, GROUPS, group_body, 0)
        pltpu.sync_copy(pos_v, pos_hbm.at[pl.ds(base * M, XPC)])
        pltpu.sync_copy(cext_v, cemb_hbm.at[pl.ds(base, CHUNK)])

    issue(0, 0, sem0)

    def pair_body(p, carry):
        c0 = p * 2
        issue(c0 + 1, 1, sem1)
        drain(sem0)
        compute(c0, 0)

        @pl.when(p + 1 < NCHUNKS // 2)
        def _():
            issue(c0 + 2, 0, sem0)

        drain(sem1)
        compute(c0 + 1, 1)
        return carry

    lax.fori_loop(0, NCHUNKS // 2, pair_body, 0)


_BLK = 2048


def _tc_loss(pos_ref, cen_ref, neg_ref, out_ref):
    i = pl.program_id(0)
    pos = pos_ref[...]
    cen = cen_ref[...]
    neg = neg_ref[...]
    negs = lax.dot_general(cen, neg, (((1,), (1,)), ((), ())),
                           preferred_element_type=jnp.float32)
    nmax = jnp.max(negs, axis=1, keepdims=True)
    s = jnp.sum(jnp.exp(negs - nmax), axis=1, keepdims=True)
    a = jnp.maximum(pos, nmax)
    r = a + jnp.log(jnp.exp(pos - a) + jnp.exp(nmax - a) * s) - pos
    part = jnp.sum(r) * (1.0 / (NB * M))

    @pl.when(i == 0)
    def _():
        out_ref[0, 0] = 0.0

    out_ref[0, 0] += part


_tc_call = pl.pallas_call(
    _tc_loss,
    grid=(NB // _BLK,),
    in_specs=[
        pl.BlockSpec((_BLK, M), lambda i: (i, 0)),
        pl.BlockSpec((_BLK, D), lambda i: (i, 0)),
        pl.BlockSpec((K, D), lambda i: (0, 0)),
    ],
    out_specs=pl.BlockSpec(memory_space=pltpu.SMEM),
    out_shape=jax.ShapeDtypeStruct((1, 1), jnp.float32),
)


def kernel(center_words, context_words, embedding, neg_labels):
    cen = center_words.astype(jnp.int32)
    ctx = context_words.astype(jnp.int32).reshape(NB * M)
    tab2 = embedding.reshape(500000, 2 * D)
    pos_flat, cemb, nemb = _sc_scores(cen, ctx, tab2,
                                      neg_labels.astype(jnp.int32))
    pos = pos_flat.reshape(NB, M)
    loss = _tc_call(pos, cemb, nemb)
    return loss[0, 0]

# --- scband reference (transcript-rebuilt; emitter-appended) ---
"""Pipeline reference for scband-skip-gram-model-46222438040223 (READ-ONLY COPY).

The authoritative reference and input builder live on the scoring server;
editing this copy changes nothing except your own understanding.
"""

import jax, jax.numpy as jnp
import numpy as np

VOCAB = 1000000
EMB_DIM = 64
BATCH = 16384
M_CTX = 8
K_NEG = 8

def setup_inputs(seed: int = 0) -> dict:
    key = jax.random.key(seed)
    k1, k2, k3, k4 = jax.random.split(key, 4)
    center_words = jax.random.randint(k1, (BATCH,), 0, VOCAB, dtype=jnp.int64) if jax.config.jax_enable_x64 else jax.random.randint(k1, (BATCH,), 0, VOCAB, dtype=jnp.int32)
    context_words = jax.random.randint(k2, (BATCH, M_CTX), 0, VOCAB, dtype=jnp.int32)
    # learned embedding table, initialized N(0, 0.01) as in the torch module
    embedding = jax.random.normal(k3, (VOCAB, EMB_DIM), dtype=jnp.float32) * 0.01
    # negative labels: the torch module samples these with numpy inside forward;
    # here we materialize k deterministic random negatives as a constant input.
    neg_labels = jax.random.randint(k4, (K_NEG,), 0, VOCAB, dtype=jnp.int32)
    return {"center_words": center_words, "context_words": context_words, "embedding": embedding, "neg_labels": neg_labels}

def reference(center_words, context_words, embedding, neg_labels):
    # embedding lookups (gather)
    center_emb = jnp.take(embedding, center_words, axis=0)          # [B, d]
    context_emb = jnp.take(embedding, context_words, axis=0)        # [B, M, d]
    neg_emb = jnp.take(embedding, neg_labels, axis=0)               # [k, d]
    # positive scores
    pos_scores = jnp.sum(center_emb[:, None, :] * context_emb, axis=-1, keepdims=True)  # [B, M, 1]
    B, M, _ = pos_scores.shape
    # negative scores
    neg_scores = jnp.matmul(center_emb, neg_emb.T)                  # [B, k]
    neg_scores = jnp.tile(neg_scores[:, None, :], (1, M, 1))        # [B, M, k]
    all_scores = jnp.concatenate([pos_scores, neg_scores], axis=-1) # [B, M, 1+k]
    all_scores = jnp.transpose(all_scores, (0, 2, 1))               # [B, 1+k, M]
    # CrossEntropyLoss with target class 0 over axis=1, mean reduction
    lse = jax.nn.logsumexp(all_scores, axis=1)                      # [B, M]
    loss = jnp.mean(lse - all_scores[:, 0, :])
    return loss

if __name__ == "__main__":
    import jax
    _d = setup_inputs()
    print(jax.jit(kernel)(*tuple(_d.values())))

</pallas_src>

<mosaic_0001>
#map = affine_map<(d0, d1) -> (0)>
#map1 = affine_map<(d0, d1) -> (0, 0)>
module attributes {stable_mosaic.version = 14 : i64} {
  func.func @_sc_scores(%arg0: i32, %arg1: i32, %arg2: memref<16384xi32, #tpu.memory_space<hbm>>, %arg3: memref<131072xi32, #tpu.memory_space<hbm>>, %arg4: memref<500000x128xf32, #tpu.memory_space<hbm>>, %arg5: memref<8xi32, #tpu.memory_space<hbm>>, %arg6: memref<131072xf32, #tpu.memory_space<hbm>>, %arg7: memref<16384x64xf32, #tpu.memory_space<hbm>>, %arg8: memref<8x64xf32, #tpu.memory_space<hbm>>, %arg9: memref<64xi32, #tpu.memory_space<vmem>>, %arg10: memref<64xi32, #tpu.memory_space<vmem>>, %arg11: memref<4x128xi32, #tpu.memory_space<vmem>>, %arg12: memref<4x128xi32, #tpu.memory_space<vmem>>, %arg13: memref<64x128xf32, #tpu.memory_space<vmem>>, %arg14: memref<512x128xf32, #tpu.memory_space<vmem>>, %arg15: memref<256xf32, #tpu.memory_space<vmem>>, %arg16: memref<32x64xf32, #tpu.memory_space<vmem>>, %arg17: memref<16xi32, #tpu.memory_space<vmem>>, %arg18: memref<16xi32, #tpu.memory_space<vmem>>, %arg19: memref<16x128xf32, #tpu.memory_space<vmem>>, %arg20: memref<8x64xf32, #tpu.memory_space<vmem>>, %arg21: memref<!tpu.dma_semaphore, #tpu.memory_space<semaphore_mem>>, %arg22: memref<!tpu.dma_semaphore, #tpu.memory_space<semaphore_mem>>) attributes {dimension_semantics = [#tpu.dimension_semantics<core_parallel>, #tpu.dimension_semantics<subcore_parallel>], iteration_bounds = array<i64: 2, 16>, scalar_prefetch = 0 : i64, scratch_operands = 14 : i64, tpu.core_type = #tpu.core_type<sc_vector_subcore>, window_params = [{transform_indices = #map}, {transform_indices = #map}, {transform_indices = #map1}, {transform_indices = #map}, {transform_indices = #map}, {transform_indices = #map1}, {transform_indices = #map1}]} {
    %mul3A = arith.constant 2 : i32
    %mul3A_0 = arith.muli %arg1, %mul3A : i32
    %add3A = arith.addi %mul3A_0, %arg0 : i32
    %iota3A = tpu.iota {dimensions = array<i32: 0>} : vector<16xi32>
    %eq3A = arith.constant 0 : i32
    %eq3A_1 = arith.cmpi eq, %add3A, %eq3A : i32
    %convert_element_type3A = arith.extui %eq3A_1 : i1 to i32
    %cond3A = arith.constant 0 : i32
    %cond3A_2 = arith.cmpi ne, %convert_element_type3A, %cond3A : i32
    scf.if %cond3A_2 {
      "tpu.region"() ({
        %run_scoped3A_575 = tpu.sem_alloc : memref<!tpu.dma_semaphore, #tpu.memory_space<semaphore_mem>>
        %dma_start3A_576 = arith.constant 0 : i32
        %dma_start3A_577 = tpu.memref_slice %arg17[%dma_start3A_576] : memref<16xi32, #tpu.memory_space<vmem>> -> memref<8xi32, #tpu.memory_space<vmem>>
        %dma_start3A_578 = arith.constant 0 : i32
        %dma_start3A_579 = tpu.memref_slice %arg17[%dma_start3A_578] : memref<16xi32, #tpu.memory_space<vmem>> -> memref<8xi32, #tpu.memory_space<vmem>>
        tpu.enqueue_dma source(%arg5 : memref<8xi32, #tpu.memory_space<hbm>>) target(%dma_start3A_579 : memref<8xi32, #tpu.memory_space<vmem>>) target_semaphore(%run_scoped3A_575 : memref<!tpu.dma_semaphore, #tpu.memory_space<semaphore_mem>>)
        %dma_wait3A_580 = arith.constant 0 : i32
        %dma_wait3A_581 = tpu.memref_slice %arg17[%dma_wait3A_580] : memref<16xi32, #tpu.memory_space<vmem>> -> memref<8xi32, #tpu.memory_space<vmem>>
        %dma_wait3A_582 = arith.constant 0 : i32
        %dma_wait3A_583 = tpu.memref_slice %arg17[%dma_wait3A_582] : memref<16xi32, #tpu.memory_space<vmem>> -> memref<8xi32, #tpu.memory_space<vmem>>
        tpu.wait_dma2 semaphore(%run_scoped3A_575 : memref<!tpu.dma_semaphore, #tpu.memory_space<semaphore_mem>>) src(%arg5 : memref<8xi32, #tpu.memory_space<hbm>>) dst(%dma_wait3A_583 : memref<8xi32, #tpu.memory_space<vmem>>)
        tpu.yield
      }) : () -> ()
      %get3A_235 = arith.constant 0 : index
      %get3A_236 = tpu.vector_load %arg17[%get3A_235] {strides = array<i32>} : memref<16xi32, #tpu.memory_space<vmem>>, vector<16xi32>,
      %lt3A = arith.constant 8 : i32
      %lt3A_237 = vector.broadcast %lt3A : i32 to vector<16xi32>
      %lt3A_238 = arith.cmpi slt, %iota3A, %lt3A_237 : vector<16xi32>
      %shift_right_arithmetic3A_239 = arith.constant 1 : i32
      %shift_right_arithmetic3A_240 = vector.broadcast %shift_right_arithmetic3A_239 : i32 to vector<16xi32>
      %shift_right_arithmetic3A_241 = arith.shrsi %get3A_236, %shift_right_arithmetic3A_240 : vector<16xi32>
      %jit3A = arith.constant 0 : i32
      %broadcast_in_dim3A = vector.broadcast %jit3A : i32 to vector<16xi32>
      %select_n3A = arith.select %lt3A_238, %shift_right_arithmetic3A_241, %broadcast_in_dim3A : vector<16xi1>, vector<16xi32>
      %swap3A_242 = arith.constant 0 : index
      %swap3A_243 = tpu.vector_load %arg18[%swap3A_242] {strides = array<i32>} : memref<16xi32, #tpu.memory_space<vmem>>, vector<16xi32>,
      tpu.vector_store %arg18[%swap3A_242], %select_n3A {strides = array<i32>} : memref<16xi32, #tpu.memory_space<vmem>>, vector<16xi32>,
      %dma_start3A_244 = arith.constant 0 : i32
      %dma_start3A_245 = arith.constant 0 : i32
      %dma_start3A_246 = tpu.memref_slice %arg4[%dma_start3A_244, %dma_start3A_245] : memref<500000x128xf32, #tpu.memory_space<hbm>> -> memref<500000x128xf32, #tpu.memory_space<hbm>>
      tpu.enqueue_indirect_dma source(%dma_start3A_246 : memref<500000x128xf32, #tpu.memory_space<hbm>>) target(%arg19 : memref<16x128xf32, #tpu.memory_space<vmem>>) offsets(%arg18 : memref<16xi32, #tpu.memory_space<vmem>>) semaphore(%arg21 : memref<!tpu.dma_semaphore, #tpu.memory_space<semaphore_mem>>)
      %dma_wait3A = arith.constant 0 : i32
      %dma_wait3A_247 = arith.constant 0 : i32
      %dma_wait3A_248 = tpu.memref_slice %arg4[%dma_wait3A, %dma_wait3A_247] : memref<500000x128xf32, #tpu.memory_space<hbm>> -> memref<500000x128xf32, #tpu.memory_space<hbm>>
      tpu.wait_indirect_dma semaphore(%arg21 : memref<!tpu.dma_semaphore, #tpu.memory_space<semaphore_mem>>) src(%dma_wait3A_248 : memref<500000x128xf32, #tpu.memory_space<hbm>>) dst(%arg19 : memref<16x128xf32, #tpu.memory_space<vmem>>)
      %broadcast_in_dim3A_249 = arith.constant 0 : i32
      %broadcast_in_dim3A_250 = vector.broadcast %broadcast_in_dim3A_249 : i32 to vector<16xi32>
      %gather3A = tpu.vector_load_idx %arg17[%broadcast_in_dim3A_250] : memref<16xi32, #tpu.memory_space<vmem>>[vector<16xi32>], vector<16xi32>,
      %and3A = arith.constant 1 : i32
      %and3A_251 = vector.broadcast %and3A : i32 to vector<16xi32>
      %and3A_252 = arith.andi %gather3A, %and3A_251 : vector<16xi32>
      %mul3A_253 = arith.constant 64 : i32
      %mul3A_254 = vector.broadcast %mul3A_253 : i32 to vector<16xi32>
      %mul3A_255 = arith.muli %and3A_252, %mul3A_254 : vector<16xi32>
      %add3A_256 = arith.constant 0 : i32
      %add3A_257 = vector.broadcast %add3A_256 : i32 to vector<16xi32>
      %add3A_258 = arith.addi %mul3A_255, %add3A_257 : vector<16xi32>
      %add3A_259 = arith.addi %add3A_258, %iota3A : vector<16xi32>
      %gather3A_260 = tpu.vector_load_idx %arg19[%broadcast_in_dim3A_250, %add3A_259] : memref<16x128xf32, #tpu.memory_space<vmem>>[vector<16xi32>, vector<16xi32>], vector<16xf32>,
      %add3A_261 = arith.constant 0 : i32
      %add3A_262 = vector.broadcast %add3A_261 : i32 to vector<16xi32>
      %add3A_263 = arith.addi %add3A_262, %iota3A : vector<16xi32>
      tpu.vector_store_idx %arg20[%broadcast_in_dim3A_250, %add3A_263], %gather3A_260 : memref<8x64xf32, #tpu.memory_space<vmem>>[vector<16xi32>, vector<16xi32>], vector<16xf32>,
      %add3A_264 = arith.constant 16 : i32
      %add3A_265 = vector.broadcast %add3A_264 : i32 to vector<16xi32>
      %add3A_266 = arith.addi %mul3A_255, %add3A_265 : vector<16xi32>
      %add3A_267 = arith.addi %add3A_266, %iota3A : vector<16xi32>
      %gather3A_268 = tpu.vector_load_idx %arg19[%broadcast_in_dim3A_250, %add3A_267] : memref<16x128xf32, #tpu.memory_space<vmem>>[vector<16xi32>, vector<16xi32>], vector<16xf32>,
      %add3A_269 = arith.constant 16 : i32
      %add3A_270 = vector.broadcast %add3A_269 : i32 to vector<16xi32>
      %add3A_271 = arith.addi %add3A_270, %iota3A : vector<16xi32>
      tpu.vector_store_idx %arg20[%broadcast_in_dim3A_250, %add3A_271], %gather3A_268 : memref<8x64xf32, #tpu.memory_space<vmem>>[vector<16xi32>, vector<16xi32>], vector<16xf32>,
      %add3A_272 = arith.constant 32 : i32
      %add3A_273 = vector.broadcast %add3A_272 : i32 to vector<16xi32>
      %add3A_274 = arith.addi %mul3A_255, %add3A_273 : vector<16xi32>
      %add3A_275 = arith.addi %add3A_274, %iota3A : vector<16xi32>
      %gather3A_276 = tpu.vector_load_idx %arg19[%broadcast_in_dim3A_250, %add3A_275] : memref<16x128xf32, #tpu.memory_space<vmem>>[vector<16xi32>, vector<16xi32>], vector<16xf32>,
      %add3A_277 = arith.constant 32 : i32
      %add3A_278 = vector.broadcast %add3A_277 : i32 to vector<16xi32>
      %add3A_279 = arith.addi %add3A_278, %iota3A : vector<16xi32>
      tpu.vector_store_idx %arg20[%broadcast_in_dim3A_250, %add3A_279], %gather3A_276 : memref<8x64xf32, #tpu.memory_space<vmem>>[vector<16xi32>, vector<16xi32>], vector<16xf32>,
      %add3A_280 = arith.constant 48 : i32
      %add3A_281 = vector.broadcast %add3A_280 : i32 to vector<16xi32>
      %add3A_282 = arith.addi %mul3A_255, %add3A_281 : vector<16xi32>
      %add3A_283 = arith.addi %add3A_282, %iota3A : vector<16xi32>
      %gather3A_284 = tpu.vector_load_idx %arg19[%broadcast_in_dim3A_250, %add3A_283] : memref<16x128xf32, #tpu.memory_space<vmem>>[vector<16xi32>, vector<16xi32>], vector<16xf32>,
      %add3A_285 = arith.constant 48 : i32
      %add3A_286 = vector.broadcast %add3A_285 : i32 to vector<16xi32>
      %add3A_287 = arith.addi %add3A_286, %iota3A : vector<16xi32>
      tpu.vector_store_idx %arg20[%broadcast_in_dim3A_250, %add3A_287], %gather3A_284 : memref<8x64xf32, #tpu.memory_space<vmem>>[vector<16xi32>, vector<16xi32>], vector<16xf32>,
      %broadcast_in_dim3A_288 = arith.constant 1 : i32
      %broadcast_in_dim3A_289 = vector.broadcast %broadcast_in_dim3A_288 : i32 to vector<16xi32>
      %gather3A_290 = tpu.vector_load_idx %arg17[%broadcast_in_dim3A_289] : memref<16xi32, #tpu.memory_space<vmem>>[vector<16xi32>], vector<16xi32>,
      %and3A_291 = arith.constant 1 : i32
      %and3A_292 = vector.broadcast %and3A_291 : i32 to vector<16xi32>
      %and3A_293 = arith.andi %gather3A_290, %and3A_292 : vector<16xi32>
      %mul3A_294 = arith.constant 64 : i32
      %mul3A_295 = vector.broadcast %mul3A_294 : i32 to vector<16xi32>
      %mul3A_296 = arith.muli %and3A_293, %mul3A_295 : vector<16xi32>
      %add3A_297 = arith.constant 0 : i32
      %add3A_298 = vector.broadcast %add3A_297 : i32 to vector<16xi32>
      %add3A_299 = arith.addi %mul3A_296, %add3A_298 : vector<16xi32>
      %add3A_300 = arith.addi %add3A_299, %iota3A : vector<16xi32>
      %gather3A_301 = tpu.vector_load_idx %arg19[%broadcast_in_dim3A_289, %add3A_300] : memref<16x128xf32, #tpu.memory_space<vmem>>[vector<16xi32>, vector<16xi32>], vector<16xf32>,
      %add3A_302 = arith.constant 0 : i32
      %add3A_303 = vector.broadcast %add3A_302 : i32 to vector<16xi32>
      %add3A_304 = arith.addi %add3A_303, %iota3A : vector<16xi32>
      tpu.vector_store_idx %arg20[%broadcast_in_dim3A_289, %add3A_304], %gather3A_301 : memref<8x64xf32, #tpu.memory_space<vmem>>[vector<16xi32>, vector<16xi32>], vector<16xf32>,
      %add3A_305 = arith.constant 16 : i32
      %add3A_306 = vector.broadcast %add3A_305 : i32 to vector<16xi32>
      %add3A_307 = arith.addi %mul3A_296, %add3A_306 : vector<16xi32>
      %add3A_308 = arith.addi %add3A_307, %iota3A : vector<16xi32>
      %gather3A_309 = tpu.vector_load_idx %arg19[%broadcast_in_dim3A_289, %add3A_308] : memref<16x128xf32, #tpu.memory_space<vmem>>[vector<16xi32>, vector<16xi32>], vector<16xf32>,
      %add3A_310 = arith.constant 16 : i32
      %add3A_311 = vector.broadcast %add3A_310 : i32 to vector<16xi32>
      %add3A_312 = arith.addi %add3A_311, %iota3A : vector<16xi32>
      tpu.vector_store_idx %arg20[%broadcast_in_dim3A_289, %add3A_312], %gather3A_309 : memref<8x64xf32, #tpu.memory_space<vmem>>[vector<16xi32>, vector<16xi32>], vector<16xf32>,
      %add3A_313 = arith.constant 32 : i32
      %add3A_314 = vector.broadcast %add3A_313 : i32 to vector<16xi32>
      %add3A_315 = arith.addi %mul3A_296, %add3A_314 : vector<16xi32>
      %add3A_316 = arith.addi %add3A_315, %iota3A : vector<16xi32>
      %gather3A_317 = tpu.vector_load_idx %arg19[%broadcast_in_dim3A_289, %add3A_316] : memref<16x128xf32, #tpu.memory_space<vmem>>[vector<16xi32>, vector<16xi32>], vector<16xf32>,
      %add3A_318 = arith.constant 32 : i32
      %add3A_319 = vector.broadcast %add3A_318 : i32 to vector<16xi32>
      %add3A_320 = arith.addi %add3A_319, %iota3A : vector<16xi32>
      tpu.vector_store_idx %arg20[%broadcast_in_dim3A_289, %add3A_320], %gather3A_317 : memref<8x64xf32, #tpu.memory_space<vmem>>[vector<16xi32>, vector<16xi32>], vector<16xf32>,
      %add3A_321 = arith.constant 48 : i32
      %add3A_322 = vector.broadcast %add3A_321 : i32 to vector<16xi32>
      %add3A_323 = arith.addi %mul3A_296, %add3A_322 : vector<16xi32>
      %add3A_324 = arith.addi %add3A_323, %iota3A : vector<16xi32>
      %gather3A_325 = tpu.vector_load_idx %arg19[%broadcast_in_dim3A_289, %add3A_324] : memref<16x128xf32, #tpu.memory_space<vmem>>[vector<16xi32>, vector<16xi32>], vector<16xf32>,
      %add3A_326 = arith.constant 48 : i32
      %add3A_327 = vector.broadcast %add3A_326 : i32 to vector<16xi32>
      %add3A_328 = arith.addi %add3A_327, %iota3A : vector<16xi32>
      tpu.vector_store_idx %arg20[%broadcast_in_dim3A_289, %add3A_328], %gather3A_325 : memref<8x64xf32, #tpu.memory_space<vmem>>[vector<16xi32>, vector<16xi32>], vector<16xf32>,
      %broadcast_in_dim3A_329 = arith.constant 2 : i32
      %broadcast_in_dim3A_330 = vector.broadcast %broadcast_in_dim3A_329 : i32 to vector<16xi32>
      %gather3A_331 = tpu.vector_load_idx %arg17[%broadcast_in_dim3A_330] : memref<16xi32, #tpu.memory_space<vmem>>[vector<16xi32>], vector<16xi32>,
      %and3A_332 = arith.constant 1 : i32
      %and3A_333 = vector.broadcast %and3A_332 : i32 to vector<16xi32>
      %and3A_334 = arith.andi %gather3A_331, %and3A_333 : vector<16xi32>
      %mul3A_335 = arith.constant 64 : i32
      %mul3A_336 = vector.broadcast %mul3A_335 : i32 to vector<16xi32>
      %mul3A_337 = arith.muli %and3A_334, %mul3A_336 : vector<16xi32>
      %add3A_338 = arith.constant 0 : i32
      %add3A_339 = vector.broadcast %add3A_338 : i32 to vector<16xi32>
      %add3A_340 = arith.addi %mul3A_337, %add3A_339 : vector<16xi32>
      %add3A_341 = arith.addi %add3A_340, %iota3A : vector<16xi32>
      %gather3A_342 = tpu.vector_load_idx %arg19[%broadcast_in_dim3A_330, %add3A_341] : memref<16x128xf32, #tpu.memory_space<vmem>>[vector<16xi32>, vector<16xi32>], vector<16xf32>,
      %add3A_343 = arith.constant 0 : i32
      %add3A_344 = vector.broadcast %add3A_343 : i32 to vector<16xi32>
      %add3A_345 = arith.addi %add3A_344, %iota3A : vector<16xi32>
      tpu.vector_store_idx %arg20[%broadcast_in_dim3A_330, %add3A_345], %gather3A_342 : memref<8x64xf32, #tpu.memory_space<vmem>>[vector<16xi32>, vector<16xi32>], vector<16xf32>,
      %add3A_346 = arith.constant 16 : i32
      %add3A_347 = vector.broadcast %add3A_346 : i32 to vector<16xi32>
      %add3A_348 = arith.addi %mul3A_337, %add3A_347 : vector<16xi32>
      %add3A_349 = arith.addi %add3A_348, %iota3A : vector<16xi32>
      %gather3A_350 = tpu.vector_load_idx %arg19[%broadcast_in_dim3A_330, %add3A_349] : memref<16x128xf32, #tpu.memory_space<vmem>>[vector<16xi32>, vector<16xi32>], vector<16xf32>,
      %add3A_351 = arith.constant 16 : i32
      %add3A_352 = vector.broadcast %add3A_351 : i32 to vector<16xi32>
      %add3A_353 = arith.addi %add3A_352, %iota3A : vector<16xi32>
      tpu.vector_store_idx %arg20[%broadcast_in_dim3A_330, %add3A_353], %gather3A_350 : memref<8x64xf32, #tpu.memory_space<vmem>>[vector<16xi32>, vector<16xi32>], vector<16xf32>,
      %add3A_354 = arith.constant 32 : i32
      %add3A_355 = vector.broadcast %add3A_354 : i32 to vector<16xi32>
      %add3A_356 = arith.addi %mul3A_337, %add3A_355 : vector<16xi32>
      %add3A_357 = arith.addi %add3A_356, %iota3A : vector<16xi32>
      %gather3A_358 = tpu.vector_load_idx %arg19[%broadcast_in_dim3A_330, %add3A_357] : memref<16x128xf32, #tpu.memory_space<vmem>>[vector<16xi32>, vector<16xi32>], vector<16xf32>,
      %add3A_359 = arith.constant 32 : i32
      %add3A_360 = vector.broadcast %add3A_359 : i32 to vector<16xi32>
      %add3A_361 = arith.addi %add3A_360, %iota3A : vector<16xi32>
      tpu.vector_store_idx %arg20[%broadcast_in_dim3A_330, %add3A_361], %gather3A_358 : memref<8x64xf32, #tpu.memory_space<vmem>>[vector<16xi32>, vector<16xi32>], vector<16xf32>,
      %add3A_362 = arith.constant 48 : i32
      %add3A_363 = vector.broadcast %add3A_362 : i32 to vector<16xi32>
      %add3A_364 = arith.addi %mul3A_337, %add3A_363 : vector<16xi32>
      %add3A_365 = arith.addi %add3A_364, %iota3A : vector<16xi32>
      %gather3A_366 = tpu.vector_load_idx %arg19[%broadcast_in_dim3A_330, %add3A_365] : memref<16x128xf32, #tpu.memory_space<vmem>>[vector<16xi32>, vector<16xi32>], vector<16xf32>,
      %add3A_367 = arith.constant 48 : i32
      %add3A_368 = vector.broadcast %add3A_367 : i32 to vector<16xi32>
      %add3A_369 = arith.addi %add3A_368, %iota3A : vector<16xi32>
      tpu.vector_store_idx %arg20[%broadcast_in_dim3A_330, %add3A_369], %gather3A_366 : memref<8x64xf32, #tpu.memory_space<vmem>>[vector<16xi32>, vector<16xi32>], vector<16xf32>,
      %broadcast_in_dim3A_370 = arith.constant 3 : i32
      %broadcast_in_dim3A_371 = vector.broadcast %broadcast_in_dim3A_370 : i32 to vector<16xi32>
      %gather3A_372 = tpu.vector_load_idx %arg17[%broadcast_in_dim3A_371] : memref<16xi32, #tpu.memory_space<vmem>>[vector<16xi32>], vector<16xi32>,
      %and3A_373 = arith.constant 1 : i32
      %and3A_374 = vector.broadcast %and3A_373 : i32 to vector<16xi32>
      %and3A_375 = arith.andi %gather3A_372, %and3A_374 : vector<16xi32>
      %mul3A_376 = arith.constant 64 : i32
      %mul3A_377 = vector.broadcast %mul3A_376 : i32 to vector<16xi32>
      %mul3A_378 = arith.muli %and3A_375, %mul3A_377 : vector<16xi32>
      %add3A_379 = arith.constant 0 : i32
      %add3A_380 = vector.broadcast %add3A_379 : i32 to vector<16xi32>
      %add3A_381 = arith.addi %mul3A_378, %add3A_380 : vector<16xi32>
      %add3A_382 = arith.addi %add3A_381, %iota3A : vector<16xi32>
      %gather3A_383 = tpu.vector_load_idx %arg19[%broadcast_in_dim3A_371, %add3A_382] : memref<16x128xf32, #tpu.memory_space<vmem>>[vector<16xi32>, vector<16xi32>], vector<16xf32>,
      %add3A_384 = arith.constant 0 : i32
      %add3A_385 = vector.broadcast %add3A_384 : i32 to vector<16xi32>
      %add3A_386 = arith.addi %add3A_385, %iota3A : vector<16xi32>
      tpu.vector_store_idx %arg20[%broadcast_in_dim3A_371, %add3A_386], %gather3A_383 : memref<8x64xf32, #tpu.memory_space<vmem>>[vector<16xi32>, vector<16xi32>], vector<16xf32>,
      %add3A_387 = arith.constant 16 : i32
      %add3A_388 = vector.broadcast %add3A_387 : i32 to vector<16xi32>
      %add3A_389 = arith.addi %mul3A_378, %add3A_388 : vector<16xi32>
      %add3A_390 = arith.addi %add3A_389, %iota3A : vector<16xi32>
      %gather3A_391 = tpu.vector_load_idx %arg19[%broadcast_in_dim3A_371, %add3A_390] : memref<16x128xf32, #tpu.memory_space<vmem>>[vector<16xi32>, vector<16xi32>], vector<16xf32>,
      %add3A_392 = arith.constant 16 : i32
      %add3A_393 = vector.broadcast %add3A_392 : i32 to vector<16xi32>
      %add3A_394 = arith.addi %add3A_393, %iota3A : vector<16xi32>
      tpu.vector_store_idx %arg20[%broadcast_in_dim3A_371, %add3A_394], %gather3A_391 : memref<8x64xf32, #tpu.memory_space<vmem>>[vector<16xi32>, vector<16xi32>], vector<16xf32>,
      %add3A_395 = arith.constant 32 : i32
      %add3A_396 = vector.broadcast %add3A_395 : i32 to vector<16xi32>
      %add3A_397 = arith.addi %mul3A_378, %add3A_396 : vector<16xi32>
      %add3A_398 = arith.addi %add3A_397, %iota3A : vector<16xi32>
      %gather3A_399 = tpu.vector_load_idx %arg19[%broadcast_in_dim3A_371, %add3A_398] : memref<16x128xf32, #tpu.memory_space<vmem>>[vector<16xi32>, vector<16xi32>], vector<16xf32>,
      %add3A_400 = arith.constant 32 : i32
      %add3A_401 = vector.broadcast %add3A_400 : i32 to vector<16xi32>
      %add3A_402 = arith.addi %add3A_401, %iota3A : vector<16xi32>
      tpu.vector_store_idx %arg20[%broadcast_in_dim3A_371, %add3A_402], %gather3A_399 : memref<8x64xf32, #tpu.memory_space<vmem>>[vector<16xi32>, vector<16xi32>], vector<16xf32>,
      %add3A_403 = arith.constant 48 : i32
      %add3A_404 = vector.broadcast %add3A_403 : i32 to vector<16xi32>
      %add3A_405 = arith.addi %mul3A_378, %add3A_404 : vector<16xi32>
      %add3A_406 = arith.addi %add3A_405, %iota3A : vector<16xi32>
      %gather3A_407 = tpu.vector_load_idx %arg19[%broadcast_in_dim3A_371, %add3A_406] : memref<16x128xf32, #tpu.memory_space<vmem>>[vector<16xi32>, vector<16xi32>], vector<16xf32>,
      %add3A_408 = arith.constant 48 : i32
      %add3A_409 = vector.broadcast %add3A_408 : i32 to vector<16xi32>
      %add3A_410 = arith.addi %add3A_409, %iota3A : vector<16xi32>
      tpu.vector_store_idx %arg20[%broadcast_in_dim3A_371, %add3A_410], %gather3A_407 : memref<8x64xf32, #tpu.memory_space<vmem>>[vector<16xi32>, vector<16xi32>], vector<16xf32>,
      %broadcast_in_dim3A_411 = arith.constant 4 : i32
      %broadcast_in_dim3A_412 = vector.broadcast %broadcast_in_dim3A_411 : i32 to vector<16xi32>
      %gather3A_413 = tpu.vector_load_idx %arg17[%broadcast_in_dim3A_412] : memref<16xi32, #tpu.memory_space<vmem>>[vector<16xi32>], vector<16xi32>,
      %and3A_414 = arith.constant 1 : i32
      %and3A_415 = vector.broadcast %and3A_414 : i32 to vector<16xi32>
      %and3A_416 = arith.andi %gather3A_413, %and3A_415 : vector<16xi32>
      %mul3A_417 = arith.constant 64 : i32
      %mul3A_418 = vector.broadcast %mul3A_417 : i32 to vector<16xi32>
      %mul3A_419 = arith.muli %and3A_416, %mul3A_418 : vector<16xi32>
      %add3A_420 = arith.constant 0 : i32
      %add3A_421 = vector.broadcast %add3A_420 : i32 to vector<16xi32>
      %add3A_422 = arith.addi %mul3A_419, %add3A_421 : vector<16xi32>
      %add3A_423 = arith.addi %add3A_422, %iota3A : vector<16xi32>
      %gather3A_424 = tpu.vector_load_idx %arg19[%broadcast_in_dim3A_412, %add3A_423] : memref<16x128xf32, #tpu.memory_space<vmem>>[vector<16xi32>, vector<16xi32>], vector<16xf32>,
      %add3A_425 = arith.constant 0 : i32
      %add3A_426 = vector.broadcast %add3A_425 : i32 to vector<16xi32>
      %add3A_427 = arith.addi %add3A_426, %iota3A : vector<16xi32>
      tpu.vector_store_idx %arg20[%broadcast_in_dim3A_412, %add3A_427], %gather3A_424 : memref<8x64xf32, #tpu.memory_space<vmem>>[vector<16xi32>, vector<16xi32>], vector<16xf32>,
      %add3A_428 = arith.constant 16 : i32
      %add3A_429 = vector.broadcast %add3A_428 : i32 to vector<16xi32>
      %add3A_430 = arith.addi %mul3A_419, %add3A_429 : vector<16xi32>
      %add3A_431 = arith.addi %add3A_430, %iota3A : vector<16xi32>
      %gather3A_432 = tpu.vector_load_idx %arg19[%broadcast_in_dim3A_412, %add3A_431] : memref<16x128xf32, #tpu.memory_space<vmem>>[vector<16xi32>, vector<16xi32>], vector<16xf32>,
      %add3A_433 = arith.constant 16 : i32
      %add3A_434 = vector.broadcast %add3A_433 : i32 to vector<16xi32>
      %add3A_435 = arith.addi %add3A_434, %iota3A : vector<16xi32>
      tpu.vector_store_idx %arg20[%broadcast_in_dim3A_412, %add3A_435], %gather3A_432 : memref<8x64xf32, #tpu.memory_space<vmem>>[vector<16xi32>, vector<16xi32>], vector<16xf32>,
      %add3A_436 = arith.constant 32 : i32
      %add3A_437 = vector.broadcast %add3A_436 : i32 to vector<16xi32>
      %add3A_438 = arith.addi %mul3A_419, %add3A_437 : vector<16xi32>
      %add3A_439 = arith.addi %add3A_438, %iota3A : vector<16xi32>
      %gather3A_440 = tpu.vector_load_idx %arg19[%broadcast_in_dim3A_412, %add3A_439] : memref<16x128xf32, #tpu.memory_space<vmem>>[vector<16xi32>, vector<16xi32>], vector<16xf32>,
      %add3A_441 = arith.constant 32 : i32
      %add3A_442 = vector.broadcast %add3A_441 : i32 to vector<16xi32>
      %add3A_443 = arith.addi %add3A_442, %iota3A : vector<16xi32>
      tpu.vector_store_idx %arg20[%broadcast_in_dim3A_412, %add3A_443], %gather3A_440 : memref<8x64xf32, #tpu.memory_space<vmem>>[vector<16xi32>, vector<16xi32>], vector<16xf32>,
      %add3A_444 = arith.constant 48 : i32
      %add3A_445 = vector.broadcast %add3A_444 : i32 to vector<16xi32>
      %add3A_446 = arith.addi %mul3A_419, %add3A_445 : vector<16xi32>
      %add3A_447 = arith.addi %add3A_446, %iota3A : vector<16xi32>
      %gather3A_448 = tpu.vector_load_idx %arg19[%broadcast_in_dim3A_412, %add3A_447] : memref<16x128xf32, #tpu.memory_space<vmem>>[vector<16xi32>, vector<16xi32>], vector<16xf32>,
      %add3A_449 = arith.constant 48 : i32
      %add3A_450 = vector.broadcast %add3A_449 : i32 to vector<16xi32>
      %add3A_451 = arith.addi %add3A_450, %iota3A : vector<16xi32>
      tpu.vector_store_idx %arg20[%broadcast_in_dim3A_412, %add3A_451], %gather3A_448 : memref<8x64xf32, #tpu.memory_space<vmem>>[vector<16xi32>, vector<16xi32>], vector<16xf32>,
      %broadcast_in_dim3A_452 = arith.constant 5 : i32
      %broadcast_in_dim3A_453 = vector.broadcast %broadcast_in_dim3A_452 : i32 to vector<16xi32>
      %gather3A_454 = tpu.vector_load_idx %arg17[%broadcast_in_dim3A_453] : memref<16xi32, #tpu.memory_space<vmem>>[vector<16xi32>], vector<16xi32>,
      %and3A_455 = arith.constant 1 : i32
      %and3A_456 = vector.broadcast %and3A_455 : i32 to vector<16xi32>
      %and3A_457 = arith.andi %gather3A_454, %and3A_456 : vector<16xi32>
      %mul3A_458 = arith.constant 64 : i32
      %mul3A_459 = vector.broadcast %mul3A_458 : i32 to vector<16xi32>
      %mul3A_460 = arith.muli %and3A_457, %mul3A_459 : vector<16xi32>
      %add3A_461 = arith.constant 0 : i32
      %add3A_462 = vector.broadcast %add3A_461 : i32 to vector<16xi32>
      %add3A_463 = arith.addi %mul3A_460, %add3A_462 : vector<16xi32>
      %add3A_464 = arith.addi %add3A_463, %iota3A : vector<16xi32>
      %gather3A_465 = tpu.vector_load_idx %arg19[%broadcast_in_dim3A_453, %add3A_464] : memref<16x128xf32, #tpu.memory_space<vmem>>[vector<16xi32>, vector<16xi32>], vector<16xf32>,
      %add3A_466 = arith.constant 0 : i32
      %add3A_467 = vector.broadcast %add3A_466 : i32 to vector<16xi32>
      %add3A_468 = arith.addi %add3A_467, %iota3A : vector<16xi32>
      tpu.vector_store_idx %arg20[%broadcast_in_dim3A_453, %add3A_468], %gather3A_465 : memref<8x64xf32, #tpu.memory_space<vmem>>[vector<16xi32>, vector<16xi32>], vector<16xf32>,
      %add3A_469 = arith.constant 16 : i32
      %add3A_470 = vector.broadcast %add3A_469 : i32 to vector<16xi32>
      %add3A_471 = arith.addi %mul3A_460, %add3A_470 : vector<16xi32>
      %add3A_472 = arith.addi %add3A_471, %iota3A : vector<16xi32>
      %gather3A_473 = tpu.vector_load_idx %arg19[%broadcast_in_dim3A_453, %add3A_472] : memref<16x128xf32, #tpu.memory_space<vmem>>[vector<16xi32>, vector<16xi32>], vector<16xf32>,
      %add3A_474 = arith.constant 16 : i32
      %add3A_475 = vector.broadcast %add3A_474 : i32 to vector<16xi32>
      %add3A_476 = arith.addi %add3A_475, %iota3A : vector<16xi32>
      tpu.vector_store_idx %arg20[%broadcast_in_dim3A_453, %add3A_476], %gather3A_473 : memref<8x64xf32, #tpu.memory_space<vmem>>[vector<16xi32>, vector<16xi32>], vector<16xf32>,
      %add3A_477 = arith.constant 32 : i32
      %add3A_478 = vector.broadcast %add3A_477 : i32 to vector<16xi32>
      %add3A_479 = arith.addi %mul3A_460, %add3A_478 : vector<16xi32>
      %add3A_480 = arith.addi %add3A_479, %iota3A : vector<16xi32>
      %gather3A_481 = tpu.vector_load_idx %arg19[%broadcast_in_dim3A_453, %add3A_480] : memref<16x128xf32, #tpu.memory_space<vmem>>[vector<16xi32>, vector<16xi32>], vector<16xf32>,
      %add3A_482 = arith.constant 32 : i32
      %add3A_483 = vector.broadcast %add3A_482 : i32 to vector<16xi32>
      %add3A_484 = arith.addi %add3A_483, %iota3A : vector<16xi32>
      tpu.vector_store_idx %arg20[%broadcast_in_dim3A_453, %add3A_484], %gather3A_481 : memref<8x64xf32, #tpu.memory_space<vmem>>[vector<16xi32>, vector<16xi32>], vector<16xf32>,
      %add3A_485 = arith.constant 48 : i32
      %add3A_486 = vector.broadcast %add3A_485 : i32 to vector<16xi32>
      %add3A_487 = arith.addi %mul3A_460, %add3A_486 : vector<16xi32>
      %add3A_488 = arith.addi %add3A_487, %iota3A : vector<16xi32>
      %gather3A_489 = tpu.vector_load_idx %arg19[%broadcast_in_dim3A_453, %add3A_488] : memref<16x128xf32, #tpu.memory_space<vmem>>[vector<16xi32>, vector<16xi32>], vector<16xf32>,
      %add3A_490 = arith.constant 48 : i32
      %add3A_491 = vector.broadcast %add3A_490 : i32 to vector<16xi32>
      %add3A_492 = arith.addi %add3A_491, %iota3A : vector<16xi32>
      tpu.vector_store_idx %arg20[%broadcast_in_dim3A_453, %add3A_492], %gather3A_489 : memref<8x64xf32, #tpu.memory_space<vmem>>[vector<16xi32>, vector<16xi32>], vector<16xf32>,
      %broadcast_in_dim3A_493 = arith.constant 6 : i32
      %broadcast_in_dim3A_494 = vector.broadcast %broadcast_in_dim3A_493 : i32 to vector<16xi32>
      %gather3A_495 = tpu.vector_load_idx %arg17[%broadcast_in_dim3A_494] : memref<16xi32, #tpu.memory_space<vmem>>[vector<16xi32>], vector<16xi32>,
      %and3A_496 = arith.constant 1 : i32
      %and3A_497 = vector.broadcast %and3A_496 : i32 to vector<16xi32>
      %and3A_498 = arith.andi %gather3A_495, %and3A_497 : vector<16xi32>
      %mul3A_499 = arith.constant 64 : i32
      %mul3A_500 = vector.broadcast %mul3A_499 : i32 to vector<16xi32>
      %mul3A_501 = arith.muli %and3A_498, %mul3A_500 : vector<16xi32>
      %add3A_502 = arith.constant 0 : i32
      %add3A_503 = vector.broadcast %add3A_502 : i32 to vector<16xi32>
      %add3A_504 = arith.addi %mul3A_501, %add3A_503 : vector<16xi32>
      %add3A_505 = arith.addi %add3A_504, %iota3A : vector<16xi32>
      %gather3A_506 = tpu.vector_load_idx %arg19[%broadcast_in_dim3A_494, %add3A_505] : memref<16x128xf32, #tpu.memory_space<vmem>>[vector<16xi32>, vector<16xi32>], vector<16xf32>,
      %add3A_507 = arith.constant 0 : i32
      %add3A_508 = vector.broadcast %add3A_507 : i32 to vector<16xi32>
      %add3A_509 = arith.addi %add3A_508, %iota3A : vector<16xi32>
      tpu.vector_store_idx %arg20[%broadcast_in_dim3A_494, %add3A_509], %gather3A_506 : memref<8x64xf32, #tpu.memory_space<vmem>>[vector<16xi32>, vector<16xi32>], vector<16xf32>,
      %add3A_510 = arith.constant 16 : i32
      %add3A_511 = vector.broadcast %add3A_510 : i32 to vector<16xi32>
      %add3A_512 = arith.addi %mul3A_501, %add3A_511 : vector<16xi32>
      %add3A_513 = arith.addi %add3A_512, %iota3A : vector<16xi32>
      %gather3A_514 = tpu.vector_load_idx %arg19[%broadcast_in_dim3A_494, %add3A_513] : memref<16x128xf32, #tpu.memory_space<vmem>>[vector<16xi32>, vector<16xi32>], vector<16xf32>,
      %add3A_515 = arith.constant 16 : i32
      %add3A_516 = vector.broadcast %add3A_515 : i32 to vector<16xi32>
      %add3A_517 = arith.addi %add3A_516, %iota3A : vector<16xi32>
      tpu.vector_store_idx %arg20[%broadcast_in_dim3A_494, %add3A_517], %gather3A_514 : memref<8x64xf32, #tpu.memory_space<vmem>>[vector<16xi32>, vector<16xi32>], vector<16xf32>,
      %add3A_518 = arith.constant 32 : i32
      %add3A_519 = vector.broadcast %add3A_518 : i32 to vector<16xi32>
      %add3A_520 = arith.addi %mul3A_501, %add3A_519 : vector<16xi32>
      %add3A_521 = arith.addi %add3A_520, %iota3A : vector<16xi32>
      %gather3A_522 = tpu.vector_load_idx %arg19[%broadcast_in_dim3A_494, %add3A_521] : memref<16x128xf32, #tpu.memory_space<vmem>>[vector<16xi32>, vector<16xi32>], vector<16xf32>,
      %add3A_523 = arith.constant 32 : i32
      %add3A_524 = vector.broadcast %add3A_523 : i32 to vector<16xi32>
      %add3A_525 = arith.addi %add3A_524, %iota3A : vector<16xi32>
      tpu.vector_store_idx %arg20[%broadcast_in_dim3A_494, %add3A_525], %gather3A_522 : memref<8x64xf32, #tpu.memory_space<vmem>>[vector<16xi32>, vector<16xi32>], vector<16xf32>,
      %add3A_526 = arith.constant 48 : i32
      %add3A_527 = vector.broadcast %add3A_526 : i32 to vector<16xi32>
      %add3A_528 = arith.addi %mul3A_501, %add3A_527 : vector<16xi32>
      %add3A_529 = arith.addi %add3A_528, %iota3A : vector<16xi32>
      %gather3A_530 = tpu.vector_load_idx %arg19[%broadcast_in_dim3A_494, %add3A_529] : memref<16x128xf32, #tpu.memory_space<vmem>>[vector<16xi32>, vector<16xi32>], vector<16xf32>,
      %add3A_531 = arith.constant 48 : i32
      %add3A_532 = vector.broadcast %add3A_531 : i32 to vector<16xi32>
      %add3A_533 = arith.addi %add3A_532, %iota3A : vector<16xi32>
      tpu.vector_store_idx %arg20[%broadcast_in_dim3A_494, %add3A_533], %gather3A_530 : memref<8x64xf32, #tpu.memory_space<vmem>>[vector<16xi32>, vector<16xi32>], vector<16xf32>,
      %broadcast_in_dim3A_534 = arith.constant 7 : i32
      %broadcast_in_dim3A_535 = vector.broadcast %broadcast_in_dim3A_534 : i32 to vector<16xi32>
      %gather3A_536 = tpu.vector_load_idx %arg17[%broadcast_in_dim3A_535] : memref<16xi32, #tpu.memory_space<vmem>>[vector<16xi32>], vector<16xi32>,
      %and3A_537 = arith.constant 1 : i32
      %and3A_538 = vector.broadcast %and3A_537 : i32 to vector<16xi32>
      %and3A_539 = arith.andi %gather3A_536, %and3A_538 : vector<16xi32>
      %mul3A_540 = arith.constant 64 : i32
      %mul3A_541 = vector.broadcast %mul3A_540 : i32 to vector<16xi32>
      %mul3A_542 = arith.muli %and3A_539, %mul3A_541 : vector<16xi32>
      %add3A_543 = arith.constant 0 : i32
      %add3A_544 = vector.broadcast %add3A_543 : i32 to vector<16xi32>
      %add3A_545 = arith.addi %mul3A_542, %add3A_544 : vector<16xi32>
      %add3A_546 = arith.addi %add3A_545, %iota3A : vector<16xi32>
      %gather3A_547 = tpu.vector_load_idx %arg19[%broadcast_in_dim3A_535, %add3A_546] : memref<16x128xf32, #tpu.memory_space<vmem>>[vector<16xi32>, vector<16xi32>], vector<16xf32>,
      %add3A_548 = arith.constant 0 : i32
      %add3A_549 = vector.broadcast %add3A_548 : i32 to vector<16xi32>
      %add3A_550 = arith.addi %add3A_549, %iota3A : vector<16xi32>
      tpu.vector_store_idx %arg20[%broadcast_in_dim3A_535, %add3A_550], %gather3A_547 : memref<8x64xf32, #tpu.memory_space<vmem>>[vector<16xi32>, vector<16xi32>], vector<16xf32>,
      %add3A_551 = arith.constant 16 : i32
      %add3A_552 = vector.broadcast %add3A_551 : i32 to vector<16xi32>
      %add3A_553 = arith.addi %mul3A_542, %add3A_552 : vector<16xi32>
      %add3A_554 = arith.addi %add3A_553, %iota3A : vector<16xi32>
      %gather3A_555 = tpu.vector_load_idx %arg19[%broadcast_in_dim3A_535, %add3A_554] : memref<16x128xf32, #tpu.memory_space<vmem>>[vector<16xi32>, vector<16xi32>], vector<16xf32>,
      %add3A_556 = arith.constant 16 : i32
      %add3A_557 = vector.broadcast %add3A_556 : i32 to vector<16xi32>
      %add3A_558 = arith.addi %add3A_557, %iota3A : vector<16xi32>
      tpu.vector_store_idx %arg20[%broadcast_in_dim3A_535, %add3A_558], %gather3A_555 : memref<8x64xf32, #tpu.memory_space<vmem>>[vector<16xi32>, vector<16xi32>], vector<16xf32>,
      %add3A_559 = arith.constant 32 : i32
      %add3A_560 = vector.broadcast %add3A_559 : i32 to vector<16xi32>
      %add3A_561 = arith.addi %mul3A_542, %add3A_560 : vector<16xi32>
      %add3A_562 = arith.addi %add3A_561, %iota3A : vector<16xi32>
      %gather3A_563 = tpu.vector_load_idx %arg19[%broadcast_in_dim3A_535, %add3A_562] : memref<16x128xf32, #tpu.memory_space<vmem>>[vector<16xi32>, vector<16xi32>], vector<16xf32>,
      %add3A_564 = arith.constant 32 : i32
      %add3A_565 = vector.broadcast %add3A_564 : i32 to vector<16xi32>
      %add3A_566 = arith.addi %add3A_565, %iota3A : vector<16xi32>
      tpu.vector_store_idx %arg20[%broadcast_in_dim3A_535, %add3A_566], %gather3A_563 : memref<8x64xf32, #tpu.memory_space<vmem>>[vector<16xi32>, vector<16xi32>], vector<16xf32>,
      %add3A_567 = arith.constant 48 : i32
      %add3A_568 = vector.broadcast %add3A_567 : i32 to vector<16xi32>
      %add3A_569 = arith.addi %mul3A_542, %add3A_568 : vector<16xi32>
      %add3A_570 = arith.addi %add3A_569, %iota3A : vector<16xi32>
      %gather3A_571 = tpu.vector_load_idx %arg19[%broadcast_in_dim3A_535, %add3A_570] : memref<16x128xf32, #tpu.memory_space<vmem>>[vector<16xi32>, vector<16xi32>], vector<16xf32>,
      %add3A_572 = arith.constant 48 : i32
      %add3A_573 = vector.broadcast %add3A_572 : i32 to vector<16xi32>
      %add3A_574 = arith.addi %add3A_573, %iota3A : vector<16xi32>
      tpu.vector_store_idx %arg20[%broadcast_in_dim3A_535, %add3A_574], %gather3A_571 : memref<8x64xf32, #tpu.memory_space<vmem>>[vector<16xi32>, vector<16xi32>], vector<16xf32>,
      "tpu.region"() ({
        %run_scoped3A_575 = tpu.sem_alloc : memref<!tpu.dma_semaphore, #tpu.memory_space<semaphore_mem>>
        tpu.enqueue_dma source(%arg20 : memref<8x64xf32, #tpu.memory_space<vmem>>) target(%arg8 : memref<8x64xf32, #tpu.memory_space<hbm>>) target_semaphore(%run_scoped3A_575 : memref<!tpu.dma_semaphore, #tpu.memory_space<semaphore_mem>>)
        tpu.wait_dma2 semaphore(%run_scoped3A_575 : memref<!tpu.dma_semaphore, #tpu.memory_space<semaphore_mem>>) src(%arg20 : memref<8x64xf32, #tpu.memory_space<vmem>>) dst(%arg8 : memref<8x64xf32, #tpu.memory_space<hbm>>)
        tpu.yield
      }) : () -> ()
    } else {
    }
    %mul3A_3 = arith.constant 512 : i32
    %mul3A_4 = arith.muli %add3A, %mul3A_3 : i32
    %add3A_5 = arith.constant 0 : i32
    %add3A_6 = arith.addi %mul3A_4, %add3A_5 : i32
    "tpu.region"() ({
      %run_scoped3A_235 = tpu.sem_alloc : memref<!tpu.dma_semaphore, #tpu.memory_space<semaphore_mem>>
      %dma_start3A_236 = arith.constant 0 : i32
      %dma_start3A_237 = tpu.memref_slice %arg9[%dma_start3A_236] : memref<64xi32, #tpu.memory_space<vmem>> -> memref<32xi32, #tpu.memory_space<vmem>>
      %dma_start3A_238 = tpu.memref_slice %arg2[%add3A_6] : memref<16384xi32, #tpu.memory_space<hbm>> -> memref<32xi32, #tpu.memory_space<hbm>>
      %dma_start3A_239 = arith.constant 0 : i32
      %dma_start3A_240 = tpu.memref_slice %arg9[%dma_start3A_239] : memref<64xi32, #tpu.memory_space<vmem>> -> memref<32xi32, #tpu.memory_space<vmem>>
      %dma_start3A_241 = tpu.memref_slice %arg2[%add3A_6] : memref<16384xi32, #tpu.memory_space<hbm>> -> memref<32xi32, #tpu.memory_space<hbm>>
      tpu.enqueue_dma source(%dma_start3A_241 : memref<32xi32, #tpu.memory_space<hbm>>) target(%dma_start3A_240 : memref<32xi32, #tpu.memory_space<vmem>>) target_semaphore(%run_scoped3A_235 : memref<!tpu.dma_semaphore, #tpu.memory_space<semaphore_mem>>)
      %dma_wait3A = arith.constant 0 : i32
      %dma_wait3A_242 = tpu.memref_slice %arg9[%dma_wait3A] : memref<64xi32, #tpu.memory_space<vmem>> -> memref<32xi32, #tpu.memory_space<vmem>>
      %dma_wait3A_243 = tpu.memref_slice %arg2[%add3A_6] : memref<16384xi32, #tpu.memory_space<hbm>> -> memref<32xi32, #tpu.memory_space<hbm>>
      %dma_wait3A_244 = arith.constant 0 : i32
      %dma_wait3A_245 = tpu.memref_slice %arg9[%dma_wait3A_244] : memref<64xi32, #tpu.memory_space<vmem>> -> memref<32xi32, #tpu.memory_space<vmem>>
      %dma_wait3A_246 = tpu.memref_slice %arg2[%add3A_6] : memref<16384xi32, #tpu.memory_space<hbm>> -> memref<32xi32, #tpu.memory_space<hbm>>
      tpu.wait_dma2 semaphore(%run_scoped3A_235 : memref<!tpu.dma_semaphore, #tpu.memory_space<semaphore_mem>>) src(%dma_wait3A_246 : memref<32xi32, #tpu.memory_space<hbm>>) dst(%dma_wait3A_245 : memref<32xi32, #tpu.memory_space<vmem>>)
      tpu.yield
    }) : () -> ()
    %mul3A_7 = arith.constant 8 : i32
    %mul3A_8 = arith.muli %add3A_6, %mul3A_7 : i32
    %add3A_9 = arith.constant 0 : i32
    %add3A_10 = arith.addi %mul3A_8, %add3A_9 : i32
    %run_scoped3A = arith.constant 0 : i32
    "tpu.region"() ({
      %run_scoped3A_235 = tpu.sem_alloc : memref<!tpu.dma_semaphore, #tpu.memory_space<semaphore_mem>>
      %dma_start3A_236 = arith.constant 0 : i32
      %dma_start3A_237 = tpu.memref_slice %arg11[%run_scoped3A, %dma_start3A_236] : memref<4x128xi32, #tpu.memory_space<vmem>> -> memref<1x128xi32, #tpu.memory_space<vmem>>
      %dma_start3A_238 = tpu.memref_squeeze %dma_start3A_237 : memref<1x128xi32, #tpu.memory_space<vmem>> -> memref<128xi32, #tpu.memory_space<vmem>>
      %dma_start3A_239 = tpu.memref_slice %arg3[%add3A_10] : memref<131072xi32, #tpu.memory_space<hbm>> -> memref<128xi32, #tpu.memory_space<hbm>>
      %dma_start3A_240 = arith.constant 0 : i32
      %dma_start3A_241 = tpu.memref_slice %arg11[%run_scoped3A, %dma_start3A_240] : memref<4x128xi32, #tpu.memory_space<vmem>> -> memref<1x128xi32, #tpu.memory_space<vmem>>
      %dma_start3A_242 = tpu.memref_squeeze %dma_start3A_241 : memref<1x128xi32, #tpu.memory_space<vmem>> -> memref<128xi32, #tpu.memory_space<vmem>>
      %dma_start3A_243 = tpu.memref_slice %arg3[%add3A_10] : memref<131072xi32, #tpu.memory_space<hbm>> -> memref<128xi32, #tpu.memory_space<hbm>>
      tpu.enqueue_dma source(%dma_start3A_243 : memref<128xi32, #tpu.memory_space<hbm>>) target(%dma_start3A_242 : memref<128xi32, #tpu.memory_space<vmem>>) target_semaphore(%run_scoped3A_235 : memref<!tpu.dma_semaphore, #tpu.memory_space<semaphore_mem>>)
      %dma_wait3A = arith.constant 0 : i32
      %dma_wait3A_244 = tpu.memref_slice %arg11[%run_scoped3A, %dma_wait3A] : memref<4x128xi32, #tpu.memory_space<vmem>> -> memref<1x128xi32, #tpu.memory_space<vmem>>
      %dma_wait3A_245 = tpu.memref_squeeze %dma_wait3A_244 : memref<1x128xi32, #tpu.memory_space<vmem>> -> memref<128xi32, #tpu.memory_space<vmem>>
      %dma_wait3A_246 = tpu.memref_slice %arg3[%add3A_10] : memref<131072xi32, #tpu.memory_space<hbm>> -> memref<128xi32, #tpu.memory_space<hbm>>
      %dma_wait3A_247 = arith.constant 0 : i32
      %dma_wait3A_248 = tpu.memref_slice %arg11[%run_scoped3A, %dma_wait3A_247] : memref<4x128xi32, #tpu.memory_space<vmem>> -> memref<1x128xi32, #tpu.memory_space<vmem>>
      %dma_wait3A_249 = tpu.memref_squeeze %dma_wait3A_248 : memref<1x128xi32, #tpu.memory_space<vmem>> -> memref<128xi32, #tpu.memory_space<vmem>>
      %dma_wait3A_250 = tpu.memref_slice %arg3[%add3A_10] : memref<131072xi32, #tpu.memory_space<hbm>> -> memref<128xi32, #tpu.memory_space<hbm>>
      tpu.wait_dma2 semaphore(%run_scoped3A_235 : memref<!tpu.dma_semaphore, #tpu.memory_space<semaphore_mem>>) src(%dma_wait3A_250 : memref<128xi32, #tpu.memory_space<hbm>>) dst(%dma_wait3A_249 : memref<128xi32, #tpu.memory_space<vmem>>)
      tpu.yield
    }) : () -> ()
    %mul3A_11 = arith.constant 8 : i32
    %mul3A_12 = arith.muli %add3A_6, %mul3A_11 : i32
    %add3A_13 = arith.constant 128 : i32
    %add3A_14 = arith.addi %mul3A_12, %add3A_13 : i32
    %run_scoped3A_15 = arith.constant 1 : i32
    "tpu.region"() ({
      %run_scoped3A_235 = tpu.sem_alloc : memref<!tpu.dma_semaphore, #tpu.memory_space<semaphore_mem>>
      %dma_start3A_236 = arith.constant 0 : i32
      %dma_start3A_237 = tpu.memref_slice %arg11[%run_scoped3A_15, %dma_start3A_236] : memref<4x128xi32, #tpu.memory_space<vmem>> -> memref<1x128xi32, #tpu.memory_space<vmem>>
      %dma_start3A_238 = tpu.memref_squeeze %dma_start3A_237 : memref<1x128xi32, #tpu.memory_space<vmem>> -> memref<128xi32, #tpu.memory_space<vmem>>
      %dma_start3A_239 = tpu.memref_slice %arg3[%add3A_14] : memref<131072xi32, #tpu.memory_space<hbm>> -> memref<128xi32, #tpu.memory_space<hbm>>
      %dma_start3A_240 = arith.constant 0 : i32
      %dma_start3A_241 = tpu.memref_slice %arg11[%run_scoped3A_15, %dma_start3A_240] : memref<4x128xi32, #tpu.memory_space<vmem>> -> memref<1x128xi32, #tpu.memory_space<vmem>>
      %dma_start3A_242 = tpu.memref_squeeze %dma_start3A_241 : memref<1x128xi32, #tpu.memory_space<vmem>> -> memref<128xi32, #tpu.memory_space<vmem>>
      %dma_start3A_243 = tpu.memref_slice %arg3[%add3A_14] : memref<131072xi32, #tpu.memory_space<hbm>> -> memref<128xi32, #tpu.memory_space<hbm>>
      tpu.enqueue_dma source(%dma_start3A_243 : memref<128xi32, #tpu.memory_space<hbm>>) target(%dma_start3A_242 : memref<128xi32, #tpu.memory_space<vmem>>) target_semaphore(%run_scoped3A_235 : memref<!tpu.dma_semaphore, #tpu.memory_space<semaphore_mem>>)
      %dma_wait3A = arith.constant 0 : i32
      %dma_wait3A_244 = tpu.memref_slice %arg11[%run_scoped3A_15, %dma_wait3A] : memref<4x128xi32, #tpu.memory_space<vmem>> -> memref<1x128xi32, #tpu.memory_space<vmem>>
      %dma_wait3A_245 = tpu.memref_squeeze %dma_wait3A_244 : memref<1x128xi32, #tpu.memory_space<vmem>> -> memref<128xi32, #tpu.memory_space<vmem>>
      %dma_wait3A_246 = tpu.memref_slice %arg3[%add3A_14] : memref<131072xi32, #tpu.memory_space<hbm>> -> memref<128xi32, #tpu.memory_space<hbm>>
      %dma_wait3A_247 = arith.constant 0 : i32
      %dma_wait3A_248 = tpu.memref_slice %arg11[%run_scoped3A_15, %dma_wait3A_247] : memref<4x128xi32, #tpu.memory_space<vmem>> -> memref<1x128xi32, #tpu.memory_space<vmem>>
      %dma_wait3A_249 = tpu.memref_squeeze %dma_wait3A_248 : memref<1x128xi32, #tpu.memory_space<vmem>> -> memref<128xi32, #tpu.memory_space<vmem>>
      %dma_wait3A_250 = tpu.memref_slice %arg3[%add3A_14] : memref<131072xi32, #tpu.memory_space<hbm>> -> memref<128xi32, #tpu.memory_space<hbm>>
      tpu.wait_dma2 semaphore(%run_scoped3A_235 : memref<!tpu.dma_semaphore, #tpu.memory_space<semaphore_mem>>) src(%dma_wait3A_250 : memref<128xi32, #tpu.memory_space<hbm>>) dst(%dma_wait3A_249 : memref<128xi32, #tpu.memory_space<vmem>>)
      tpu.yield
    }) : () -> ()
    %get3A = arith.constant 0 : index
    %get3A_16 = tpu.vector_load %arg9[%get3A] {strides = array<i32>} : memref<64xi32, #tpu.memory_space<vmem>>, vector<16xi32>,
    %shift_right_arithmetic3A = arith.constant 1 : i32
    %shift_right_arithmetic3A_17 = vector.broadcast %shift_right_arithmetic3A : i32 to vector<16xi32>
    %shift_right_arithmetic3A_18 = arith.shrsi %get3A_16, %shift_right_arithmetic3A_17 : vector<16xi32>
    %swap3A = arith.constant 0 : index
    %swap3A_19 = tpu.vector_load %arg10[%swap3A] {strides = array<i32>} : memref<64xi32, #tpu.memory_space<vmem>>, vector<16xi32>,
    tpu.vector_store %arg10[%swap3A], %shift_right_arithmetic3A_18 {strides = array<i32>} : memref<64xi32, #tpu.memory_space<vmem>>, vector<16xi32>,
    %get3A_20 = arith.constant 16 : index
    %get3A_21 = tpu.vector_load %arg9[%get3A_20] {strides = array<i32>} : memref<64xi32, #tpu.memory_space<vmem>>, vector<16xi32>,
    %shift_right_arithmetic3A_22 = arith.constant 1 : i32
    %shift_right_arithmetic3A_23 = vector.broadcast %shift_right_arithmetic3A_22 : i32 to vector<16xi32>
    %shift_right_arithmetic3A_24 = arith.shrsi %get3A_21, %shift_right_arithmetic3A_23 : vector<16xi32>
    %swap3A_25 = arith.constant 16 : index
    %swap3A_26 = tpu.vector_load %arg10[%swap3A_25] {strides = array<i32>} : memref<64xi32, #tpu.memory_space<vmem>>, vector<16xi32>,
    tpu.vector_store %arg10[%swap3A_25], %shift_right_arithmetic3A_24 {strides = array<i32>} : memref<64xi32, #tpu.memory_space<vmem>>, vector<16xi32>,
    %get3A_27 = arith.constant 0 : i32
    %get3A_28 = arith.index_cast %get3A_27 : i32 to index
    %get3A_29 = arith.constant 0 : index
    %get3A_30 = tpu.vector_load %arg11[%get3A_28, %get3A_29] {strides = array<i32>} : memref<4x128xi32, #tpu.memory_space<vmem>>, vector<16xi32>,
    %shift_right_arithmetic3A_31 = arith.constant 1 : i32
    %shift_right_arithmetic3A_32 = vector.broadcast %shift_right_arithmetic3A_31 : i32 to vector<16xi32>
    %shift_right_arithmetic3A_33 = arith.shrsi %get3A_30, %shift_right_arithmetic3A_32 : vector<16xi32>
    %swap3A_34 = arith.constant 0 : i32
    %swap3A_35 = arith.index_cast %swap3A_34 : i32 to index
    %swap3A_36 = arith.constant 0 : index
    %swap3A_37 = tpu.vector_load %arg12[%swap3A_35, %swap3A_36] {strides = array<i32>} : memref<4x128xi32, #tpu.memory_space<vmem>>, vector<16xi32>,
    tpu.vector_store %arg12[%swap3A_35, %swap3A_36], %shift_right_arithmetic3A_33 {strides = array<i32>} : memref<4x128xi32, #tpu.memory_space<vmem>>, vector<16xi32>,
    %get3A_38 = arith.constant 0 : i32
    %get3A_39 = arith.index_cast %get3A_38 : i32 to index
    %get3A_40 = arith.constant 16 : index
    %get3A_41 = tpu.vector_load %arg11[%get3A_39, %get3A_40] {strides = array<i32>} : memref<4x128xi32, #tpu.memory_space<vmem>>, vector<16xi32>,
    %shift_right_arithmetic3A_42 = arith.constant 1 : i32
    %shift_right_arithmetic3A_43 = vector.broadcast %shift_right_arithmetic3A_42 : i32 to vector<16xi32>
    %shift_right_arithmetic3A_44 = arith.shrsi %get3A_41, %shift_right_arithmetic3A_43 : vector<16xi32>
    %swap3A_45 = arith.constant 0 : i32
    %swap3A_46 = arith.index_cast %swap3A_45 : i32 to index
    %swap3A_47 = arith.constant 16 : index
    %swap3A_48 = tpu.vector_load %arg12[%swap3A_46, %swap3A_47] {strides = array<i32>} : memref<4x128xi32, #tpu.memory_space<vmem>>, vector<16xi32>,
    tpu.vector_store %arg12[%swap3A_46, %swap3A_47], %shift_right_arithmetic3A_44 {strides = array<i32>} : memref<4x128xi32, #tpu.memory_space<vmem>>, vector<16xi32>,
    %get3A_49 = arith.constant 0 : i32
    %get3A_50 = arith.index_cast %get3A_49 : i32 to index
    %get3A_51 = arith.constant 32 : index
    %get3A_52 = tpu.vector_load %arg11[%get3A_50, %get3A_51] {strides = array<i32>} : memref<4x128xi32, #tpu.memory_space<vmem>>, vector<16xi32>,
    %shift_right_arithmetic3A_53 = arith.constant 1 : i32
    %shift_right_arithmetic3A_54 = vector.broadcast %shift_right_arithmetic3A_53 : i32 to vector<16xi32>
    %shift_right_arithmetic3A_55 = arith.shrsi %get3A_52, %shift_right_arithmetic3A_54 : vector<16xi32>
    %swap3A_56 = arith.constant 0 : i32
    %swap3A_57 = arith.index_cast %swap3A_56 : i32 to index
    %swap3A_58 = arith.constant 32 : index
    %swap3A_59 = tpu.vector_load %arg12[%swap3A_57, %swap3A_58] {strides = array<i32>} : memref<4x128xi32, #tpu.memory_space<vmem>>, vector<16xi32>,
    tpu.vector_store %arg12[%swap3A_57, %swap3A_58], %shift_right_arithmetic3A_55 {strides = array<i32>} : memref<4x128xi32, #tpu.memory_space<vmem>>, vector<16xi32>,
    %get3A_60 = arith.constant 0 : i32
    %get3A_61 = arith.index_cast %get3A_60 : i32 to index
    %get3A_62 = arith.constant 48 : index
    %get3A_63 = tpu.vector_load %arg11[%get3A_61, %get3A_62] {strides = array<i32>} : memref<4x128xi32, #tpu.memory_space<vmem>>, vector<16xi32>,
    %shift_right_arithmetic3A_64 = arith.constant 1 : i32
    %shift_right_arithmetic3A_65 = vector.broadcast %shift_right_arithmetic3A_64 : i32 to vector<16xi32>
    %shift_right_arithmetic3A_66 = arith.shrsi %get3A_63, %shift_right_arithmetic3A_65 : vector<16xi32>
    %swap3A_67 = arith.constant 0 : i32
    %swap3A_68 = arith.index_cast %swap3A_67 : i32 to index
    %swap3A_69 = arith.constant 48 : index
    %swap3A_70 = tpu.vector_load %arg12[%swap3A_68, %swap3A_69] {strides = array<i32>} : memref<4x128xi32, #tpu.memory_space<vmem>>, vector<16xi32>,
    tpu.vector_store %arg12[%swap3A_68, %swap3A_69], %shift_right_arithmetic3A_66 {strides = array<i32>} : memref<4x128xi32, #tpu.memory_space<vmem>>, vector<16xi32>,
    %get3A_71 = arith.constant 0 : i32
    %get3A_72 = arith.index_cast %get3A_71 : i32 to index
    %get3A_73 = arith.constant 64 : index
    %get3A_74 = tpu.vector_load %arg11[%get3A_72, %get3A_73] {strides = array<i32>} : memref<4x128xi32, #tpu.memory_space<vmem>>, vector<16xi32>,
    %shift_right_arithmetic3A_75 = arith.constant 1 : i32
    %shift_right_arithmetic3A_76 = vector.broadcast %shift_right_arithmetic3A_75 : i32 to vector<16xi32>
    %shift_right_arithmetic3A_77 = arith.shrsi %get3A_74, %shift_right_arithmetic3A_76 : vector<16xi32>
    %swap3A_78 = arith.constant 0 : i32
    %swap3A_79 = arith.index_cast %swap3A_78 : i32 to index
    %swap3A_80 = arith.constant 64 : index
    %swap3A_81 = tpu.vector_load %arg12[%swap3A_79, %swap3A_80] {strides = array<i32>} : memref<4x128xi32, #tpu.memory_space<vmem>>, vector<16xi32>,
    tpu.vector_store %arg12[%swap3A_79, %swap3A_80], %shift_right_arithmetic3A_77 {strides = array<i32>} : memref<4x128xi32, #tpu.memory_space<vmem>>, vector<16xi32>,
    %get3A_82 = arith.constant 0 : i32
    %get3A_83 = arith.index_cast %get3A_82 : i32 to index
    %get3A_84 = arith.constant 80 : index
    %get3A_85 = tpu.vector_load %arg11[%get3A_83, %get3A_84] {strides = array<i32>} : memref<4x128xi32, #tpu.memory_space<vmem>>, vector<16xi32>,
    %shift_right_arithmetic3A_86 = arith.constant 1 : i32
    %shift_right_arithmetic3A_87 = vector.broadcast %shift_right_arithmetic3A_86 : i32 to vector<16xi32>
    %shift_right_arithmetic3A_88 = arith.shrsi %get3A_85, %shift_right_arithmetic3A_87 : vector<16xi32>
    %swap3A_89 = arith.constant 0 : i32
    %swap3A_90 = arith.index_cast %swap3A_89 : i32 to index
    %swap3A_91 = arith.constant 80 : index
    %swap3A_92 = tpu.vector_load %arg12[%swap3A_90, %swap3A_91] {strides = array<i32>} : memref<4x128xi32, #tpu.memory_space<vmem>>, vector<16xi32>,
    tpu.vector_store %arg12[%swap3A_90, %swap3A_91], %shift_right_arithmetic3A_88 {strides = array<i32>} : memref<4x128xi32, #tpu.memory_space<vmem>>, vector<16xi32>,
    %get3A_93 = arith.constant 0 : i32
    %get3A_94 = arith.index_cast %get3A_93 : i32 to index
    %get3A_95 = arith.constant 96 : index
    %get3A_96 = tpu.vector_load %arg11[%get3A_94, %get3A_95] {strides = array<i32>} : memref<4x128xi32, #tpu.memory_space<vmem>>, vector<16xi32>,
    %shift_right_arithmetic3A_97 = arith.constant 1 : i32
    %shift_right_arithmetic3A_98 = vector.broadcast %shift_right_arithmetic3A_97 : i32 to vector<16xi32>
    %shift_right_arithmetic3A_99 = arith.shrsi %get3A_96, %shift_right_arithmetic3A_98 : vector<16xi32>
    %swap3A_100 = arith.constant 0 : i32
    %swap3A_101 = arith.index_cast %swap3A_100 : i32 to index
    %swap3A_102 = arith.constant 96 : index
    %swap3A_103 = tpu.vector_load %arg12[%swap3A_101, %swap3A_102] {strides = array<i32>} : memref<4x128xi32, #tpu.memory_space<vmem>>, vector<16xi32>,
    tpu.vector_store %arg12[%swap3A_101, %swap3A_102], %shift_right_arithmetic3A_99 {strides = array<i32>} : memref<4x128xi32, #tpu.memory_space<vmem>>, vector<16xi32>,
    %get3A_104 = arith.constant 0 : i32
    %get3A_105 = arith.index_cast %get3A_104 : i32 to index
    %get3A_106 = arith.constant 112 : index
    %get3A_107 = tpu.vector_load %arg11[%get3A_105, %get3A_106] {strides = array<i32>} : memref<4x128xi32, #tpu.memory_space<vmem>>, vector<16xi32>,
    %shift_right_arithmetic3A_108 = arith.constant 1 : i32
    %shift_right_arithmetic3A_109 = vector.broadcast %shift_right_arithmetic3A_108 : i32 to vector<16xi32>
    %shift_right_arithmetic3A_110 = arith.shrsi %get3A_107, %shift_right_arithmetic3A_109 : vector<16xi32>
    %swap3A_111 = arith.constant 0 : i32
    %swap3A_112 = arith.index_cast %swap3A_111 : i32 to index
    %swap3A_113 = arith.constant 112 : index
    %swap3A_114 = tpu.vector_load %arg12[%swap3A_112, %swap3A_113] {strides = array<i32>} : memref<4x128xi32, #tpu.memory_space<vmem>>, vector<16xi32>,
    tpu.vector_store %arg12[%swap3A_112, %swap3A_113], %shift_right_arithmetic3A_110 {strides = array<i32>} : memref<4x128xi32, #tpu.memory_space<vmem>>, vector<16xi32>,
    %get3A_115 = arith.constant 1 : i32
    %get3A_116 = arith.index_cast %get3A_115 : i32 to index
    %get3A_117 = arith.constant 0 : index
    %get3A_118 = tpu.vector_load %arg11[%get3A_116, %get3A_117] {strides = array<i32>} : memref<4x128xi32, #tpu.memory_space<vmem>>, vector<16xi32>,
    %shift_right_arithmetic3A_119 = arith.constant 1 : i32
    %shift_right_arithmetic3A_120 = vector.broadcast %shift_right_arithmetic3A_119 : i32 to vector<16xi32>
    %shift_right_arithmetic3A_121 = arith.shrsi %get3A_118, %shift_right_arithmetic3A_120 : vector<16xi32>
    %swap3A_122 = arith.constant 1 : i32
    %swap3A_123 = arith.index_cast %swap3A_122 : i32 to index
    %swap3A_124 = arith.constant 0 : index
    %swap3A_125 = tpu.vector_load %arg12[%swap3A_123, %swap3A_124] {strides = array<i32>} : memref<4x128xi32, #tpu.memory_space<vmem>>, vector<16xi32>,
    tpu.vector_store %arg12[%swap3A_123, %swap3A_124], %shift_right_arithmetic3A_121 {strides = array<i32>} : memref<4x128xi32, #tpu.memory_space<vmem>>, vector<16xi32>,
    %get3A_126 = arith.constant 1 : i32
    %get3A_127 = arith.index_cast %get3A_126 : i32 to index
    %get3A_128 = arith.constant 16 : index
    %get3A_129 = tpu.vector_load %arg11[%get3A_127, %get3A_128] {strides = array<i32>} : memref<4x128xi32, #tpu.memory_space<vmem>>, vector<16xi32>,
    %shift_right_arithmetic3A_130 = arith.constant 1 : i32
    %shift_right_arithmetic3A_131 = vector.broadcast %shift_right_arithmetic3A_130 : i32 to vector<16xi32>
    %shift_right_arithmetic3A_132 = arith.shrsi %get3A_129, %shift_right_arithmetic3A_131 : vector<16xi32>
    %swap3A_133 = arith.constant 1 : i32
    %swap3A_134 = arith.index_cast %swap3A_133 : i32 to index
    %swap3A_135 = arith.constant 16 : index
    %swap3A_136 = tpu.vector_load %arg12[%swap3A_134, %swap3A_135] {strides = array<i32>} : memref<4x128xi32, #tpu.memory_space<vmem>>, vector<16xi32>,
    tpu.vector_store %arg12[%swap3A_134, %swap3A_135], %shift_right_arithmetic3A_132 {strides = array<i32>} : memref<4x128xi32, #tpu.memory_space<vmem>>, vector<16xi32>,
    %get3A_137 = arith.constant 1 : i32
    %get3A_138 = arith.index_cast %get3A_137 : i32 to index
    %get3A_139 = arith.constant 32 : index
    %get3A_140 = tpu.vector_load %arg11[%get3A_138, %get3A_139] {strides = array<i32>} : memref<4x128xi32, #tpu.memory_space<vmem>>, vector<16xi32>,
    %shift_right_arithmetic3A_141 = arith.constant 1 : i32
    %shift_right_arithmetic3A_142 = vector.broadcast %shift_right_arithmetic3A_141 : i32 to vector<16xi32>
    %shift_right_arithmetic3A_143 = arith.shrsi %get3A_140, %shift_right_arithmetic3A_142 : vector<16xi32>
    %swap3A_144 = arith.constant 1 : i32
    %swap3A_145 = arith.index_cast %swap3A_144 : i32 to index
    %swap3A_146 = arith.constant 32 : index
    %swap3A_147 = tpu.vector_load %arg12[%swap3A_145, %swap3A_146] {strides = array<i32>} : memref<4x128xi32, #tpu.memory_space<vmem>>, vector<16xi32>,
    tpu.vector_store %arg12[%swap3A_145, %swap3A_146], %shift_right_arithmetic3A_143 {strides = array<i32>} : memref<4x128xi32, #tpu.memory_space<vmem>>, vector<16xi32>,
    %get3A_148 = arith.constant 1 : i32
    %get3A_149 = arith.index_cast %get3A_148 : i32 to index
    %get3A_150 = arith.constant 48 : index
    %get3A_151 = tpu.vector_load %arg11[%get3A_149, %get3A_150] {strides = array<i32>} : memref<4x128xi32, #tpu.memory_space<vmem>>, vector<16xi32>,
    %shift_right_arithmetic3A_152 = arith.constant 1 : i32
    %shift_right_arithmetic3A_153 = vector.broadcast %shift_right_arithmetic3A_152 : i32 to vector<16xi32>
    %shift_right_arithmetic3A_154 = arith.shrsi %get3A_151, %shift_right_arithmetic3A_153 : vector<16xi32>
    %swap3A_155 = arith.constant 1 : i32
    %swap3A_156 = arith.index_cast %swap3A_155 : i32 to index
    %swap3A_157 = arith.constant 48 : index
    %swap3A_158 = tpu.vector_load %arg12[%swap3A_156, %swap3A_157] {strides = array<i32>} : memref<4x128xi32, #tpu.memory_space<vmem>>, vector<16xi32>,
    tpu.vector_store %arg12[%swap3A_156, %swap3A_157], %shift_right_arithmetic3A_154 {strides = array<i32>} : memref<4x128xi32, #tpu.memory_space<vmem>>, vector<16xi32>,
    %get3A_159 = arith.constant 1 : i32
    %get3A_160 = arith.index_cast %get3A_159 : i32 to index
    %get3A_161 = arith.constant 64 : index
    %get3A_162 = tpu.vector_load %arg11[%get3A_160, %get3A_161] {strides = array<i32>} : memref<4x128xi32, #tpu.memory_space<vmem>>, vector<16xi32>,
    %shift_right_arithmetic3A_163 = arith.constant 1 : i32
    %shift_right_arithmetic3A_164 = vector.broadcast %shift_right_arithmetic3A_163 : i32 to vector<16xi32>
    %shift_right_arithmetic3A_165 = arith.shrsi %get3A_162, %shift_right_arithmetic3A_164 : vector<16xi32>
    %swap3A_166 = arith.constant 1 : i32
    %swap3A_167 = arith.index_cast %swap3A_166 : i32 to index
    %swap3A_168 = arith.constant 64 : index
    %swap3A_169 = tpu.vector_load %arg12[%swap3A_167, %swap3A_168] {strides = array<i32>} : memref<4x128xi32, #tpu.memory_space<vmem>>, vector<16xi32>,
    tpu.vector_store %arg12[%swap3A_167, %swap3A_168], %shift_right_arithmetic3A_165 {strides = array<i32>} : memref<4x128xi32, #tpu.memory_space<vmem>>, vector<16xi32>,
    %get3A_170 = arith.constant 1 : i32
    %get3A_171 = arith.index_cast %get3A_170 : i32 to index
    %get3A_172 = arith.constant 80 : index
    %get3A_173 = tpu.vector_load %arg11[%get3A_171, %get3A_172] {strides = array<i32>} : memref<4x128xi32, #tpu.memory_space<vmem>>, vector<16xi32>,
    %shift_right_arithmetic3A_174 = arith.constant 1 : i32
    %shift_right_arithmetic3A_175 = vector.broadcast %shift_right_arithmetic3A_174 : i32 to vector<16xi32>
    %shift_right_arithmetic3A_176 = arith.shrsi %get3A_173, %shift_right_arithmetic3A_175 : vector<16xi32>
    %swap3A_177 = arith.constant 1 : i32
    %swap3A_178 = arith.index_cast %swap3A_177 : i32 to index
    %swap3A_179 = arith.constant 80 : index
    %swap3A_180 = tpu.vector_load %arg12[%swap3A_178, %swap3A_179] {strides = array<i32>} : memref<4x128xi32, #tpu.memory_space<vmem>>, vector<16xi32>,
    tpu.vector_store %arg12[%swap3A_178, %swap3A_179], %shift_right_arithmetic3A_176 {strides = array<i32>} : memref<4x128xi32, #tpu.memory_space<vmem>>, vector<16xi32>,
    %get3A_181 = arith.constant 1 : i32
    %get3A_182 = arith.index_cast %get3A_181 : i32 to index
    %get3A_183 = arith.constant 96 : index
    %get3A_184 = tpu.vector_load %arg11[%get3A_182, %get3A_183] {strides = array<i32>} : memref<4x128xi32, #tpu.memory_space<vmem>>, vector<16xi32>,
    %shift_right_arithmetic3A_185 = arith.constant 1 : i32
    %shift_right_arithmetic3A_186 = vector.broadcast %shift_right_arithmetic3A_185 : i32 to vector<16xi32>
    %shift_right_arithmetic3A_187 = arith.shrsi %get3A_184, %shift_right_arithmetic3A_186 : vector<16xi32>
    %swap3A_188 = arith.constant 1 : i32
    %swap3A_189 = arith.index_cast %swap3A_188 : i32 to index
    %swap3A_190 = arith.constant 96 : index
    %swap3A_191 = tpu.vector_load %arg12[%swap3A_189, %swap3A_190] {strides = array<i32>} : memref<4x128xi32, #tpu.memory_space<vmem>>, vector<16xi32>,
    tpu.vector_store %arg12[%swap3A_189, %swap3A_190], %shift_right_arithmetic3A_187 {strides = array<i32>} : memref<4x128xi32, #tpu.memory_space<vmem>>, vector<16xi32>,
    %get3A_192 = arith.constant 1 : i32
    %get3A_193 = arith.index_cast %get3A_192 : i32 to index
    %get3A_194 = arith.constant 112 : index
    %get3A_195 = tpu.vector_load %arg11[%get3A_193, %get3A_194] {strides = array<i32>} : memref<4x128xi32, #tpu.memory_space<vmem>>, vector<16xi32>,
    %shift_right_arithmetic3A_196 = arith.constant 1 : i32
    %shift_right_arithmetic3A_197 = vector.broadcast %shift_right_arithmetic3A_196 : i32 to vector<16xi32>
    %shift_right_arithmetic3A_198 = arith.shrsi %get3A_195, %shift_right_arithmetic3A_197 : vector<16xi32>
    %swap3A_199 = arith.constant 1 : i32
    %swap3A_200 = arith.index_cast %swap3A_199 : i32 to index
    %swap3A_201 = arith.constant 112 : index
    %swap3A_202 = tpu.vector_load %arg12[%swap3A_200, %swap3A_201] {strides = array<i32>} : memref<4x128xi32, #tpu.memory_space<vmem>>, vector<16xi32>,
    tpu.vector_store %arg12[%swap3A_200, %swap3A_201], %shift_right_arithmetic3A_198 {strides = array<i32>} : memref<4x128xi32, #tpu.memory_space<vmem>>, vector<16xi32>,
    %dma_start3A = arith.constant 0 : i32
    %dma_start3A_203 = arith.constant 0 : i32
    %dma_start3A_204 = tpu.memref_slice %arg13[%dma_start3A, %dma_start3A_203] : memref<64x128xf32, #tpu.memory_space<vmem>> -> memref<32x128xf32, #tpu.memory_space<vmem>>
    %dma_start3A_205 = arith.constant 0 : i32
    %dma_start3A_206 = tpu.memref_slice %arg10[%dma_start3A_205] : memref<64xi32, #tpu.memory_space<vmem>> -> memref<32xi32, #tpu.memory_space<vmem>>
    %dma_start3A_207 = arith.constant 0 : i32
    %dma_start3A_208 = arith.constant 0 : i32
    %dma_start3A_209 = tpu.memref_slice %arg4[%dma_start3A_207, %dma_start3A_208] : memref<500000x128xf32, #tpu.memory_space<hbm>> -> memref<500000x128xf32, #tpu.memory_space<hbm>>
    tpu.enqueue_indirect_dma source(%dma_start3A_209 : memref<500000x128xf32, #tpu.memory_space<hbm>>) target(%dma_start3A_204 : memref<32x128xf32, #tpu.memory_space<vmem>>) offsets(%dma_start3A_206 : memref<32xi32, #tpu.memory_space<vmem>>) semaphore(%arg21 : memref<!tpu.dma_semaphore, #tpu.memory_space<semaphore_mem>>)
    %dma_start3A_210 = arith.constant 0 : i32
    %dma_start3A_211 = arith.constant 0 : i32
    %dma_start3A_212 = arith.constant 0 : i32
    %dma_start3A_213 = tpu.memref_slice %arg14[%dma_start3A_211, %dma_start3A_212] : memref<512x128xf32, #tpu.memory_space<vmem>> -> memref<128x128xf32, #tpu.memory_space<vmem>>
    %dma_start3A_214 = arith.constant 0 : i32
    %dma_start3A_215 = tpu.memref_slice %arg12[%dma_start3A_210, %dma_start3A_214] : memref<4x128xi32, #tpu.memory_space<vmem>> -> memref<1x128xi32, #tpu.memory_space<vmem>>
    %dma_start3A_216 = tpu.memref_squeeze %dma_start3A_215 : memref<1x128xi32, #tpu.memory_space<vmem>> -> memref<128xi32, #tpu.memory_space<vmem>>
    %dma_start3A_217 = arith.constant 0 : i32
    %dma_start3A_218 = arith.constant 0 : i32
    %dma_start3A_219 = tpu.memref_slice %arg4[%dma_start3A_217, %dma_start3A_218] : memref<500000x128xf32, #tpu.memory_space<hbm>> -> memref<500000x128xf32, #tpu.memory_space<hbm>>
    tpu.enqueue_indirect_dma source(%dma_start3A_219 : memref<500000x128xf32, #tpu.memory_space<hbm>>) target(%dma_start3A_213 : memref<128x128xf32, #tpu.memory_space<vmem>>) offsets(%dma_start3A_216 : memref<128xi32, #tpu.memory_space<vmem>>) semaphore(%arg21 : memref<!tpu.dma_semaphore, #tpu.memory_space<semaphore_mem>>)
    %dma_start3A_220 = arith.constant 1 : i32
    %dma_start3A_221 = arith.constant 128 : i32
    %dma_start3A_222 = arith.constant 0 : i32
    %dma_start3A_223 = tpu.memref_slice %arg14[%dma_start3A_221, %dma_start3A_222] : memref<512x128xf32, #tpu.memory_space<vmem>> -> memref<128x128xf32, #tpu.memory_space<vmem>>
    %dma_start3A_224 = arith.constant 0 : i32
    %dma_start3A_225 = tpu.memref_slice %arg12[%dma_start3A_220, %dma_start3A_224] : memref<4x128xi32, #tpu.memory_space<vmem>> -> memref<1x128xi32, #tpu.memory_space<vmem>>
    %dma_start3A_226 = tpu.memref_squeeze %dma_start3A_225 : memref<1x128xi32, #tpu.memory_space<vmem>> -> memref<128xi32, #tpu.memory_space<vmem>>
    %dma_start3A_227 = arith.constant 0 : i32
    %dma_start3A_228 = arith.constant 0 : i32
    %dma_start3A_229 = tpu.memref_slice %arg4[%dma_start3A_227, %dma_start3A_228] : memref<500000x128xf32, #tpu.memory_space<hbm>> -> memref<500000x128xf32, #tpu.memory_space<hbm>>
    tpu.enqueue_indirect_dma source(%dma_start3A_229 : memref<500000x128xf32, #tpu.memory_space<hbm>>) target(%dma_start3A_223 : memref<128x128xf32, #tpu.memory_space<vmem>>) offsets(%dma_start3A_226 : memref<128xi32, #tpu.memory_space<vmem>>) semaphore(%arg21 : memref<!tpu.dma_semaphore, #tpu.memory_space<semaphore_mem>>)
    %scan3A = arith.constant 0 : i32
    %scan3A_230 = arith.constant 0 : i32
    %scan3A_231 = arith.constant 8 : i32
    %scan3A_232 = arith.addi %scan3A_230, %scan3A_231 : i32
    %scan3A_233 = arith.constant 1 : i32
    scf.for %scan3A_235 = %scan3A_230 to %scan3A_232 step %scan3A_233  : i32 {
      %mul3A_236 = arith.constant 2 : i32
      %mul3A_237 = arith.muli %scan3A_235, %mul3A_236 : i32
      %add3A_238 = arith.constant 1 : i32
      %add3A_239 = arith.addi %mul3A_237, %add3A_238 : i32
      %mul3A_240 = arith.constant 512 : i32
      %mul3A_241 = arith.muli %add3A, %mul3A_240 : i32
      %mul3A_242 = arith.constant 32 : i32
      %mul3A_243 = arith.muli %add3A_239, %mul3A_242 : i32
      %add3A_244 = arith.addi %mul3A_241, %mul3A_243 : i32
      "tpu.region"() ({
        %run_scoped3A_578 = tpu.sem_alloc : memref<!tpu.dma_semaphore, #tpu.memory_space<semaphore_mem>>
        %dma_start3A_579 = arith.constant 32 : i32
        %dma_start3A_580 = tpu.memref_slice %arg9[%dma_start3A_579] : memref<64xi32, #tpu.memory_space<vmem>> -> memref<32xi32, #tpu.memory_space<vmem>>
        %dma_start3A_581 = tpu.memref_slice %arg2[%add3A_244] : memref<16384xi32, #tpu.memory_space<hbm>> -> memref<32xi32, #tpu.memory_space<hbm>>
        %dma_start3A_582 = arith.constant 32 : i32
        %dma_start3A_583 = tpu.memref_slice %arg9[%dma_start3A_582] : memref<64xi32, #tpu.memory_space<vmem>> -> memref<32xi32, #tpu.memory_space<vmem>>
        %dma_start3A_584 = tpu.memref_slice %arg2[%add3A_244] : memref<16384xi32, #tpu.memory_space<hbm>> -> memref<32xi32, #tpu.memory_space<hbm>>
        tpu.enqueue_dma source(%dma_start3A_584 : memref<32xi32, #tpu.memory_space<hbm>>) target(%dma_start3A_583 : memref<32xi32, #tpu.memory_space<vmem>>) target_semaphore(%run_scoped3A_578 : memref<!tpu.dma_semaphore, #tpu.memory_space<semaphore_mem>>)
        %dma_wait3A_585 = arith.constant 32 : i32
        %dma_wait3A_586 = tpu.memref_slice %arg9[%dma_wait3A_585] : memref<64xi32, #tpu.memory_space<vmem>> -> memref<32xi32, #tpu.memory_space<vmem>>
        %dma_wait3A_587 = tpu.memref_slice %arg2[%add3A_244] : memref<16384xi32, #tpu.memory_space<hbm>> -> memref<32xi32, #tpu.memory_space<hbm>>
        %dma_wait3A_588 = arith.constant 32 : i32
        %dma_wait3A_589 = tpu.memref_slice %arg9[%dma_wait3A_588] : memref<64xi32, #tpu.memory_space<vmem>> -> memref<32xi32, #tpu.memory_space<vmem>>
        %dma_wait3A_590 = tpu.memref_slice %arg2[%add3A_244] : memref<16384xi32, #tpu.memory_space<hbm>> -> memref<32xi32, #tpu.memory_space<hbm>>
        tpu.wait_dma2 semaphore(%run_scoped3A_578 : memref<!tpu.dma_semaphore, #tpu.memory_space<semaphore_mem>>) src(%dma_wait3A_590 : memref<32xi32, #tpu.memory_space<hbm>>) dst(%dma_wait3A_589 : memref<32xi32, #tpu.memory_space<vmem>>)
        tpu.yield
      }) : () -> ()
      %mul3A_245 = arith.constant 8 : i32
      %mul3A_246 = arith.muli %add3A_244, %mul3A_245 : i32
      %add3A_247 = arith.constant 0 : i32
      %add3A_248 = arith.addi %mul3A_246, %add3A_247 : i32
      %run_scoped3A_249 = arith.constant 2 : i32
      "tpu.region"() ({
        %run_scoped3A_578 = tpu.sem_alloc : memref<!tpu.dma_semaphore, #tpu.memory_space<semaphore_mem>>
        %dma_start3A_579 = arith.constant 0 : i32
        %dma_start3A_580 = tpu.memref_slice %arg11[%run_scoped3A_249, %dma_start3A_579] : memref<4x128xi32, #tpu.memory_space<vmem>> -> memref<1x128xi32, #tpu.memory_space<vmem>>
        %dma_start3A_581 = tpu.memref_squeeze %dma_start3A_580 : memref<1x128xi32, #tpu.memory_space<vmem>> -> memref<128xi32, #tpu.memory_space<vmem>>
        %dma_start3A_582 = tpu.memref_slice %arg3[%add3A_248] : memref<131072xi32, #tpu.memory_space<hbm>> -> memref<128xi32, #tpu.memory_space<hbm>>
        %dma_start3A_583 = arith.constant 0 : i32
        %dma_start3A_584 = tpu.memref_slice %arg11[%run_scoped3A_249, %dma_start3A_583] : memref<4x128xi32, #tpu.memory_space<vmem>> -> memref<1x128xi32, #tpu.memory_space<vmem>>
        %dma_start3A_585 = tpu.memref_squeeze %dma_start3A_584 : memref<1x128xi32, #tpu.memory_space<vmem>> -> memref<128xi32, #tpu.memory_space<vmem>>
        %dma_start3A_586 = tpu.memref_slice %arg3[%add3A_248] : memref<131072xi32, #tpu.memory_space<hbm>> -> memref<128xi32, #tpu.memory_space<hbm>>
        tpu.enqueue_dma source(%dma_start3A_586 : memref<128xi32, #tpu.memory_space<hbm>>) target(%dma_start3A_585 : memref<128xi32, #tpu.memory_space<vmem>>) target_semaphore(%run_scoped3A_578 : memref<!tpu.dma_semaphore, #tpu.memory_space<semaphore_mem>>)
        %dma_wait3A_587 = arith.constant 0 : i32
        %dma_wait3A_588 = tpu.memref_slice %arg11[%run_scoped3A_249, %dma_wait3A_587] : memref<4x128xi32, #tpu.memory_space<vmem>> -> memref<1x128xi32, #tpu.memory_space<vmem>>
        %dma_wait3A_589 = tpu.memref_squeeze %dma_wait3A_588 : memref<1x128xi32, #tpu.memory_space<vmem>> -> memref<128xi32, #tpu.memory_space<vmem>>
        %dma_wait3A_590 = tpu.memref_slice %arg3[%add3A_248] : memref<131072xi32, #tpu.memory_space<hbm>> -> memref<128xi32, #tpu.memory_space<hbm>>
        %dma_wait3A_591 = arith.constant 0 : i32
        %dma_wait3A_592 = tpu.memref_slice %arg11[%run_scoped3A_249, %dma_wait3A_591] : memref<4x128xi32, #tpu.memory_space<vmem>> -> memref<1x128xi32, #tpu.memory_space<vmem>>
        %dma_wait3A_593 = tpu.memref_squeeze %dma_wait3A_592 : memref<1x128xi32, #tpu.memory_space<vmem>> -> memref<128xi32, #tpu.memory_space<vmem>>
        %dma_wait3A_594 = tpu.memref_slice %arg3[%add3A_248] : memref<131072xi32, #tpu.memory_space<hbm>> -> memref<128xi32, #tpu.memory_space<hbm>>
        tpu.wait_dma2 semaphore(%run_scoped3A_578 : memref<!tpu.dma_semaphore, #tpu.memory_space<semaphore_mem>>) src(%dma_wait3A_594 : memref<128xi32, #tpu.memory_space<hbm>>) dst(%dma_wait3A_593 : memref<128xi32, #tpu.memory_space<vmem>>)
        tpu.yield
      }) : () -> ()
      %mul3A_250 = arith.constant 8 : i32
      %mul3A_251 = arith.muli %add3A_244, %mul3A_250 : i32
      %add3A_252 = arith.constant 128 : i32
      %add3A_253 = arith.addi %mul3A_251, %add3A_252 : i32
      %run_scoped3A_254 = arith.constant 3 : i32
      "tpu.region"() ({
        %run_scoped3A_578 = tpu.sem_alloc : memref<!tpu.dma_semaphore, #tpu.memory_space<semaphore_mem>>
        %dma_start3A_579 = arith.constant 0 : i32
        %dma_start3A_580 = tpu.memref_slice %arg11[%run_scoped3A_254, %dma_start3A_579] : memref<4x128xi32, #tpu.memory_space<vmem>> -> memref<1x128xi32, #tpu.memory_space<vmem>>
        %dma_start3A_581 = tpu.memref_squeeze %dma_start3A_580 : memref<1x128xi32, #tpu.memory_space<vmem>> -> memref<128xi32, #tpu.memory_space<vmem>>
        %dma_start3A_582 = tpu.memref_slice %arg3[%add3A_253] : memref<131072xi32, #tpu.memory_space<hbm>> -> memref<128xi32, #tpu.memory_space<hbm>>
        %dma_start3A_583 = arith.constant 0 : i32
        %dma_start3A_584 = tpu.memref_slice %arg11[%run_scoped3A_254, %dma_start3A_583] : memref<4x128xi32, #tpu.memory_space<vmem>> -> memref<1x128xi32, #tpu.memory_space<vmem>>
        %dma_start3A_585 = tpu.memref_squeeze %dma_start3A_584 : memref<1x128xi32, #tpu.memory_space<vmem>> -> memref<128xi32, #tpu.memory_space<vmem>>
        %dma_start3A_586 = tpu.memref_slice %arg3[%add3A_253] : memref<131072xi32, #tpu.memory_space<hbm>> -> memref<128xi32, #tpu.memory_space<hbm>>
        tpu.enqueue_dma source(%dma_start3A_586 : memref<128xi32, #tpu.memory_space<hbm>>) target(%dma_start3A_585 : memref<128xi32, #tpu.memory_space<vmem>>) target_semaphore(%run_scoped3A_578 : memref<!tpu.dma_semaphore, #tpu.memory_space<semaphore_mem>>)
        %dma_wait3A_587 = arith.constant 0 : i32
        %dma_wait3A_588 = tpu.memref_slice %arg11[%run_scoped3A_254, %dma_wait3A_587] : memref<4x128xi32, #tpu.memory_space<vmem>> -> memref<1x128xi32, #tpu.memory_space<vmem>>
        %dma_wait3A_589 = tpu.memref_squeeze %dma_wait3A_588 : memref<1x128xi32, #tpu.memory_space<vmem>> -> memref<128xi32, #tpu.memory_space<vmem>>
        %dma_wait3A_590 = tpu.memref_slice %arg3[%add3A_253] : memref<131072xi32, #tpu.memory_space<hbm>> -> memref<128xi32, #tpu.memory_space<hbm>>
        %dma_wait3A_591 = arith.constant 0 : i32
        %dma_wait3A_592 = tpu.memref_slice %arg11[%run_scoped3A_254, %dma_wait3A_591] : memref<4x128xi32, #tpu.memory_space<vmem>> -> memref<1x128xi32, #tpu.memory_space<vmem>>
        %dma_wait3A_593 = tpu.memref_squeeze %dma_wait3A_592 : memref<1x128xi32, #tpu.memory_space<vmem>> -> memref<128xi32, #tpu.memory_space<vmem>>
        %dma_wait3A_594 = tpu.memref_slice %arg3[%add3A_253] : memref<131072xi32, #tpu.memory_space<hbm>> -> memref<128xi32, #tpu.memory_space<hbm>>
        tpu.wait_dma2 semaphore(%run_scoped3A_578 : memref<!tpu.dma_semaphore, #tpu.memory_space<semaphore_mem>>) src(%dma_wait3A_594 : memref<128xi32, #tpu.memory_space<hbm>>) dst(%dma_wait3A_593 : memref<128xi32, #tpu.memory_space<vmem>>)
        tpu.yield
      }) : () -> ()
      %get3A_255 = arith.constant 32 : index
      %get3A_256 = tpu.vector_load %arg9[%get3A_255] {strides = array<i32>} : memref<64xi32, #tpu.memory_space<vmem>>, vector<16xi32>,
      %shift_right_arithmetic3A_257 = arith.constant 1 : i32
      %shift_right_arithmetic3A_258 = vector.broadcast %shift_right_arithmetic3A_257 : i32 to vector<16xi32>
      %shift_right_arithmetic3A_259 = arith.shrsi %get3A_256, %shift_right_arithmetic3A_258 : vector<16xi32>
      %swap3A_260 = arith.constant 32 : index
      %swap3A_261 = tpu.vector_load %arg10[%swap3A_260] {strides = array<i32>} : memref<64xi32, #tpu.memory_space<vmem>>, vector<16xi32>,
      tpu.vector_store %arg10[%swap3A_260], %shift_right_arithmetic3A_259 {strides = array<i32>} : memref<64xi32, #tpu.memory_space<vmem>>, vector<16xi32>,
      %get3A_262 = arith.constant 48 : index
      %get3A_263 = tpu.vector_load %arg9[%get3A_262] {strides = array<i32>} : memref<64xi32, #tpu.memory_space<vmem>>, vector<16xi32>,
      %shift_right_arithmetic3A_264 = arith.constant 1 : i32
      %shift_right_arithmetic3A_265 = vector.broadcast %shift_right_arithmetic3A_264 : i32 to vector<16xi32>
      %shift_right_arithmetic3A_266 = arith.shrsi %get3A_263, %shift_right_arithmetic3A_265 : vector<16xi32>
      %swap3A_267 = arith.constant 48 : index
      %swap3A_268 = tpu.vector_load %arg10[%swap3A_267] {strides = array<i32>} : memref<64xi32, #tpu.memory_space<vmem>>, vector<16xi32>,
      tpu.vector_store %arg10[%swap3A_267], %shift_right_arithmetic3A_266 {strides = array<i32>} : memref<64xi32, #tpu.memory_space<vmem>>, vector<16xi32>,
      %get3A_269 = arith.constant 2 : i32
      %get3A_270 = arith.index_cast %get3A_269 : i32 to index
      %get3A_271 = arith.constant 0 : index
      %get3A_272 = tpu.vector_load %arg11[%get3A_270, %get3A_271] {strides = array<i32>} : memref<4x128xi32, #tpu.memory_space<vmem>>, vector<16xi32>,
      %shift_right_arithmetic3A_273 = arith.constant 1 : i32
      %shift_right_arithmetic3A_274 = vector.broadcast %shift_right_arithmetic3A_273 : i32 to vector<16xi32>
      %shift_right_arithmetic3A_275 = arith.shrsi %get3A_272, %shift_right_arithmetic3A_274 : vector<16xi32>
      %swap3A_276 = arith.constant 2 : i32
      %swap3A_277 = arith.index_cast %swap3A_276 : i32 to index
      %swap3A_278 = arith.constant 0 : index
      %swap3A_279 = tpu.vector_load %arg12[%swap3A_277, %swap3A_278] {strides = array<i32>} : memref<4x128xi32, #tpu.memory_space<vmem>>, vector<16xi32>,
      tpu.vector_store %arg12[%swap3A_277, %swap3A_278], %shift_right_arithmetic3A_275 {strides = array<i32>} : memref<4x128xi32, #tpu.memory_space<vmem>>, vector<16xi32>,
      %get3A_280 = arith.constant 2 : i32
      %get3A_281 = arith.index_cast %get3A_280 : i32 to index
      %get3A_282 = arith.constant 16 : index
      %get3A_283 = tpu.vector_load %arg11[%get3A_281, %get3A_282] {strides = array<i32>} : memref<4x128xi32, #tpu.memory_space<vmem>>, vector<16xi32>,
      %shift_right_arithmetic3A_284 = arith.constant 1 : i32
      %shift_right_arithmetic3A_285 = vector.broadcast %shift_right_arithmetic3A_284 : i32 to vector<16xi32>
      %shift_right_arithmetic3A_286 = arith.shrsi %get3A_283, %shift_right_arithmetic3A_285 : vector<16xi32>
      %swap3A_287 = arith.constant 2 : i32
      %swap3A_288 = arith.index_cast %swap3A_287 : i32 to index
      %swap3A_289 = arith.constant 16 : index
      %swap3A_290 = tpu.vector_load %arg12[%swap3A_288, %swap3A_289] {strides = array<i32>} : memref<4x128xi32, #tpu.memory_space<vmem>>, vector<16xi32>,
      tpu.vector_store %arg12[%swap3A_288, %swap3A_289], %shift_right_arithmetic3A_286 {strides = array<i32>} : memref<4x128xi32, #tpu.memory_space<vmem>>, vector<16xi32>,
      %get3A_291 = arith.constant 2 : i32
      %get3A_292 = arith.index_cast %get3A_291 : i32 to index
      %get3A_293 = arith.constant 32 : index
      %get3A_294 = tpu.vector_load %arg11[%get3A_292, %get3A_293] {strides = array<i32>} : memref<4x128xi32, #tpu.memory_space<vmem>>, vector<16xi32>,
      %shift_right_arithmetic3A_295 = arith.constant 1 : i32
      %shift_right_arithmetic3A_296 = vector.broadcast %shift_right_arithmetic3A_295 : i32 to vector<16xi32>
      %shift_right_arithmetic3A_297 = arith.shrsi %get3A_294, %shift_right_arithmetic3A_296 : vector<16xi32>
      %swap3A_298 = arith.constant 2 : i32
      %swap3A_299 = arith.index_cast %swap3A_298 : i32 to index
      %swap3A_300 = arith.constant 32 : index
      %swap3A_301 = tpu.vector_load %arg12[%swap3A_299, %swap3A_300] {strides = array<i32>} : memref<4x128xi32, #tpu.memory_space<vmem>>, vector<16xi32>,
      tpu.vector_store %arg12[%swap3A_299, %swap3A_300], %shift_right_arithmetic3A_297 {strides = array<i32>} : memref<4x128xi32, #tpu.memory_space<vmem>>, vector<16xi32>,
      %get3A_302 = arith.constant 2 : i32
      %get3A_303 = arith.index_cast %get3A_302 : i32 to index
      %get3A_304 = arith.constant 48 : index
      %get3A_305 = tpu.vector_load %arg11[%get3A_303, %get3A_304] {strides = array<i32>} : memref<4x128xi32, #tpu.memory_space<vmem>>, vector<16xi32>,
      %shift_right_arithmetic3A_306 = arith.constant 1 : i32
      %shift_right_arithmetic3A_307 = vector.broadcast %shift_right_arithmetic3A_306 : i32 to vector<16xi32>
      %shift_right_arithmetic3A_308 = arith.shrsi %get3A_305, %shift_right_arithmetic3A_307 : vector<16xi32>
      %swap3A_309 = arith.constant 2 : i32
      %swap3A_310 = arith.index_cast %swap3A_309 : i32 to index
      %swap3A_311 = arith.constant 48 : index
      %swap3A_312 = tpu.vector_load %arg12[%swap3A_310, %swap3A_311] {strides = array<i32>} : memref<4x128xi32, #tpu.memory_space<vmem>>, vector<16xi32>,
      tpu.vector_store %arg12[%swap3A_310, %swap3A_311], %shift_right_arithmetic3A_308 {strides = array<i32>} : memref<4x128xi32, #tpu.memory_space<vmem>>, vector<16xi32>,
      %get3A_313 = arith.constant 2 : i32
      %get3A_314 = arith.index_cast %get3A_313 : i32 to index
      %get3A_315 = arith.constant 64 : index
      %get3A_316 = tpu.vector_load %arg11[%get3A_314, %get3A_315] {strides = array<i32>} : memref<4x128xi32, #tpu.memory_space<vmem>>, vector<16xi32>,
      %shift_right_arithmetic3A_317 = arith.constant 1 : i32
      %shift_right_arithmetic3A_318 = vector.broadcast %shift_right_arithmetic3A_317 : i32 to vector<16xi32>
      %shift_right_arithmetic3A_319 = arith.shrsi %get3A_316, %shift_right_arithmetic3A_318 : vector<16xi32>
      %swap3A_320 = arith.constant 2 : i32
      %swap3A_321 = arith.index_cast %swap3A_320 : i32 to index
      %swap3A_322 = arith.constant 64 : index
      %swap3A_323 = tpu.vector_load %arg12[%swap3A_321, %swap3A_322] {strides = array<i32>} : memref<4x128xi32, #tpu.memory_space<vmem>>, vector<16xi32>,
      tpu.vector_store %arg12[%swap3A_321, %swap3A_322], %shift_right_arithmetic3A_319 {strides = array<i32>} : memref<4x128xi32, #tpu.memory_space<vmem>>, vector<16xi32>,
      %get3A_324 = arith.constant 2 : i32
      %get3A_325 = arith.index_cast %get3A_324 : i32 to index
      %get3A_326 = arith.constant 80 : index
      %get3A_327 = tpu.vector_load %arg11[%get3A_325, %get3A_326] {strides = array<i32>} : memref<4x128xi32, #tpu.memory_space<vmem>>, vector<16xi32>,
      %shift_right_arithmetic3A_328 = arith.constant 1 : i32
      %shift_right_arithmetic3A_329 = vector.broadcast %shift_right_arithmetic3A_328 : i32 to vector<16xi32>
      %shift_right_arithmetic3A_330 = arith.shrsi %get3A_327, %shift_right_arithmetic3A_329 : vector<16xi32>
      %swap3A_331 = arith.constant 2 : i32
      %swap3A_332 = arith.index_cast %swap3A_331 : i32 to index
      %swap3A_333 = arith.constant 80 : index
      %swap3A_334 = tpu.vector_load %arg12[%swap3A_332, %swap3A_333] {strides = array<i32>} : memref<4x128xi32, #tpu.memory_space<vmem>>, vector<16xi32>,
      tpu.vector_store %arg12[%swap3A_332, %swap3A_333], %shift_right_arithmetic3A_330 {strides = array<i32>} : memref<4x128xi32, #tpu.memory_space<vmem>>, vector<16xi32>,
      %get3A_335 = arith.constant 2 : i32
      %get3A_336 = arith.index_cast %get3A_335 : i32 to index
      %get3A_337 = arith.constant 96 : index
      %get3A_338 = tpu.vector_load %arg11[%get3A_336, %get3A_337] {strides = array<i32>} : memref<4x128xi32, #tpu.memory_space<vmem>>, vector<16xi32>,
      %shift_right_arithmetic3A_339 = arith.constant 1 : i32
      %shift_right_arithmetic3A_340 = vector.broadcast %shift_right_arithmetic3A_339 : i32 to vector<16xi32>
      %shift_right_arithmetic3A_341 = arith.shrsi %get3A_338, %shift_right_arithmetic3A_340 : vector<16xi32>
      %swap3A_342 = arith.constant 2 : i32
      %swap3A_343 = arith.index_cast %swap3A_342 : i32 to index
      %swap3A_344 = arith.constant 96 : index
      %swap3A_345 = tpu.vector_load %arg12[%swap3A_343, %swap3A_344] {strides = array<i32>} : memref<4x128xi32, #tpu.memory_space<vmem>>, vector<16xi32>,
      tpu.vector_store %arg12[%swap3A_343, %swap3A_344], %shift_right_arithmetic3A_341 {strides = array<i32>} : memref<4x128xi32, #tpu.memory_space<vmem>>, vector<16xi32>,
      %get3A_346 = arith.constant 2 : i32
      %get3A_347 = arith.index_cast %get3A_346 : i32 to index
      %get3A_348 = arith.constant 112 : index
      %get3A_349 = tpu.vector_load %arg11[%get3A_347, %get3A_348] {strides = array<i32>} : memref<4x128xi32, #tpu.memory_space<vmem>>, vector<16xi32>,
      %shift_right_arithmetic3A_350 = arith.constant 1 : i32
      %shift_right_arithmetic3A_351 = vector.broadcast %shift_right_arithmetic3A_350 : i32 to vector<16xi32>
      %shift_right_arithmetic3A_352 = arith.shrsi %get3A_349, %shift_right_arithmetic3A_351 : vector<16xi32>
      %swap3A_353 = arith.constant 2 : i32
      %swap3A_354 = arith.index_cast %swap3A_353 : i32 to index
      %swap3A_355 = arith.constant 112 : index
      %swap3A_356 = tpu.vector_load %arg12[%swap3A_354, %swap3A_355] {strides = array<i32>} : memref<4x128xi32, #tpu.memory_space<vmem>>, vector<16xi32>,
      tpu.vector_store %arg12[%swap3A_354, %swap3A_355], %shift_right_arithmetic3A_352 {strides = array<i32>} : memref<4x128xi32, #tpu.memory_space<vmem>>, vector<16xi32>,
      %get3A_357 = arith.constant 3 : i32
      %get3A_358 = arith.index_cast %get3A_357 : i32 to index
      %get3A_359 = arith.constant 0 : index
      %get3A_360 = tpu.vector_load %arg11[%get3A_358, %get3A_359] {strides = array<i32>} : memref<4x128xi32, #tpu.memory_space<vmem>>, vector<16xi32>,
      %shift_right_arithmetic3A_361 = arith.constant 1 : i32
      %shift_right_arithmetic3A_362 = vector.broadcast %shift_right_arithmetic3A_361 : i32 to vector<16xi32>
      %shift_right_arithmetic3A_363 = arith.shrsi %get3A_360, %shift_right_arithmetic3A_362 : vector<16xi32>
      %swap3A_364 = arith.constant 3 : i32
      %swap3A_365 = arith.index_cast %swap3A_364 : i32 to index
      %swap3A_366 = arith.constant 0 : index
      %swap3A_367 = tpu.vector_load %arg12[%swap3A_365, %swap3A_366] {strides = array<i32>} : memref<4x128xi32, #tpu.memory_space<vmem>>, vector<16xi32>,
      tpu.vector_store %arg12[%swap3A_365, %swap3A_366], %shift_right_arithmetic3A_363 {strides = array<i32>} : memref<4x128xi32, #tpu.memory_space<vmem>>, vector<16xi32>,
      %get3A_368 = arith.constant 3 : i32
      %get3A_369 = arith.index_cast %get3A_368 : i32 to index
      %get3A_370 = arith.constant 16 : index
      %get3A_371 = tpu.vector_load %arg11[%get3A_369, %get3A_370] {strides = array<i32>} : memref<4x128xi32, #tpu.memory_space<vmem>>, vector<16xi32>,
      %shift_right_arithmetic3A_372 = arith.constant 1 : i32
      %shift_right_arithmetic3A_373 = vector.broadcast %shift_right_arithmetic3A_372 : i32 to vector<16xi32>
      %shift_right_arithmetic3A_374 = arith.shrsi %get3A_371, %shift_right_arithmetic3A_373 : vector<16xi32>
      %swap3A_375 = arith.constant 3 : i32
      %swap3A_376 = arith.index_cast %swap3A_375 : i32 to index
      %swap3A_377 = arith.constant 16 : index
      %swap3A_378 = tpu.vector_load %arg12[%swap3A_376, %swap3A_377] {strides = array<i32>} : memref<4x128xi32, #tpu.memory_space<vmem>>, vector<16xi32>,
      tpu.vector_store %arg12[%swap3A_376, %swap3A_377], %shift_right_arithmetic3A_374 {strides = array<i32>} : memref<4x128xi32, #tpu.memory_space<vmem>>, vector<16xi32>,
      %get3A_379 = arith.constant 3 : i32
      %get3A_380 = arith.index_cast %get3A_379 : i32 to index
      %get3A_381 = arith.constant 32 : index
      %get3A_382 = tpu.vector_load %arg11[%get3A_380, %get3A_381] {strides = array<i32>} : memref<4x128xi32, #tpu.memory_space<vmem>>, vector<16xi32>,
      %shift_right_arithmetic3A_383 = arith.constant 1 : i32
      %shift_right_arithmetic3A_384 = vector.broadcast %shift_right_arithmetic3A_383 : i32 to vector<16xi32>
      %shift_right_arithmetic3A_385 = arith.shrsi %get3A_382, %shift_right_arithmetic3A_384 : vector<16xi32>
      %swap3A_386 = arith.constant 3 : i32
      %swap3A_387 = arith.index_cast %swap3A_386 : i32 to index
      %swap3A_388 = arith.constant 32 : index
      %swap3A_389 = tpu.vector_load %arg12[%swap3A_387, %swap3A_388] {strides = array<i32>} : memref<4x128xi32, #tpu.memory_space<vmem>>, vector<16xi32>,
      tpu.vector_store %arg12[%swap3A_387, %swap3A_388], %shift_right_arithmetic3A_385 {strides = array<i32>} : memref<4x128xi32, #tpu.memory_space<vmem>>, vector<16xi32>,
      %get3A_390 = arith.constant 3 : i32
      %get3A_391 = arith.index_cast %get3A_390 : i32 to index
      %get3A_392 = arith.constant 48 : index
      %get3A_393 = tpu.vector_load %arg11[%get3A_391, %get3A_392] {strides = array<i32>} : memref<4x128xi32, #tpu.memory_space<vmem>>, vector<16xi32>,
      %shift_right_arithmetic3A_394 = arith.constant 1 : i32
      %shift_right_arithmetic3A_395 = vector.broadcast %shift_right_arithmetic3A_394 : i32 to vector<16xi32>
      %shift_right_arithmetic3A_396 = arith.shrsi %get3A_393, %shift_right_arithmetic3A_395 : vector<16xi32>
      %swap3A_397 = arith.constant 3 : i32
      %swap3A_398 = arith.index_cast %swap3A_397 : i32 to index
      %swap3A_399 = arith.constant 48 : index
      %swap3A_400 = tpu.vector_load %arg12[%swap3A_398, %swap3A_399] {strides = array<i32>} : memref<4x128xi32, #tpu.memory_space<vmem>>, vector<16xi32>,
      tpu.vector_store %arg12[%swap3A_398, %swap3A_399], %shift_right_arithmetic3A_396 {strides = array<i32>} : memref<4x128xi32, #tpu.memory_space<vmem>>, vector<16xi32>,
      %get3A_401 = arith.constant 3 : i32
      %get3A_402 = arith.index_cast %get3A_401 : i32 to index
      %get3A_403 = arith.constant 64 : index
      %get3A_404 = tpu.vector_load %arg11[%get3A_402, %get3A_403] {strides = array<i32>} : memref<4x128xi32, #tpu.memory_space<vmem>>, vector<16xi32>,
      %shift_right_arithmetic3A_405 = arith.constant 1 : i32
      %shift_right_arithmetic3A_406 = vector.broadcast %shift_right_arithmetic3A_405 : i32 to vector<16xi32>
      %shift_right_arithmetic3A_407 = arith.shrsi %get3A_404, %shift_right_arithmetic3A_406 : vector<16xi32>
      %swap3A_408 = arith.constant 3 : i32
      %swap3A_409 = arith.index_cast %swap3A_408 : i32 to index
      %swap3A_410 = arith.constant 64 : index
      %swap3A_411 = tpu.vector_load %arg12[%swap3A_409, %swap3A_410] {strides = array<i32>} : memref<4x128xi32, #tpu.memory_space<vmem>>, vector<16xi32>,
      tpu.vector_store %arg12[%swap3A_409, %swap3A_410], %shift_right_arithmetic3A_407 {strides = array<i32>} : memref<4x128xi32, #tpu.memory_space<vmem>>, vector<16xi32>,
      %get3A_412 = arith.constant 3 : i32
      %get3A_413 = arith.index_cast %get3A_412 : i32 to index
      %get3A_414 = arith.constant 80 : index
      %get3A_415 = tpu.vector_load %arg11[%get3A_413, %get3A_414] {strides = array<i32>} : memref<4x128xi32, #tpu.memory_space<vmem>>, vector<16xi32>,
      %shift_right_arithmetic3A_416 = arith.constant 1 : i32
      %shift_right_arithmetic3A_417 = vector.broadcast %shift_right_arithmetic3A_416 : i32 to vector<16xi32>
      %shift_right_arithmetic3A_418 = arith.shrsi %get3A_415, %shift_right_arithmetic3A_417 : vector<16xi32>
      %swap3A_419 = arith.constant 3 : i32
      %swap3A_420 = arith.index_cast %swap3A_419 : i32 to index
      %swap3A_421 = arith.constant 80 : index
      %swap3A_422 = tpu.vector_load %arg12[%swap3A_420, %swap3A_421] {strides = array<i32>} : memref<4x128xi32, #tpu.memory_space<vmem>>, vector<16xi32>,
      tpu.vector_store %arg12[%swap3A_420, %swap3A_421], %shift_right_arithmetic3A_418 {strides = array<i32>} : memref<4x128xi32, #tpu.memory_space<vmem>>, vector<16xi32>,
      %get3A_423 = arith.constant 3 : i32
      %get3A_424 = arith.index_cast %get3A_423 : i32 to index
      %get3A_425 = arith.constant 96 : index
      %get3A_426 = tpu.vector_load %arg11[%get3A_424, %get3A_425] {strides = array<i32>} : memref<4x128xi32, #tpu.memory_space<vmem>>, vector<16xi32>,
      %shift_right_arithmetic3A_427 = arith.constant 1 : i32
      %shift_right_arithmetic3A_428 = vector.broadcast %shift_right_arithmetic3A_427 : i32 to vector<16xi32>
      %shift_right_arithmetic3A_429 = arith.shrsi %get3A_426, %shift_right_arithmetic3A_428 : vector<16xi32>
      %swap3A_430 = arith.constant 3 : i32
      %swap3A_431 = arith.index_cast %swap3A_430 : i32 to index
      %swap3A_432 = arith.constant 96 : index
      %swap3A_433 = tpu.vector_load %arg12[%swap3A_431, %swap3A_432] {strides = array<i32>} : memref<4x128xi32, #tpu.memory_space<vmem>>, vector<16xi32>,
      tpu.vector_store %arg12[%swap3A_431, %swap3A_432], %shift_right_arithmetic3A_429 {strides = array<i32>} : memref<4x128xi32, #tpu.memory_space<vmem>>, vector<16xi32>,
      %get3A_434 = arith.constant 3 : i32
      %get3A_435 = arith.index_cast %get3A_434 : i32 to index
      %get3A_436 = arith.constant 112 : index
      %get3A_437 = tpu.vector_load %arg11[%get3A_435, %get3A_436] {strides = array<i32>} : memref<4x128xi32, #tpu.memory_space<vmem>>, vector<16xi32>,
      %shift_right_arithmetic3A_438 = arith.constant 1 : i32
      %shift_right_arithmetic3A_439 = vector.broadcast %shift_right_arithmetic3A_438 : i32 to vector<16xi32>
      %shift_right_arithmetic3A_440 = arith.shrsi %get3A_437, %shift_right_arithmetic3A_439 : vector<16xi32>
      %swap3A_441 = arith.constant 3 : i32
      %swap3A_442 = arith.index_cast %swap3A_441 : i32 to index
      %swap3A_443 = arith.constant 112 : index
      %swap3A_444 = tpu.vector_load %arg12[%swap3A_442, %swap3A_443] {strides = array<i32>} : memref<4x128xi32, #tpu.memory_space<vmem>>, vector<16xi32>,
      tpu.vector_store %arg12[%swap3A_442, %swap3A_443], %shift_right_arithmetic3A_440 {strides = array<i32>} : memref<4x128xi32, #tpu.memory_space<vmem>>, vector<16xi32>,
      %dma_start3A_445 = arith.constant 32 : i32
      %dma_start3A_446 = arith.constant 0 : i32
      %dma_start3A_447 = tpu.memref_slice %arg13[%dma_start3A_445, %dma_start3A_446] : memref<64x128xf32, #tpu.memory_space<vmem>> -> memref<32x128xf32, #tpu.memory_space<vmem>>
      %dma_start3A_448 = arith.constant 32 : i32
      %dma_start3A_449 = tpu.memref_slice %arg10[%dma_start3A_448] : memref<64xi32, #tpu.memory_space<vmem>> -> memref<32xi32, #tpu.memory_space<vmem>>
      %dma_start3A_450 = arith.constant 0 : i32
      %dma_start3A_451 = arith.constant 0 : i32
      %dma_start3A_452 = tpu.memref_slice %arg4[%dma_start3A_450, %dma_start3A_451] : memref<500000x128xf32, #tpu.memory_space<hbm>> -> memref<500000x128xf32, #tpu.memory_space<hbm>>
      tpu.enqueue_indirect_dma source(%dma_start3A_452 : memref<500000x128xf32, #tpu.memory_space<hbm>>) target(%dma_start3A_447 : memref<32x128xf32, #tpu.memory_space<vmem>>) offsets(%dma_start3A_449 : memref<32xi32, #tpu.memory_space<vmem>>) semaphore(%arg22 : memref<!tpu.dma_semaphore, #tpu.memory_space<semaphore_mem>>)
      %dma_start3A_453 = arith.constant 2 : i32
      %dma_start3A_454 = arith.constant 256 : i32
      %dma_start3A_455 = arith.constant 0 : i32
      %dma_start3A_456 = tpu.memref_slice %arg14[%dma_start3A_454, %dma_start3A_455] : memref<512x128xf32, #tpu.memory_space<vmem>> -> memref<128x128xf32, #tpu.memory_space<vmem>>
      %dma_start3A_457 = arith.constant 0 : i32
      %dma_start3A_458 = tpu.memref_slice %arg12[%dma_start3A_453, %dma_start3A_457] : memref<4x128xi32, #tpu.memory_space<vmem>> -> memref<1x128xi32, #tpu.memory_space<vmem>>
      %dma_start3A_459 = tpu.memref_squeeze %dma_start3A_458 : memref<1x128xi32, #tpu.memory_space<vmem>> -> memref<128xi32, #tpu.memory_space<vmem>>
      %dma_start3A_460 = arith.constant 0 : i32
      %dma_start3A_461 = arith.constant 0 : i32
      %dma_start3A_462 = tpu.memref_slice %arg4[%dma_start3A_460, %dma_start3A_461] : memref<500000x128xf32, #tpu.memory_space<hbm>> -> memref<500000x128xf32, #tpu.memory_space<hbm>>
      tpu.enqueue_indirect_dma source(%dma_start3A_462 : memref<500000x128xf32, #tpu.memory_space<hbm>>) target(%dma_start3A_456 : memref<128x128xf32, #tpu.memory_space<vmem>>) offsets(%dma_start3A_459 : memref<128xi32, #tpu.memory_space<vmem>>) semaphore(%arg22 : memref<!tpu.dma_semaphore, #tpu.memory_space<semaphore_mem>>)
      %dma_start3A_463 = arith.constant 3 : i32
      %dma_start3A_464 = arith.constant 384 : i32
      %dma_start3A_465 = arith.constant 0 : i32
      %dma_start3A_466 = tpu.memref_slice %arg14[%dma_start3A_464, %dma_start3A_465] : memref<512x128xf32, #tpu.memory_space<vmem>> -> memref<128x128xf32, #tpu.memory_space<vmem>>
      %dma_start3A_467 = arith.constant 0 : i32
      %dma_start3A_468 = tpu.memref_slice %arg12[%dma_start3A_463, %dma_start3A_467] : memref<4x128xi32, #tpu.memory_space<vmem>> -> memref<1x128xi32, #tpu.memory_space<vmem>>
      %dma_start3A_469 = tpu.memref_squeeze %dma_start3A_468 : memref<1x128xi32, #tpu.memory_space<vmem>> -> memref<128xi32, #tpu.memory_space<vmem>>
      %dma_start3A_470 = arith.constant 0 : i32
      %dma_start3A_471 = arith.constant 0 : i32
      %dma_start3A_472 = tpu.memref_slice %arg4[%dma_start3A_470, %dma_start3A_471] : memref<500000x128xf32, #tpu.memory_space<hbm>> -> memref<500000x128xf32, #tpu.memory_space<hbm>>
      tpu.enqueue_indirect_dma source(%dma_start3A_472 : memref<500000x128xf32, #tpu.memory_space<hbm>>) target(%dma_start3A_466 : memref<128x128xf32, #tpu.memory_space<vmem>>) offsets(%dma_start3A_469 : memref<128xi32, #tpu.memory_space<vmem>>) semaphore(%arg22 : memref<!tpu.dma_semaphore, #tpu.memory_space<semaphore_mem>>)
      %dma_wait3A = arith.constant 0 : i32
      %dma_wait3A_473 = arith.constant 0 : i32
      %dma_wait3A_474 = tpu.memref_slice %arg13[%dma_wait3A, %dma_wait3A_473] : memref<64x128xf32, #tpu.memory_space<vmem>> -> memref<32x128xf32, #tpu.memory_space<vmem>>
      %dma_wait3A_475 = arith.constant 0 : i32
      %dma_wait3A_476 = arith.constant 0 : i32
      %dma_wait3A_477 = tpu.memref_slice %arg4[%dma_wait3A_475, %dma_wait3A_476] : memref<500000x128xf32, #tpu.memory_space<hbm>> -> memref<32x128xf32, #tpu.memory_space<hbm>>
      %dma_wait3A_478 = arith.constant 0 : i32
      %dma_wait3A_479 = arith.constant 0 : i32
      %dma_wait3A_480 = tpu.memref_slice %arg13[%dma_wait3A_478, %dma_wait3A_479] : memref<64x128xf32, #tpu.memory_space<vmem>> -> memref<32x128xf32, #tpu.memory_space<vmem>>
      %dma_wait3A_481 = arith.constant 0 : i32
      %dma_wait3A_482 = arith.constant 0 : i32
      %dma_wait3A_483 = tpu.memref_slice %arg4[%dma_wait3A_481, %dma_wait3A_482] : memref<500000x128xf32, #tpu.memory_space<hbm>> -> memref<32x128xf32, #tpu.memory_space<hbm>>
      tpu.wait_dma2 semaphore(%arg21 : memref<!tpu.dma_semaphore, #tpu.memory_space<semaphore_mem>>) src(%dma_wait3A_483 : memref<32x128xf32, #tpu.memory_space<hbm>>) dst(%dma_wait3A_480 : memref<32x128xf32, #tpu.memory_space<vmem>>)
      %dma_wait3A_484 = arith.constant 0 : i32
      %dma_wait3A_485 = arith.constant 0 : i32
      %dma_wait3A_486 = tpu.memref_slice %arg14[%dma_wait3A_484, %dma_wait3A_485] : memref<512x128xf32, #tpu.memory_space<vmem>> -> memref<128x128xf32, #tpu.memory_space<vmem>>
      %dma_wait3A_487 = arith.constant 0 : i32
      %dma_wait3A_488 = arith.constant 0 : i32
      %dma_wait3A_489 = tpu.memref_slice %arg4[%dma_wait3A_487, %dma_wait3A_488] : memref<500000x128xf32, #tpu.memory_space<hbm>> -> memref<128x128xf32, #tpu.memory_space<hbm>>
      %dma_wait3A_490 = arith.constant 0 : i32
      %dma_wait3A_491 = arith.constant 0 : i32
      %dma_wait3A_492 = tpu.memref_slice %arg14[%dma_wait3A_490, %dma_wait3A_491] : memref<512x128xf32, #tpu.memory_space<vmem>> -> memref<128x128xf32, #tpu.memory_space<vmem>>
      %dma_wait3A_493 = arith.constant 0 : i32
      %dma_wait3A_494 = arith.constant 0 : i32
      %dma_wait3A_495 = tpu.memref_slice %arg4[%dma_wait3A_493, %dma_wait3A_494] : memref<500000x128xf32, #tpu.memory_space<hbm>> -> memref<128x128xf32, #tpu.memory_space<hbm>>
      tpu.wait_dma2 semaphore(%arg21 : memref<!tpu.dma_semaphore, #tpu.memory_space<semaphore_mem>>) src(%dma_wait3A_495 : memref<128x128xf32, #tpu.memory_space<hbm>>) dst(%dma_wait3A_492 : memref<128x128xf32, #tpu.memory_space<vmem>>)
      %dma_wait3A_496 = arith.constant 0 : i32
      %dma_wait3A_497 = arith.constant 0 : i32
      %dma_wait3A_498 = tpu.memref_slice %arg14[%dma_wait3A_496, %dma_wait3A_497] : memref<512x128xf32, #tpu.memory_space<vmem>> -> memref<128x128xf32, #tpu.memory_space<vmem>>
      %dma_wait3A_499 = arith.constant 0 : i32
      %dma_wait3A_500 = arith.constant 0 : i32
      %dma_wait3A_501 = tpu.memref_slice %arg4[%dma_wait3A_499, %dma_wait3A_500] : memref<500000x128xf32, #tpu.memory_space<hbm>> -> memref<128x128xf32, #tpu.memory_space<hbm>>
      %dma_wait3A_502 = arith.constant 0 : i32
      %dma_wait3A_503 = arith.constant 0 : i32
      %dma_wait3A_504 = tpu.memref_slice %arg14[%dma_wait3A_502, %dma_wait3A_503] : memref<512x128xf32, #tpu.memory_space<vmem>> -> memref<128x128xf32, #tpu.memory_space<vmem>>
      %dma_wait3A_505 = arith.constant 0 : i32
      %dma_wait3A_506 = arith.constant 0 : i32
      %dma_wait3A_507 = tpu.memref_slice %arg4[%dma_wait3A_505, %dma_wait3A_506] : memref<500000x128xf32, #tpu.memory_space<hbm>> -> memref<128x128xf32, #tpu.memory_space<hbm>>
      tpu.wait_dma2 semaphore(%arg21 : memref<!tpu.dma_semaphore, #tpu.memory_space<semaphore_mem>>) src(%dma_wait3A_507 : memref<128x128xf32, #tpu.memory_space<hbm>>) dst(%dma_wait3A_504 : memref<128x128xf32, #tpu.memory_space<vmem>>)
      %mul3A_508 = arith.constant 512 : i32
      %mul3A_509 = arith.muli %add3A, %mul3A_508 : i32
      %mul3A_510 = arith.constant 32 : i32
      %mul3A_511 = arith.muli %mul3A_237, %mul3A_510 : i32
      %add3A_512 = arith.addi %mul3A_509, %mul3A_511 : i32
      %scan3A_513 = arith.constant 0 : i32
      %scan3A_514 = arith.constant 0 : i32
      %scan3A_515 = arith.constant 2 : i32
      %scan3A_516 = arith.addi %scan3A_514, %scan3A_515 : i32
      %scan3A_517 = arith.constant 1 : i32
      scf.for %scan3A_578 = %scan3A_514 to %scan3A_516 step %scan3A_517  : i32 {
        %mul3A_579 = arith.constant 16 : i32
        %mul3A_580 = arith.muli %scan3A_578, %mul3A_579 : i32
        %add3A_581 = vector.broadcast %mul3A_580 : i32 to vector<16xi32>
        %add3A_582 = arith.addi %add3A_581, %iota3A : vector<16xi32>
        %add3A_583 = arith.constant 0 : i32
        %add3A_584 = vector.broadcast %add3A_583 : i32 to vector<16xi32>
        %add3A_585 = arith.addi %add3A_584, %add3A_582 : vector<16xi32>
        %gather3A = tpu.vector_load_idx %arg9[%add3A_585] : memref<64xi32, #tpu.memory_space<vmem>>[vector<16xi32>], vector<16xi32>,
        %and3A = arith.constant 1 : i32
        %and3A_586 = vector.broadcast %and3A : i32 to vector<16xi32>
        %and3A_587 = arith.andi %gather3A, %and3A_586 : vector<16xi32>
        %mul3A_588 = arith.constant 64 : i32
        %mul3A_589 = vector.broadcast %mul3A_588 : i32 to vector<16xi32>
        %mul3A_590 = arith.muli %and3A_587, %mul3A_589 : vector<16xi32>
        %mul3A_591 = arith.constant 128 : i32
        %mul3A_592 = arith.muli %scan3A_578, %mul3A_591 : i32
        %add3A_593 = arith.constant 0 : i32
        %add3A_594 = arith.addi %mul3A_592, %add3A_593 : i32
        %mul3A_595 = arith.constant 8 : i32
        %mul3A_596 = vector.broadcast %mul3A_595 : i32 to vector<16xi32>
        %mul3A_597 = arith.muli %iota3A, %mul3A_596 : vector<16xi32>
        %add3A_598 = vector.broadcast %add3A_594 : i32 to vector<16xi32>
        %add3A_599 = arith.addi %add3A_598, %mul3A_597 : vector<16xi32>
        %mul3A_600 = arith.constant 128 : i32
        %mul3A_601 = arith.muli %scan3A_578, %mul3A_600 : i32
        %add3A_602 = arith.constant 1 : i32
        %add3A_603 = arith.addi %mul3A_601, %add3A_602 : i32
        %mul3A_604 = arith.constant 8 : i32
        %mul3A_605 = vector.broadcast %mul3A_604 : i32 to vector<16xi32>
        %mul3A_606 = arith.muli %iota3A, %mul3A_605 : vector<16xi32>
        %add3A_607 = vector.broadcast %add3A_603 : i32 to vector<16xi32>
        %add3A_608 = arith.addi %add3A_607, %mul3A_606 : vector<16xi32>
        %mul3A_609 = arith.constant 128 : i32
        %mul3A_610 = arith.muli %scan3A_578, %mul3A_609 : i32
        %add3A_611 = arith.constant 2 : i32
        %add3A_612 = arith.addi %mul3A_610, %add3A_611 : i32
        %mul3A_613 = arith.constant 8 : i32
        %mul3A_614 = vector.broadcast %mul3A_613 : i32 to vector<16xi32>
        %mul3A_615 = arith.muli %iota3A, %mul3A_614 : vector<16xi32>
        %add3A_616 = vector.broadcast %add3A_612 : i32 to vector<16xi32>
        %add3A_617 = arith.addi %add3A_616, %mul3A_615 : vector<16xi32>
        %mul3A_618 = arith.constant 128 : i32
        %mul3A_619 = arith.muli %scan3A_578, %mul3A_618 : i32
        %add3A_620 = arith.constant 3 : i32
        %add3A_621 = arith.addi %mul3A_619, %add3A_620 : i32
        %mul3A_622 = arith.constant 8 : i32
        %mul3A_623 = vector.broadcast %mul3A_622 : i32 to vector<16xi32>
        %mul3A_624 = arith.muli %iota3A, %mul3A_623 : vector<16xi32>
        %add3A_625 = vector.broadcast %add3A_621 : i32 to vector<16xi32>
        %add3A_626 = arith.addi %add3A_625, %mul3A_624 : vector<16xi32>
        %mul3A_627 = arith.constant 128 : i32
        %mul3A_628 = arith.muli %scan3A_578, %mul3A_627 : i32
        %add3A_629 = arith.constant 4 : i32
        %add3A_630 = arith.addi %mul3A_628, %add3A_629 : i32
        %mul3A_631 = arith.constant 8 : i32
        %mul3A_632 = vector.broadcast %mul3A_631 : i32 to vector<16xi32>
        %mul3A_633 = arith.muli %iota3A, %mul3A_632 : vector<16xi32>
        %add3A_634 = vector.broadcast %add3A_630 : i32 to vector<16xi32>
        %add3A_635 = arith.addi %add3A_634, %mul3A_633 : vector<16xi32>
        %mul3A_636 = arith.constant 128 : i32
        %mul3A_637 = arith.muli %scan3A_578, %mul3A_636 : i32
        %add3A_638 = arith.constant 5 : i32
        %add3A_639 = arith.addi %mul3A_637, %add3A_638 : i32
        %mul3A_640 = arith.constant 8 : i32
        %mul3A_641 = vector.broadcast %mul3A_640 : i32 to vector<16xi32>
        %mul3A_642 = arith.muli %iota3A, %mul3A_641 : vector<16xi32>
        %add3A_643 = vector.broadcast %add3A_639 : i32 to vector<16xi32>
        %add3A_644 = arith.addi %add3A_643, %mul3A_642 : vector<16xi32>
        %mul3A_645 = arith.constant 128 : i32
        %mul3A_646 = arith.muli %scan3A_578, %mul3A_645 : i32
        %add3A_647 = arith.constant 6 : i32
        %add3A_648 = arith.addi %mul3A_646, %add3A_647 : i32
        %mul3A_649 = arith.constant 8 : i32
        %mul3A_650 = vector.broadcast %mul3A_649 : i32 to vector<16xi32>
        %mul3A_651 = arith.muli %iota3A, %mul3A_650 : vector<16xi32>
        %add3A_652 = vector.broadcast %add3A_648 : i32 to vector<16xi32>
        %add3A_653 = arith.addi %add3A_652, %mul3A_651 : vector<16xi32>
        %mul3A_654 = arith.constant 128 : i32
        %mul3A_655 = arith.muli %scan3A_578, %mul3A_654 : i32
        %add3A_656 = arith.constant 7 : i32
        %add3A_657 = arith.addi %mul3A_655, %add3A_656 : i32
        %mul3A_658 = arith.constant 8 : i32
        %mul3A_659 = vector.broadcast %mul3A_658 : i32 to vector<16xi32>
        %mul3A_660 = arith.muli %iota3A, %mul3A_659 : vector<16xi32>
        %add3A_661 = vector.broadcast %add3A_657 : i32 to vector<16xi32>
        %add3A_662 = arith.addi %add3A_661, %mul3A_660 : vector<16xi32>
        %shift_right_arithmetic3A_663 = arith.constant 7 : i32
        %shift_right_arithmetic3A_664 = vector.broadcast %shift_right_arithmetic3A_663 : i32 to vector<16xi32>
        %shift_right_arithmetic3A_665 = arith.shrsi %add3A_599, %shift_right_arithmetic3A_664 : vector<16xi32>
        %add3A_666 = arith.constant 0 : i32
        %add3A_667 = vector.broadcast %add3A_666 : i32 to vector<16xi32>
        %add3A_668 = arith.addi %add3A_667, %shift_right_arithmetic3A_665 : vector<16xi32>
        %and3A_669 = arith.constant 127 : i32
        %and3A_670 = vector.broadcast %and3A_669 : i32 to vector<16xi32>
        %and3A_671 = arith.andi %add3A_599, %and3A_670 : vector<16xi32>
        %gather3A_672 = tpu.vector_load_idx %arg11[%add3A_668, %and3A_671] : memref<4x128xi32, #tpu.memory_space<vmem>>[vector<16xi32>, vector<16xi32>], vector<16xi32>,
        %and3A_673 = arith.constant 1 : i32
        %and3A_674 = vector.broadcast %and3A_673 : i32 to vector<16xi32>
        %and3A_675 = arith.andi %gather3A_672, %and3A_674 : vector<16xi32>
        %mul3A_676 = arith.constant 64 : i32
        %mul3A_677 = vector.broadcast %mul3A_676 : i32 to vector<16xi32>
        %mul3A_678 = arith.muli %and3A_675, %mul3A_677 : vector<16xi32>
        %add3A_679 = arith.constant 0 : i32
        %add3A_680 = vector.broadcast %add3A_679 : i32 to vector<16xi32>
        %add3A_681 = arith.addi %add3A_680, %add3A_599 : vector<16xi32>
        %shift_right_arithmetic3A_682 = arith.constant 7 : i32
        %shift_right_arithmetic3A_683 = vector.broadcast %shift_right_arithmetic3A_682 : i32 to vector<16xi32>
        %shift_right_arithmetic3A_684 = arith.shrsi %add3A_608, %shift_right_arithmetic3A_683 : vector<16xi32>
        %add3A_685 = arith.constant 0 : i32
        %add3A_686 = vector.broadcast %add3A_685 : i32 to vector<16xi32>
        %add3A_687 = arith.addi %add3A_686, %shift_right_arithmetic3A_684 : vector<16xi32>
        %and3A_688 = arith.constant 127 : i32
        %and3A_689 = vector.broadcast %and3A_688 : i32 to vector<16xi32>
        %and3A_690 = arith.andi %add3A_608, %and3A_689 : vector<16xi32>
        %gather3A_691 = tpu.vector_load_idx %arg11[%add3A_687, %and3A_690] : memref<4x128xi32, #tpu.memory_space<vmem>>[vector<16xi32>, vector<16xi32>], vector<16xi32>,
        %and3A_692 = arith.constant 1 : i32
        %and3A_693 = vector.broadcast %and3A_692 : i32 to vector<16xi32>
        %and3A_694 = arith.andi %gather3A_691, %and3A_693 : vector<16xi32>
        %mul3A_695 = arith.constant 64 : i32
        %mul3A_696 = vector.broadcast %mul3A_695 : i32 to vector<16xi32>
        %mul3A_697 = arith.muli %and3A_694, %mul3A_696 : vector<16xi32>
        %add3A_698 = arith.constant 0 : i32
        %add3A_699 = vector.broadcast %add3A_698 : i32 to vector<16xi32>
        %add3A_700 = arith.addi %add3A_699, %add3A_608 : vector<16xi32>
        %shift_right_arithmetic3A_701 = arith.constant 7 : i32
        %shift_right_arithmetic3A_702 = vector.broadcast %shift_right_arithmetic3A_701 : i32 to vector<16xi32>
        %shift_right_arithmetic3A_703 = arith.shrsi %add3A_617, %shift_right_arithmetic3A_702 : vector<16xi32>
        %add3A_704 = arith.constant 0 : i32
        %add3A_705 = vector.broadcast %add3A_704 : i32 to vector<16xi32>
        %add3A_706 = arith.addi %add3A_705, %shift_right_arithmetic3A_703 : vector<16xi32>
        %and3A_707 = arith.constant 127 : i32
        %and3A_708 = vector.broadcast %and3A_707 : i32 to vector<16xi32>
        %and3A_709 = arith.andi %add3A_617, %and3A_708 : vector<16xi32>
        %gather3A_710 = tpu.vector_load_idx %arg11[%add3A_706, %and3A_709] : memref<4x128xi32, #tpu.memory_space<vmem>>[vector<16xi32>, vector<16xi32>], vector<16xi32>,
        %and3A_711 = arith.constant 1 : i32
        %and3A_712 = vector.broadcast %and3A_711 : i32 to vector<16xi32>
        %and3A_713 = arith.andi %gather3A_710, %and3A_712 : vector<16xi32>
        %mul3A_714 = arith.constant 64 : i32
        %mul3A_715 = vector.broadcast %mul3A_714 : i32 to vector<16xi32>
        %mul3A_716 = arith.muli %and3A_713, %mul3A_715 : vector<16xi32>
        %add3A_717 = arith.constant 0 : i32
        %add3A_718 = vector.broadcast %add3A_717 : i32 to vector<16xi32>
        %add3A_719 = arith.addi %add3A_718, %add3A_617 : vector<16xi32>
        %shift_right_arithmetic3A_720 = arith.constant 7 : i32
        %shift_right_arithmetic3A_721 = vector.broadcast %shift_right_arithmetic3A_720 : i32 to vector<16xi32>
        %shift_right_arithmetic3A_722 = arith.shrsi %add3A_626, %shift_right_arithmetic3A_721 : vector<16xi32>
        %add3A_723 = arith.constant 0 : i32
        %add3A_724 = vector.broadcast %add3A_723 : i32 to vector<16xi32>
        %add3A_725 = arith.addi %add3A_724, %shift_right_arithmetic3A_722 : vector<16xi32>
        %and3A_726 = arith.constant 127 : i32
        %and3A_727 = vector.broadcast %and3A_726 : i32 to vector<16xi32>
        %and3A_728 = arith.andi %add3A_626, %and3A_727 : vector<16xi32>
        %gather3A_729 = tpu.vector_load_idx %arg11[%add3A_725, %and3A_728] : memref<4x128xi32, #tpu.memory_space<vmem>>[vector<16xi32>, vector<16xi32>], vector<16xi32>,
        %and3A_730 = arith.constant 1 : i32
        %and3A_731 = vector.broadcast %and3A_730 : i32 to vector<16xi32>
        %and3A_732 = arith.andi %gather3A_729, %and3A_731 : vector<16xi32>
        %mul3A_733 = arith.constant 64 : i32
        %mul3A_734 = vector.broadcast %mul3A_733 : i32 to vector<16xi32>
        %mul3A_735 = arith.muli %and3A_732, %mul3A_734 : vector<16xi32>
        %add3A_736 = arith.constant 0 : i32
        %add3A_737 = vector.broadcast %add3A_736 : i32 to vector<16xi32>
        %add3A_738 = arith.addi %add3A_737, %add3A_626 : vector<16xi32>
        %shift_right_arithmetic3A_739 = arith.constant 7 : i32
        %shift_right_arithmetic3A_740 = vector.broadcast %shift_right_arithmetic3A_739 : i32 to vector<16xi32>
        %shift_right_arithmetic3A_741 = arith.shrsi %add3A_635, %shift_right_arithmetic3A_740 : vector<16xi32>
        %add3A_742 = arith.constant 0 : i32
        %add3A_743 = vector.broadcast %add3A_742 : i32 to vector<16xi32>
        %add3A_744 = arith.addi %add3A_743, %shift_right_arithmetic3A_741 : vector<16xi32>
        %and3A_745 = arith.constant 127 : i32
        %and3A_746 = vector.broadcast %and3A_745 : i32 to vector<16xi32>
        %and3A_747 = arith.andi %add3A_635, %and3A_746 : vector<16xi32>
        %gather3A_748 = tpu.vector_load_idx %arg11[%add3A_744, %and3A_747] : memref<4x128xi32, #tpu.memory_space<vmem>>[vector<16xi32>, vector<16xi32>], vector<16xi32>,
        %and3A_749 = arith.constant 1 : i32
        %and3A_750 = vector.broadcast %and3A_749 : i32 to vector<16xi32>
        %and3A_751 = arith.andi %gather3A_748, %and3A_750 : vector<16xi32>
        %mul3A_752 = arith.constant 64 : i32
        %mul3A_753 = vector.broadcast %mul3A_752 : i32 to vector<16xi32>
        %mul3A_754 = arith.muli %and3A_751, %mul3A_753 : vector<16xi32>
        %add3A_755 = arith.constant 0 : i32
        %add3A_756 = vector.broadcast %add3A_755 : i32 to vector<16xi32>
        %add3A_757 = arith.addi %add3A_756, %add3A_635 : vector<16xi32>
        %shift_right_arithmetic3A_758 = arith.constant 7 : i32
        %shift_right_arithmetic3A_759 = vector.broadcast %shift_right_arithmetic3A_758 : i32 to vector<16xi32>
        %shift_right_arithmetic3A_760 = arith.shrsi %add3A_644, %shift_right_arithmetic3A_759 : vector<16xi32>
        %add3A_761 = arith.constant 0 : i32
        %add3A_762 = vector.broadcast %add3A_761 : i32 to vector<16xi32>
        %add3A_763 = arith.addi %add3A_762, %shift_right_arithmetic3A_760 : vector<16xi32>
        %and3A_764 = arith.constant 127 : i32
        %and3A_765 = vector.broadcast %and3A_764 : i32 to vector<16xi32>
        %and3A_766 = arith.andi %add3A_644, %and3A_765 : vector<16xi32>
        %gather3A_767 = tpu.vector_load_idx %arg11[%add3A_763, %and3A_766] : memref<4x128xi32, #tpu.memory_space<vmem>>[vector<16xi32>, vector<16xi32>], vector<16xi32>,
        %and3A_768 = arith.constant 1 : i32
        %and3A_769 = vector.broadcast %and3A_768 : i32 to vector<16xi32>
        %and3A_770 = arith.andi %gather3A_767, %and3A_769 : vector<16xi32>
        %mul3A_771 = arith.constant 64 : i32
        %mul3A_772 = vector.broadcast %mul3A_771 : i32 to vector<16xi32>
        %mul3A_773 = arith.muli %and3A_770, %mul3A_772 : vector<16xi32>
        %add3A_774 = arith.constant 0 : i32
        %add3A_775 = vector.broadcast %add3A_774 : i32 to vector<16xi32>
        %add3A_776 = arith.addi %add3A_775, %add3A_644 : vector<16xi32>
        %shift_right_arithmetic3A_777 = arith.constant 7 : i32
        %shift_right_arithmetic3A_778 = vector.broadcast %shift_right_arithmetic3A_777 : i32 to vector<16xi32>
        %shift_right_arithmetic3A_779 = arith.shrsi %add3A_653, %shift_right_arithmetic3A_778 : vector<16xi32>
        %add3A_780 = arith.constant 0 : i32
        %add3A_781 = vector.broadcast %add3A_780 : i32 to vector<16xi32>
        %add3A_782 = arith.addi %add3A_781, %shift_right_arithmetic3A_779 : vector<16xi32>
        %and3A_783 = arith.constant 127 : i32
        %and3A_784 = vector.broadcast %and3A_783 : i32 to vector<16xi32>
        %and3A_785 = arith.andi %add3A_653, %and3A_784 : vector<16xi32>
        %gather3A_786 = tpu.vector_load_idx %arg11[%add3A_782, %and3A_785] : memref<4x128xi32, #tpu.memory_space<vmem>>[vector<16xi32>, vector<16xi32>], vector<16xi32>,
        %and3A_787 = arith.constant 1 : i32
        %and3A_788 = vector.broadcast %and3A_787 : i32 to vector<16xi32>
        %and3A_789 = arith.andi %gather3A_786, %and3A_788 : vector<16xi32>
        %mul3A_790 = arith.constant 64 : i32
        %mul3A_791 = vector.broadcast %mul3A_790 : i32 to vector<16xi32>
        %mul3A_792 = arith.muli %and3A_789, %mul3A_791 : vector<16xi32>
        %add3A_793 = arith.constant 0 : i32
        %add3A_794 = vector.broadcast %add3A_793 : i32 to vector<16xi32>
        %add3A_795 = arith.addi %add3A_794, %add3A_653 : vector<16xi32>
        %shift_right_arithmetic3A_796 = arith.constant 7 : i32
        %shift_right_arithmetic3A_797 = vector.broadcast %shift_right_arithmetic3A_796 : i32 to vector<16xi32>
        %shift_right_arithmetic3A_798 = arith.shrsi %add3A_662, %shift_right_arithmetic3A_797 : vector<16xi32>
        %add3A_799 = arith.constant 0 : i32
        %add3A_800 = vector.broadcast %add3A_799 : i32 to vector<16xi32>
        %add3A_801 = arith.addi %add3A_800, %shift_right_arithmetic3A_798 : vector<16xi32>
        %and3A_802 = arith.constant 127 : i32
        %and3A_803 = vector.broadcast %and3A_802 : i32 to vector<16xi32>
        %and3A_804 = arith.andi %add3A_662, %and3A_803 : vector<16xi32>
        %gather3A_805 = tpu.vector_load_idx %arg11[%add3A_801, %and3A_804] : memref<4x128xi32, #tpu.memory_space<vmem>>[vector<16xi32>, vector<16xi32>], vector<16xi32>,
        %and3A_806 = arith.constant 1 : i32
        %and3A_807 = vector.broadcast %and3A_806 : i32 to vector<16xi32>
        %and3A_808 = arith.andi %gather3A_805, %and3A_807 : vector<16xi32>
        %mul3A_809 = arith.constant 64 : i32
        %mul3A_810 = vector.broadcast %mul3A_809 : i32 to vector<16xi32>
        %mul3A_811 = arith.muli %and3A_808, %mul3A_810 : vector<16xi32>
        %add3A_812 = arith.constant 0 : i32
        %add3A_813 = vector.broadcast %add3A_812 : i32 to vector<16xi32>
        %add3A_814 = arith.addi %add3A_813, %add3A_662 : vector<16xi32>
        %broadcast_in_dim3A = arith.constant 0.000000e+00 : f32
        %broadcast_in_dim3A_815 = vector.broadcast %broadcast_in_dim3A : f32 to vector<16xf32>
        %broadcast_in_dim3A_816 = arith.constant 0.000000e+00 : f32
        %broadcast_in_dim3A_817 = vector.broadcast %broadcast_in_dim3A_816 : f32 to vector<16xf32>
        %broadcast_in_dim3A_818 = arith.constant 0.000000e+00 : f32
        %broadcast_in_dim3A_819 = vector.broadcast %broadcast_in_dim3A_818 : f32 to vector<16xf32>
        %broadcast_in_dim3A_820 = arith.constant 0.000000e+00 : f32
        %broadcast_in_dim3A_821 = vector.broadcast %broadcast_in_dim3A_820 : f32 to vector<16xf32>
        %broadcast_in_dim3A_822 = arith.constant 0.000000e+00 : f32
        %broadcast_in_dim3A_823 = vector.broadcast %broadcast_in_dim3A_822 : f32 to vector<16xf32>
        %broadcast_in_dim3A_824 = arith.constant 0.000000e+00 : f32
        %broadcast_in_dim3A_825 = vector.broadcast %broadcast_in_dim3A_824 : f32 to vector<16xf32>
        %broadcast_in_dim3A_826 = arith.constant 0.000000e+00 : f32
        %broadcast_in_dim3A_827 = vector.broadcast %broadcast_in_dim3A_826 : f32 to vector<16xf32>
        %broadcast_in_dim3A_828 = arith.constant 0.000000e+00 : f32
        %broadcast_in_dim3A_829 = vector.broadcast %broadcast_in_dim3A_828 : f32 to vector<16xf32>
        %scan3A_830 = arith.constant 0 : i32
        %scan3A_831 = arith.constant 16 : i32
        %scan3A_832 = arith.addi %scan3A_830, %scan3A_831 : i32
        %scan3A_833 = arith.constant 1 : i32
        %scan3A_834:8 = scf.for %scan3A_842 = %scan3A_830 to %scan3A_832 step %scan3A_833 iter_args(%scan3A_843 = %broadcast_in_dim3A_815, %scan3A_844 = %broadcast_in_dim3A_817, %scan3A_845 = %broadcast_in_dim3A_819, %scan3A_846 = %broadcast_in_dim3A_821, %scan3A_847 = %broadcast_in_dim3A_823, %scan3A_848 = %broadcast_in_dim3A_825, %scan3A_849 = %broadcast_in_dim3A_827, %scan3A_850 = %broadcast_in_dim3A_829) -> (vector<16xf32>, vector<16xf32>, vector<16xf32>, vector<16xf32>, vector<16xf32>, vector<16xf32>, vector<16xf32>, vector<16xf32>)  : i32 {
          %mul3A_851 = arith.constant 4 : i32
          %mul3A_852 = arith.muli %scan3A_842, %mul3A_851 : i32
          %add3A_853 = arith.constant 0 : i32
          %add3A_854 = arith.addi %mul3A_852, %add3A_853 : i32
          %broadcast_in_dim3A_855 = vector.broadcast %add3A_854 : i32 to vector<16xi32>
          %add3A_856 = arith.addi %mul3A_590, %broadcast_in_dim3A_855 : vector<16xi32>
          %gather3A_857 = tpu.vector_load_idx %arg13[%add3A_585, %add3A_856] : memref<64x128xf32, #tpu.memory_space<vmem>>[vector<16xi32>, vector<16xi32>], vector<16xf32>,
          %add3A_858 = arith.addi %mul3A_678, %broadcast_in_dim3A_855 : vector<16xi32>
          %gather3A_859 = tpu.vector_load_idx %arg14[%add3A_681, %add3A_858] : memref<512x128xf32, #tpu.memory_space<vmem>>[vector<16xi32>, vector<16xi32>], vector<16xf32>,
          %mul3A_860 = arith.mulf %gather3A_857, %gather3A_859 : vector<16xf32>
          %add3A_861 = arith.addf %scan3A_843, %mul3A_860 : vector<16xf32>
          %add3A_862 = arith.addi %mul3A_697, %broadcast_in_dim3A_855 : vector<16xi32>
          %gather3A_863 = tpu.vector_load_idx %arg14[%add3A_700, %add3A_862] : memref<512x128xf32, #tpu.memory_space<vmem>>[vector<16xi32>, vector<16xi32>], vector<16xf32>,
          %mul3A_864 = arith.mulf %gather3A_857, %gather3A_863 : vector<16xf32>
          %add3A_865 = arith.addf %scan3A_844, %mul3A_864 : vector<16xf32>
          %add3A_866 = arith.addi %mul3A_716, %broadcast_in_dim3A_855 : vector<16xi32>
          %gather3A_867 = tpu.vector_load_idx %arg14[%add3A_719, %add3A_866] : memref<512x128xf32, #tpu.memory_space<vmem>>[vector<16xi32>, vector<16xi32>], vector<16xf32>,
          %mul3A_868 = arith.mulf %gather3A_857, %gather3A_867 : vector<16xf32>
          %add3A_869 = arith.addf %scan3A_845, %mul3A_868 : vector<16xf32>
          %add3A_870 = arith.addi %mul3A_735, %broadcast_in_dim3A_855 : vector<16xi32>
          %gather3A_871 = tpu.vector_load_idx %arg14[%add3A_738, %add3A_870] : memref<512x128xf32, #tpu.memory_space<vmem>>[vector<16xi32>, vector<16xi32>], vector<16xf32>,
          %mul3A_872 = arith.mulf %gather3A_857, %gather3A_871 : vector<16xf32>
          %add3A_873 = arith.addf %scan3A_846, %mul3A_872 : vector<16xf32>
          %add3A_874 = arith.addi %mul3A_754, %broadcast_in_dim3A_855 : vector<16xi32>
          %gather3A_875 = tpu.vector_load_idx %arg14[%add3A_757, %add3A_874] : memref<512x128xf32, #tpu.memory_space<vmem>>[vector<16xi32>, vector<16xi32>], vector<16xf32>,
          %mul3A_876 = arith.mulf %gather3A_857, %gather3A_875 : vector<16xf32>
          %add3A_877 = arith.addf %scan3A_847, %mul3A_876 : vector<16xf32>
          %add3A_878 = arith.addi %mul3A_773, %broadcast_in_dim3A_855 : vector<16xi32>
          %gather3A_879 = tpu.vector_load_idx %arg14[%add3A_776, %add3A_878] : memref<512x128xf32, #tpu.memory_space<vmem>>[vector<16xi32>, vector<16xi32>], vector<16xf32>,
          %mul3A_880 = arith.mulf %gather3A_857, %gather3A_879 : vector<16xf32>
          %add3A_881 = arith.addf %scan3A_848, %mul3A_880 : vector<16xf32>
          %add3A_882 = arith.addi %mul3A_792, %broadcast_in_dim3A_855 : vector<16xi32>
          %gather3A_883 = tpu.vector_load_idx %arg14[%add3A_795, %add3A_882] : memref<512x128xf32, #tpu.memory_space<vmem>>[vector<16xi32>, vector<16xi32>], vector<16xf32>,
          %mul3A_884 = arith.mulf %gather3A_857, %gather3A_883 : vector<16xf32>
          %add3A_885 = arith.addf %scan3A_849, %mul3A_884 : vector<16xf32>
          %add3A_886 = arith.addi %mul3A_811, %broadcast_in_dim3A_855 : vector<16xi32>
          %gather3A_887 = tpu.vector_load_idx %arg14[%add3A_814, %add3A_886] : memref<512x128xf32, #tpu.memory_space<vmem>>[vector<16xi32>, vector<16xi32>], vector<16xf32>,
          %mul3A_888 = arith.mulf %gather3A_857, %gather3A_887 : vector<16xf32>
          %add3A_889 = arith.addf %scan3A_850, %mul3A_888 : vector<16xf32>
          %mul3A_890 = arith.constant 4 : i32
          %mul3A_891 = arith.muli %scan3A_842, %mul3A_890 : i32
          %add3A_892 = arith.constant 1 : i32
          %add3A_893 = arith.addi %mul3A_891, %add3A_892 : i32
          %broadcast_in_dim3A_894 = vector.broadcast %add3A_893 : i32 to vector<16xi32>
          %add3A_895 = arith.addi %mul3A_590, %broadcast_in_dim3A_894 : vector<16xi32>
          %gather3A_896 = tpu.vector_load_idx %arg13[%add3A_585, %add3A_895] : memref<64x128xf32, #tpu.memory_space<vmem>>[vector<16xi32>, vector<16xi32>], vector<16xf32>,
          %add3A_897 = arith.addi %mul3A_678, %broadcast_in_dim3A_894 : vector<16xi32>
          %gather3A_898 = tpu.vector_load_idx %arg14[%add3A_681, %add3A_897] : memref<512x128xf32, #tpu.memory_space<vmem>>[vector<16xi32>, vector<16xi32>], vector<16xf32>,
          %mul3A_899 = arith.mulf %gather3A_896, %gather3A_898 : vector<16xf32>
          %add3A_900 = arith.addf %add3A_861, %mul3A_899 : vector<16xf32>
          %add3A_901 = arith.addi %mul3A_697, %broadcast_in_dim3A_894 : vector<16xi32>
          %gather3A_902 = tpu.vector_load_idx %arg14[%add3A_700, %add3A_901] : memref<512x128xf32, #tpu.memory_space<vmem>>[vector<16xi32>, vector<16xi32>], vector<16xf32>,
          %mul3A_903 = arith.mulf %gather3A_896, %gather3A_902 : vector<16xf32>
          %add3A_904 = arith.addf %add3A_865, %mul3A_903 : vector<16xf32>
          %add3A_905 = arith.addi %mul3A_716, %broadcast_in_dim3A_894 : vector<16xi32>
          %gather3A_906 = tpu.vector_load_idx %arg14[%add3A_719, %add3A_905] : memref<512x128xf32, #tpu.memory_space<vmem>>[vector<16xi32>, vector<16xi32>], vector<16xf32>,
          %mul3A_907 = arith.mulf %gather3A_896, %gather3A_906 : vector<16xf32>
          %add3A_908 = arith.addf %add3A_869, %mul3A_907 : vector<16xf32>
          %add3A_909 = arith.addi %mul3A_735, %broadcast_in_dim3A_894 : vector<16xi32>
          %gather3A_910 = tpu.vector_load_idx %arg14[%add3A_738, %add3A_909] : memref<512x128xf32, #tpu.memory_space<vmem>>[vector<16xi32>, vector<16xi32>], vector<16xf32>,
          %mul3A_911 = arith.mulf %gather3A_896, %gather3A_910 : vector<16xf32>
          %add3A_912 = arith.addf %add3A_873, %mul3A_911 : vector<16xf32>
          %add3A_913 = arith.addi %mul3A_754, %broadcast_in_dim3A_894 : vector<16xi32>
          %gather3A_914 = tpu.vector_load_idx %arg14[%add3A_757, %add3A_913] : memref<512x128xf32, #tpu.memory_space<vmem>>[vector<16xi32>, vector<16xi32>], vector<16xf32>,
          %mul3A_915 = arith.mulf %gather3A_896, %gather3A_914 : vector<16xf32>
          %add3A_916 = arith.addf %add3A_877, %mul3A_915 : vector<16xf32>
          %add3A_917 = arith.addi %mul3A_773, %broadcast_in_dim3A_894 : vector<16xi32>
          %gather3A_918 = tpu.vector_load_idx %arg14[%add3A_776, %add3A_917] : memref<512x128xf32, #tpu.memory_space<vmem>>[vector<16xi32>, vector<16xi32>], vector<16xf32>,
          %mul3A_919 = arith.mulf %gather3A_896, %gather3A_918 : vector<16xf32>
          %add3A_920 = arith.addf %add3A_881, %mul3A_919 : vector<16xf32>
          %add3A_921 = arith.addi %mul3A_792, %broadcast_in_dim3A_894 : vector<16xi32>
          %gather3A_922 = tpu.vector_load_idx %arg14[%add3A_795, %add3A_921] : memref<512x128xf32, #tpu.memory_space<vmem>>[vector<16xi32>, vector<16xi32>], vector<16xf32>,
          %mul3A_923 = arith.mulf %gather3A_896, %gather3A_922 : vector<16xf32>
          %add3A_924 = arith.addf %add3A_885, %mul3A_923 : vector<16xf32>
          %add3A_925 = arith.addi %mul3A_811, %broadcast_in_dim3A_894 : vector<16xi32>
          %gather3A_926 = tpu.vector_load_idx %arg14[%add3A_814, %add3A_925] : memref<512x128xf32, #tpu.memory_space<vmem>>[vector<16xi32>, vector<16xi32>], vector<16xf32>,
          %mul3A_927 = arith.mulf %gather3A_896, %gather3A_926 : vector<16xf32>
          %add3A_928 = arith.addf %add3A_889, %mul3A_927 : vector<16xf32>
          %mul3A_929 = arith.constant 4 : i32
          %mul3A_930 = arith.muli %scan3A_842, %mul3A_929 : i32
          %add3A_931 = arith.constant 2 : i32
          %add3A_932 = arith.addi %mul3A_930, %add3A_931 : i32
          %broadcast_in_dim3A_933 = vector.broadcast %add3A_932 : i32 to vector<16xi32>
          %add3A_934 = arith.addi %mul3A_590, %broadcast_in_dim3A_933 : vector<16xi32>
          %gather3A_935 = tpu.vector_load_idx %arg13[%add3A_585, %add3A_934] : memref<64x128xf32, #tpu.memory_space<vmem>>[vector<16xi32>, vector<16xi32>], vector<16xf32>,
          %add3A_936 = arith.addi %mul3A_678, %broadcast_in_dim3A_933 : vector<16xi32>
          %gather3A_937 = tpu.vector_load_idx %arg14[%add3A_681, %add3A_936] : memref<512x128xf32, #tpu.memory_space<vmem>>[vector<16xi32>, vector<16xi32>], vector<16xf32>,
          %mul3A_938 = arith.mulf %gather3A_935, %gather3A_937 : vector<16xf32>
          %add3A_939 = arith.addf %add3A_900, %mul3A_938 : vector<16xf32>
          %add3A_940 = arith.addi %mul3A_697, %broadcast_in_dim3A_933 : vector<16xi32>
          %gather3A_941 = tpu.vector_load_idx %arg14[%add3A_700, %add3A_940] : memref<512x128xf32, #tpu.memory_space<vmem>>[vector<16xi32>, vector<16xi32>], vector<16xf32>,
          %mul3A_942 = arith.mulf %gather3A_935, %gather3A_941 : vector<16xf32>
          %add3A_943 = arith.addf %add3A_904, %mul3A_942 : vector<16xf32>
          %add3A_944 = arith.addi %mul3A_716, %broadcast_in_dim3A_933 : vector<16xi32>
          %gather3A_945 = tpu.vector_load_idx %arg14[%add3A_719, %add3A_944] : memref<512x128xf32, #tpu.memory_space<vmem>>[vector<16xi32>, vector<16xi32>], vector<16xf32>,
          %mul3A_946 = arith.mulf %gather3A_935, %gather3A_945 : vector<16xf32>
          %add3A_947 = arith.addf %add3A_908, %mul3A_946 : vector<16xf32>
          %add3A_948 = arith.addi %mul3A_735, %broadcast_in_dim3A_933 : vector<16xi32>
          %gather3A_949 = tpu.vector_load_idx %arg14[%add3A_738, %add3A_948] : memref<512x128xf32, #tpu.memory_space<vmem>>[vector<16xi32>, vector<16xi32>], vector<16xf32>,
          %mul3A_950 = arith.mulf %gather3A_935, %gather3A_949 : vector<16xf32>
          %add3A_951 = arith.addf %add3A_912, %mul3A_950 : vector<16xf32>
          %add3A_952 = arith.addi %mul3A_754, %broadcast_in_dim3A_933 : vector<16xi32>
          %gather3A_953 = tpu.vector_load_idx %arg14[%add3A_757, %add3A_952] : memref<512x128xf32, #tpu.memory_space<vmem>>[vector<16xi32>, vector<16xi32>], vector<16xf32>,
          %mul3A_954 = arith.mulf %gather3A_935, %gather3A_953 : vector<16xf32>
          %add3A_955 = arith.addf %add3A_916, %mul3A_954 : vector<16xf32>
          %add3A_956 = arith.addi %mul3A_773, %broadcast_in_dim3A_933 : vector<16xi32>
          %gather3A_957 = tpu.vector_load_idx %arg14[%add3A_776, %add3A_956] : memref<512x128xf32, #tpu.memory_space<vmem>>[vector<16xi32>, vector<16xi32>], vector<16xf32>,
          %mul3A_958 = arith.mulf %gather3A_935, %gather3A_957 : vector<16xf32>
          %add3A_959 = arith.addf %add3A_920, %mul3A_958 : vector<16xf32>
          %add3A_960 = arith.addi %mul3A_792, %broadcast_in_dim3A_933 : vector<16xi32>
          %gather3A_961 = tpu.vector_load_idx %arg14[%add3A_795, %add3A_960] : memref<512x128xf32, #tpu.memory_space<vmem>>[vector<16xi32>, vector<16xi32>], vector<16xf32>,
          %mul3A_962 = arith.mulf %gather3A_935, %gather3A_961 : vector<16xf32>
          %add3A_963 = arith.addf %add3A_924, %mul3A_962 : vector<16xf32>
          %add3A_964 = arith.addi %mul3A_811, %broadcast_in_dim3A_933 : vector<16xi32>
          %gather3A_965 = tpu.vector_load_idx %arg14[%add3A_814, %add3A_964] : memref<512x128xf32, #tpu.memory_space<vmem>>[vector<16xi32>, vector<16xi32>], vector<16xf32>,
          %mul3A_966 = arith.mulf %gather3A_935, %gather3A_965 : vector<16xf32>
          %add3A_967 = arith.addf %add3A_928, %mul3A_966 : vector<16xf32>
          %mul3A_968 = arith.constant 4 : i32
          %mul3A_969 = arith.muli %scan3A_842, %mul3A_968 : i32
          %add3A_970 = arith.constant 3 : i32
          %add3A_971 = arith.addi %mul3A_969, %add3A_970 : i32
          %broadcast_in_dim3A_972 = vector.broadcast %add3A_971 : i32 to vector<16xi32>
          %add3A_973 = arith.addi %mul3A_590, %broadcast_in_dim3A_972 : vector<16xi32>
          %gather3A_974 = tpu.vector_load_idx %arg13[%add3A_585, %add3A_973] : memref<64x128xf32, #tpu.memory_space<vmem>>[vector<16xi32>, vector<16xi32>], vector<16xf32>,
          %add3A_975 = arith.addi %mul3A_678, %broadcast_in_dim3A_972 : vector<16xi32>
          %gather3A_976 = tpu.vector_load_idx %arg14[%add3A_681, %add3A_975] : memref<512x128xf32, #tpu.memory_space<vmem>>[vector<16xi32>, vector<16xi32>], vector<16xf32>,
          %mul3A_977 = arith.mulf %gather3A_974, %gather3A_976 : vector<16xf32>
          %add3A_978 = arith.addf %add3A_939, %mul3A_977 : vector<16xf32>
          %add3A_979 = arith.addi %mul3A_697, %broadcast_in_dim3A_972 : vector<16xi32>
          %gather3A_980 = tpu.vector_load_idx %arg14[%add3A_700, %add3A_979] : memref<512x128xf32, #tpu.memory_space<vmem>>[vector<16xi32>, vector<16xi32>], vector<16xf32>,
          %mul3A_981 = arith.mulf %gather3A_974, %gather3A_980 : vector<16xf32>
          %add3A_982 = arith.addf %add3A_943, %mul3A_981 : vector<16xf32>
          %add3A_983 = arith.addi %mul3A_716, %broadcast_in_dim3A_972 : vector<16xi32>
          %gather3A_984 = tpu.vector_load_idx %arg14[%add3A_719, %add3A_983] : memref<512x128xf32, #tpu.memory_space<vmem>>[vector<16xi32>, vector<16xi32>], vector<16xf32>,
          %mul3A_985 = arith.mulf %gather3A_974, %gather3A_984 : vector<16xf32>
          %add3A_986 = arith.addf %add3A_947, %mul3A_985 : vector<16xf32>
          %add3A_987 = arith.addi %mul3A_735, %broadcast_in_dim3A_972 : vector<16xi32>
          %gather3A_988 = tpu.vector_load_idx %arg14[%add3A_738, %add3A_987] : memref<512x128xf32, #tpu.memory_space<vmem>>[vector<16xi32>, vector<16xi32>], vector<16xf32>,
          %mul3A_989 = arith.mulf %gather3A_974, %gather3A_988 : vector<16xf32>
          %add3A_990 = arith.addf %add3A_951, %mul3A_989 : vector<16xf32>
          %add3A_991 = arith.addi %mul3A_754, %broadcast_in_dim3A_972 : vector<16xi32>
          %gather3A_992 = tpu.vector_load_idx %arg14[%add3A_757, %add3A_991] : memref<512x128xf32, #tpu.memory_space<vmem>>[vector<16xi32>, vector<16xi32>], vector<16xf32>,
          %mul3A_993 = arith.mulf %gather3A_974, %gather3A_992 : vector<16xf32>
          %add3A_994 = arith.addf %add3A_955, %mul3A_993 : vector<16xf32>
          %add3A_995 = arith.addi %mul3A_773, %broadcast_in_dim3A_972 : vector<16xi32>
          %gather3A_996 = tpu.vector_load_idx %arg14[%add3A_776, %add3A_995] : memref<512x128xf32, #tpu.memory_space<vmem>>[vector<16xi32>, vector<16xi32>], vector<16xf32>,
          %mul3A_997 = arith.mulf %gather3A_974, %gather3A_996 : vector<16xf32>
          %add3A_998 = arith.addf %add3A_959, %mul3A_997 : vector<16xf32>
          %add3A_999 = arith.addi %mul3A_792, %broadcast_in_dim3A_972 : vector<16xi32>
          %gather3A_1000 = tpu.vector_load_idx %arg14[%add3A_795, %add3A_999] : memref<512x128xf32, #tpu.memory_space<vmem>>[vector<16xi32>, vector<16xi32>], vector<16xf32>,
          %mul3A_1001 = arith.mulf %gather3A_974, %gather3A_1000 : vector<16xf32>
          %add3A_1002 = arith.addf %add3A_963, %mul3A_1001 : vector<16xf32>
          %add3A_1003 = arith.addi %mul3A_811, %broadcast_in_dim3A_972 : vector<16xi32>
          %gather3A_1004 = tpu.vector_load_idx %arg14[%add3A_814, %add3A_1003] : memref<512x128xf32, #tpu.memory_space<vmem>>[vector<16xi32>, vector<16xi32>], vector<16xf32>,
          %mul3A_1005 = arith.mulf %gather3A_974, %gather3A_1004 : vector<16xf32>
          %add3A_1006 = arith.addf %add3A_967, %mul3A_1005 : vector<16xf32>
          scf.yield %add3A_978, %add3A_982, %add3A_986, %add3A_990, %add3A_994, %add3A_998, %add3A_1002, %add3A_1006 : vector<16xf32>, vector<16xf32>, vector<16xf32>, vector<16xf32>, vector<16xf32>, vector<16xf32>, vector<16xf32>, vector<16xf32>
        }
        %scan3A_835 = arith.constant 16 : i32
        tpu.vector_store_idx %arg15[%add3A_599], %scan3A_834#0 : memref<256xf32, #tpu.memory_space<vmem>>[vector<16xi32>], vector<16xf32>,
        tpu.vector_store_idx %arg15[%add3A_608], %scan3A_834#1 : memref<256xf32, #tpu.memory_space<vmem>>[vector<16xi32>], vector<16xf32>,
        tpu.vector_store_idx %arg15[%add3A_617], %scan3A_834#2 : memref<256xf32, #tpu.memory_space<vmem>>[vector<16xi32>], vector<16xf32>,
        tpu.vector_store_idx %arg15[%add3A_626], %scan3A_834#3 : memref<256xf32, #tpu.memory_space<vmem>>[vector<16xi32>], vector<16xf32>,
        tpu.vector_store_idx %arg15[%add3A_635], %scan3A_834#4 : memref<256xf32, #tpu.memory_space<vmem>>[vector<16xi32>], vector<16xf32>,
        tpu.vector_store_idx %arg15[%add3A_644], %scan3A_834#5 : memref<256xf32, #tpu.memory_space<vmem>>[vector<16xi32>], vector<16xf32>,
        tpu.vector_store_idx %arg15[%add3A_653], %scan3A_834#6 : memref<256xf32, #tpu.memory_space<vmem>>[vector<16xi32>], vector<16xf32>,
        tpu.vector_store_idx %arg15[%add3A_662], %scan3A_834#7 : memref<256xf32, #tpu.memory_space<vmem>>[vector<16xi32>], vector<16xf32>,
        %scan3A_836 = arith.constant 0 : i32
        %scan3A_837 = arith.constant 0 : i32
        %scan3A_838 = arith.constant 16 : i32
        %scan3A_839 = arith.addi %scan3A_837, %scan3A_838 : i32
        %scan3A_840 = arith.constant 1 : i32
        scf.for %scan3A_842 = %scan3A_837 to %scan3A_839 step %scan3A_840  : i32 {
          %mul3A_843 = arith.constant 16 : i32
          %mul3A_844 = arith.muli %scan3A_578, %mul3A_843 : i32
          %broadcast_in_dim3A_845 = vector.broadcast %mul3A_844 : i32 to vector<16xi32>
          %add3A_846 = vector.broadcast %scan3A_842 : i32 to vector<16xi32>
          %add3A_847 = arith.addi %broadcast_in_dim3A_845, %add3A_846 : vector<16xi32>
          %add3A_848 = arith.constant 0 : i32
          %add3A_849 = vector.broadcast %add3A_848 : i32 to vector<16xi32>
          %add3A_850 = arith.addi %add3A_849, %add3A_847 : vector<16xi32>
          %gather3A_851 = tpu.vector_load_idx %arg9[%add3A_850] : memref<64xi32, #tpu.memory_space<vmem>>[vector<16xi32>], vector<16xi32>,
          %and3A_852 = arith.constant 1 : i32
          %and3A_853 = vector.broadcast %and3A_852 : i32 to vector<16xi32>
          %and3A_854 = arith.andi %gather3A_851, %and3A_853 : vector<16xi32>
          %mul3A_855 = arith.constant 64 : i32
          %mul3A_856 = vector.broadcast %mul3A_855 : i32 to vector<16xi32>
          %mul3A_857 = arith.muli %and3A_854, %mul3A_856 : vector<16xi32>
          %add3A_858 = arith.constant 0 : i32
          %add3A_859 = vector.broadcast %add3A_858 : i32 to vector<16xi32>
          %add3A_860 = arith.addi %mul3A_857, %add3A_859 : vector<16xi32>
          %add3A_861 = arith.addi %add3A_860, %iota3A : vector<16xi32>
          %add3A_862 = arith.constant 0 : i32
          %add3A_863 = vector.broadcast %add3A_862 : i32 to vector<16xi32>
          %add3A_864 = arith.addi %add3A_863, %add3A_847 : vector<16xi32>
          %gather3A_865 = tpu.vector_load_idx %arg13[%add3A_864, %add3A_861] : memref<64x128xf32, #tpu.memory_space<vmem>>[vector<16xi32>, vector<16xi32>], vector<16xf32>,
          %add3A_866 = arith.constant 0 : i32
          %add3A_867 = vector.broadcast %add3A_866 : i32 to vector<16xi32>
          %add3A_868 = arith.addi %add3A_867, %iota3A : vector<16xi32>
          tpu.vector_store_idx %arg16[%add3A_847, %add3A_868], %gather3A_865 : memref<32x64xf32, #tpu.memory_space<vmem>>[vector<16xi32>, vector<16xi32>], vector<16xf32>,
          %mul3A_869 = arith.constant 64 : i32
          %mul3A_870 = vector.broadcast %mul3A_869 : i32 to vector<16xi32>
          %mul3A_871 = arith.muli %and3A_854, %mul3A_870 : vector<16xi32>
          %add3A_872 = arith.constant 16 : i32
          %add3A_873 = vector.broadcast %add3A_872 : i32 to vector<16xi32>
          %add3A_874 = arith.addi %mul3A_871, %add3A_873 : vector<16xi32>
          %add3A_875 = arith.addi %add3A_874, %iota3A : vector<16xi32>
          %add3A_876 = arith.constant 0 : i32
          %add3A_877 = vector.broadcast %add3A_876 : i32 to vector<16xi32>
          %add3A_878 = arith.addi %add3A_877, %add3A_847 : vector<16xi32>
          %gather3A_879 = tpu.vector_load_idx %arg13[%add3A_878, %add3A_875] : memref<64x128xf32, #tpu.memory_space<vmem>>[vector<16xi32>, vector<16xi32>], vector<16xf32>,
          %add3A_880 = arith.constant 16 : i32
          %add3A_881 = vector.broadcast %add3A_880 : i32 to vector<16xi32>
          %add3A_882 = arith.addi %add3A_881, %iota3A : vector<16xi32>
          tpu.vector_store_idx %arg16[%add3A_847, %add3A_882], %gather3A_879 : memref<32x64xf32, #tpu.memory_space<vmem>>[vector<16xi32>, vector<16xi32>], vector<16xf32>,
          %mul3A_883 = arith.constant 64 : i32
          %mul3A_884 = vector.broadcast %mul3A_883 : i32 to vector<16xi32>
          %mul3A_885 = arith.muli %and3A_854, %mul3A_884 : vector<16xi32>
          %add3A_886 = arith.constant 32 : i32
          %add3A_887 = vector.broadcast %add3A_886 : i32 to vector<16xi32>
          %add3A_888 = arith.addi %mul3A_885, %add3A_887 : vector<16xi32>
          %add3A_889 = arith.addi %add3A_888, %iota3A : vector<16xi32>
          %add3A_890 = arith.constant 0 : i32
          %add3A_891 = vector.broadcast %add3A_890 : i32 to vector<16xi32>
          %add3A_892 = arith.addi %add3A_891, %add3A_847 : vector<16xi32>
          %gather3A_893 = tpu.vector_load_idx %arg13[%add3A_892, %add3A_889] : memref<64x128xf32, #tpu.memory_space<vmem>>[vector<16xi32>, vector<16xi32>], vector<16xf32>,
          %add3A_894 = arith.constant 32 : i32
          %add3A_895 = vector.broadcast %add3A_894 : i32 to vector<16xi32>
          %add3A_896 = arith.addi %add3A_895, %iota3A : vector<16xi32>
          tpu.vector_store_idx %arg16[%add3A_847, %add3A_896], %gather3A_893 : memref<32x64xf32, #tpu.memory_space<vmem>>[vector<16xi32>, vector<16xi32>], vector<16xf32>,
          %mul3A_897 = arith.constant 64 : i32
          %mul3A_898 = vector.broadcast %mul3A_897 : i32 to vector<16xi32>
          %mul3A_899 = arith.muli %and3A_854, %mul3A_898 : vector<16xi32>
          %add3A_900 = arith.constant 48 : i32
          %add3A_901 = vector.broadcast %add3A_900 : i32 to vector<16xi32>
          %add3A_902 = arith.addi %mul3A_899, %add3A_901 : vector<16xi32>
          %add3A_903 = arith.addi %add3A_902, %iota3A : vector<16xi32>
          %add3A_904 = arith.constant 0 : i32
          %add3A_905 = vector.broadcast %add3A_904 : i32 to vector<16xi32>
          %add3A_906 = arith.addi %add3A_905, %add3A_847 : vector<16xi32>
          %gather3A_907 = tpu.vector_load_idx %arg13[%add3A_906, %add3A_903] : memref<64x128xf32, #tpu.memory_space<vmem>>[vector<16xi32>, vector<16xi32>], vector<16xf32>,
          %add3A_908 = arith.constant 48 : i32
          %add3A_909 = vector.broadcast %add3A_908 : i32 to vector<16xi32>
          %add3A_910 = arith.addi %add3A_909, %iota3A : vector<16xi32>
          tpu.vector_store_idx %arg16[%add3A_847, %add3A_910], %gather3A_907 : memref<32x64xf32, #tpu.memory_space<vmem>>[vector<16xi32>, vector<16xi32>], vector<16xf32>,
        }
        %scan3A_841 = arith.constant 16 : i32
      }
      %scan3A_518 = arith.constant 2 : i32
      %mul3A_519 = arith.constant 8 : i32
      %mul3A_520 = arith.muli %add3A_512, %mul3A_519 : i32
      "tpu.region"() ({
        %run_scoped3A_578 = tpu.sem_alloc : memref<!tpu.dma_semaphore, #tpu.memory_space<semaphore_mem>>
        %dma_start3A_579 = tpu.memref_slice %arg6[%mul3A_520] : memref<131072xf32, #tpu.memory_space<hbm>> -> memref<256xf32, #tpu.memory_space<hbm>>
        %dma_start3A_580 = tpu.memref_slice %arg6[%mul3A_520] : memref<131072xf32, #tpu.memory_space<hbm>> -> memref<256xf32, #tpu.memory_space<hbm>>
        tpu.enqueue_dma source(%arg15 : memref<256xf32, #tpu.memory_space<vmem>>) target(%dma_start3A_580 : memref<256xf32, #tpu.memory_space<hbm>>) target_semaphore(%run_scoped3A_578 : memref<!tpu.dma_semaphore, #tpu.memory_space<semaphore_mem>>)
        %dma_wait3A_581 = tpu.memref_slice %arg6[%mul3A_520] : memref<131072xf32, #tpu.memory_space<hbm>> -> memref<256xf32, #tpu.memory_space<hbm>>
        %dma_wait3A_582 = tpu.memref_slice %arg6[%mul3A_520] : memref<131072xf32, #tpu.memory_space<hbm>> -> memref<256xf32, #tpu.memory_space<hbm>>
        tpu.wait_dma2 semaphore(%run_scoped3A_578 : memref<!tpu.dma_semaphore, #tpu.memory_space<semaphore_mem>>) src(%arg15 : memref<256xf32, #tpu.memory_space<vmem>>) dst(%dma_wait3A_582 : memref<256xf32, #tpu.memory_space<hbm>>)
        tpu.yield
      }) : () -> ()
      "tpu.region"() ({
        %run_scoped3A_578 = tpu.sem_alloc : memref<!tpu.dma_semaphore, #tpu.memory_space<semaphore_mem>>
        %dma_start3A_579 = arith.constant 0 : i32
        %dma_start3A_580 = tpu.memref_slice %arg7[%add3A_512, %dma_start3A_579] : memref<16384x64xf32, #tpu.memory_space<hbm>> -> memref<32x64xf32, #tpu.memory_space<hbm>>
        %dma_start3A_581 = arith.constant 0 : i32
        %dma_start3A_582 = tpu.memref_slice %arg7[%add3A_512, %dma_start3A_581] : memref<16384x64xf32, #tpu.memory_space<hbm>> -> memref<32x64xf32, #tpu.memory_space<hbm>>
        tpu.enqueue_dma source(%arg16 : memref<32x64xf32, #tpu.memory_space<vmem>>) target(%dma_start3A_582 : memref<32x64xf32, #tpu.memory_space<hbm>>) target_semaphore(%run_scoped3A_578 : memref<!tpu.dma_semaphore, #tpu.memory_space<semaphore_mem>>)
        %dma_wait3A_583 = arith.constant 0 : i32
        %dma_wait3A_584 = tpu.memref_slice %arg7[%add3A_512, %dma_wait3A_583] : memref<16384x64xf32, #tpu.memory_space<hbm>> -> memref<32x64xf32, #tpu.memory_space<hbm>>
        %dma_wait3A_585 = arith.constant 0 : i32
        %dma_wait3A_586 = tpu.memref_slice %arg7[%add3A_512, %dma_wait3A_585] : memref<16384x64xf32, #tpu.memory_space<hbm>> -> memref<32x64xf32, #tpu.memory_space<hbm>>
        tpu.wait_dma2 semaphore(%run_scoped3A_578 : memref<!tpu.dma_semaphore, #tpu.memory_space<semaphore_mem>>) src(%arg16 : memref<32x64xf32, #tpu.memory_space<vmem>>) dst(%dma_wait3A_586 : memref<32x64xf32, #tpu.memory_space<hbm>>)
        tpu.yield
      }) : () -> ()
      %add3A_521 = arith.constant 1 : i32
      %add3A_522 = arith.addi %scan3A_235, %add3A_521 : i32
      %lt3A = arith.constant 8 : i32
      %lt3A_523 = arith.cmpi slt, %add3A_522, %lt3A : i32
      %convert_element_type3A_524 = arith.extui %lt3A_523 : i1 to i32
      %cond3A_525 = arith.constant 0 : i32
      %cond3A_526 = arith.cmpi ne, %convert_element_type3A_524, %cond3A_525 : i32
      scf.if %cond3A_526 {
        %add3A_578 = arith.constant 2 : i32
        %add3A_579 = arith.addi %mul3A_237, %add3A_578 : i32
        %mul3A_580 = arith.constant 512 : i32
        %mul3A_581 = arith.muli %add3A, %mul3A_580 : i32
        %mul3A_582 = arith.constant 32 : i32
        %mul3A_583 = arith.muli %add3A_579, %mul3A_582 : i32
        %add3A_584 = arith.addi %mul3A_581, %mul3A_583 : i32
        "tpu.region"() ({
          %run_scoped3A_813 = tpu.sem_alloc : memref<!tpu.dma_semaphore, #tpu.memory_space<semaphore_mem>>
          %dma_start3A_814 = arith.constant 0 : i32
          %dma_start3A_815 = tpu.memref_slice %arg9[%dma_start3A_814] : memref<64xi32, #tpu.memory_space<vmem>> -> memref<32xi32, #tpu.memory_space<vmem>>
          %dma_start3A_816 = tpu.memref_slice %arg2[%add3A_584] : memref<16384xi32, #tpu.memory_space<hbm>> -> memref<32xi32, #tpu.memory_space<hbm>>
          %dma_start3A_817 = arith.constant 0 : i32
          %dma_start3A_818 = tpu.memref_slice %arg9[%dma_start3A_817] : memref<64xi32, #tpu.memory_space<vmem>> -> memref<32xi32, #tpu.memory_space<vmem>>
          %dma_start3A_819 = tpu.memref_slice %arg2[%add3A_584] : memref<16384xi32, #tpu.memory_space<hbm>> -> memref<32xi32, #tpu.memory_space<hbm>>
          tpu.enqueue_dma source(%dma_start3A_819 : memref<32xi32, #tpu.memory_space<hbm>>) target(%dma_start3A_818 : memref<32xi32, #tpu.memory_space<vmem>>) target_semaphore(%run_scoped3A_813 : memref<!tpu.dma_semaphore, #tpu.memory_space<semaphore_mem>>)
          %dma_wait3A_820 = arith.constant 0 : i32
          %dma_wait3A_821 = tpu.memref_slice %arg9[%dma_wait3A_820] : memref<64xi32, #tpu.memory_space<vmem>> -> memref<32xi32, #tpu.memory_space<vmem>>
          %dma_wait3A_822 = tpu.memref_slice %arg2[%add3A_584] : memref<16384xi32, #tpu.memory_space<hbm>> -> memref<32xi32, #tpu.memory_space<hbm>>
          %dma_wait3A_823 = arith.constant 0 : i32
          %dma_wait3A_824 = tpu.memref_slice %arg9[%dma_wait3A_823] : memref<64xi32, #tpu.memory_space<vmem>> -> memref<32xi32, #tpu.memory_space<vmem>>
          %dma_wait3A_825 = tpu.memref_slice %arg2[%add3A_584] : memref<16384xi32, #tpu.memory_space<hbm>> -> memref<32xi32, #tpu.memory_space<hbm>>
          tpu.wait_dma2 semaphore(%run_scoped3A_813 : memref<!tpu.dma_semaphore, #tpu.memory_space<semaphore_mem>>) src(%dma_wait3A_825 : memref<32xi32, #tpu.memory_space<hbm>>) dst(%dma_wait3A_824 : memref<32xi32, #tpu.memory_space<vmem>>)
          tpu.yield
        }) : () -> ()
        %mul3A_585 = arith.constant 8 : i32
        %mul3A_586 = arith.muli %add3A_584, %mul3A_585 : i32
        %add3A_587 = arith.constant 0 : i32
        %add3A_588 = arith.addi %mul3A_586, %add3A_587 : i32
        %run_scoped3A_589 = arith.constant 0 : i32
        "tpu.region"() ({
          %run_scoped3A_813 = tpu.sem_alloc : memref<!tpu.dma_semaphore, #tpu.memory_space<semaphore_mem>>
          %dma_start3A_814 = arith.constant 0 : i32
          %dma_start3A_815 = tpu.memref_slice %arg11[%run_scoped3A_589, %dma_start3A_814] : memref<4x128xi32, #tpu.memory_space<vmem>> -> memref<1x128xi32, #tpu.memory_space<vmem>>
          %dma_start3A_816 = tpu.memref_squeeze %dma_start3A_815 : memref<1x128xi32, #tpu.memory_space<vmem>> -> memref<128xi32, #tpu.memory_space<vmem>>
          %dma_start3A_817 = tpu.memref_slice %arg3[%add3A_588] : memref<131072xi32, #tpu.memory_space<hbm>> -> memref<128xi32, #tpu.memory_space<hbm>>
          %dma_start3A_818 = arith.constant 0 : i32
          %dma_start3A_819 = tpu.memref_slice %arg11[%run_scoped3A_589, %dma_start3A_818] : memref<4x128xi32, #tpu.memory_space<vmem>> -> memref<1x128xi32, #tpu.memory_space<vmem>>
          %dma_start3A_820 = tpu.memref_squeeze %dma_start3A_819 : memref<1x128xi32, #tpu.memory_space<vmem>> -> memref<128xi32, #tpu.memory_space<vmem>>
          %dma_start3A_821 = tpu.memref_slice %arg3[%add3A_588] : memref<131072xi32, #tpu.memory_space<hbm>> -> memref<128xi32, #tpu.memory_space<hbm>>
          tpu.enqueue_dma source(%dma_start3A_821 : memref<128xi32, #tpu.memory_space<hbm>>) target(%dma_start3A_820 : memref<128xi32, #tpu.memory_space<vmem>>) target_semaphore(%run_scoped3A_813 : memref<!tpu.dma_semaphore, #tpu.memory_space<semaphore_mem>>)
          %dma_wait3A_822 = arith.constant 0 : i32
          %dma_wait3A_823 = tpu.memref_slice %arg11[%run_scoped3A_589, %dma_wait3A_822] : memref<4x128xi32, #tpu.memory_space<vmem>> -> memref<1x128xi32, #tpu.memory_space<vmem>>
          %dma_wait3A_824 = tpu.memref_squeeze %dma_wait3A_823 : memref<1x128xi32, #tpu.memory_space<vmem>> -> memref<128xi32, #tpu.memory_space<vmem>>
          %dma_wait3A_825 = tpu.memref_slice %arg3[%add3A_588] : memref<131072xi32, #tpu.memory_space<hbm>> -> memref<128xi32, #tpu.memory_space<hbm>>
          %dma_wait3A_826 = arith.constant 0 : i32
          %dma_wait3A_827 = tpu.memref_slice %arg11[%run_scoped3A_589, %dma_wait3A_826] : memref<4x128xi32, #tpu.memory_space<vmem>> -> memref<1x128xi32, #tpu.memory_space<vmem>>
          %dma_wait3A_828 = tpu.memref_squeeze %dma_wait3A_827 : memref<1x128xi32, #tpu.memory_space<vmem>> -> memref<128xi32, #tpu.memory_space<vmem>>
          %dma_wait3A_829 = tpu.memref_slice %arg3[%add3A_588] : memref<131072xi32, #tpu.memory_space<hbm>> -> memref<128xi32, #tpu.memory_space<hbm>>
          tpu.wait_dma2 semaphore(%run_scoped3A_813 : memref<!tpu.dma_semaphore, #tpu.memory_space<semaphore_mem>>) src(%dma_wait3A_829 : memref<128xi32, #tpu.memory_space<hbm>>) dst(%dma_wait3A_828 : memref<128xi32, #tpu.memory_space<vmem>>)
          tpu.yield
        }) : () -> ()
        %mul3A_590 = arith.constant 8 : i32
        %mul3A_591 = arith.muli %add3A_584, %mul3A_590 : i32
        %add3A_592 = arith.constant 128 : i32
        %add3A_593 = arith.addi %mul3A_591, %add3A_592 : i32
        %run_scoped3A_594 = arith.constant 1 : i32
        "tpu.region"() ({
          %run_scoped3A_813 = tpu.sem_alloc : memref<!tpu.dma_semaphore, #tpu.memory_space<semaphore_mem>>
          %dma_start3A_814 = arith.constant 0 : i32
          %dma_start3A_815 = tpu.memref_slice %arg11[%run_scoped3A_594, %dma_start3A_814] : memref<4x128xi32, #tpu.memory_space<vmem>> -> memref<1x128xi32, #tpu.memory_space<vmem>>
          %dma_start3A_816 = tpu.memref_squeeze %dma_start3A_815 : memref<1x128xi32, #tpu.memory_space<vmem>> -> memref<128xi32, #tpu.memory_space<vmem>>
          %dma_start3A_817 = tpu.memref_slice %arg3[%add3A_593] : memref<131072xi32, #tpu.memory_space<hbm>> -> memref<128xi32, #tpu.memory_space<hbm>>
          %dma_start3A_818 = arith.constant 0 : i32
          %dma_start3A_819 = tpu.memref_slice %arg11[%run_scoped3A_594, %dma_start3A_818] : memref<4x128xi32, #tpu.memory_space<vmem>> -> memref<1x128xi32, #tpu.memory_space<vmem>>
          %dma_start3A_820 = tpu.memref_squeeze %dma_start3A_819 : memref<1x128xi32, #tpu.memory_space<vmem>> -> memref<128xi32, #tpu.memory_space<vmem>>
          %dma_start3A_821 = tpu.memref_slice %arg3[%add3A_593] : memref<131072xi32, #tpu.memory_space<hbm>> -> memref<128xi32, #tpu.memory_space<hbm>>
          tpu.enqueue_dma source(%dma_start3A_821 : memref<128xi32, #tpu.memory_space<hbm>>) target(%dma_start3A_820 : memref<128xi32, #tpu.memory_space<vmem>>) target_semaphore(%run_scoped3A_813 : memref<!tpu.dma_semaphore, #tpu.memory_space<semaphore_mem>>)
          %dma_wait3A_822 = arith.constant 0 : i32
          %dma_wait3A_823 = tpu.memref_slice %arg11[%run_scoped3A_594, %dma_wait3A_822] : memref<4x128xi32, #tpu.memory_space<vmem>> -> memref<1x128xi32, #tpu.memory_space<vmem>>
          %dma_wait3A_824 = tpu.memref_squeeze %dma_wait3A_823 : memref<1x128xi32, #tpu.memory_space<vmem>> -> memref<128xi32, #tpu.memory_space<vmem>>
          %dma_wait3A_825 = tpu.memref_slice %arg3[%add3A_593] : memref<131072xi32, #tpu.memory_space<hbm>> -> memref<128xi32, #tpu.memory_space<hbm>>
          %dma_wait3A_826 = arith.constant 0 : i32
          %dma_wait3A_827 = tpu.memref_slice %arg11[%run_scoped3A_594, %dma_wait3A_826] : memref<4x128xi32, #tpu.memory_space<vmem>> -> memref<1x128xi32, #tpu.memory_space<vmem>>
          %dma_wait3A_828 = tpu.memref_squeeze %dma_wait3A_827 : memref<1x128xi32, #tpu.memory_space<vmem>> -> memref<128xi32, #tpu.memory_space<vmem>>
          %dma_wait3A_829 = tpu.memref_slice %arg3[%add3A_593] : memref<131072xi32, #tpu.memory_space<hbm>> -> memref<128xi32, #tpu.memory_space<hbm>>
          tpu.wait_dma2 semaphore(%run_scoped3A_813 : memref<!tpu.dma_semaphore, #tpu.memory_space<semaphore_mem>>) src(%dma_wait3A_829 : memref<128xi32, #tpu.memory_space<hbm>>) dst(%dma_wait3A_828 : memref<128xi32, #tpu.memory_space<vmem>>)
          tpu.yield
        }) : () -> ()
        %get3A_595 = arith.constant 0 : index
        %get3A_596 = tpu.vector_load %arg9[%get3A_595] {strides = array<i32>} : memref<64xi32, #tpu.memory_space<vmem>>, vector<16xi32>,
        %shift_right_arithmetic3A_597 = arith.constant 1 : i32
        %shift_right_arithmetic3A_598 = vector.broadcast %shift_right_arithmetic3A_597 : i32 to vector<16xi32>
        %shift_right_arithmetic3A_599 = arith.shrsi %get3A_596, %shift_right_arithmetic3A_598 : vector<16xi32>
        %swap3A_600 = arith.constant 0 : index
        %swap3A_601 = tpu.vector_load %arg10[%swap3A_600] {strides = array<i32>} : memref<64xi32, #tpu.memory_space<vmem>>, vector<16xi32>,
        tpu.vector_store %arg10[%swap3A_600], %shift_right_arithmetic3A_599 {strides = array<i32>} : memref<64xi32, #tpu.memory_space<vmem>>, vector<16xi32>,
        %get3A_602 = arith.constant 16 : index
        %get3A_603 = tpu.vector_load %arg9[%get3A_602] {strides = array<i32>} : memref<64xi32, #tpu.memory_space<vmem>>, vector<16xi32>,
        %shift_right_arithmetic3A_604 = arith.constant 1 : i32
        %shift_right_arithmetic3A_605 = vector.broadcast %shift_right_arithmetic3A_604 : i32 to vector<16xi32>
        %shift_right_arithmetic3A_606 = arith.shrsi %get3A_603, %shift_right_arithmetic3A_605 : vector<16xi32>
        %swap3A_607 = arith.constant 16 : index
        %swap3A_608 = tpu.vector_load %arg10[%swap3A_607] {strides = array<i32>} : memref<64xi32, #tpu.memory_space<vmem>>, vector<16xi32>,
        tpu.vector_store %arg10[%swap3A_607], %shift_right_arithmetic3A_606 {strides = array<i32>} : memref<64xi32, #tpu.memory_space<vmem>>, vector<16xi32>,
        %get3A_609 = arith.constant 0 : i32
        %get3A_610 = arith.index_cast %get3A_609 : i32 to index
        %get3A_611 = arith.constant 0 : index
        %get3A_612 = tpu.vector_load %arg11[%get3A_610, %get3A_611] {strides = array<i32>} : memref<4x128xi32, #tpu.memory_space<vmem>>, vector<16xi32>,
        %shift_right_arithmetic3A_613 = arith.constant 1 : i32
        %shift_right_arithmetic3A_614 = vector.broadcast %shift_right_arithmetic3A_613 : i32 to vector<16xi32>
        %shift_right_arithmetic3A_615 = arith.shrsi %get3A_612, %shift_right_arithmetic3A_614 : vector<16xi32>
        %swap3A_616 = arith.constant 0 : i32
        %swap3A_617 = arith.index_cast %swap3A_616 : i32 to index
        %swap3A_618 = arith.constant 0 : index
        %swap3A_619 = tpu.vector_load %arg12[%swap3A_617, %swap3A_618] {strides = array<i32>} : memref<4x128xi32, #tpu.memory_space<vmem>>, vector<16xi32>,
        tpu.vector_store %arg12[%swap3A_617, %swap3A_618], %shift_right_arithmetic3A_615 {strides = array<i32>} : memref<4x128xi32, #tpu.memory_space<vmem>>, vector<16xi32>,
        %get3A_620 = arith.constant 0 : i32
        %get3A_621 = arith.index_cast %get3A_620 : i32 to index
        %get3A_622 = arith.constant 16 : index
        %get3A_623 = tpu.vector_load %arg11[%get3A_621, %get3A_622] {strides = array<i32>} : memref<4x128xi32, #tpu.memory_space<vmem>>, vector<16xi32>,
        %shift_right_arithmetic3A_624 = arith.constant 1 : i32
        %shift_right_arithmetic3A_625 = vector.broadcast %shift_right_arithmetic3A_624 : i32 to vector<16xi32>
        %shift_right_arithmetic3A_626 = arith.shrsi %get3A_623, %shift_right_arithmetic3A_625 : vector<16xi32>
        %swap3A_627 = arith.constant 0 : i32
        %swap3A_628 = arith.index_cast %swap3A_627 : i32 to index
        %swap3A_629 = arith.constant 16 : index
        %swap3A_630 = tpu.vector_load %arg12[%swap3A_628, %swap3A_629] {strides = array<i32>} : memref<4x128xi32, #tpu.memory_space<vmem>>, vector<16xi32>,
        tpu.vector_store %arg12[%swap3A_628, %swap3A_629], %shift_right_arithmetic3A_626 {strides = array<i32>} : memref<4x128xi32, #tpu.memory_space<vmem>>, vector<16xi32>,
        %get3A_631 = arith.constant 0 : i32
        %get3A_632 = arith.index_cast %get3A_631 : i32 to index
        %get3A_633 = arith.constant 32 : index
        %get3A_634 = tpu.vector_load %arg11[%get3A_632, %get3A_633] {strides = array<i32>} : memref<4x128xi32, #tpu.memory_space<vmem>>, vector<16xi32>,
        %shift_right_arithmetic3A_635 = arith.constant 1 : i32
        %shift_right_arithmetic3A_636 = vector.broadcast %shift_right_arithmetic3A_635 : i32 to vector<16xi32>
        %shift_right_arithmetic3A_637 = arith.shrsi %get3A_634, %shift_right_arithmetic3A_636 : vector<16xi32>
        %swap3A_638 = arith.constant 0 : i32
        %swap3A_639 = arith.index_cast %swap3A_638 : i32 to index
        %swap3A_640 = arith.constant 32 : index
        %swap3A_641 = tpu.vector_load %arg12[%swap3A_639, %swap3A_640] {strides = array<i32>} : memref<4x128xi32, #tpu.memory_space<vmem>>, vector<16xi32>,
        tpu.vector_store %arg12[%swap3A_639, %swap3A_640], %shift_right_arithmetic3A_637 {strides = array<i32>} : memref<4x128xi32, #tpu.memory_space<vmem>>, vector<16xi32>,
        %get3A_642 = arith.constant 0 : i32
        %get3A_643 = arith.index_cast %get3A_642 : i32 to index
        %get3A_644 = arith.constant 48 : index
        %get3A_645 = tpu.vector_load %arg11[%get3A_643, %get3A_644] {strides = array<i32>} : memref<4x128xi32, #tpu.memory_space<vmem>>, vector<16xi32>,
        %shift_right_arithmetic3A_646 = arith.constant 1 : i32
        %shift_right_arithmetic3A_647 = vector.broadcast %shift_right_arithmetic3A_646 : i32 to vector<16xi32>
        %shift_right_arithmetic3A_648 = arith.shrsi %get3A_645, %shift_right_arithmetic3A_647 : vector<16xi32>
        %swap3A_649 = arith.constant 0 : i32
        %swap3A_650 = arith.index_cast %swap3A_649 : i32 to index
        %swap3A_651 = arith.constant 48 : index
        %swap3A_652 = tpu.vector_load %arg12[%swap3A_650, %swap3A_651] {strides = array<i32>} : memref<4x128xi32, #tpu.memory_space<vmem>>, vector<16xi32>,
        tpu.vector_store %arg12[%swap3A_650, %swap3A_651], %shift_right_arithmetic3A_648 {strides = array<i32>} : memref<4x128xi32, #tpu.memory_space<vmem>>, vector<16xi32>,
        %get3A_653 = arith.constant 0 : i32
        %get3A_654 = arith.index_cast %get3A_653 : i32 to index
        %get3A_655 = arith.constant 64 : index
        %get3A_656 = tpu.vector_load %arg11[%get3A_654, %get3A_655] {strides = array<i32>} : memref<4x128xi32, #tpu.memory_space<vmem>>, vector<16xi32>,
        %shift_right_arithmetic3A_657 = arith.constant 1 : i32
        %shift_right_arithmetic3A_658 = vector.broadcast %shift_right_arithmetic3A_657 : i32 to vector<16xi32>
        %shift_right_arithmetic3A_659 = arith.shrsi %get3A_656, %shift_right_arithmetic3A_658 : vector<16xi32>
        %swap3A_660 = arith.constant 0 : i32
        %swap3A_661 = arith.index_cast %swap3A_660 : i32 to index
        %swap3A_662 = arith.constant 64 : index
        %swap3A_663 = tpu.vector_load %arg12[%swap3A_661, %swap3A_662] {strides = array<i32>} : memref<4x128xi32, #tpu.memory_space<vmem>>, vector<16xi32>,
        tpu.vector_store %arg12[%swap3A_661, %swap3A_662], %shift_right_arithmetic3A_659 {strides = array<i32>} : memref<4x128xi32, #tpu.memory_space<vmem>>, vector<16xi32>,
        %get3A_664 = arith.constant 0 : i32
        %get3A_665 = arith.index_cast %get3A_664 : i32 to index
        %get3A_666 = arith.constant 80 : index
        %get3A_667 = tpu.vector_load %arg11[%get3A_665, %get3A_666] {strides = array<i32>} : memref<4x128xi32, #tpu.memory_space<vmem>>, vector<16xi32>,
        %shift_right_arithmetic3A_668 = arith.constant 1 : i32
        %shift_right_arithmetic3A_669 = vector.broadcast %shift_right_arithmetic3A_668 : i32 to vector<16xi32>
        %shift_right_arithmetic3A_670 = arith.shrsi %get3A_667, %shift_right_arithmetic3A_669 : vector<16xi32>
        %swap3A_671 = arith.constant 0 : i32
        %swap3A_672 = arith.index_cast %swap3A_671 : i32 to index
        %swap3A_673 = arith.constant 80 : index
        %swap3A_674 = tpu.vector_load %arg12[%swap3A_672, %swap3A_673] {strides = array<i32>} : memref<4x128xi32, #tpu.memory_space<vmem>>, vector<16xi32>,
        tpu.vector_store %arg12[%swap3A_672, %swap3A_673], %shift_right_arithmetic3A_670 {strides = array<i32>} : memref<4x128xi32, #tpu.memory_space<vmem>>, vector<16xi32>,
        %get3A_675 = arith.constant 0 : i32
        %get3A_676 = arith.index_cast %get3A_675 : i32 to index
        %get3A_677 = arith.constant 96 : index
        %get3A_678 = tpu.vector_load %arg11[%get3A_676, %get3A_677] {strides = array<i32>} : memref<4x128xi32, #tpu.memory_space<vmem>>, vector<16xi32>,
        %shift_right_arithmetic3A_679 = arith.constant 1 : i32
        %shift_right_arithmetic3A_680 = vector.broadcast %shift_right_arithmetic3A_679 : i32 to vector<16xi32>
        %shift_right_arithmetic3A_681 = arith.shrsi %get3A_678, %shift_right_arithmetic3A_680 : vector<16xi32>
        %swap3A_682 = arith.constant 0 : i32
        %swap3A_683 = arith.index_cast %swap3A_682 : i32 to index
        %swap3A_684 = arith.constant 96 : index
        %swap3A_685 = tpu.vector_load %arg12[%swap3A_683, %swap3A_684] {strides = array<i32>} : memref<4x128xi32, #tpu.memory_space<vmem>>, vector<16xi32>,
        tpu.vector_store %arg12[%swap3A_683, %swap3A_684], %shift_right_arithmetic3A_681 {strides = array<i32>} : memref<4x128xi32, #tpu.memory_space<vmem>>, vector<16xi32>,
        %get3A_686 = arith.constant 0 : i32
        %get3A_687 = arith.index_cast %get3A_686 : i32 to index
        %get3A_688 = arith.constant 112 : index
        %get3A_689 = tpu.vector_load %arg11[%get3A_687, %get3A_688] {strides = array<i32>} : memref<4x128xi32, #tpu.memory_space<vmem>>, vector<16xi32>,
        %shift_right_arithmetic3A_690 = arith.constant 1 : i32
        %shift_right_arithmetic3A_691 = vector.broadcast %shift_right_arithmetic3A_690 : i32 to vector<16xi32>
        %shift_right_arithmetic3A_692 = arith.shrsi %get3A_689, %shift_right_arithmetic3A_691 : vector<16xi32>
        %swap3A_693 = arith.constant 0 : i32
        %swap3A_694 = arith.index_cast %swap3A_693 : i32 to index
        %swap3A_695 = arith.constant 112 : index
        %swap3A_696 = tpu.vector_load %arg12[%swap3A_694, %swap3A_695] {strides = array<i32>} : memref<4x128xi32, #tpu.memory_space<vmem>>, vector<16xi32>,
        tpu.vector_store %arg12[%swap3A_694, %swap3A_695], %shift_right_arithmetic3A_692 {strides = array<i32>} : memref<4x128xi32, #tpu.memory_space<vmem>>, vector<16xi32>,
        %get3A_697 = arith.constant 1 : i32
        %get3A_698 = arith.index_cast %get3A_697 : i32 to index
        %get3A_699 = arith.constant 0 : index
        %get3A_700 = tpu.vector_load %arg11[%get3A_698, %get3A_699] {strides = array<i32>} : memref<4x128xi32, #tpu.memory_space<vmem>>, vector<16xi32>,
        %shift_right_arithmetic3A_701 = arith.constant 1 : i32
        %shift_right_arithmetic3A_702 = vector.broadcast %shift_right_arithmetic3A_701 : i32 to vector<16xi32>
        %shift_right_arithmetic3A_703 = arith.shrsi %get3A_700, %shift_right_arithmetic3A_702 : vector<16xi32>
        %swap3A_704 = arith.constant 1 : i32
        %swap3A_705 = arith.index_cast %swap3A_704 : i32 to index
        %swap3A_706 = arith.constant 0 : index
        %swap3A_707 = tpu.vector_load %arg12[%swap3A_705, %swap3A_706] {strides = array<i32>} : memref<4x128xi32, #tpu.memory_space<vmem>>, vector<16xi32>,
        tpu.vector_store %arg12[%swap3A_705, %swap3A_706], %shift_right_arithmetic3A_703 {strides = array<i32>} : memref<4x128xi32, #tpu.memory_space<vmem>>, vector<16xi32>,
        %get3A_708 = arith.constant 1 : i32
        %get3A_709 = arith.index_cast %get3A_708 : i32 to index
        %get3A_710 = arith.constant 16 : index
        %get3A_711 = tpu.vector_load %arg11[%get3A_709, %get3A_710] {strides = array<i32>} : memref<4x128xi32, #tpu.memory_space<vmem>>, vector<16xi32>,
        %shift_right_arithmetic3A_712 = arith.constant 1 : i32
        %shift_right_arithmetic3A_713 = vector.broadcast %shift_right_arithmetic3A_712 : i32 to vector<16xi32>
        %shift_right_arithmetic3A_714 = arith.shrsi %get3A_711, %shift_right_arithmetic3A_713 : vector<16xi32>
        %swap3A_715 = arith.constant 1 : i32
        %swap3A_716 = arith.index_cast %swap3A_715 : i32 to index
        %swap3A_717 = arith.constant 16 : index
        %swap3A_718 = tpu.vector_load %arg12[%swap3A_716, %swap3A_717] {strides = array<i32>} : memref<4x128xi32, #tpu.memory_space<vmem>>, vector<16xi32>,
        tpu.vector_store %arg12[%swap3A_716, %swap3A_717], %shift_right_arithmetic3A_714 {strides = array<i32>} : memref<4x128xi32, #tpu.memory_space<vmem>>, vector<16xi32>,
        %get3A_719 = arith.constant 1 : i32
        %get3A_720 = arith.index_cast %get3A_719 : i32 to index
        %get3A_721 = arith.constant 32 : index
        %get3A_722 = tpu.vector_load %arg11[%get3A_720, %get3A_721] {strides = array<i32>} : memref<4x128xi32, #tpu.memory_space<vmem>>, vector<16xi32>,
        %shift_right_arithmetic3A_723 = arith.constant 1 : i32
        %shift_right_arithmetic3A_724 = vector.broadcast %shift_right_arithmetic3A_723 : i32 to vector<16xi32>
        %shift_right_arithmetic3A_725 = arith.shrsi %get3A_722, %shift_right_arithmetic3A_724 : vector<16xi32>
        %swap3A_726 = arith.constant 1 : i32
        %swap3A_727 = arith.index_cast %swap3A_726 : i32 to index
        %swap3A_728 = arith.constant 32 : index
        %swap3A_729 = tpu.vector_load %arg12[%swap3A_727, %swap3A_728] {strides = array<i32>} : memref<4x128xi32, #tpu.memory_space<vmem>>, vector<16xi32>,
        tpu.vector_store %arg12[%swap3A_727, %swap3A_728], %shift_right_arithmetic3A_725 {strides = array<i32>} : memref<4x128xi32, #tpu.memory_space<vmem>>, vector<16xi32>,
        %get3A_730 = arith.constant 1 : i32
        %get3A_731 = arith.index_cast %get3A_730 : i32 to index
        %get3A_732 = arith.constant 48 : index
        %get3A_733 = tpu.vector_load %arg11[%get3A_731, %get3A_732] {strides = array<i32>} : memref<4x128xi32, #tpu.memory_space<vmem>>, vector<16xi32>,
        %shift_right_arithmetic3A_734 = arith.constant 1 : i32
        %shift_right_arithmetic3A_735 = vector.broadcast %shift_right_arithmetic3A_734 : i32 to vector<16xi32>
        %shift_right_arithmetic3A_736 = arith.shrsi %get3A_733, %shift_right_arithmetic3A_735 : vector<16xi32>
        %swap3A_737 = arith.constant 1 : i32
        %swap3A_738 = arith.index_cast %swap3A_737 : i32 to index
        %swap3A_739 = arith.constant 48 : index
        %swap3A_740 = tpu.vector_load %arg12[%swap3A_738, %swap3A_739] {strides = array<i32>} : memref<4x128xi32, #tpu.memory_space<vmem>>, vector<16xi32>,
        tpu.vector_store %arg12[%swap3A_738, %swap3A_739], %shift_right_arithmetic3A_736 {strides = array<i32>} : memref<4x128xi32, #tpu.memory_space<vmem>>, vector<16xi32>,
        %get3A_741 = arith.constant 1 : i32
        %get3A_742 = arith.index_cast %get3A_741 : i32 to index
        %get3A_743 = arith.constant 64 : index
        %get3A_744 = tpu.vector_load %arg11[%get3A_742, %get3A_743] {strides = array<i32>} : memref<4x128xi32, #tpu.memory_space<vmem>>, vector<16xi32>,
        %shift_right_arithmetic3A_745 = arith.constant 1 : i32
        %shift_right_arithmetic3A_746 = vector.broadcast %shift_right_arithmetic3A_745 : i32 to vector<16xi32>
        %shift_right_arithmetic3A_747 = arith.shrsi %get3A_744, %shift_right_arithmetic3A_746 : vector<16xi32>
        %swap3A_748 = arith.constant 1 : i32
        %swap3A_749 = arith.index_cast %swap3A_748 : i32 to index
        %swap3A_750 = arith.constant 64 : index
        %swap3A_751 = tpu.vector_load %arg12[%swap3A_749, %swap3A_750] {strides = array<i32>} : memref<4x128xi32, #tpu.memory_space<vmem>>, vector<16xi32>,
        tpu.vector_store %arg12[%swap3A_749, %swap3A_750], %shift_right_arithmetic3A_747 {strides = array<i32>} : memref<4x128xi32, #tpu.memory_space<vmem>>, vector<16xi32>,
        %get3A_752 = arith.constant 1 : i32
        %get3A_753 = arith.index_cast %get3A_752 : i32 to index
        %get3A_754 = arith.constant 80 : index
        %get3A_755 = tpu.vector_load %arg11[%get3A_753, %get3A_754] {strides = array<i32>} : memref<4x128xi32, #tpu.memory_space<vmem>>, vector<16xi32>,
        %shift_right_arithmetic3A_756 = arith.constant 1 : i32
        %shift_right_arithmetic3A_757 = vector.broadcast %shift_right_arithmetic3A_756 : i32 to vector<16xi32>
        %shift_right_arithmetic3A_758 = arith.shrsi %get3A_755, %shift_right_arithmetic3A_757 : vector<16xi32>
        %swap3A_759 = arith.constant 1 : i32
        %swap3A_760 = arith.index_cast %swap3A_759 : i32 to index
        %swap3A_761 = arith.constant 80 : index
        %swap3A_762 = tpu.vector_load %arg12[%swap3A_760, %swap3A_761] {strides = array<i32>} : memref<4x128xi32, #tpu.memory_space<vmem>>, vector<16xi32>,
        tpu.vector_store %arg12[%swap3A_760, %swap3A_761], %shift_right_arithmetic3A_758 {strides = array<i32>} : memref<4x128xi32, #tpu.memory_space<vmem>>, vector<16xi32>,
        %get3A_763 = arith.constant 1 : i32
        %get3A_764 = arith.index_cast %get3A_763 : i32 to index
        %get3A_765 = arith.constant 96 : index
        %get3A_766 = tpu.vector_load %arg11[%get3A_764, %get3A_765] {strides = array<i32>} : memref<4x128xi32, #tpu.memory_space<vmem>>, vector<16xi32>,
        %shift_right_arithmetic3A_767 = arith.constant 1 : i32
        %shift_right_arithmetic3A_768 = vector.broadcast %shift_right_arithmetic3A_767 : i32 to vector<16xi32>
        %shift_right_arithmetic3A_769 = arith.shrsi %get3A_766, %shift_right_arithmetic3A_768 : vector<16xi32>
        %swap3A_770 = arith.constant 1 : i32
        %swap3A_771 = arith.index_cast %swap3A_770 : i32 to index
        %swap3A_772 = arith.constant 96 : index
        %swap3A_773 = tpu.vector_load %arg12[%swap3A_771, %swap3A_772] {strides = array<i32>} : memref<4x128xi32, #tpu.memory_space<vmem>>, vector<16xi32>,
        tpu.vector_store %arg12[%swap3A_771, %swap3A_772], %shift_right_arithmetic3A_769 {strides = array<i32>} : memref<4x128xi32, #tpu.memory_space<vmem>>, vector<16xi32>,
        %get3A_774 = arith.constant 1 : i32
        %get3A_775 = arith.index_cast %get3A_774 : i32 to index
        %get3A_776 = arith.constant 112 : index
        %get3A_777 = tpu.vector_load %arg11[%get3A_775, %get3A_776] {strides = array<i32>} : memref<4x128xi32, #tpu.memory_space<vmem>>, vector<16xi32>,
        %shift_right_arithmetic3A_778 = arith.constant 1 : i32
        %shift_right_arithmetic3A_779 = vector.broadcast %shift_right_arithmetic3A_778 : i32 to vector<16xi32>
        %shift_right_arithmetic3A_780 = arith.shrsi %get3A_777, %shift_right_arithmetic3A_779 : vector<16xi32>
        %swap3A_781 = arith.constant 1 : i32
        %swap3A_782 = arith.index_cast %swap3A_781 : i32 to index
        %swap3A_783 = arith.constant 112 : index
        %swap3A_784 = tpu.vector_load %arg12[%swap3A_782, %swap3A_783] {strides = array<i32>} : memref<4x128xi32, #tpu.memory_space<vmem>>, vector<16xi32>,
        tpu.vector_store %arg12[%swap3A_782, %swap3A_783], %shift_right_arithmetic3A_780 {strides = array<i32>} : memref<4x128xi32, #tpu.memory_space<vmem>>, vector<16xi32>,
        %dma_start3A_785 = arith.constant 0 : i32
        %dma_start3A_786 = arith.constant 0 : i32
        %dma_start3A_787 = tpu.memref_slice %arg13[%dma_start3A_785, %dma_start3A_786] : memref<64x128xf32, #tpu.memory_space<vmem>> -> memref<32x128xf32, #tpu.memory_space<vmem>>
        %dma_start3A_788 = arith.constant 0 : i32
        %dma_start3A_789 = tpu.memref_slice %arg10[%dma_start3A_788] : memref<64xi32, #tpu.memory_space<vmem>> -> memref<32xi32, #tpu.memory_space<vmem>>
        %dma_start3A_790 = arith.constant 0 : i32
        %dma_start3A_791 = arith.constant 0 : i32
        %dma_start3A_792 = tpu.memref_slice %arg4[%dma_start3A_790, %dma_start3A_791] : memref<500000x128xf32, #tpu.memory_space<hbm>> -> memref<500000x128xf32, #tpu.memory_space<hbm>>
        tpu.enqueue_indirect_dma source(%dma_start3A_792 : memref<500000x128xf32, #tpu.memory_space<hbm>>) target(%dma_start3A_787 : memref<32x128xf32, #tpu.memory_space<vmem>>) offsets(%dma_start3A_789 : memref<32xi32, #tpu.memory_space<vmem>>) semaphore(%arg21 : memref<!tpu.dma_semaphore, #tpu.memory_space<semaphore_mem>>)
        %dma_start3A_793 = arith.constant 0 : i32
        %dma_start3A_794 = arith.constant 0 : i32
        %dma_start3A_795 = arith.constant 0 : i32
        %dma_start3A_796 = tpu.memref_slice %arg14[%dma_start3A_794, %dma_start3A_795] : memref<512x128xf32, #tpu.memory_space<vmem>> -> memref<128x128xf32, #tpu.memory_space<vmem>>
        %dma_start3A_797 = arith.constant 0 : i32
        %dma_start3A_798 = tpu.memref_slice %arg12[%dma_start3A_793, %dma_start3A_797] : memref<4x128xi32, #tpu.memory_space<vmem>> -> memref<1x128xi32, #tpu.memory_space<vmem>>
        %dma_start3A_799 = tpu.memref_squeeze %dma_start3A_798 : memref<1x128xi32, #tpu.memory_space<vmem>> -> memref<128xi32, #tpu.memory_space<vmem>>
        %dma_start3A_800 = arith.constant 0 : i32
        %dma_start3A_801 = arith.constant 0 : i32
        %dma_start3A_802 = tpu.memref_slice %arg4[%dma_start3A_800, %dma_start3A_801] : memref<500000x128xf32, #tpu.memory_space<hbm>> -> memref<500000x128xf32, #tpu.memory_space<hbm>>
        tpu.enqueue_indirect_dma source(%dma_start3A_802 : memref<500000x128xf32, #tpu.memory_space<hbm>>) target(%dma_start3A_796 : memref<128x128xf32, #tpu.memory_space<vmem>>) offsets(%dma_start3A_799 : memref<128xi32, #tpu.memory_space<vmem>>) semaphore(%arg21 : memref<!tpu.dma_semaphore, #tpu.memory_space<semaphore_mem>>)
        %dma_start3A_803 = arith.constant 1 : i32
        %dma_start3A_804 = arith.constant 128 : i32
        %dma_start3A_805 = arith.constant 0 : i32
        %dma_start3A_806 = tpu.memref_slice %arg14[%dma_start3A_804, %dma_start3A_805] : memref<512x128xf32, #tpu.memory_space<vmem>> -> memref<128x128xf32, #tpu.memory_space<vmem>>
        %dma_start3A_807 = arith.constant 0 : i32
        %dma_start3A_808 = tpu.memref_slice %arg12[%dma_start3A_803, %dma_start3A_807] : memref<4x128xi32, #tpu.memory_space<vmem>> -> memref<1x128xi32, #tpu.memory_space<vmem>>
        %dma_start3A_809 = tpu.memref_squeeze %dma_start3A_808 : memref<1x128xi32, #tpu.memory_space<vmem>> -> memref<128xi32, #tpu.memory_space<vmem>>
        %dma_start3A_810 = arith.constant 0 : i32
        %dma_start3A_811 = arith.constant 0 : i32
        %dma_start3A_812 = tpu.memref_slice %arg4[%dma_start3A_810, %dma_start3A_811] : memref<500000x128xf32, #tpu.memory_space<hbm>> -> memref<500000x128xf32, #tpu.memory_space<hbm>>
        tpu.enqueue_indirect_dma source(%dma_start3A_812 : memref<500000x128xf32, #tpu.memory_space<hbm>>) target(%dma_start3A_806 : memref<128x128xf32, #tpu.memory_space<vmem>>) offsets(%dma_start3A_809 : memref<128xi32, #tpu.memory_space<vmem>>) semaphore(%arg21 : memref<!tpu.dma_semaphore, #tpu.memory_space<semaphore_mem>>)
      } else {
      }
      %dma_wait3A_527 = arith.constant 0 : i32
      %dma_wait3A_528 = arith.constant 0 : i32
      %dma_wait3A_529 = tpu.memref_slice %arg13[%dma_wait3A_527, %dma_wait3A_528] : memref<64x128xf32, #tpu.memory_space<vmem>> -> memref<32x128xf32, #tpu.memory_space<vmem>>
      %dma_wait3A_530 = arith.constant 0 : i32
      %dma_wait3A_531 = arith.constant 0 : i32
      %dma_wait3A_532 = tpu.memref_slice %arg4[%dma_wait3A_530, %dma_wait3A_531] : memref<500000x128xf32, #tpu.memory_space<hbm>> -> memref<32x128xf32, #tpu.memory_space<hbm>>
      %dma_wait3A_533 = arith.constant 0 : i32
      %dma_wait3A_534 = arith.constant 0 : i32
      %dma_wait3A_535 = tpu.memref_slice %arg13[%dma_wait3A_533, %dma_wait3A_534] : memref<64x128xf32, #tpu.memory_space<vmem>> -> memref<32x128xf32, #tpu.memory_space<vmem>>
      %dma_wait3A_536 = arith.constant 0 : i32
      %dma_wait3A_537 = arith.constant 0 : i32
      %dma_wait3A_538 = tpu.memref_slice %arg4[%dma_wait3A_536, %dma_wait3A_537] : memref<500000x128xf32, #tpu.memory_space<hbm>> -> memref<32x128xf32, #tpu.memory_space<hbm>>
      tpu.wait_dma2 semaphore(%arg22 : memref<!tpu.dma_semaphore, #tpu.memory_space<semaphore_mem>>) src(%dma_wait3A_538 : memref<32x128xf32, #tpu.memory_space<hbm>>) dst(%dma_wait3A_535 : memref<32x128xf32, #tpu.memory_space<vmem>>)
      %dma_wait3A_539 = arith.constant 0 : i32
      %dma_wait3A_540 = arith.constant 0 : i32
      %dma_wait3A_541 = tpu.memref_slice %arg14[%dma_wait3A_539, %dma_wait3A_540] : memref<512x128xf32, #tpu.memory_space<vmem>> -> memref<128x128xf32, #tpu.memory_space<vmem>>
      %dma_wait3A_542 = arith.constant 0 : i32
      %dma_wait3A_543 = arith.constant 0 : i32
      %dma_wait3A_544 = tpu.memref_slice %arg4[%dma_wait3A_542, %dma_wait3A_543] : memref<500000x128xf32, #tpu.memory_space<hbm>> -> memref<128x128xf32, #tpu.memory_space<hbm>>
      %dma_wait3A_545 = arith.constant 0 : i32
      %dma_wait3A_546 = arith.constant 0 : i32
      %dma_wait3A_547 = tpu.memref_slice %arg14[%dma_wait3A_545, %dma_wait3A_546] : memref<512x128xf32, #tpu.memory_space<vmem>> -> memref<128x128xf32, #tpu.memory_space<vmem>>
      %dma_wait3A_548 = arith.constant 0 : i32
      %dma_wait3A_549 = arith.constant 0 : i32
      %dma_wait3A_550 = tpu.memref_slice %arg4[%dma_wait3A_548, %dma_wait3A_549] : memref<500000x128xf32, #tpu.memory_space<hbm>> -> memref<128x128xf32, #tpu.memory_space<hbm>>
      tpu.wait_dma2 semaphore(%arg22 : memref<!tpu.dma_semaphore, #tpu.memory_space<semaphore_mem>>) src(%dma_wait3A_550 : memref<128x128xf32, #tpu.memory_space<hbm>>) dst(%dma_wait3A_547 : memref<128x128xf32, #tpu.memory_space<vmem>>)
      %dma_wait3A_551 = arith.constant 0 : i32
      %dma_wait3A_552 = arith.constant 0 : i32
      %dma_wait3A_553 = tpu.memref_slice %arg14[%dma_wait3A_551, %dma_wait3A_552] : memref<512x128xf32, #tpu.memory_space<vmem>> -> memref<128x128xf32, #tpu.memory_space<vmem>>
      %dma_wait3A_554 = arith.constant 0 : i32
      %dma_wait3A_555 = arith.constant 0 : i32
      %dma_wait3A_556 = tpu.memref_slice %arg4[%dma_wait3A_554, %dma_wait3A_555] : memref<500000x128xf32, #tpu.memory_space<hbm>> -> memref<128x128xf32, #tpu.memory_space<hbm>>
      %dma_wait3A_557 = arith.constant 0 : i32
      %dma_wait3A_558 = arith.constant 0 : i32
      %dma_wait3A_559 = tpu.memref_slice %arg14[%dma_wait3A_557, %dma_wait3A_558] : memref<512x128xf32, #tpu.memory_space<vmem>> -> memref<128x128xf32, #tpu.memory_space<vmem>>
      %dma_wait3A_560 = arith.constant 0 : i32
      %dma_wait3A_561 = arith.constant 0 : i32
      %dma_wait3A_562 = tpu.memref_slice %arg4[%dma_wait3A_560, %dma_wait3A_561] : memref<500000x128xf32, #tpu.memory_space<hbm>> -> memref<128x128xf32, #tpu.memory_space<hbm>>
      tpu.wait_dma2 semaphore(%arg22 : memref<!tpu.dma_semaphore, #tpu.memory_space<semaphore_mem>>) src(%dma_wait3A_562 : memref<128x128xf32, #tpu.memory_space<hbm>>) dst(%dma_wait3A_559 : memref<128x128xf32, #tpu.memory_space<vmem>>)
      %add3A_563 = arith.constant 1 : i32
      %add3A_564 = arith.addi %mul3A_237, %add3A_563 : i32
      %mul3A_565 = arith.constant 512 : i32
      %mul3A_566 = arith.muli %add3A, %mul3A_565 : i32
      %mul3A_567 = arith.constant 32 : i32
      %mul3A_568 = arith.muli %add3A_564, %mul3A_567 : i32
      %add3A_569 = arith.addi %mul3A_566, %mul3A_568 : i32
      %scan3A_570 = arith.constant 0 : i32
      %scan3A_571 = arith.constant 0 : i32
      %scan3A_572 = arith.constant 2 : i32
      %scan3A_573 = arith.addi %scan3A_571, %scan3A_572 : i32
      %scan3A_574 = arith.constant 1 : i32
      scf.for %scan3A_578 = %scan3A_571 to %scan3A_573 step %scan3A_574  : i32 {
        %mul3A_579 = arith.constant 16 : i32
        %mul3A_580 = arith.muli %scan3A_578, %mul3A_579 : i32
        %add3A_581 = vector.broadcast %mul3A_580 : i32 to vector<16xi32>
        %add3A_582 = arith.addi %add3A_581, %iota3A : vector<16xi32>
        %add3A_583 = arith.constant 32 : i32
        %add3A_584 = vector.broadcast %add3A_583 : i32 to vector<16xi32>
        %add3A_585 = arith.addi %add3A_584, %add3A_582 : vector<16xi32>
        %gather3A = tpu.vector_load_idx %arg9[%add3A_585] : memref<64xi32, #tpu.memory_space<vmem>>[vector<16xi32>], vector<16xi32>,
        %and3A = arith.constant 1 : i32
        %and3A_586 = vector.broadcast %and3A : i32 to vector<16xi32>
        %and3A_587 = arith.andi %gather3A, %and3A_586 : vector<16xi32>
        %mul3A_588 = arith.constant 64 : i32
        %mul3A_589 = vector.broadcast %mul3A_588 : i32 to vector<16xi32>
        %mul3A_590 = arith.muli %and3A_587, %mul3A_589 : vector<16xi32>
        %mul3A_591 = arith.constant 128 : i32
        %mul3A_592 = arith.muli %scan3A_578, %mul3A_591 : i32
        %add3A_593 = arith.constant 0 : i32
        %add3A_594 = arith.addi %mul3A_592, %add3A_593 : i32
        %mul3A_595 = arith.constant 8 : i32
        %mul3A_596 = vector.broadcast %mul3A_595 : i32 to vector<16xi32>
        %mul3A_597 = arith.muli %iota3A, %mul3A_596 : vector<16xi32>
        %add3A_598 = vector.broadcast %add3A_594 : i32 to vector<16xi32>
        %add3A_599 = arith.addi %add3A_598, %mul3A_597 : vector<16xi32>
        %mul3A_600 = arith.constant 128 : i32
        %mul3A_601 = arith.muli %scan3A_578, %mul3A_600 : i32
        %add3A_602 = arith.constant 1 : i32
        %add3A_603 = arith.addi %mul3A_601, %add3A_602 : i32
        %mul3A_604 = arith.constant 8 : i32
        %mul3A_605 = vector.broadcast %mul3A_604 : i32 to vector<16xi32>
        %mul3A_606 = arith.muli %iota3A, %mul3A_605 : vector<16xi32>
        %add3A_607 = vector.broadcast %add3A_603 : i32 to vector<16xi32>
        %add3A_608 = arith.addi %add3A_607, %mul3A_606 : vector<16xi32>
        %mul3A_609 = arith.constant 128 : i32
        %mul3A_610 = arith.muli %scan3A_578, %mul3A_609 : i32
        %add3A_611 = arith.constant 2 : i32
        %add3A_612 = arith.addi %mul3A_610, %add3A_611 : i32
        %mul3A_613 = arith.constant 8 : i32
        %mul3A_614 = vector.broadcast %mul3A_613 : i32 to vector<16xi32>
        %mul3A_615 = arith.muli %iota3A, %mul3A_614 : vector<16xi32>
        %add3A_616 = vector.broadcast %add3A_612 : i32 to vector<16xi32>
        %add3A_617 = arith.addi %add3A_616, %mul3A_615 : vector<16xi32>
        %mul3A_618 = arith.constant 128 : i32
        %mul3A_619 = arith.muli %scan3A_578, %mul3A_618 : i32
        %add3A_620 = arith.constant 3 : i32
        %add3A_621 = arith.addi %mul3A_619, %add3A_620 : i32
        %mul3A_622 = arith.constant 8 : i32
        %mul3A_623 = vector.broadcast %mul3A_622 : i32 to vector<16xi32>
        %mul3A_624 = arith.muli %iota3A, %mul3A_623 : vector<16xi32>
        %add3A_625 = vector.broadcast %add3A_621 : i32 to vector<16xi32>
        %add3A_626 = arith.addi %add3A_625, %mul3A_624 : vector<16xi32>
        %mul3A_627 = arith.constant 128 : i32
        %mul3A_628 = arith.muli %scan3A_578, %mul3A_627 : i32
        %add3A_629 = arith.constant 4 : i32
        %add3A_630 = arith.addi %mul3A_628, %add3A_629 : i32
        %mul3A_631 = arith.constant 8 : i32
        %mul3A_632 = vector.broadcast %mul3A_631 : i32 to vector<16xi32>
        %mul3A_633 = arith.muli %iota3A, %mul3A_632 : vector<16xi32>
        %add3A_634 = vector.broadcast %add3A_630 : i32 to vector<16xi32>
        %add3A_635 = arith.addi %add3A_634, %mul3A_633 : vector<16xi32>
        %mul3A_636 = arith.constant 128 : i32
        %mul3A_637 = arith.muli %scan3A_578, %mul3A_636 : i32
        %add3A_638 = arith.constant 5 : i32
        %add3A_639 = arith.addi %mul3A_637, %add3A_638 : i32
        %mul3A_640 = arith.constant 8 : i32
        %mul3A_641 = vector.broadcast %mul3A_640 : i32 to vector<16xi32>
        %mul3A_642 = arith.muli %iota3A, %mul3A_641 : vector<16xi32>
        %add3A_643 = vector.broadcast %add3A_639 : i32 to vector<16xi32>
        %add3A_644 = arith.addi %add3A_643, %mul3A_642 : vector<16xi32>
        %mul3A_645 = arith.constant 128 : i32
        %mul3A_646 = arith.muli %scan3A_578, %mul3A_645 : i32
        %add3A_647 = arith.constant 6 : i32
        %add3A_648 = arith.addi %mul3A_646, %add3A_647 : i32
        %mul3A_649 = arith.constant 8 : i32
        %mul3A_650 = vector.broadcast %mul3A_649 : i32 to vector<16xi32>
        %mul3A_651 = arith.muli %iota3A, %mul3A_650 : vector<16xi32>
        %add3A_652 = vector.broadcast %add3A_648 : i32 to vector<16xi32>
        %add3A_653 = arith.addi %add3A_652, %mul3A_651 : vector<16xi32>
        %mul3A_654 = arith.constant 128 : i32
        %mul3A_655 = arith.muli %scan3A_578, %mul3A_654 : i32
        %add3A_656 = arith.constant 7 : i32
        %add3A_657 = arith.addi %mul3A_655, %add3A_656 : i32
        %mul3A_658 = arith.constant 8 : i32
        %mul3A_659 = vector.broadcast %mul3A_658 : i32 to vector<16xi32>
        %mul3A_660 = arith.muli %iota3A, %mul3A_659 : vector<16xi32>
        %add3A_661 = vector.broadcast %add3A_657 : i32 to vector<16xi32>
        %add3A_662 = arith.addi %add3A_661, %mul3A_660 : vector<16xi32>
        %shift_right_arithmetic3A_663 = arith.constant 7 : i32
        %shift_right_arithmetic3A_664 = vector.broadcast %shift_right_arithmetic3A_663 : i32 to vector<16xi32>
        %shift_right_arithmetic3A_665 = arith.shrsi %add3A_599, %shift_right_arithmetic3A_664 : vector<16xi32>
        %add3A_666 = arith.constant 2 : i32
        %add3A_667 = vector.broadcast %add3A_666 : i32 to vector<16xi32>
        %add3A_668 = arith.addi %add3A_667, %shift_right_arithmetic3A_665 : vector<16xi32>
        %and3A_669 = arith.constant 127 : i32
        %and3A_670 = vector.broadcast %and3A_669 : i32 to vector<16xi32>
        %and3A_671 = arith.andi %add3A_599, %and3A_670 : vector<16xi32>
        %gather3A_672 = tpu.vector_load_idx %arg11[%add3A_668, %and3A_671] : memref<4x128xi32, #tpu.memory_space<vmem>>[vector<16xi32>, vector<16xi32>], vector<16xi32>,
        %and3A_673 = arith.constant 1 : i32
        %and3A_674 = vector.broadcast %and3A_673 : i32 to vector<16xi32>
        %and3A_675 = arith.andi %gather3A_672, %and3A_674 : vector<16xi32>
        %mul3A_676 = arith.constant 64 : i32
        %mul3A_677 = vector.broadcast %mul3A_676 : i32 to vector<16xi32>
        %mul3A_678 = arith.muli %and3A_675, %mul3A_677 : vector<16xi32>
        %add3A_679 = arith.constant 256 : i32
        %add3A_680 = vector.broadcast %add3A_679 : i32 to vector<16xi32>
        %add3A_681 = arith.addi %add3A_680, %add3A_599 : vector<16xi32>
        %shift_right_arithmetic3A_682 = arith.constant 7 : i32
        %shift_right_arithmetic3A_683 = vector.broadcast %shift_right_arithmetic3A_682 : i32 to vector<16xi32>
        %shift_right_arithmetic3A_684 = arith.shrsi %add3A_608, %shift_right_arithmetic3A_683 : vector<16xi32>
        %add3A_685 = arith.constant 2 : i32
        %add3A_686 = vector.broadcast %add3A_685 : i32 to vector<16xi32>
        %add3A_687 = arith.addi %add3A_686, %shift_right_arithmetic3A_684 : vector<16xi32>
        %and3A_688 = arith.constant 127 : i32
        %and3A_689 = vector.broadcast %and3A_688 : i32 to vector<16xi32>
        %and3A_690 = arith.andi %add3A_608, %and3A_689 : vector<16xi32>
        %gather3A_691 = tpu.vector_load_idx %arg11[%add3A_687, %and3A_690] : memref<4x128xi32, #tpu.memory_space<vmem>>[vector<16xi32>, vector<16xi32>], vector<16xi32>,
        %and3A_692 = arith.constant 1 : i32
        %and3A_693 = vector.broadcast %and3A_692 : i32 to vector<16xi32>
        %and3A_694 = arith.andi %gather3A_691, %and3A_693 : vector<16xi32>
        %mul3A_695 = arith.constant 64 : i32
        %mul3A_696 = vector.broadcast %mul3A_695 : i32 to vector<16xi32>
        %mul3A_697 = arith.muli %and3A_694, %mul3A_696 : vector<16xi32>
        %add3A_698 = arith.constant 256 : i32
        %add3A_699 = vector.broadcast %add3A_698 : i32 to vector<16xi32>
        %add3A_700 = arith.addi %add3A_699, %add3A_608 : vector<16xi32>
        %shift_right_arithmetic3A_701 = arith.constant 7 : i32
        %shift_right_arithmetic3A_702 = vector.broadcast %shift_right_arithmetic3A_701 : i32 to vector<16xi32>
        %shift_right_arithmetic3A_703 = arith.shrsi %add3A_617, %shift_right_arithmetic3A_702 : vector<16xi32>
        %add3A_704 = arith.constant 2 : i32
        %add3A_705 = vector.broadcast %add3A_704 : i32 to vector<16xi32>
        %add3A_706 = arith.addi %add3A_705, %shift_right_arithmetic3A_703 : vector<16xi32>
        %and3A_707 = arith.constant 127 : i32
        %and3A_708 = vector.broadcast %and3A_707 : i32 to vector<16xi32>
        %and3A_709 = arith.andi %add3A_617, %and3A_708 : vector<16xi32>
        %gather3A_710 = tpu.vector_load_idx %arg11[%add3A_706, %and3A_709] : memref<4x128xi32, #tpu.memory_space<vmem>>[vector<16xi32>, vector<16xi32>], vector<16xi32>,
        %and3A_711 = arith.constant 1 : i32
        %and3A_712 = vector.broadcast %and3A_711 : i32 to vector<16xi32>
        %and3A_713 = arith.andi %gather3A_710, %and3A_712 : vector<16xi32>
        %mul3A_714 = arith.constant 64 : i32
        %mul3A_715 = vector.broadcast %mul3A_714 : i32 to vector<16xi32>
        %mul3A_716 = arith.muli %and3A_713, %mul3A_715 : vector<16xi32>
        %add3A_717 = arith.constant 256 : i32
        %add3A_718 = vector.broadcast %add3A_717 : i32 to vector<16xi32>
        %add3A_719 = arith.addi %add3A_718, %add3A_617 : vector<16xi32>
        %shift_right_arithmetic3A_720 = arith.constant 7 : i32
        %shift_right_arithmetic3A_721 = vector.broadcast %shift_right_arithmetic3A_720 : i32 to vector<16xi32>
        %shift_right_arithmetic3A_722 = arith.shrsi %add3A_626, %shift_right_arithmetic3A_721 : vector<16xi32>
        %add3A_723 = arith.constant 2 : i32
        %add3A_724 = vector.broadcast %add3A_723 : i32 to vector<16xi32>
        %add3A_725 = arith.addi %add3A_724, %shift_right_arithmetic3A_722 : vector<16xi32>
        %and3A_726 = arith.constant 127 : i32
        %and3A_727 = vector.broadcast %and3A_726 : i32 to vector<16xi32>
        %and3A_728 = arith.andi %add3A_626, %and3A_727 : vector<16xi32>
        %gather3A_729 = tpu.vector_load_idx %arg11[%add3A_725, %and3A_728] : memref<4x128xi32, #tpu.memory_space<vmem>>[vector<16xi32>, vector<16xi32>], vector<16xi32>,
        %and3A_730 = arith.constant 1 : i32
        %and3A_731 = vector.broadcast %and3A_730 : i32 to vector<16xi32>
        %and3A_732 = arith.andi %gather3A_729, %and3A_731 : vector<16xi32>
        %mul3A_733 = arith.constant 64 : i32
        %mul3A_734 = vector.broadcast %mul3A_733 : i32 to vector<16xi32>
        %mul3A_735 = arith.muli %and3A_732, %mul3A_734 : vector<16xi32>
        %add3A_736 = arith.constant 256 : i32
        %add3A_737 = vector.broadcast %add3A_736 : i32 to vector<16xi32>
        %add3A_738 = arith.addi %add3A_737, %add3A_626 : vector<16xi32>
        %shift_right_arithmetic3A_739 = arith.constant 7 : i32
        %shift_right_arithmetic3A_740 = vector.broadcast %shift_right_arithmetic3A_739 : i32 to vector<16xi32>
        %shift_right_arithmetic3A_741 = arith.shrsi %add3A_635, %shift_right_arithmetic3A_740 : vector<16xi32>
        %add3A_742 = arith.constant 2 : i32
        %add3A_743 = vector.broadcast %add3A_742 : i32 to vector<16xi32>
        %add3A_744 = arith.addi %add3A_743, %shift_right_arithmetic3A_741 : vector<16xi32>
        %and3A_745 = arith.constant 127 : i32
        %and3A_746 = vector.broadcast %and3A_745 : i32 to vector<16xi32>
        %and3A_747 = arith.andi %add3A_635, %and3A_746 : vector<16xi32>
        %gather3A_748 = tpu.vector_load_idx %arg11[%add3A_744, %and3A_747] : memref<4x128xi32, #tpu.memory_space<vmem>>[vector<16xi32>, vector<16xi32>], vector<16xi32>,
        %and3A_749 = arith.constant 1 : i32
        %and3A_750 = vector.broadcast %and3A_749 : i32 to vector<16xi32>
        %and3A_751 = arith.andi %gather3A_748, %and3A_750 : vector<16xi32>
        %mul3A_752 = arith.constant 64 : i32
        %mul3A_753 = vector.broadcast %mul3A_752 : i32 to vector<16xi32>
        %mul3A_754 = arith.muli %and3A_751, %mul3A_753 : vector<16xi32>
        %add3A_755 = arith.constant 256 : i32
        %add3A_756 = vector.broadcast %add3A_755 : i32 to vector<16xi32>
        %add3A_757 = arith.addi %add3A_756, %add3A_635 : vector<16xi32>
        %shift_right_arithmetic3A_758 = arith.constant 7 : i32
        %shift_right_arithmetic3A_759 = vector.broadcast %shift_right_arithmetic3A_758 : i32 to vector<16xi32>
        %shift_right_arithmetic3A_760 = arith.shrsi %add3A_644, %shift_right_arithmetic3A_759 : vector<16xi32>
        %add3A_761 = arith.constant 2 : i32
        %add3A_762 = vector.broadcast %add3A_761 : i32 to vector<16xi32>
        %add3A_763 = arith.addi %add3A_762, %shift_right_arithmetic3A_760 : vector<16xi32>
        %and3A_764 = arith.constant 127 : i32
        %and3A_765 = vector.broadcast %and3A_764 : i32 to vector<16xi32>
        %and3A_766 = arith.andi %add3A_644, %and3A_765 : vector<16xi32>
        %gather3A_767 = tpu.vector_load_idx %arg11[%add3A_763, %and3A_766] : memref<4x128xi32, #tpu.memory_space<vmem>>[vector<16xi32>, vector<16xi32>], vector<16xi32>,
        %and3A_768 = arith.constant 1 : i32
        %and3A_769 = vector.broadcast %and3A_768 : i32 to vector<16xi32>
        %and3A_770 = arith.andi %gather3A_767, %and3A_769 : vector<16xi32>
        %mul3A_771 = arith.constant 64 : i32
        %mul3A_772 = vector.broadcast %mul3A_771 : i32 to vector<16xi32>
        %mul3A_773 = arith.muli %and3A_770, %mul3A_772 : vector<16xi32>
        %add3A_774 = arith.constant 256 : i32
        %add3A_775 = vector.broadcast %add3A_774 : i32 to vector<16xi32>
        %add3A_776 = arith.addi %add3A_775, %add3A_644 : vector<16xi32>
        %shift_right_arithmetic3A_777 = arith.constant 7 : i32
        %shift_right_arithmetic3A_778 = vector.broadcast %shift_right_arithmetic3A_777 : i32 to vector<16xi32>
        %shift_right_arithmetic3A_779 = arith.shrsi %add3A_653, %shift_right_arithmetic3A_778 : vector<16xi32>
        %add3A_780 = arith.constant 2 : i32
        %add3A_781 = vector.broadcast %add3A_780 : i32 to vector<16xi32>
        %add3A_782 = arith.addi %add3A_781, %shift_right_arithmetic3A_779 : vector<16xi32>
        %and3A_783 = arith.constant 127 : i32
        %and3A_784 = vector.broadcast %and3A_783 : i32 to vector<16xi32>
        %and3A_785 = arith.andi %add3A_653, %and3A_784 : vector<16xi32>
        %gather3A_786 = tpu.vector_load_idx %arg11[%add3A_782, %and3A_785] : memref<4x128xi32, #tpu.memory_space<vmem>>[vector<16xi32>, vector<16xi32>], vector<16xi32>,
        %and3A_787 = arith.constant 1 : i32
        %and3A_788 = vector.broadcast %and3A_787 : i32 to vector<16xi32>
        %and3A_789 = arith.andi %gather3A_786, %and3A_788 : vector<16xi32>
        %mul3A_790 = arith.constant 64 : i32
        %mul3A_791 = vector.broadcast %mul3A_790 : i32 to vector<16xi32>
        %mul3A_792 = arith.muli %and3A_789, %mul3A_791 : vector<16xi32>
        %add3A_793 = arith.constant 256 : i32
        %add3A_794 = vector.broadcast %add3A_793 : i32 to vector<16xi32>
        %add3A_795 = arith.addi %add3A_794, %add3A_653 : vector<16xi32>
        %shift_right_arithmetic3A_796 = arith.constant 7 : i32
        %shift_right_arithmetic3A_797 = vector.broadcast %shift_right_arithmetic3A_796 : i32 to vector<16xi32>
        %shift_right_arithmetic3A_798 = arith.shrsi %add3A_662, %shift_right_arithmetic3A_797 : vector<16xi32>
        %add3A_799 = arith.constant 2 : i32
        %add3A_800 = vector.broadcast %add3A_799 : i32 to vector<16xi32>
        %add3A_801 = arith.addi %add3A_800, %shift_right_arithmetic3A_798 : vector<16xi32>
        %and3A_802 = arith.constant 127 : i32
        %and3A_803 = vector.broadcast %and3A_802 : i32 to vector<16xi32>
        %and3A_804 = arith.andi %add3A_662, %and3A_803 : vector<16xi32>
        %gather3A_805 = tpu.vector_load_idx %arg11[%add3A_801, %and3A_804] : memref<4x128xi32, #tpu.memory_space<vmem>>[vector<16xi32>, vector<16xi32>], vector<16xi32>,
        %and3A_806 = arith.constant 1 : i32
        %and3A_807 = vector.broadcast %and3A_806 : i32 to vector<16xi32>
        %and3A_808 = arith.andi %gather3A_805, %and3A_807 : vector<16xi32>
        %mul3A_809 = arith.constant 64 : i32
        %mul3A_810 = vector.broadcast %mul3A_809 : i32 to vector<16xi32>
        %mul3A_811 = arith.muli %and3A_808, %mul3A_810 : vector<16xi32>
        %add3A_812 = arith.constant 256 : i32
        %add3A_813 = vector.broadcast %add3A_812 : i32 to vector<16xi32>
        %add3A_814 = arith.addi %add3A_813, %add3A_662 : vector<16xi32>
        %broadcast_in_dim3A = arith.constant 0.000000e+00 : f32
        %broadcast_in_dim3A_815 = vector.broadcast %broadcast_in_dim3A : f32 to vector<16xf32>
        %broadcast_in_dim3A_816 = arith.constant 0.000000e+00 : f32
        %broadcast_in_dim3A_817 = vector.broadcast %broadcast_in_dim3A_816 : f32 to vector<16xf32>
        %broadcast_in_dim3A_818 = arith.constant 0.000000e+00 : f32
        %broadcast_in_dim3A_819 = vector.broadcast %broadcast_in_dim3A_818 : f32 to vector<16xf32>
        %broadcast_in_dim3A_820 = arith.constant 0.000000e+00 : f32
        %broadcast_in_dim3A_821 = vector.broadcast %broadcast_in_dim3A_820 : f32 to vector<16xf32>
        %broadcast_in_dim3A_822 = arith.constant 0.000000e+00 : f32
        %broadcast_in_dim3A_823 = vector.broadcast %broadcast_in_dim3A_822 : f32 to vector<16xf32>
        %broadcast_in_dim3A_824 = arith.constant 0.000000e+00 : f32
        %broadcast_in_dim3A_825 = vector.broadcast %broadcast_in_dim3A_824 : f32 to vector<16xf32>
        %broadcast_in_dim3A_826 = arith.constant 0.000000e+00 : f32
        %broadcast_in_dim3A_827 = vector.broadcast %broadcast_in_dim3A_826 : f32 to vector<16xf32>
        %broadcast_in_dim3A_828 = arith.constant 0.000000e+00 : f32
        %broadcast_in_dim3A_829 = vector.broadcast %broadcast_in_dim3A_828 : f32 to vector<16xf32>
        %scan3A_830 = arith.constant 0 : i32
        %scan3A_831 = arith.constant 16 : i32
        %scan3A_832 = arith.addi %scan3A_830, %scan3A_831 : i32
        %scan3A_833 = arith.constant 1 : i32
        %scan3A_834:8 = scf.for %scan3A_842 = %scan3A_830 to %scan3A_832 step %scan3A_833 iter_args(%scan3A_843 = %broadcast_in_dim3A_815, %scan3A_844 = %broadcast_in_dim3A_817, %scan3A_845 = %broadcast_in_dim3A_819, %scan3A_846 = %broadcast_in_dim3A_821, %scan3A_847 = %broadcast_in_dim3A_823, %scan3A_848 = %broadcast_in_dim3A_825, %scan3A_849 = %broadcast_in_dim3A_827, %scan3A_850 = %broadcast_in_dim3A_829) -> (vector<16xf32>, vector<16xf32>, vector<16xf32>, vector<16xf32>, vector<16xf32>, vector<16xf32>, vector<16xf32>, vector<16xf32>)  : i32 {
          %mul3A_851 = arith.constant 4 : i32
          %mul3A_852 = arith.muli %scan3A_842, %mul3A_851 : i32
          %add3A_853 = arith.constant 0 : i32
          %add3A_854 = arith.addi %mul3A_852, %add3A_853 : i32
          %broadcast_in_dim3A_855 = vector.broadcast %add3A_854 : i32 to vector<16xi32>
          %add3A_856 = arith.addi %mul3A_590, %broadcast_in_dim3A_855 : vector<16xi32>
          %gather3A_857 = tpu.vector_load_idx %arg13[%add3A_585, %add3A_856] : memref<64x128xf32, #tpu.memory_space<vmem>>[vector<16xi32>, vector<16xi32>], vector<16xf32>,
          %add3A_858 = arith.addi %mul3A_678, %broadcast_in_dim3A_855 : vector<16xi32>
          %gather3A_859 = tpu.vector_load_idx %arg14[%add3A_681, %add3A_858] : memref<512x128xf32, #tpu.memory_space<vmem>>[vector<16xi32>, vector<16xi32>], vector<16xf32>,
          %mul3A_860 = arith.mulf %gather3A_857, %gather3A_859 : vector<16xf32>
          %add3A_861 = arith.addf %scan3A_843, %mul3A_860 : vector<16xf32>
          %add3A_862 = arith.addi %mul3A_697, %broadcast_in_dim3A_855 : vector<16xi32>
          %gather3A_863 = tpu.vector_load_idx %arg14[%add3A_700, %add3A_862] : memref<512x128xf32, #tpu.memory_space<vmem>>[vector<16xi32>, vector<16xi32>], vector<16xf32>,
          %mul3A_864 = arith.mulf %gather3A_857, %gather3A_863 : vector<16xf32>
          %add3A_865 = arith.addf %scan3A_844, %mul3A_864 : vector<16xf32>
          %add3A_866 = arith.addi %mul3A_716, %broadcast_in_dim3A_855 : vector<16xi32>
          %gather3A_867 = tpu.vector_load_idx %arg14[%add3A_719, %add3A_866] : memref<512x128xf32, #tpu.memory_space<vmem>>[vector<16xi32>, vector<16xi32>], vector<16xf32>,
          %mul3A_868 = arith.mulf %gather3A_857, %gather3A_867 : vector<16xf32>
          %add3A_869 = arith.addf %scan3A_845, %mul3A_868 : vector<16xf32>
          %add3A_870 = arith.addi %mul3A_735, %broadcast_in_dim3A_855 : vector<16xi32>
          %gather3A_871 = tpu.vector_load_idx %arg14[%add3A_738, %add3A_870] : memref<512x128xf32, #tpu.memory_space<vmem>>[vector<16xi32>, vector<16xi32>], vector<16xf32>,
          %mul3A_872 = arith.mulf %gather3A_857, %gather3A_871 : vector<16xf32>
          %add3A_873 = arith.addf %scan3A_846, %mul3A_872 : vector<16xf32>
          %add3A_874 = arith.addi %mul3A_754, %broadcast_in_dim3A_855 : vector<16xi32>
          %gather3A_875 = tpu.vector_load_idx %arg14[%add3A_757, %add3A_874] : memref<512x128xf32, #tpu.memory_space<vmem>>[vector<16xi32>, vector<16xi32>], vector<16xf32>,
          %mul3A_876 = arith.mulf %gather3A_857, %gather3A_875 : vector<16xf32>
          %add3A_877 = arith.addf %scan3A_847, %mul3A_876 : vector<16xf32>
          %add3A_878 = arith.addi %mul3A_773, %broadcast_in_dim3A_855 : vector<16xi32>
          %gather3A_879 = tpu.vector_load_idx %arg14[%add3A_776, %add3A_878] : memref<512x128xf32, #tpu.memory_space<vmem>>[vector<16xi32>, vector<16xi32>], vector<16xf32>,
          %mul3A_880 = arith.mulf %gather3A_857, %gather3A_879 : vector<16xf32>
          %add3A_881 = arith.addf %scan3A_848, %mul3A_880 : vector<16xf32>
          %add3A_882 = arith.addi %mul3A_792, %broadcast_in_dim3A_855 : vector<16xi32>
          %gather3A_883 = tpu.vector_load_idx %arg14[%add3A_795, %add3A_882] : memref<512x128xf32, #tpu.memory_space<vmem>>[vector<16xi32>, vector<16xi32>], vector<16xf32>,
          %mul3A_884 = arith.mulf %gather3A_857, %gather3A_883 : vector<16xf32>
          %add3A_885 = arith.addf %scan3A_849, %mul3A_884 : vector<16xf32>
          %add3A_886 = arith.addi %mul3A_811, %broadcast_in_dim3A_855 : vector<16xi32>
          %gather3A_887 = tpu.vector_load_idx %arg14[%add3A_814, %add3A_886] : memref<512x128xf32, #tpu.memory_space<vmem>>[vector<16xi32>, vector<16xi32>], vector<16xf32>,
          %mul3A_888 = arith.mulf %gather3A_857, %gather3A_887 : vector<16xf32>
          %add3A_889 = arith.addf %scan3A_850, %mul3A_888 : vector<16xf32>
          %mul3A_890 = arith.constant 4 : i32
          %mul3A_891 = arith.muli %scan3A_842, %mul3A_890 : i32
          %add3A_892 = arith.constant 1 : i32
          %add3A_893 = arith.addi %mul3A_891, %add3A_892 : i32
          %broadcast_in_dim3A_894 = vector.broadcast %add3A_893 : i32 to vector<16xi32>
          %add3A_895 = arith.addi %mul3A_590, %broadcast_in_dim3A_894 : vector<16xi32>
          %gather3A_896 = tpu.vector_load_idx %arg13[%add3A_585, %add3A_895] : memref<64x128xf32, #tpu.memory_space<vmem>>[vector<16xi32>, vector<16xi32>], vector<16xf32>,
          %add3A_897 = arith.addi %mul3A_678, %broadcast_in_dim3A_894 : vector<16xi32>
          %gather3A_898 = tpu.vector_load_idx %arg14[%add3A_681, %add3A_897] : memref<512x128xf32, #tpu.memory_space<vmem>>[vector<16xi32>, vector<16xi32>], vector<16xf32>,
          %mul3A_899 = arith.mulf %gather3A_896, %gather3A_898 : vector<16xf32>
          %add3A_900 = arith.addf %add3A_861, %mul3A_899 : vector<16xf32>
          %add3A_901 = arith.addi %mul3A_697, %broadcast_in_dim3A_894 : vector<16xi32>
          %gather3A_902 = tpu.vector_load_idx %arg14[%add3A_700, %add3A_901] : memref<512x128xf32, #tpu.memory_space<vmem>>[vector<16xi32>, vector<16xi32>], vector<16xf32>,
          %mul3A_903 = arith.mulf %gather3A_896, %gather3A_902 : vector<16xf32>
          %add3A_904 = arith.addf %add3A_865, %mul3A_903 : vector<16xf32>
          %add3A_905 = arith.addi %mul3A_716, %broadcast_in_dim3A_894 : vector<16xi32>
          %gather3A_906 = tpu.vector_load_idx %arg14[%add3A_719, %add3A_905] : memref<512x128xf32, #tpu.memory_space<vmem>>[vector<16xi32>, vector<16xi32>], vector<16xf32>,
          %mul3A_907 = arith.mulf %gather3A_896, %gather3A_906 : vector<16xf32>
          %add3A_908 = arith.addf %add3A_869, %mul3A_907 : vector<16xf32>
          %add3A_909 = arith.addi %mul3A_735, %broadcast_in_dim3A_894 : vector<16xi32>
          %gather3A_910 = tpu.vector_load_idx %arg14[%add3A_738, %add3A_909] : memref<512x128xf32, #tpu.memory_space<vmem>>[vector<16xi32>, vector<16xi32>], vector<16xf32>,
          %mul3A_911 = arith.mulf %gather3A_896, %gather3A_910 : vector<16xf32>
          %add3A_912 = arith.addf %add3A_873, %mul3A_911 : vector<16xf32>
          %add3A_913 = arith.addi %mul3A_754, %broadcast_in_dim3A_894 : vector<16xi32>
          %gather3A_914 = tpu.vector_load_idx %arg14[%add3A_757, %add3A_913] : memref<512x128xf32, #tpu.memory_space<vmem>>[vector<16xi32>, vector<16xi32>], vector<16xf32>,
          %mul3A_915 = arith.mulf %gather3A_896, %gather3A_914 : vector<16xf32>
          %add3A_916 = arith.addf %add3A_877, %mul3A_915 : vector<16xf32>
          %add3A_917 = arith.addi %mul3A_773, %broadcast_in_dim3A_894 : vector<16xi32>
          %gather3A_918 = tpu.vector_load_idx %arg14[%add3A_776, %add3A_917] : memref<512x128xf32, #tpu.memory_space<vmem>>[vector<16xi32>, vector<16xi32>], vector<16xf32>,
          %mul3A_919 = arith.mulf %gather3A_896, %gather3A_918 : vector<16xf32>
          %add3A_920 = arith.addf %add3A_881, %mul3A_919 : vector<16xf32>
          %add3A_921 = arith.addi %mul3A_792, %broadcast_in_dim3A_894 : vector<16xi32>
          %gather3A_922 = tpu.vector_load_idx %arg14[%add3A_795, %add3A_921] : memref<512x128xf32, #tpu.memory_space<vmem>>[vector<16xi32>, vector<16xi32>], vector<16xf32>,
          %mul3A_923 = arith.mulf %gather3A_896, %gather3A_922 : vector<16xf32>
          %add3A_924 = arith.addf %add3A_885, %mul3A_923 : vector<16xf32>
          %add3A_925 = arith.addi %mul3A_811, %broadcast_in_dim3A_894 : vector<16xi32>
          %gather3A_926 = tpu.vector_load_idx %arg14[%add3A_814, %add3A_925] : memref<512x128xf32, #tpu.memory_space<vmem>>[vector<16xi32>, vector<16xi32>], vector<16xf32>,
          %mul3A_927 = arith.mulf %gather3A_896, %gather3A_926 : vector<16xf32>
          %add3A_928 = arith.addf %add3A_889, %mul3A_927 : vector<16xf32>
          %mul3A_929 = arith.constant 4 : i32
          %mul3A_930 = arith.muli %scan3A_842, %mul3A_929 : i32
          %add3A_931 = arith.constant 2 : i32
          %add3A_932 = arith.addi %mul3A_930, %add3A_931 : i32
          %broadcast_in_dim3A_933 = vector.broadcast %add3A_932 : i32 to vector<16xi32>
          %add3A_934 = arith.addi %mul3A_590, %broadcast_in_dim3A_933 : vector<16xi32>
          %gather3A_935 = tpu.vector_load_idx %arg13[%add3A_585, %add3A_934] : memref<64x128xf32, #tpu.memory_space<vmem>>[vector<16xi32>, vector<16xi32>], vector<16xf32>,
          %add3A_936 = arith.addi %mul3A_678, %broadcast_in_dim3A_933 : vector<16xi32>
          %gather3A_937 = tpu.vector_load_idx %arg14[%add3A_681, %add3A_936] : memref<512x128xf32, #tpu.memory_space<vmem>>[vector<16xi32>, vector<16xi32>], vector<16xf32>,
          %mul3A_938 = arith.mulf %gather3A_935, %gather3A_937 : vector<16xf32>
          %add3A_939 = arith.addf %add3A_900, %mul3A_938 : vector<16xf32>
          %add3A_940 = arith.addi %mul3A_697, %broadcast_in_dim3A_933 : vector<16xi32>
          %gather3A_941 = tpu.vector_load_idx %arg14[%add3A_700, %add3A_940] : memref<512x128xf32, #tpu.memory_space<vmem>>[vector<16xi32>, vector<16xi32>], vector<16xf32>,
          %mul3A_942 = arith.mulf %gather3A_935, %gather3A_941 : vector<16xf32>
          %add3A_943 = arith.addf %add3A_904, %mul3A_942 : vector<16xf32>
          %add3A_944 = arith.addi %mul3A_716, %broadcast_in_dim3A_933 : vector<16xi32>
          %gather3A_945 = tpu.vector_load_idx %arg14[%add3A_719, %add3A_944] : memref<512x128xf32, #tpu.memory_space<vmem>>[vector<16xi32>, vector<16xi32>], vector<16xf32>,
          %mul3A_946 = arith.mulf %gather3A_935, %gather3A_945 : vector<16xf32>
          %add3A_947 = arith.addf %add3A_908, %mul3A_946 : vector<16xf32>
          %add3A_948 = arith.addi %mul3A_735, %broadcast_in_dim3A_933 : vector<16xi32>
          %gather3A_949 = tpu.vector_load_idx %arg14[%add3A_738, %add3A_948] : memref<512x128xf32, #tpu.memory_space<vmem>>[vector<16xi32>, vector<16xi32>], vector<16xf32>,
          %mul3A_950 = arith.mulf %gather3A_935, %gather3A_949 : vector<16xf32>
          %add3A_951 = arith.addf %add3A_912, %mul3A_950 : vector<16xf32>
          %add3A_952 = arith.addi %mul3A_754, %broadcast_in_dim3A_933 : vector<16xi32>
          %gather3A_953 = tpu.vector_load_idx %arg14[%add3A_757, %add3A_952] : memref<512x128xf32, #tpu.memory_space<vmem>>[vector<16xi32>, vector<16xi32>], vector<16xf32>,
          %mul3A_954 = arith.mulf %gather3A_935, %gather3A_953 : vector<16xf32>
          %add3A_955 = arith.addf %add3A_916, %mul3A_954 : vector<16xf32>
          %add3A_956 = arith.addi %mul3A_773, %broadcast_in_dim3A_933 : vector<16xi32>
          %gather3A_957 = tpu.vector_load_idx %arg14[%add3A_776, %add3A_956] : memref<512x128xf32, #tpu.memory_space<vmem>>[vector<16xi32>, vector<16xi32>], vector<16xf32>,
          %mul3A_958 = arith.mulf %gather3A_935, %gather3A_957 : vector<16xf32>
          %add3A_959 = arith.addf %add3A_920, %mul3A_958 : vector<16xf32>
          %add3A_960 = arith.addi %mul3A_792, %broadcast_in_dim3A_933 : vector<16xi32>
          %gather3A_961 = tpu.vector_load_idx %arg14[%add3A_795, %add3A_960] : memref<512x128xf32, #tpu.memory_space<vmem>>[vector<16xi32>, vector<16xi32>], vector<16xf32>,
          %mul3A_962 = arith.mulf %gather3A_935, %gather3A_961 : vector<16xf32>
          %add3A_963 = arith.addf %add3A_924, %mul3A_962 : vector<16xf32>
          %add3A_964 = arith.addi %mul3A_811, %broadcast_in_dim3A_933 : vector<16xi32>
          %gather3A_965 = tpu.vector_load_idx %arg14[%add3A_814, %add3A_964] : memref<512x128xf32, #tpu.memory_space<vmem>>[vector<16xi32>, vector<16xi32>], vector<16xf32>,
          %mul3A_966 = arith.mulf %gather3A_935, %gather3A_965 : vector<16xf32>
          %add3A_967 = arith.addf %add3A_928, %mul3A_966 : vector<16xf32>
          %mul3A_968 = arith.constant 4 : i32
          %mul3A_969 = arith.muli %scan3A_842, %mul3A_968 : i32
          %add3A_970 = arith.constant 3 : i32
          %add3A_971 = arith.addi %mul3A_969, %add3A_970 : i32
          %broadcast_in_dim3A_972 = vector.broadcast %add3A_971 : i32 to vector<16xi32>
          %add3A_973 = arith.addi %mul3A_590, %broadcast_in_dim3A_972 : vector<16xi32>
          %gather3A_974 = tpu.vector_load_idx %arg13[%add3A_585, %add3A_973] : memref<64x128xf32, #tpu.memory_space<vmem>>[vector<16xi32>, vector<16xi32>], vector<16xf32>,
          %add3A_975 = arith.addi %mul3A_678, %broadcast_in_dim3A_972 : vector<16xi32>
          %gather3A_976 = tpu.vector_load_idx %arg14[%add3A_681, %add3A_975] : memref<512x128xf32, #tpu.memory_space<vmem>>[vector<16xi32>, vector<16xi32>], vector<16xf32>,
          %mul3A_977 = arith.mulf %gather3A_974, %gather3A_976 : vector<16xf32>
          %add3A_978 = arith.addf %add3A_939, %mul3A_977 : vector<16xf32>
          %add3A_979 = arith.addi %mul3A_697, %broadcast_in_dim3A_972 : vector<16xi32>
          %gather3A_980 = tpu.vector_load_idx %arg14[%add3A_700, %add3A_979] : memref<512x128xf32, #tpu.memory_space<vmem>>[vector<16xi32>, vector<16xi32>], vector<16xf32>,
          %mul3A_981 = arith.mulf %gather3A_974, %gather3A_980 : vector<16xf32>
          %add3A_982 = arith.addf %add3A_943, %mul3A_981 : vector<16xf32>
          %add3A_983 = arith.addi %mul3A_716, %broadcast_in_dim3A_972 : vector<16xi32>
          %gather3A_984 = tpu.vector_load_idx %arg14[%add3A_719, %add3A_983] : memref<512x128xf32, #tpu.memory_space<vmem>>[vector<16xi32>, vector<16xi32>], vector<16xf32>,
          %mul3A_985 = arith.mulf %gather3A_974, %gather3A_984 : vector<16xf32>
          %add3A_986 = arith.addf %add3A_947, %mul3A_985 : vector<16xf32>
          %add3A_987 = arith.addi %mul3A_735, %broadcast_in_dim3A_972 : vector<16xi32>
          %gather3A_988 = tpu.vector_load_idx %arg14[%add3A_738, %add3A_987] : memref<512x128xf32, #tpu.memory_space<vmem>>[vector<16xi32>, vector<16xi32>], vector<16xf32>,
          %mul3A_989 = arith.mulf %gather3A_974, %gather3A_988 : vector<16xf32>
          %add3A_990 = arith.addf %add3A_951, %mul3A_989 : vector<16xf32>
          %add3A_991 = arith.addi %mul3A_754, %broadcast_in_dim3A_972 : vector<16xi32>
          %gather3A_992 = tpu.vector_load_idx %arg14[%add3A_757, %add3A_991] : memref<512x128xf32, #tpu.memory_space<vmem>>[vector<16xi32>, vector<16xi32>], vector<16xf32>,
          %mul3A_993 = arith.mulf %gather3A_974, %gather3A_992 : vector<16xf32>
          %add3A_994 = arith.addf %add3A_955, %mul3A_993 : vector<16xf32>
          %add3A_995 = arith.addi %mul3A_773, %broadcast_in_dim3A_972 : vector<16xi32>
          %gather3A_996 = tpu.vector_load_idx %arg14[%add3A_776, %add3A_995] : memref<512x128xf32, #tpu.memory_space<vmem>>[vector<16xi32>, vector<16xi32>], vector<16xf32>,
          %mul3A_997 = arith.mulf %gather3A_974, %gather3A_996 : vector<16xf32>
          %add3A_998 = arith.addf %add3A_959, %mul3A_997 : vector<16xf32>
          %add3A_999 = arith.addi %mul3A_792, %broadcast_in_dim3A_972 : vector<16xi32>
          %gather3A_1000 = tpu.vector_load_idx %arg14[%add3A_795, %add3A_999] : memref<512x128xf32, #tpu.memory_space<vmem>>[vector<16xi32>, vector<16xi32>], vector<16xf32>,
          %mul3A_1001 = arith.mulf %gather3A_974, %gather3A_1000 : vector<16xf32>
          %add3A_1002 = arith.addf %add3A_963, %mul3A_1001 : vector<16xf32>
          %add3A_1003 = arith.addi %mul3A_811, %broadcast_in_dim3A_972 : vector<16xi32>
          %gather3A_1004 = tpu.vector_load_idx %arg14[%add3A_814, %add3A_1003] : memref<512x128xf32, #tpu.memory_space<vmem>>[vector<16xi32>, vector<16xi32>], vector<16xf32>,
          %mul3A_1005 = arith.mulf %gather3A_974, %gather3A_1004 : vector<16xf32>
          %add3A_1006 = arith.addf %add3A_967, %mul3A_1005 : vector<16xf32>
          scf.yield %add3A_978, %add3A_982, %add3A_986, %add3A_990, %add3A_994, %add3A_998, %add3A_1002, %add3A_1006 : vector<16xf32>, vector<16xf32>, vector<16xf32>, vector<16xf32>, vector<16xf32>, vector<16xf32>, vector<16xf32>, vector<16xf32>
        }
        %scan3A_835 = arith.constant 16 : i32
        tpu.vector_store_idx %arg15[%add3A_599], %scan3A_834#0 : memref<256xf32, #tpu.memory_space<vmem>>[vector<16xi32>], vector<16xf32>,
        tpu.vector_store_idx %arg15[%add3A_608], %scan3A_834#1 : memref<256xf32, #tpu.memory_space<vmem>>[vector<16xi32>], vector<16xf32>,
        tpu.vector_store_idx %arg15[%add3A_617], %scan3A_834#2 : memref<256xf32, #tpu.memory_space<vmem>>[vector<16xi32>], vector<16xf32>,
        tpu.vector_store_idx %arg15[%add3A_626], %scan3A_834#3 : memref<256xf32, #tpu.memory_space<vmem>>[vector<16xi32>], vector<16xf32>,
        tpu.vector_store_idx %arg15[%add3A_635], %scan3A_834#4 : memref<256xf32, #tpu.memory_space<vmem>>[vector<16xi32>], vector<16xf32>,
        tpu.vector_store_idx %arg15[%add3A_644], %scan3A_834#5 : memref<256xf32, #tpu.memory_space<vmem>>[vector<16xi32>], vector<16xf32>,
        tpu.vector_store_idx %arg15[%add3A_653], %scan3A_834#6 : memref<256xf32, #tpu.memory_space<vmem>>[vector<16xi32>], vector<16xf32>,
        tpu.vector_store_idx %arg15[%add3A_662], %scan3A_834#7 : memref<256xf32, #tpu.memory_space<vmem>>[vector<16xi32>], vector<16xf32>,
        %scan3A_836 = arith.constant 0 : i32
        %scan3A_837 = arith.constant 0 : i32
        %scan3A_838 = arith.constant 16 : i32
        %scan3A_839 = arith.addi %scan3A_837, %scan3A_838 : i32
        %scan3A_840 = arith.constant 1 : i32
        scf.for %scan3A_842 = %scan3A_837 to %scan3A_839 step %scan3A_840  : i32 {
          %mul3A_843 = arith.constant 16 : i32
          %mul3A_844 = arith.muli %scan3A_578, %mul3A_843 : i32
          %broadcast_in_dim3A_845 = vector.broadcast %mul3A_844 : i32 to vector<16xi32>
          %add3A_846 = vector.broadcast %scan3A_842 : i32 to vector<16xi32>
          %add3A_847 = arith.addi %broadcast_in_dim3A_845, %add3A_846 : vector<16xi32>
          %add3A_848 = arith.constant 32 : i32
          %add3A_849 = vector.broadcast %add3A_848 : i32 to vector<16xi32>
          %add3A_850 = arith.addi %add3A_849, %add3A_847 : vector<16xi32>
          %gather3A_851 = tpu.vector_load_idx %arg9[%add3A_850] : memref<64xi32, #tpu.memory_space<vmem>>[vector<16xi32>], vector<16xi32>,
          %and3A_852 = arith.constant 1 : i32
          %and3A_853 = vector.broadcast %and3A_852 : i32 to vector<16xi32>
          %and3A_854 = arith.andi %gather3A_851, %and3A_853 : vector<16xi32>
          %mul3A_855 = arith.constant 64 : i32
          %mul3A_856 = vector.broadcast %mul3A_855 : i32 to vector<16xi32>
          %mul3A_857 = arith.muli %and3A_854, %mul3A_856 : vector<16xi32>
          %add3A_858 = arith.constant 0 : i32
          %add3A_859 = vector.broadcast %add3A_858 : i32 to vector<16xi32>
          %add3A_860 = arith.addi %mul3A_857, %add3A_859 : vector<16xi32>
          %add3A_861 = arith.addi %add3A_860, %iota3A : vector<16xi32>
          %add3A_862 = arith.constant 32 : i32
          %add3A_863 = vector.broadcast %add3A_862 : i32 to vector<16xi32>
          %add3A_864 = arith.addi %add3A_863, %add3A_847 : vector<16xi32>
          %gather3A_865 = tpu.vector_load_idx %arg13[%add3A_864, %add3A_861] : memref<64x128xf32, #tpu.memory_space<vmem>>[vector<16xi32>, vector<16xi32>], vector<16xf32>,
          %add3A_866 = arith.constant 0 : i32
          %add3A_867 = vector.broadcast %add3A_866 : i32 to vector<16xi32>
          %add3A_868 = arith.addi %add3A_867, %iota3A : vector<16xi32>
          tpu.vector_store_idx %arg16[%add3A_847, %add3A_868], %gather3A_865 : memref<32x64xf32, #tpu.memory_space<vmem>>[vector<16xi32>, vector<16xi32>], vector<16xf32>,
          %mul3A_869 = arith.constant 64 : i32
          %mul3A_870 = vector.broadcast %mul3A_869 : i32 to vector<16xi32>
          %mul3A_871 = arith.muli %and3A_854, %mul3A_870 : vector<16xi32>
          %add3A_872 = arith.constant 16 : i32
          %add3A_873 = vector.broadcast %add3A_872 : i32 to vector<16xi32>
          %add3A_874 = arith.addi %mul3A_871, %add3A_873 : vector<16xi32>
          %add3A_875 = arith.addi %add3A_874, %iota3A : vector<16xi32>
          %add3A_876 = arith.constant 32 : i32
          %add3A_877 = vector.broadcast %add3A_876 : i32 to vector<16xi32>
          %add3A_878 = arith.addi %add3A_877, %add3A_847 : vector<16xi32>
          %gather3A_879 = tpu.vector_load_idx %arg13[%add3A_878, %add3A_875] : memref<64x128xf32, #tpu.memory_space<vmem>>[vector<16xi32>, vector<16xi32>], vector<16xf32>,
          %add3A_880 = arith.constant 16 : i32
          %add3A_881 = vector.broadcast %add3A_880 : i32 to vector<16xi32>
          %add3A_882 = arith.addi %add3A_881, %iota3A : vector<16xi32>
          tpu.vector_store_idx %arg16[%add3A_847, %add3A_882], %gather3A_879 : memref<32x64xf32, #tpu.memory_space<vmem>>[vector<16xi32>, vector<16xi32>], vector<16xf32>,
          %mul3A_883 = arith.constant 64 : i32
          %mul3A_884 = vector.broadcast %mul3A_883 : i32 to vector<16xi32>
          %mul3A_885 = arith.muli %and3A_854, %mul3A_884 : vector<16xi32>
          %add3A_886 = arith.constant 32 : i32
          %add3A_887 = vector.broadcast %add3A_886 : i32 to vector<16xi32>
          %add3A_888 = arith.addi %mul3A_885, %add3A_887 : vector<16xi32>
          %add3A_889 = arith.addi %add3A_888, %iota3A : vector<16xi32>
          %add3A_890 = arith.constant 32 : i32
          %add3A_891 = vector.broadcast %add3A_890 : i32 to vector<16xi32>
          %add3A_892 = arith.addi %add3A_891, %add3A_847 : vector<16xi32>
          %gather3A_893 = tpu.vector_load_idx %arg13[%add3A_892, %add3A_889] : memref<64x128xf32, #tpu.memory_space<vmem>>[vector<16xi32>, vector<16xi32>], vector<16xf32>,
          %add3A_894 = arith.constant 32 : i32
          %add3A_895 = vector.broadcast %add3A_894 : i32 to vector<16xi32>
          %add3A_896 = arith.addi %add3A_895, %iota3A : vector<16xi32>
          tpu.vector_store_idx %arg16[%add3A_847, %add3A_896], %gather3A_893 : memref<32x64xf32, #tpu.memory_space<vmem>>[vector<16xi32>, vector<16xi32>], vector<16xf32>,
          %mul3A_897 = arith.constant 64 : i32
          %mul3A_898 = vector.broadcast %mul3A_897 : i32 to vector<16xi32>
          %mul3A_899 = arith.muli %and3A_854, %mul3A_898 : vector<16xi32>
          %add3A_900 = arith.constant 48 : i32
          %add3A_901 = vector.broadcast %add3A_900 : i32 to vector<16xi32>
          %add3A_902 = arith.addi %mul3A_899, %add3A_901 : vector<16xi32>
          %add3A_903 = arith.addi %add3A_902, %iota3A : vector<16xi32>
          %add3A_904 = arith.constant 32 : i32
          %add3A_905 = vector.broadcast %add3A_904 : i32 to vector<16xi32>
          %add3A_906 = arith.addi %add3A_905, %add3A_847 : vector<16xi32>
          %gather3A_907 = tpu.vector_load_idx %arg13[%add3A_906, %add3A_903] : memref<64x128xf32, #tpu.memory_space<vmem>>[vector<16xi32>, vector<16xi32>], vector<16xf32>,
          %add3A_908 = arith.constant 48 : i32
          %add3A_909 = vector.broadcast %add3A_908 : i32 to vector<16xi32>
          %add3A_910 = arith.addi %add3A_909, %iota3A : vector<16xi32>
          tpu.vector_store_idx %arg16[%add3A_847, %add3A_910], %gather3A_907 : memref<32x64xf32, #tpu.memory_space<vmem>>[vector<16xi32>, vector<16xi32>], vector<16xf32>,
        }
        %scan3A_841 = arith.constant 16 : i32
      }
      %scan3A_575 = arith.constant 2 : i32
      %mul3A_576 = arith.constant 8 : i32
      %mul3A_577 = arith.muli %add3A_569, %mul3A_576 : i32
      "tpu.region"() ({
        %run_scoped3A_578 = tpu.sem_alloc : memref<!tpu.dma_semaphore, #tpu.memory_space<semaphore_mem>>
        %dma_start3A_579 = tpu.memref_slice %arg6[%mul3A_577] : memref<131072xf32, #tpu.memory_space<hbm>> -> memref<256xf32, #tpu.memory_space<hbm>>
        %dma_start3A_580 = tpu.memref_slice %arg6[%mul3A_577] : memref<131072xf32, #tpu.memory_space<hbm>> -> memref<256xf32, #tpu.memory_space<hbm>>
        tpu.enqueue_dma source(%arg15 : memref<256xf32, #tpu.memory_space<vmem>>) target(%dma_start3A_580 : memref<256xf32, #tpu.memory_space<hbm>>) target_semaphore(%run_scoped3A_578 : memref<!tpu.dma_semaphore, #tpu.memory_space<semaphore_mem>>)
        %dma_wait3A_581 = tpu.memref_slice %arg6[%mul3A_577] : memref<131072xf32, #tpu.memory_space<hbm>> -> memref<256xf32, #tpu.memory_space<hbm>>
        %dma_wait3A_582 = tpu.memref_slice %arg6[%mul3A_577] : memref<131072xf32, #tpu.memory_space<hbm>> -> memref<256xf32, #tpu.memory_space<hbm>>
        tpu.wait_dma2 semaphore(%run_scoped3A_578 : memref<!tpu.dma_semaphore, #tpu.memory_space<semaphore_mem>>) src(%arg15 : memref<256xf32, #tpu.memory_space<vmem>>) dst(%dma_wait3A_582 : memref<256xf32, #tpu.memory_space<hbm>>)
        tpu.yield
      }) : () -> ()
      "tpu.region"() ({
        %run_scoped3A_578 = tpu.sem_alloc : memref<!tpu.dma_semaphore, #tpu.memory_space<semaphore_mem>>
        %dma_start3A_579 = arith.constant 0 : i32
        %dma_start3A_580 = tpu.memref_slice %arg7[%add3A_569, %dma_start3A_579] : memref<16384x64xf32, #tpu.memory_space<hbm>> -> memref<32x64xf32, #tpu.memory_space<hbm>>
        %dma_start3A_581 = arith.constant 0 : i32
        %dma_start3A_582 = tpu.memref_slice %arg7[%add3A_569, %dma_start3A_581] : memref<16384x64xf32, #tpu.memory_space<hbm>> -> memref<32x64xf32, #tpu.memory_space<hbm>>
        tpu.enqueue_dma source(%arg16 : memref<32x64xf32, #tpu.memory_space<vmem>>) target(%dma_start3A_582 : memref<32x64xf32, #tpu.memory_space<hbm>>) target_semaphore(%run_scoped3A_578 : memref<!tpu.dma_semaphore, #tpu.memory_space<semaphore_mem>>)
        %dma_wait3A_583 = arith.constant 0 : i32
        %dma_wait3A_584 = tpu.memref_slice %arg7[%add3A_569, %dma_wait3A_583] : memref<16384x64xf32, #tpu.memory_space<hbm>> -> memref<32x64xf32, #tpu.memory_space<hbm>>
        %dma_wait3A_585 = arith.constant 0 : i32
        %dma_wait3A_586 = tpu.memref_slice %arg7[%add3A_569, %dma_wait3A_585] : memref<16384x64xf32, #tpu.memory_space<hbm>> -> memref<32x64xf32, #tpu.memory_space<hbm>>
        tpu.wait_dma2 semaphore(%run_scoped3A_578 : memref<!tpu.dma_semaphore, #tpu.memory_space<semaphore_mem>>) src(%arg16 : memref<32x64xf32, #tpu.memory_space<vmem>>) dst(%dma_wait3A_586 : memref<32x64xf32, #tpu.memory_space<hbm>>)
        tpu.yield
      }) : () -> ()
    }
    %scan3A_234 = arith.constant 8 : i32
    return
  }
}

module attributes {stable_mosaic.version = 14 : i64} {
  func.func @_tc_loss(%arg0: i32, %arg1: memref<2048x8xf32, #tpu.memory_space<vmem>>, %arg2: memref<2048x64xf32, #tpu.memory_space<vmem>>, %arg3: memref<8x64xf32, #tpu.memory_space<vmem>>, %arg4: memref<1x1xf32, #tpu.memory_space<smem>>) attributes {dimension_semantics = [#tpu.dimension_semantics<arbitrary>], iteration_bounds = array<i64: 8>, scalar_prefetch = 0 : i64, scratch_operands = 0 : i64, tpu.core_type = #tpu.core_type<tc>, window_params = [{transform_indices = @transform_0, window_bounds = array<i64: 2048, 8>}, {transform_indices = @transform_1, window_bounds = array<i64: 2048, 64>}, {pipeline_mode = #tpu.pipeline_mode<synchronous>, transform_indices = @transform_2, window_bounds = array<i64: 8, 64>}, {transform_indices = @transform_3, window_bounds = array<i64: 1, 1>}]} {
    %get3A = arith.constant 0 : index
    %get3A_0 = arith.constant 0 : index
    %get3A_1 = vector.load %arg1[%get3A, %get3A_0] : memref<2048x8xf32, #tpu.memory_space<vmem>>, vector<2048x8xf32>
    %get3A_2 = arith.constant 0 : index
    %get3A_3 = arith.constant 0 : index
    %get3A_4 = vector.load %arg2[%get3A_2, %get3A_3] : memref<2048x64xf32, #tpu.memory_space<vmem>>, vector<2048x64xf32>
    %get3A_5 = arith.constant 0 : index
    %get3A_6 = arith.constant 0 : index
    %get3A_7 = vector.load %arg3[%get3A_5, %get3A_6] : memref<8x64xf32, #tpu.memory_space<vmem>>, vector<8x64xf32>
    %dot_general3A = arith.constant dense<0.000000e+00> : vector<2048x8xf32>
    %dot_general3A_8 = tpu.matmul %get3A_4, %get3A_7, %dot_general3A {dimension_numbers = #tpu.dot_dimension_numbers<[1], [1], [0], [0], [0, 0, 1, 0], [], []>, transpose_lhs_hint = false} : vector<2048x64xf32>, vector<8x64xf32>, vector<2048x8xf32> -> vector<2048x8xf32>
    %reduce_max3A = arith.constant dense<0xFF800000> : vector<2048xf32>
    %reduce_max3A_9 = vector.multi_reduction <maximumf>, %dot_general3A_8, %reduce_max3A [1] : vector<2048x8xf32> to vector<2048xf32>
    %broadcast_in_dim3A = vector.shape_cast %reduce_max3A_9 : vector<2048xf32> to vector<2048x1xf32>
    %sub3A = vector.broadcast %broadcast_in_dim3A : vector<2048x1xf32> to vector<2048x8xf32>
    %sub3A_10 = arith.subf %dot_general3A_8, %sub3A : vector<2048x8xf32>
    %exp3A = math.exp %sub3A_10 : vector<2048x8xf32>
    %reduce_sum3A = arith.constant dense<0.000000e+00> : vector<2048xf32>
    %reduce_sum3A_11 = vector.multi_reduction <add>, %exp3A, %reduce_sum3A [1] : vector<2048x8xf32> to vector<2048xf32>
    %broadcast_in_dim3A_12 = vector.shape_cast %reduce_sum3A_11 : vector<2048xf32> to vector<2048x1xf32>
    %max3A = vector.broadcast %broadcast_in_dim3A : vector<2048x1xf32> to vector<2048x8xf32>
    %max3A_13 = arith.maximumf %get3A_1, %max3A : vector<2048x8xf32>
    %sub3A_14 = arith.subf %get3A_1, %max3A_13 : vector<2048x8xf32>
    %exp3A_15 = math.exp %sub3A_14 : vector<2048x8xf32>
    %sub3A_16 = vector.broadcast %broadcast_in_dim3A : vector<2048x1xf32> to vector<2048x8xf32>
    %sub3A_17 = arith.subf %sub3A_16, %max3A_13 : vector<2048x8xf32>
    %exp3A_18 = math.exp %sub3A_17 : vector<2048x8xf32>
    %mul3A = vector.broadcast %broadcast_in_dim3A_12 : vector<2048x1xf32> to vector<2048x8xf32>
    %mul3A_19 = arith.mulf %exp3A_18, %mul3A : vector<2048x8xf32>
    %add3A = arith.addf %exp3A_15, %mul3A_19 : vector<2048x8xf32>
    %log3A = math.log %add3A : vector<2048x8xf32>
    %add3A_20 = arith.addf %max3A_13, %log3A : vector<2048x8xf32>
    %sub3A_21 = arith.subf %add3A_20, %get3A_1 : vector<2048x8xf32>
    %reduce_sum3A_22 = vector.shape_cast %sub3A_21 : vector<2048x8xf32> to vector<1x2048x8xf32>
    %reduce_sum3A_23 = arith.constant dense<0.000000e+00> : vector<1xf32>
    %reduce_sum3A_24 = vector.multi_reduction <add>, %reduce_sum3A_22, %reduce_sum3A_23 [1, 2] : vector<1x2048x8xf32> to vector<1xf32>
    %reduce_sum3A_25 = vector.shape_cast %reduce_sum3A_24 : vector<1xf32> to vector<1x1x1xf32>
    %reduce_sum3A_26 = vector.extract %reduce_sum3A_25[0, 0, 0] : f32 from vector<1x1x1xf32>
    %mul3A_27 = arith.constant 7.62939453E-6 : f32
    %mul3A_28 = arith.mulf %reduce_sum3A_26, %mul3A_27 : f32
    %eq3A = arith.constant 0 : i32
    %eq3A_29 = arith.cmpi eq, %arg0, %eq3A : i32
    %convert_element_type3A = arith.extui %eq3A_29 : i1 to i32
    %cond3A = arith.constant 0 : i32
    %cond3A_30 = arith.cmpi ne, %convert_element_type3A, %cond3A : i32
    scf.if %cond3A_30 {
      %swap3A_37 = arith.constant 0.000000e+00 : f32
      %swap3A_38 = arith.constant 0 : index
      %swap3A_39 = arith.constant 0 : index
      %swap3A_40 = memref.load %arg4[%swap3A_38, %swap3A_39] : memref<1x1xf32, #tpu.memory_space<smem>>
      memref.store %swap3A_37, %arg4[%swap3A_38, %swap3A_39] : memref<1x1xf32, #tpu.memory_space<smem>>
    } else {
    }
    %get3A_31 = arith.constant 0 : index
    %get3A_32 = arith.constant 0 : index
    %get3A_33 = memref.load %arg4[%get3A_31, %get3A_32] : memref<1x1xf32, #tpu.memory_space<smem>>
    %add3A_34 = arith.addf %get3A_33, %mul3A_28 : f32
    %swap3A = arith.constant 0 : index
    %swap3A_35 = arith.constant 0 : index
    %swap3A_36 = memref.load %arg4[%swap3A, %swap3A_35] : memref<1x1xf32, #tpu.memory_space<smem>>
    memref.store %add3A_34, %arg4[%swap3A, %swap3A_35] : memref<1x1xf32, #tpu.memory_space<smem>>
    return
  }
  func.func @transform_0(%arg0: i32) -> (i32, i32) {
    %c0_i32 = arith.constant 0 : i32
    %c0_i32_0 = arith.constant 0 : i32
    return %arg0, %c0_i32 : i32, i32
  }
  func.func @transform_1(%arg0: i32) -> (i32, i32) {
    %c0_i32 = arith.constant 0 : i32
    %c0_i32_0 = arith.constant 0 : i32
    return %arg0, %c0_i32 : i32, i32
  }
  func.func @transform_2(%arg0: i32) -> (i32, i32) {
    %c0_i32 = arith.constant 0 : i32
    %c0_i32_0 = arith.constant 0 : i32
    %c0_i32_1 = arith.constant 0 : i32
    return %c0_i32, %c0_i32_0 : i32, i32
  }
  func.func @transform_3(%arg0: i32) -> (i32, i32) {
    %c0_i32 = arith.constant 0 : i32
    %c0_i32_0 = arith.constant 0 : i32
    %c0_i32_1 = arith.constant 0 : i32
    return %c0_i32, %c0_i32_0 : i32, i32
  }
}

</mosaic_0001>

<sc_bundles>
// kernel: kernel.4.cloned.1.call-start
scs
__scs_entry_jumppad:
0x0: {  	(pc) =	sbr.rel $0x88, $3  }
0x1: {  	(tag) =	ssettag $0x0;
	lr =	simm.s32 $0x1  }
0x2: {  	[smem:$0x3F9D] =	sst lr;
	_ =	strace $0xD0000000  }
0x3: {  	_ = 	snop  }
0x4: {  	_ = 	snop  }
0x5: {  	_ = 	snop  }
0x6: {  	_ = 	snop  }
0x7: {  	_ = 	snop  }
__scs_overlays_trampoline_lowered:
0x8: {  	[smem:$0x3FAC] =	sst s0  }
0x9: {  	[smem:$0x3FAD] =	sst s1  }
0xa: {  	[smem:$0x3FAE] =	sst s2  }
0xb: {  	[smem:$0x3FAF] =	sst s3  }
0xc: {  	[smem:$0x3FB0] =	sst s4  }
0xd: {  	[smem:$0x3FB1] =	sst s5  }
0xe: {  	[smem:$0x3FB2] =	sst s6  }
0xf: {  	[smem:$0x3FB3] =	sst s7  }
0x10: {  	[smem:$0x3FB4] =	sst s8  }
0x11: {  	[smem:$0x3FB5] =	sst s9;
	s0 =	simm.s32 @!p0 $0x0  }
0x12: {  	s1 =	sld [smem:$0x3F9B];
	s0 =	simm.s32 @p0 $0x1  }
0x13: {  	[smem:$0x3FB6] =	sst s0;
	s0 =	simm.s32 @!p1 $0x0  }
0x14: {  	s2 =	sld [smem:$0x3F9A];
	s0 =	simm.s32 @p1 $0x1  }
0x15: {  	[smem:$0x3FB7] =	sst s0;
	s0 =	simm.s32 @!p2 $0x0  }
0x16: {  	s3 =	sld [smem:$0x3FDB];
	s0 =	simm.s32 @p2 $0x1  }
0x17: {  	s4 =	simm.s32 $0x1BF5;
	[smem:$0x3FB9] =	sst s0  }
0x18: {  	s0 =	sld [smem:$0x3F9C];
	_ =	swait.ge [sflag:s4], $0x0  }
0x19: {  	s7 =	sld [smem:$0x3F9D]  }
0x1a: {  	s8 =	sadd.s32 $0xFFFFE003, lr  }
0x1b: {  	s9 =	sadd.s32 $0xFFFFFEF7, lr;
	s5 =	simm.s32 $0xFFFFFFFF;
	p2 =	slt.u32 s8, $0xFFFFF086  }
0x1c: {  	p1 =	slt.u32 s9, $0xF7A;
	s5 =	simm.s32 @!p2 $0x0  }
0x1d: {  	s5 =	simm.s32 @p1 $0x1;
	p0 =	seq.s32 s7, s2  }
0x1e: {  	s7 =	smul.u32 @!p0 $0xF7A, s2;
	p2 =	seq.s32 @!p0 s5, $0x0  }
0x1f: {  	s9 =	smul.u32 $0xF7A, s1;
	s8 =	simm.s32 @!p0 $0x1BF5;
	p2 =	por !p2, p0  }
0x20: {  	[sflag:s8] =	ssyncset.s32 @!p0 $0xFFFFF086;
	s6 =	sadd.s32 @!p0 s3, s7;
	s7 =	simm.s32 @!p0 $0x108  }
0x21: {  	s3 =	sadd.s32 s3, s9;
	s6 =	sadd.s32 @!p0 $0x88, s6;
	s7 =	simm.s32 @p2 $0x1082  }
0x22: {  	[simem:s7], [sflag:s8] =	dma.local @!p0 [hbm:s6], $0xF7A  }
0x23: {  	s9 =	sor.u32 $0xD0000000, s2;
	s6 =	simm.s32 $0x108;
	_ =	swait.ge @!p0 [sflag:s8], $0x0  }
0x24: {  	s3 =	sadd.s32 $0x88, s3;
	s6 =	simm.s32 @!p1 $0x1082;
	[sflag:s4] =	ssyncset.s32 $0xFFFFF086  }
0x25: {  	[simem:s6], [sflag:s4] =	dma.local [hbm:s3], $0xF7A  }
0x26: {  	[smem:$0x3F9D] =	sst s1;
	(tag) =	ssettag s2;
	_ =	strace s9  }
0x27: {  	s1 =	sld [smem:$0x3FAD]  }
0x28: {  	s2 =	sld [smem:$0x3FAE]  }
0x29: {  	s4 =	sld [smem:$0x3FB0]  }
0x2a: {  	p0 =	seq.s32 s5, $0x0;
	s5 =	sld [smem:$0x3FB1]  }
0x2b: {  	s6 =	sld [smem:$0x3FB2]  }
0x2c: {  	s7 =	sld [smem:$0x3FB3]  }
0x2d: {  	s3 =	simm.s32 $0x108;
	s8 =	sld [smem:$0x3FB4]  }
0x2e: {  	s3 =	simm.s32 @!p0 $0x1082;
	s9 =	sld [smem:$0x3FB5]  }
0x2f: {  	lr =	sadd.s32 s0, s3;
	s0 =	sld [smem:$0x3FAC]  }
0x30: {  	s3 =	sld [smem:$0x3FAF]  }
0x31: {  	[smem:$0x3FB8] =	sst s10  }
0x32: {  	s10 =	sld [smem:$0x3FB6];
	_ =	sdelay $0x3  }
0x33: {  	p0 =	seq.s32 s10, $0x1;
	s10 =	sld [smem:$0x3FB8];
	_ =	sdelay $0x3  }
0x34: {  	[smem:$0x3FB8] =	sst s10  }
0x35: {  	s10 =	sld [smem:$0x3FB7];
	_ =	sdelay $0x3  }
0x36: {  	p1 =	seq.s32 s10, $0x1;
	s10 =	sld [smem:$0x3FB8];
	_ =	sdelay $0x3  }
0x37: {  	[smem:$0x3FB8] =	sst s10  }
0x38: {  	s10 =	sld [smem:$0x3FB9]  }
0x39: {  	_ = 	snop;
	(pc) =	sbr.ind lr, $3  }
0x3a: {  	_ = 	snop  }
0x3b: {  	_ = 	snop  }
0x3c: {  	p2 =	seq.s32 s10, $0x1;
	s10 =	sld [smem:$0x3FB8]  }
0x3d: {  	_ =	shalt  }
0x3e: {  	_ =	shalt  }
0x3f: {  	_ =	shalt  }
0x40: {  	_ =	shalt  }
0x41: {  	_ =	shalt  }
0x42: {  	_ =	shalt  }
0x43: {  	_ =	shalt  }
0x44: {  	_ =	shalt  }
0x45: {  	_ =	shalt  }
0x46: {  	_ =	shalt  }
0x47: {  	_ =	shalt  }
0x48: {  	_ =	shalt  }
0x49: {  	_ =	shalt  }
0x4a: {  	_ =	shalt  }
0x4b: {  	_ =	shalt  }
0x4c: {  	_ =	shalt  }
0x4d: {  	_ =	shalt  }
0x4e: {  	_ =	shalt  }
0x4f: {  	_ =	shalt  }
0x50: {  	_ =	shalt  }
0x51: {  	_ =	shalt  }
0x52: {  	_ =	shalt  }
0x53: {  	_ =	shalt  }
0x54: {  	_ =	shalt  }
0x55: {  	_ =	shalt  }
0x56: {  	_ =	shalt  }
0x57: {  	_ =	shalt  }
0x58: {  	_ =	shalt  }
0x59: {  	_ =	shalt  }
0x5a: {  	_ =	shalt  }
0x5b: {  	_ =	shalt  }
0x5c: {  	_ =	shalt  }
0x5d: {  	_ =	shalt  }
0x5e: {  	_ =	shalt  }
0x5f: {  	_ =	shalt  }
0x60: {  	_ =	shalt  }
0x61: {  	_ =	shalt  }
0x62: {  	_ =	shalt  }
0x63: {  	_ =	shalt  }
0x64: {  	_ =	shalt  }
0x65: {  	_ =	shalt  }
0x66: {  	_ =	shalt  }
0x67: {  	_ =	shalt  }
0x68: {  	_ =	shalt  }
0x69: {  	_ =	shalt  }
0x6a: {  	_ =	shalt  }
0x6b: {  	_ =	shalt  }
0x6c: {  	_ =	shalt  }
0x6d: {  	_ =	shalt  }
0x6e: {  	_ =	shalt  }
0x6f: {  	_ =	shalt  }
0x70: {  	_ =	shalt  }
0x71: {  	_ =	shalt  }
0x72: {  	_ =	shalt  }
0x73: {  	_ =	shalt  }
0x74: {  	_ =	shalt  }
0x75: {  	_ =	shalt  }
0x76: {  	_ =	shalt  }
0x77: {  	_ =	shalt  }
0x78: {  	_ =	shalt  }
0x79: {  	_ =	shalt  }
0x7a: {  	_ =	shalt  }
0x7b: {  	_ =	shalt  }
0x7c: {  	_ =	shalt  }
0x7d: {  	_ =	shalt  }
0x7e: {  	_ =	shalt  }
0x7f: {  	_ =	shalt  }
0x80: {  	_ =	shalt  }
0x81: {  	_ =	shalt  }
0x82: {  	_ =	shalt  }
0x83: {  	_ =	shalt  }
0x84: {  	_ =	shalt  }
0x85: {  	_ =	shalt  }
0x86: {  	_ =	shalt  }
0x87: {  	_ =	shalt  }
.Lfunc_end0:
.L_simem_size_0:
called_computation_lowered:
.L_overlay_start_0:
0x88: {  	s2 =	sld [smem:$0x3FD9]  }
0x89: {  	s3 =	sld [smem:$0x3FFE];
	_ =	sdelay $0x1  }
0x8a: {  	s1 =	srdreg.scid  }
0x8b: {  	s0 =	sand.u32 $0x1, s1  }
0x8c: {  	s17 =	sshll.u32 s0, $0xA;
	s2 =	sadd.s32 s3, s2  }
0x8d: {  	s2 =	sadd.s32 s2, s17  }
0x8e: {  	[smem:$0x3FC4] =	sst s2  }
0x8f: {  	_ = 	snop  }
0x90: {  	s2 =	sld [smem:$0x3FC9]  }
0x91: {  	s18 =	sld [smem:$0x3FC6];
	(tm) =	ssettm $0x1  }
0x92: {  	s4 =	sld [smem:$0x3FFB];
	_ =	sdelay $0x3  }
0x93: {  	_ =	strace s4  }
0x94: {  	s4 =	sld [smem:$0x3FFC];
	_ =	sdelay $0x3  }
0x95: {  	_ =	strace s4  }
0x96: {  	s4 =	sld [smem:$0x3FFD];
	_ =	sdelay $0x3  }
0x97: {  	_ =	strace s4  }
0x98: {  	_ =	strace $0x8FFFFFFF  }
0x99: {  	s19 =	sld [smem:$0x3FDB];
	_ =	sdelay $0x1  }
0x9a: {  	s5 =	simm.s32 $_scs_section_size  }
0x9b: {  	s6 =	simm.s32 $_size__tile_overlayer_lowered;
	s7 =	simm.s32 $_tile_overlayer_lowered  }
0x9c: {  	s22 =	simm.s32 $0x1BFF;
	s21 =	sshll.u32 s7, $0x1;
	s4 =	sadd.s32 s5, s19  }
0x9d: {  	s8 =	simm.s32 $0x0;
	s20 =	sshll.u32 s6, $0x1;
	s6 =	sadd.s32 s21, s4  }
0x9e: {  	[timem:s8], [sflag:s22] =	dma.local [hbm:s6], s20  }
0x9f: {  	_ =	swait.ge [sflag:s22], s20  }
0xa0: {  	s5 =	ssub.s32 $0x0, s20;
	[sflag:s22] =	ssyncset.done $0x0  }
0xa1: {  	[sflag:s22] =	ssyncadd.s32 s5;
	_ =	sdelay $0x1  }
0xa2: {  	s23 =	simm.s32 $0x1B8B  }
0xa3: {  	_ =	swait.ge [sflag:s23], $0x1  }
0xa4: {  	[sflag:s23] =	ssyncset.done $0x0  }
0xa5: {  	s25 =	simm.s32 $0x1B8E;
	s24 =	sld [smem:$0x3FFE];
	[sflag:s23] =	ssyncadd.s32 $0xFFFFFFFF  }
0xa6: {  	s26 =	simm.s32 $execute0_lowered;
	[smem:$0x3FD2] =	sst s25  }
0xa7: {  	s6 =	sshll.u32 s26, $0x1;
	_ =	strace $0x80000046;
	[dreg:$0x1] =	wrdreg $0xFFFFFFFF  }
0xa8: {  	s28 =	simm.s32 $_size_execute0_lowered;
	s4 =	sadd.s32 s4, s6;
	[dreg:$0x0] =	wrdreg $0x0  }
0xa9: {  	s6 =	sshll.u32 s28, $0x1;
	[dreg:$0x2] =	wrdreg s4  }
0xaa: {  	[dreg:$0x3] =	wrdreg s6  }
0xab: {  	[dreg:$0x4] =	wrdreg $0xC0  }
0xac: {  	_ =	task [dreg:s8], $0x5FFFF  }
0xad: {  	[dreg:$0x1] =	wrdreg $0xFFFFFFFF  }
0xae: {  	[dreg:$0x0] =	wrdreg $0x60  }
0xaf: {  	[dreg:$0x2] =	wrdreg s2  }
0xb0: {  	[dreg:$0x3] =	wrdreg s24  }
0xb1: {  	[dreg:$0x4] =	wrdreg s18  }
0xb2: {  	[dreg:$0x5] =	wrdreg $0x9  }
0xb3: {  	_ =	task.clear_ibuf [dreg:s8], $0x6FFFF;
	_ =	strace $0x90000046  }
0xb4: {  	s29 =	simm.s32 $0x9;
	_ =	strace $0x80000048  }
0xb5: {  	_ =	swait.ge [sflag:s29], $0x1  }
0xb6: {  	[sflag:s29] =	ssyncadd.s32 $0xFFFFFFFF  }
0xb7: {  	_ =	strace $0x90000048  }
0xb8: {  	_ =	sfence  }
0xb9: {  	s30 =	sld [smem:$0x0];
	_ =	sdelay $0x2  }
0xba: {  	s31 =	sshll.u32 s1, $0xD;
	s1 =	sshrl.u32 s1, $0x2  }
0xbb: {  	s3 =	sand.u32 $0x4000, s31;
	s1 =	sadd.s32 s1, s30  }
0xbc: {  	s0 =	sor.u32 s3, s0;
	s1 =	sshll.u32 s1, $0x11  }
0xbd: {  	s0 =	sor.u32 s1, s0  }
0xbe: {  	s0 =	sadd.s32 $0x8F2B, s0  }
0xbf: {  	[sflag:s0] =	ssyncadd.remote.s32 $0x1  }
0xc0: {  	_ =	sfence.sel $0xFFFF  }
0xc1: {  	[dreg:$0x0] =	wrdreg $0xFFFFFFFF;
	(pc) =	sbr.abs _section_cstart, $3  }
0xc2: {  	[dreg:$0x1] =	wrdreg $0xFFFFFFFF  }
0xc3: {  	_ =	task.clear_ibuf [dreg:s8], $0x2FFFF;
	_ =	strace $0x9FFFFFFF  }
0xc4: {  	(tm) =	ssettm $0x7FFFFFFF  }
0xc5: {  	_ =	shalt  }
tec
execute0_lowered:
.L_overlay_start_1:
0x0: {  	(tag) =	ssettag $0x1  }
0x1: {  	s1 =	rddreg [dreg:$0x0];
	s3 =	simm.s32 $0x0;
	v5 =	vlaneseq.u32  }
0x2: {  	[smem:$0x7FF] =	sst s3;
	v0 =	vor.u32 $0x80, v5  }
0x3: {  	s0 =	rddreg [dreg:$0x1];
	v36 =	vor.u32 $0x90, v5;
	_ =	strace $0x80000047;
	[tilespmem:$0x1FE00] =	vst v0  }
0x4: {  	v37 =	vor.u32 $0xA0, v5;
	[tilespmem:$0x1FE10] =	vst v36  }
0x5: {  	v38 =	vor.u32 $0xB0, v5;
	[tilespmem:$0x1FE20] =	vst v37  }
0x6: {  	v39 =	vor.u32 $0x100, v5;
	[tilespmem:$0x1FE30] =	vst v38  }
0x7: {  	v40 =	vor.u32 $0x110, v5;
	[tilespmem:$0x1FE40] =	vst v39  }
0x8: {  	v41 =	vor.u32 $0x120, v5;
	[tilespmem:$0x1FE50] =	vst v40  }
0x9: {  	v42 =	vor.u32 $0x130, v5;
	[tilespmem:$0x1FE60] =	vst v41  }
0xa: {  	v43 =	vor.u32 $0x180, v5;
	[tilespmem:$0x1FE70] =	vst v42  }
0xb: {  	v44 =	vor.u32 $0x190, v5;
	[tilespmem:$0x1FE80] =	vst v43  }
0xc: {  	v45 =	vor.u32 $0x1A0, v5;
	[tilespmem:$0x1FE90] =	vst v44  }
0xd: {  	v46 =	vor.u32 $0x1B0, v5;
	[tilespmem:$0x1FEA0] =	vst v45  }
0xe: {  	v47 =	vor.u32 $0x200, v5;
	[tilespmem:$0x1FEB0] =	vst v46  }
0xf: {  	v48 =	vor.u32 $0x210, v5;
	[tilespmem:$0x1FEC0] =	vst v47  }
0x10: {  	v49 =	vor.u32 $0x220, v5;
	[tilespmem:$0x1FED0] =	vst v48  }
0x11: {  	v50 =	vor.u32 $0x230, v5;
	[tilespmem:$0x1FEE0] =	vst v49  }
0x12: {  	v51 =	vor.u32 $0x280, v5;
	[tilespmem:$0x1FEF0] =	vst v50  }
0x13: {  	v52 =	vor.u32 $0x290, v5;
	[tilespmem:$0x1FF00] =	vst v51  }
0x14: {  	v53 =	vor.u32 $0x2A0, v5;
	[tilespmem:$0x1FF10] =	vst v52  }
0x15: {  	s2 =	srdreg.scid;
	s8 =	stileid.u32;
	v54 =	vor.u32 $0x2B0, v5;
	[tilespmem:$0x1FF20] =	vst v53  }
0x16: {  	s18 =	simm.s32 $0x3;
	s28 =	simm.s32 $0x80;
	s29 =	simm.s32 $0x500;
	v55 =	vor.u32 $0x300, v5;
	[tilespmem:$0x1FF30] =	vst v54  }
0x17: {  	s31 =	simm.s32 $0x2500;
	s16 =	simm.s32 $0xE500;
	s17 =	simm.s32 $0x12500;
	v56 =	vor.u32 $0x310, v5;
	[tilespmem:$0x1FF40] =	vst v55  }
0x18: {  	s21 =	simm.s32 $0x12600;
	s5 =	sadd.s32 $0xE00, s0;
	s6 =	sadd.s32 $0xF43200, s0;
	v57 =	vor.u32 $0x320, v5;
	[tilespmem:$0x1FF50] =	vst v56  }
0x19: {  	s2 =	sand.u32 $0x1, s2;
	s7 =	sadd.s32 $0x4E00, s0;
	s9 =	sshll.u32 s8, $0x1;
	v58 =	vor.u32 $0x330, v5;
	[tilespmem:$0x1FF60] =	vst v57  }
0x1a: {  	s22 =	sadd.s32 $0x48E00, s0;
	v59 =	vor.u32 $0x380, v5;
	s4 =	ssub.s32 $0x2, s2;
	s2 =	sor.u32 s2, s9;
	[tilespmem:$0x1FF70] =	vst v58  }
0x1b: {  	v60 =	vor.u32 $0x390, v5;
	[dreg:$0x4] =	wrdreg s22;
	[tilespmem:$0x1FF80] =	vst v59;
	s10 =	sshrl.u32 s4, $0x1;
	s23 =	sshll.u32 s2, $0x6  }
0x1c: {  	v61 =	vor.u32 $0x3A0, v5;
	[tilespmem:$0x1FF90] =	vst v60;
	s4 =	ssub.s32 s4, s10;
	s10 =	sshll.u32 s2, $0x9;
	s9 =	sadd.s32 s1, s23  }
0x1d: {  	s12 =	sadd.s32 $0xE10, s0;
	v62 =	vor.u32 $0x3B0, v5;
	[tilespmem:$0x1FFA0] =	vst v61;
	[dreg:$0x5] =	wrdreg s9;
	s24 =	sadd.s32 s5, s10  }
0x1e: {  	s8 =	sadd.s32 $0x8E00, s0;
	v10 =	vor.u32 $0x10, v5;
	[tilespmem:$0x1FFB0] =	vst v62;
	s25 =	sadd.s32 s10, s12;
	[dreg:$0x6] =	wrdreg s24  }
0x1f: {  	v11 =	vor.u32 $0x20, v5;
	s22 =	simm.s32 $0x1;
	[tilespmem:$0x1FFD0] =	vst v10;
	s26 =	sor.u32 $0x40, s10;
	[dreg:$0x7] =	wrdreg s25  }
0x20: {  	v12 =	vor.u32 $0x30, v5;
	v63 =	vmul.u32 $0x8, v5;
	[tilespmem:$0x1FFE0] =	vst v11;
	p0 =	sne.s32 s2, $0x0;
	s30 =	smax.u32 s4, $0x1;
	[dreg:$0x8] =	wrdreg s26  }
0x21: {  	[tilespmem:$0x1FFF0] =	vst v12;
	s23 =	simm.s32 $0x2;
	s2 =	simm.s32 $0x0;
	[dreg:$0x9] =	wrdreg s30  }
0x22: {  	vm0 =	vmmov $0xff;
	[tilespmem:$0x1FFC0] =	vst v63;
	s24 =	simm.s32 $0x100;
	s26 =	simm.s32 $0x20;
	s25 =	simm.s32 $0x0  }
.LBB2_1:
.Ltmp0:
0x23: {  	(pc) =	sbr.rel @p0 .LBB2_3-.Ltmp0, $2  }
0x24: {  	_ =	sdelay $0x2  }
0x25: {  	[dreg:$0xa] =	wrdreg s2  }
0x26: {  	s0 =	rddreg [dreg:$0x2];
	s2 =	simm.s32 $0x13600  }
0x27: {  	[tilespmem:s2], [sflag:$0x3] =	stream.linear.gather [hbm4b:s0+s3], $0x8, $0x38;
	[tilespmem:$0x14300] =	vst v63  }
0x28: {  	_ =	swait.ge [sflag:s18], $0x8  }
0x29: {  	[sflag:s18] =	ssyncset.done $0x0  }
0x2a: {  	[sflag:s18] =	ssyncadd.s32 $0xFFFFFFF8  }
0x2b: {  	v0 =	vld [tilespmem:$0x13600];
	_ =	sdelay $0x4  }
0x2c: {  	v0 =	vshra.s32 v0, $0x1  }
0x2d: {  	v0 =	vnsel vm0, $0x0, v0  }
0x2e: {  	s19 =	simm.s32 $0x10;
	s4 =	simm.s32 $0x13680;
	s9 =	simm.s32 $0x13700;
	[tilespmem:$0x13680] =	vst v0  }
0x2f: {  	[tilespmem:s9], [sflag:$0x1] =	stream.indirect.gather [hbm4b:s6+s19], $0x80, s4, s19, $0xb8;
	[tilespmem:$0x14300] =	vst v63  }
0x30: {  	_ =	swait.ge [sflag:s22], $0x800  }
0x31: {  	[sflag:s22] =	ssyncset.done $0x0  }
0x32: {  	[sflag:s22] =	ssyncadd.s32 $0xFFFFF800  }
0x33: {  	v36 =	vld.msk [tilespmem:s2+$0x0], $0xffff;
	_ =	sdelay $0x4  }
0x34: {  	v0 =	vshll.u32 v36, $0x6  }
0x35: {  	v0 =	vand.u32 $0x40, v0  }
0x36: {  	v2 =	vor.u32 v5, v0;
	_ =	sdelay $0x4  }
0x37: {  	v2 =	vld.idx.msk [tilespmem:v2+s9+$0x0], $0xffff  }
0x38: {  	v6 =	vor.u32 v10, v0;
	_ =	sdelay $0x2  }
0x39: {  	s20 =	simm.s32 $0x13F00  }
0x3a: {  	[tilespmem:v5+s20+$0x0] =	vst.idx.msk $0xffff, v2  }
0x3b: {  	v2 =	vld.idx.msk [tilespmem:v6+s9+$0x0], $0xffff  }
0x3c: {  	v6 =	vor.u32 v11, v0;
	_ =	sdelay $0x3  }
0x3d: {  	[tilespmem:v10+s20+$0x0] =	vst.idx.msk $0xffff, v2  }
0x3e: {  	v2 =	vld.idx.msk [tilespmem:v6+s9+$0x0], $0xffff  }
0x3f: {  	v0 =	vor.u32 v12, v0;
	_ =	sdelay $0x3  }
0x40: {  	[tilespmem:v11+s20+$0x0] =	vst.idx.msk $0xffff, v2  }
0x41: {  	v0 =	vld.idx.msk [tilespmem:v0+s9+$0x0], $0xffff  }
0x42: {  	v37 =	vimm.s32 $0x1;
	_ =	sdelay $0x3  }
0x43: {  	[tilespmem:v12+s20+$0x0] =	vst.idx.msk $0xffff, v0  }
0x44: {  	v0 =	vld.idx.msk [tilespmem:v37+s2+$0x0], $0xffff;
	_ =	sdelay $0x1  }
0x45: {  	v1 =	vld [tilespmem:$0x1FE00];
	_ =	sdelay $0x2  }
0x46: {  	v0 =	vshll.u32 v0, $0x6  }
0x47: {  	v0 =	vand.u32 $0x40, v0  }
0x48: {  	v38 =	vor.u32 v1, v0  }
0x49: {  	v3 =	vld [tilespmem:$0x1FE10];
	_ =	sdelay $0x3  }
0x4a: {  	v2 =	vld.idx.msk [tilespmem:v38+s9+$0x0], $0xffff  }
0x4b: {  	v6 =	vor.u32 v3, v0;
	_ =	sdelay $0x3  }
0x4c: {  	v39 =	vld [tilespmem:$0x1FE20];
	[tilespmem:v1+s20+$0x0] =	vst.idx.msk $0xffff, v2  }
0x4d: {  	v2 =	vld.idx.msk [tilespmem:v6+s9+$0x0], $0xffff;
	_ =	sdelay $0x3  }
0x4e: {  	v6 =	vor.u32 v39, v0  }
0x4f: {  	[tilespmem:v3+s20+$0x0] =	vst.idx.msk $0xffff, v2;
	v3 =	vld [tilespmem:$0x1FE30];
	_ =	sdelay $0x3  }
0x50: {  	v2 =	vld.idx.msk [tilespmem:v6+s9+$0x0], $0xffff  }
0x51: {  	v0 =	vor.u32 v3, v0;
	_ =	sdelay $0x3  }
0x52: {  	[tilespmem:v39+s20+$0x0] =	vst.idx.msk $0xffff, v2  }
0x53: {  	v0 =	vld.idx.msk [tilespmem:v0+s9+$0x0], $0xffff  }
0x54: {  	v40 =	vimm.s32 $0x2;
	_ =	sdelay $0x3  }
0x55: {  	[tilespmem:v3+s20+$0x0] =	vst.idx.msk $0xffff, v0  }
0x56: {  	v0 =	vld.idx.msk [tilespmem:v40+s2+$0x0], $0xffff;
	_ =	sdelay $0x1  }
0x57: {  	v41 =	vld [tilespmem:$0x1FE40];
	_ =	sdelay $0x2  }
0x58: {  	v0 =	vshll.u32 v0, $0x6  }
0x59: {  	v0 =	vand.u32 $0x40, v0  }
0x5a: {  	v42 =	vor.u32 v41, v0  }
0x5b: {  	v3 =	vld [tilespmem:$0x1FE50];
	_ =	sdelay $0x3  }
0x5c: {  	v2 =	vld.idx.msk [tilespmem:v42+s9+$0x0], $0xffff  }
0x5d: {  	v6 =	vor.u32 v3, v0;
	_ =	sdelay $0x3  }
0x5e: {  	v43 =	vld [tilespmem:$0x1FE60];
	[tilespmem:v41+s20+$0x0] =	vst.idx.msk $0xffff, v2  }
0x5f: {  	v2 =	vld.idx.msk [tilespmem:v6+s9+$0x0], $0xffff;
	_ =	sdelay $0x3  }
0x60: {  	v6 =	vor.u32 v43, v0  }
0x61: {  	[tilespmem:v3+s20+$0x0] =	vst.idx.msk $0xffff, v2;
	v3 =	vld [tilespmem:$0x1FE70];
	_ =	sdelay $0x3  }
0x62: {  	v2 =	vld.idx.msk [tilespmem:v6+s9+$0x0], $0xffff  }
0x63: {  	v0 =	vor.u32 v3, v0;
	_ =	sdelay $0x3  }
0x64: {  	[tilespmem:v43+s20+$0x0] =	vst.idx.msk $0xffff, v2  }
0x65: {  	v0 =	vld.idx.msk [tilespmem:v0+s9+$0x0], $0xffff  }
0x66: {  	v44 =	vimm.s32 $0x3;
	_ =	sdelay $0x3  }
0x67: {  	[tilespmem:v3+s20+$0x0] =	vst.idx.msk $0xffff, v0  }
0x68: {  	v0 =	vld.idx.msk [tilespmem:v44+s2+$0x0], $0xffff;
	_ =	sdelay $0x1  }
0x69: {  	v45 =	vld [tilespmem:$0x1FE80];
	_ =	sdelay $0x2  }
0x6a: {  	v0 =	vshll.u32 v0, $0x6  }
0x6b: {  	v0 =	vand.u32 $0x40, v0  }
0x6c: {  	v46 =	vor.u32 v45, v0  }
0x6d: {  	v3 =	vld [tilespmem:$0x1FE90];
	_ =	sdelay $0x3  }
0x6e: {  	v2 =	vld.idx.msk [tilespmem:v46+s9+$0x0], $0xffff  }
0x6f: {  	v6 =	vor.u32 v3, v0;
	_ =	sdelay $0x3  }
0x70: {  	v47 =	vld [tilespmem:$0x1FEA0];
	[tilespmem:v45+s20+$0x0] =	vst.idx.msk $0xffff, v2  }
0x71: {  	v2 =	vld.idx.msk [tilespmem:v6+s9+$0x0], $0xffff;
	_ =	sdelay $0x3  }
0x72: {  	v6 =	vor.u32 v47, v0  }
0x73: {  	[tilespmem:v3+s20+$0x0] =	vst.idx.msk $0xffff, v2;
	v3 =	vld [tilespmem:$0x1FEB0];
	_ =	sdelay $0x3  }
0x74: {  	v2 =	vld.idx.msk [tilespmem:v6+s9+$0x0], $0xffff  }
0x75: {  	v0 =	vor.u32 v3, v0;
	_ =	sdelay $0x3  }
0x76: {  	[tilespmem:v47+s20+$0x0] =	vst.idx.msk $0xffff, v2  }
0x77: {  	v0 =	vld.idx.msk [tilespmem:v0+s9+$0x0], $0xffff  }
0x78: {  	v48 =	vimm.s32 $0x4;
	_ =	sdelay $0x3  }
0x79: {  	[tilespmem:v3+s20+$0x0] =	vst.idx.msk $0xffff, v0  }
0x7a: {  	v0 =	vld.idx.msk [tilespmem:v48+s2+$0x0], $0xffff;
	_ =	sdelay $0x1  }
0x7b: {  	v49 =	vld [tilespmem:$0x1FEC0];
	_ =	sdelay $0x2  }
0x7c: {  	v0 =	vshll.u32 v0, $0x6  }
0x7d: {  	v0 =	vand.u32 $0x40, v0  }
0x7e: {  	v50 =	vor.u32 v49, v0  }
0x7f: {  	v3 =	vld [tilespmem:$0x1FED0];
	_ =	sdelay $0x3  }
0x80: {  	v2 =	vld.idx.msk [tilespmem:v50+s9+$0x0], $0xffff  }
0x81: {  	v6 =	vor.u32 v3, v0;
	_ =	sdelay $0x3  }
0x82: {  	v51 =	vld [tilespmem:$0x1FEE0];
	[tilespmem:v49+s20+$0x0] =	vst.idx.msk $0xffff, v2  }
0x83: {  	v2 =	vld.idx.msk [tilespmem:v6+s9+$0x0], $0xffff;
	_ =	sdelay $0x3  }
0x84: {  	v6 =	vor.u32 v51, v0  }
0x85: {  	[tilespmem:v3+s20+$0x0] =	vst.idx.msk $0xffff, v2;
	v3 =	vld [tilespmem:$0x1FEF0];
	_ =	sdelay $0x3  }
0x86: {  	v2 =	vld.idx.msk [tilespmem:v6+s9+$0x0], $0xffff  }
0x87: {  	v0 =	vor.u32 v3, v0;
	_ =	sdelay $0x3  }
0x88: {  	[tilespmem:v51+s20+$0x0] =	vst.idx.msk $0xffff, v2  }
0x89: {  	v0 =	vld.idx.msk [tilespmem:v0+s9+$0x0], $0xffff  }
0x8a: {  	v52 =	vimm.s32 $0x5;
	_ =	sdelay $0x3  }
0x8b: {  	[tilespmem:v3+s20+$0x0] =	vst.idx.msk $0xffff, v0  }
0x8c: {  	v0 =	vld.idx.msk [tilespmem:v52+s2+$0x0], $0xffff;
	_ =	sdelay $0x1  }
0x8d: {  	v53 =	vld [tilespmem:$0x1FF00];
	_ =	sdelay $0x2  }
0x8e: {  	v0 =	vshll.u32 v0, $0x6  }
0x8f: {  	v0 =	vand.u32 $0x40, v0  }
0x90: {  	v54 =	vor.u32 v53, v0  }
0x91: {  	v3 =	vld [tilespmem:$0x1FF10];
	_ =	sdelay $0x3  }
0x92: {  	v2 =	vld.idx.msk [tilespmem:v54+s9+$0x0], $0xffff  }
0x93: {  	v6 =	vor.u32 v3, v0;
	_ =	sdelay $0x3  }
0x94: {  	v55 =	vld [tilespmem:$0x1FF20];
	[tilespmem:v53+s20+$0x0] =	vst.idx.msk $0xffff, v2  }
0x95: {  	v2 =	vld.idx.msk [tilespmem:v6+s9+$0x0], $0xffff;
	_ =	sdelay $0x3  }
0x96: {  	v6 =	vor.u32 v55, v0  }
0x97: {  	[tilespmem:v3+s20+$0x0] =	vst.idx.msk $0xffff, v2;
	v3 =	vld [tilespmem:$0x1FF30];
	_ =	sdelay $0x3  }
0x98: {  	v2 =	vld.idx.msk [tilespmem:v6+s9+$0x0], $0xffff  }
0x99: {  	v0 =	vor.u32 v3, v0;
	_ =	sdelay $0x3  }
0x9a: {  	[tilespmem:v55+s20+$0x0] =	vst.idx.msk $0xffff, v2  }
0x9b: {  	v0 =	vld.idx.msk [tilespmem:v0+s9+$0x0], $0xffff  }
0x9c: {  	v56 =	vimm.s32 $0x6;
	_ =	sdelay $0x3  }
0x9d: {  	[tilespmem:v3+s20+$0x0] =	vst.idx.msk $0xffff, v0  }
0x9e: {  	v0 =	vld.idx.msk [tilespmem:v56+s2+$0x0], $0xffff;
	_ =	sdelay $0x1  }
0x9f: {  	v57 =	vld [tilespmem:$0x1FF40];
	_ =	sdelay $0x2  }
0xa0: {  	v0 =	vshll.u32 v0, $0x6  }
0xa1: {  	v0 =	vand.u32 $0x40, v0  }
0xa2: {  	v58 =	vor.u32 v57, v0  }
0xa3: {  	v3 =	vld [tilespmem:$0x1FF50];
	_ =	sdelay $0x3  }
0xa4: {  	v2 =	vld.idx.msk [tilespmem:v58+s9+$0x0], $0xffff  }
0xa5: {  	v6 =	vor.u32 v3, v0;
	_ =	sdelay $0x3  }
0xa6: {  	v59 =	vld [tilespmem:$0x1FF60];
	[tilespmem:v57+s20+$0x0] =	vst.idx.msk $0xffff, v2  }
0xa7: {  	v2 =	vld.idx.msk [tilespmem:v6+s9+$0x0], $0xffff;
	_ =	sdelay $0x3  }
0xa8: {  	v6 =	vor.u32 v59, v0  }
0xa9: {  	[tilespmem:v3+s20+$0x0] =	vst.idx.msk $0xffff, v2;
	v3 =	vld [tilespmem:$0x1FF70];
	_ =	sdelay $0x3  }
0xaa: {  	v2 =	vld.idx.msk [tilespmem:v6+s9+$0x0], $0xffff  }
0xab: {  	v0 =	vor.u32 v3, v0;
	_ =	sdelay $0x3  }
0xac: {  	[tilespmem:v59+s20+$0x0] =	vst.idx.msk $0xffff, v2  }
0xad: {  	v0 =	vld.idx.msk [tilespmem:v0+s9+$0x0], $0xffff  }
0xae: {  	v60 =	vimm.s32 $0x7;
	_ =	sdelay $0x3  }
0xaf: {  	[tilespmem:v3+s20+$0x0] =	vst.idx.msk $0xffff, v0  }
0xb0: {  	v0 =	vld.idx.msk [tilespmem:v60+s2+$0x0], $0xffff;
	_ =	sdelay $0x1  }
0xb1: {  	v61 =	vld [tilespmem:$0x1FF80];
	_ =	sdelay $0x2  }
0xb2: {  	v0 =	vshll.u32 v0, $0x6  }
0xb3: {  	v0 =	vand.u32 $0x40, v0  }
0xb4: {  	v62 =	vor.u32 v61, v0  }
0xb5: {  	v3 =	vld [tilespmem:$0x1FF90];
	_ =	sdelay $0x3  }
0xb6: {  	v2 =	vld.idx.msk [tilespmem:v62+s9+$0x0], $0xffff  }
0xb7: {  	v6 =	vor.u32 v3, v0;
	_ =	sdelay $0x3  }
0xb8: {  	v63 =	vld [tilespmem:$0x1FFA0];
	[tilespmem:v61+s20+$0x0] =	vst.idx.msk $0xffff, v2  }
0xb9: {  	v2 =	vld.idx.msk [tilespmem:v6+s9+$0x0], $0xffff;
	_ =	sdelay $0x3  }
0xba: {  	v6 =	vor.u32 v63, v0  }
0xbb: {  	[tilespmem:v3+s20+$0x0] =	vst.idx.msk $0xffff, v2;
	v3 =	vld [tilespmem:$0x1FFB0];
	_ =	sdelay $0x3  }
0xbc: {  	v2 =	vld.idx.msk [tilespmem:v6+s9+$0x0], $0xffff  }
0xbd: {  	v0 =	vor.u32 v3, v0;
	_ =	sdelay $0x3  }
0xbe: {  	[tilespmem:v63+s20+$0x0] =	vst.idx.msk $0xffff, v2  }
0xbf: {  	v0 =	vld.idx.msk [tilespmem:v0+s9+$0x0], $0xffff;
	_ =	sdelay $0x4  }
0xc0: {  	s30 =	rddreg [dreg:$0x4];
	[tilespmem:v3+s20+$0x0] =	vst.idx.msk $0xffff, v0  }
0xc1: {  	[hbm4b:s30+s3] =	stream.linear.scatter [tilespmem:s20], [sflag:$0x3], $0x400, $0x38;
	[tilespmem:$0x14300] =	vst v63  }
0xc2: {  	_ =	swait.ge [sflag:s18], $0x400  }
0xc3: {  	[sflag:s18] =	ssyncset.done $0x0  }
0xc4: {  	[sflag:s18] =	ssyncadd.s32 $0xFFFFFC00  }
.LBB2_3:
0xc5: {  	s0 =	rddreg [dreg:$0x5]  }
0xc6: {  	[tilespmem:s25], [sflag:$0x3] =	stream.linear.gather [hbm4b:s0+s25], $0x20, $0x38;
	[tilespmem:$0x14300] =	vst v63  }
0xc7: {  	_ =	swait.ge [sflag:s18], $0x20  }
0xc8: {  	[sflag:s18] =	ssyncset.done $0x0  }
0xc9: {  	s13 =	rddreg [dreg:$0x6];
	[sflag:s18] =	ssyncadd.s32 $0xFFFFFFE0  }
0xca: {  	[tilespmem:s24], [sflag:$0x3] =	stream.linear.gather [hbm4b:s13+s25], $0x80, $0x38;
	[tilespmem:$0x14300] =	vst v63  }
0xcb: {  	_ =	swait.ge [sflag:s18], $0x80  }
0xcc: {  	[sflag:s18] =	ssyncset.done $0x0  }
0xcd: {  	s2 =	simm.s32 $0x180;
	s14 =	rddreg [dreg:$0x7];
	[sflag:s18] =	ssyncadd.s32 $0xFFFFFF80  }
0xce: {  	[tilespmem:s2], [sflag:$0x3] =	stream.linear.gather [hbm4b:s14+s25], $0x80, $0x38;
	[tilespmem:$0x14300] =	vst v63  }
0xcf: {  	_ =	swait.ge [sflag:s18], $0x80  }
0xd0: {  	[sflag:s18] =	ssyncset.done $0x0  }
0xd1: {  	[sflag:s18] =	ssyncadd.s32 $0xFFFFFF80  }
0xd2: {  	v0 =	vld [tilespmem:$0x0]  }
0xd3: {  	v2 =	vld [tilespmem:$0x10]  }
0xd4: {  	v6 =	vld [tilespmem:$0x100]  }
0xd5: {  	v7 =	vld [tilespmem:$0x110]  }
0xd6: {  	v8 =	vld [tilespmem:$0x120]  }
0xd7: {  	v9 =	vld [tilespmem:$0x130]  }
0xd8: {  	v41 =	vld [tilespmem:$0x140]  }
0xd9: {  	v45 =	vld [tilespmem:$0x170]  }
0xda: {  	v47 =	vld [tilespmem:$0x180];
	v0 =	vshra.s32 v0, $0x1  }
0xdb: {  	v49 =	vld [tilespmem:$0x190];
	v40 =	vshra.s32 v2, $0x1;
	[tilespmem:$0x80] =	vst v0  }
0xdc: {  	v42 =	vshra.s32 v6, $0x1;
	v6 =	vld [tilespmem:$0x150];
	[tilespmem:$0x90] =	vst v40  }
0xdd: {  	v53 =	vld [tilespmem:$0x1C0];
	v43 =	vshra.s32 v7, $0x1;
	[tilespmem:$0x300] =	vst v42  }
0xde: {  	v55 =	vld [tilespmem:$0x1D0];
	v44 =	vshra.s32 v8, $0x1;
	[tilespmem:$0x310] =	vst v43  }
0xdf: {  	v57 =	vld [tilespmem:$0x1E0];
	v46 =	vshra.s32 v9, $0x1;
	[tilespmem:$0x320] =	vst v44  }
0xe0: {  	v7 =	vld [tilespmem:$0x160];
	v48 =	vshra.s32 v41, $0x1;
	[tilespmem:$0x330] =	vst v46  }
0xe1: {  	v52 =	vshra.s32 v45, $0x1;
	[tilespmem:$0x340] =	vst v48;
	v50 =	vshra.s32 v6, $0x1;
	v6 =	vld [tilespmem:$0x1A0]  }
0xe2: {  	v54 =	vshra.s32 v47, $0x1;
	[tilespmem:$0x370] =	vst v52  }
0xe3: {  	v56 =	vshra.s32 v49, $0x1;
	[tilespmem:$0x380] =	vst v54  }
0xe4: {  	v60 =	vshra.s32 v53, $0x1;
	[tilespmem:$0x390] =	vst v56  }
0xe5: {  	v61 =	vshra.s32 v55, $0x1;
	[tilespmem:$0x3C0] =	vst v60;
	v51 =	vshra.s32 v7, $0x1;
	v7 =	vld [tilespmem:$0x1B0]  }
0xe6: {  	v62 =	vshra.s32 v57, $0x1;
	[tilespmem:$0x3D0] =	vst v61;
	v58 =	vshra.s32 v6, $0x1;
	v6 =	vld [tilespmem:$0x1F0]  }
0xe7: {  	[tilespmem:$0x3E0] =	vst v62  }
0xe8: {  	[tilespmem:$0x350] =	vst v50  }
0xe9: {  	[tilespmem:$0x360] =	vst v51  }
0xea: {  	v59 =	vshra.s32 v7, $0x1;
	[tilespmem:$0x3A0] =	vst v58  }
0xeb: {  	[tilespmem:$0x3B0] =	vst v59;
	v63 =	vshra.s32 v6, $0x1  }
0xec: {  	[tilespmem:$0x3F0] =	vst v63  }
0xed: {  	[tilespmem:s29], [sflag:$0x1] =	stream.indirect.gather [hbm4b:s6+s26], $0x80, s28, s26, $0xb8;
	[tilespmem:$0x14300] =	vst v63  }
0xee: {  	s15 =	simm.s32 $0x300  }
0xef: {  	[tilespmem:s31], [sflag:$0x1] =	stream.indirect.gather [hbm4b:s6+s28], $0x80, s15, s28, $0xb8;
	[tilespmem:$0x14300] =	vst v63  }
0xf0: {  	s19 =	simm.s32 $0x380;
	s20 =	simm.s32 $0x6500;
	s30 =	simm.s32 $0x0  }
0xf1: {  	[tilespmem:s20], [sflag:$0x1] =	stream.indirect.gather [hbm4b:s6+s28], $0x80, s19, s28, $0xb8;
	[tilespmem:$0x14300] =	vst v63  }
.LBB2_4:
0xf2: {  	s4 =	sshll.u32 s30, $0x6  }
0xf3: {  	s15 =	sor.u32 s4, s10  }
0xf4: {  	s0 =	sor.u32 $0x20, s15  }
0xf5: {  	s2 =	sshrl.u32 s0, $0x3  }
0xf6: {  	s2 =	sadd.s32 s1, s2  }
0xf7: {  	[tilespmem:s26], [sflag:$0x3] =	stream.linear.gather [hbm4b:s2+s25], $0x20, $0x38;
	[tilespmem:$0x14300] =	vst v63  }
0xf8: {  	_ =	swait.ge [sflag:s18], $0x20  }
0xf9: {  	[sflag:s18] =	ssyncset.done $0x0  }
0xfa: {  	s9 =	simm.s32 $0x200;
	s14 =	sadd.s32 s5, s0;
	[sflag:s18] =	ssyncadd.s32 $0xFFFFFFE0  }
0xfb: {  	[tilespmem:s9], [sflag:$0x3] =	stream.linear.gather [hbm4b:s14+s25], $0x80, $0x38;
	[tilespmem:$0x14300] =	vst v63  }
0xfc: {  	_ =	swait.ge [sflag:s18], $0x80  }
0xfd: {  	[sflag:s18] =	ssyncset.done $0x0  }
0xfe: {  	s20 =	simm.s32 $0x280;
	s19 =	sadd.s32 s0, s12;
	[sflag:s18] =	ssyncadd.s32 $0xFFFFFF80  }
0xff: {  	[tilespmem:s20], [sflag:$0x3] =	stream.linear.gather [hbm4b:s19+s25], $0x80, $0x38;
	[tilespmem:$0x14300] =	vst v63  }
0x100: {  	_ =	swait.ge [sflag:s18], $0x80  }
0x101: {  	[sflag:s18] =	ssyncset.done $0x0  }
0x102: {  	[sflag:s18] =	ssyncadd.s32 $0xFFFFFF80  }
0x103: {  	v0 =	vld [tilespmem:$0x20]  }
0x104: {  	v2 =	vld [tilespmem:$0x30]  }
0x105: {  	v6 =	vld [tilespmem:$0x200]  }
0x106: {  	v7 =	vld [tilespmem:$0x210]  }
0x107: {  	v8 =	vld [tilespmem:$0x220]  }
0x108: {  	v9 =	vld [tilespmem:$0x230]  }
0x109: {  	v41 =	vld [tilespmem:$0x240]  }
0x10a: {  	v45 =	vld [tilespmem:$0x270]  }
0x10b: {  	v47 =	vld [tilespmem:$0x280];
	v0 =	vshra.s32 v0, $0x1  }
0x10c: {  	v49 =	vld [tilespmem:$0x290];
	v40 =	vshra.s32 v2, $0x1;
	[tilespmem:$0xA0] =	vst v0  }
0x10d: {  	v42 =	vshra.s32 v6, $0x1;
	v6 =	vld [tilespmem:$0x250];
	[tilespmem:$0xB0] =	vst v40  }
0x10e: {  	v53 =	vld [tilespmem:$0x2C0];
	v43 =	vshra.s32 v7, $0x1;
	[tilespmem:$0x400] =	vst v42  }
0x10f: {  	v55 =	vld [tilespmem:$0x2D0];
	v44 =	vshra.s32 v8, $0x1;
	[tilespmem:$0x410] =	vst v43  }
0x110: {  	v57 =	vld [tilespmem:$0x2E0];
	v46 =	vshra.s32 v9, $0x1;
	[tilespmem:$0x420] =	vst v44  }
0x111: {  	v7 =	vld [tilespmem:$0x260];
	v48 =	vshra.s32 v41, $0x1;
	[tilespmem:$0x430] =	vst v46  }
0x112: {  	v52 =	vshra.s32 v45, $0x1;
	[tilespmem:$0x440] =	vst v48;
	v50 =	vshra.s32 v6, $0x1;
	v6 =	vld [tilespmem:$0x2A0]  }
0x113: {  	v54 =	vshra.s32 v47, $0x1;
	[tilespmem:$0x470] =	vst v52  }
0x114: {  	v56 =	vshra.s32 v49, $0x1;
	[tilespmem:$0x480] =	vst v54  }
0x115: {  	v60 =	vshra.s32 v53, $0x1;
	[tilespmem:$0x490] =	vst v56  }
0x116: {  	v61 =	vshra.s32 v55, $0x1;
	[tilespmem:$0x4C0] =	vst v60;
	v51 =	vshra.s32 v7, $0x1;
	v7 =	vld [tilespmem:$0x2B0]  }
0x117: {  	v62 =	vshra.s32 v57, $0x1;
	[tilespmem:$0x4D0] =	vst v61;
	v58 =	vshra.s32 v6, $0x1;
	v6 =	vld [tilespmem:$0x2F0]  }
0x118: {  	[tilespmem:$0x4E0] =	vst v62  }
0x119: {  	[tilespmem:$0x450] =	vst v50  }
0x11a: {  	[tilespmem:$0x460] =	vst v51  }
0x11b: {  	v59 =	vshra.s32 v7, $0x1;
	[tilespmem:$0x4A0] =	vst v58  }
0x11c: {  	[tilespmem:$0x4B0] =	vst v59;
	v63 =	vshra.s32 v6, $0x1  }
0x11d: {  	s11 =	simm.s32 $0xA0;
	s13 =	simm.s32 $0x1500;
	[tilespmem:$0x4F0] =	vst v63  }
0x11e: {  	[tilespmem:s13], [sflag:$0x2] =	stream.indirect.gather [hbm4b:s6+s26], $0x80, s11, s26, $0xb8;
	[tilespmem:$0x14300] =	vst v63  }
0x11f: {  	s14 =	simm.s32 $0x400;
	s19 =	simm.s32 $0xA500  }
0x120: {  	[tilespmem:s19], [sflag:$0x2] =	stream.indirect.gather [hbm4b:s6+s28], $0x80, s14, s28, $0xb8;
	[tilespmem:$0x14300] =	vst v63  }
0x121: {  	s20 =	simm.s32 $0x480  }
0x122: {  	[tilespmem:s16], [sflag:$0x2] =	stream.indirect.gather [hbm4b:s6+s28], $0x80, s20, s28, $0xb8;
	[tilespmem:$0x14300] =	vst v63  }
0x123: {  	_ =	swait.ge [sflag:s22], $0x1000  }
0x124: {  	[sflag:s22] =	ssyncset.done $0x0  }
0x125: {  	[sflag:s22] =	ssyncadd.s32 $0xFFFFF000  }
0x126: {  	_ =	swait.ge [sflag:s22], $0x4000  }
0x127: {  	[sflag:s22] =	ssyncset.done $0x0  }
0x128: {  	[sflag:s22] =	ssyncadd.s32 $0xFFFFC000  }
0x129: {  	_ =	swait.ge [sflag:s22], $0x4000  }
0x12a: {  	[sflag:s22] =	ssyncset.done $0x0  }
0x12b: {  	p2 =	por $0x1, $0x1;
	s9 =	simm.s32 $0x0;
	[sflag:s22] =	ssyncadd.s32 $0xFFFFC000  }
.LBB2_5:
0x12c: {  	v1 =	vld [tilespmem:$0x1FFC0];
	_ =	sdelay $0x1  }
0x12d: {  	s2 =	sshll.u32 s9, $0x4  }
0x12e: {  	s11 =	sshll.u32 s9, $0x7;
	v0 =	vor.u32 s2, v5  }
0x12f: {  	s9 =	sor.u32 $0x3, s11  }
0x130: {  	s13 =	sor.u32 $0x5, s11;
	v5 =	vor.u32 s9, v1  }
0x131: {  	s14 =	sor.u32 $0x7, s11;
	v3 =	vor.u32 s13, v1  }
0x132: {  	v4 =	vor.u32 s14, v1;
	s9 =	simm.s32 $0x0;
	s13 =	sor.u32 $0x6, s11  }
0x133: {  	v2 =	vld.idx.msk [tilespmem:v0+s9+$0x0], $0xffff;
	v13 =	vor.u32 s13, v1;
	_ =	sdelay $0x1  }
0x134: {  	v15 =	vor.u32 s11, v1;
	v6 =	vld.idx.msk [tilespmem:v5+s24+$0x0], $0xffff  }
0x135: {  	v7 =	vld.idx.msk [tilespmem:v3+s24+$0x0], $0xffff  }
0x136: {  	s19 =	sor.u32 $0x1, s11;
	s20 =	sor.u32 $0x2, s11;
	v8 =	vld.idx.msk [tilespmem:v4+s24+$0x0], $0xffff  }
0x137: {  	v16 =	vor.u32 s19, v1;
	s11 =	sor.u32 $0x4, s11;
	v17 =	vor.u32 s20, v1;
	v2 =	vshll.u32 v2, $0x6;
	v10 =	vld.idx.msk [tilespmem:v13+s24+$0x0], $0xffff  }
0x138: {  	v1 =	vor.u32 s11, v1;
	v0 =	vshll.u32 v0, $0x7;
	[tilespmem:$0x1FDB0] =	vst v15;
	v2 =	vand.u32 $0x40, v2  }
0x139: {  	s14 =	simm.s32 $0x2;
	[tilespmem:$0x1FDA0] =	vst v13;
	v9 =	vld.idx.msk [tilespmem:v15+s24+$0x0], $0xffff;
	v15 =	vshll.u32 v15, $0x7;
	v13 =	vshll.u32 v13, $0x7;
	v20 =	vor.u32 v0, v2  }
0x13a: {  	v2 =	vshll.u32 v5, $0x7;
	v14 =	vor.u32 s14, v20;
	v6 =	vshll.u32 v6, $0x6  }
0x13b: {  	v7 =	vshll.u32 v7, $0x6;
	v8 =	vshll.u32 v8, $0x6;
	v0 =	vand.u32 $0x40, v6  }
0x13c: {  	s19 =	simm.s32 $0x1;
	v6 =	vand.u32 $0x40, v7;
	v7 =	vshll.u32 v3, $0x7;
	v10 =	vshll.u32 v10, $0x6  }
0x13d: {  	v49 =	vor.u32 v2, v0;
	v50 =	vor.u32 v7, v6;
	v0 =	vor.u32 s19, v20  }
0x13e: {  	v12 =	vld.idx.msk [tilespmem:v1+s24+$0x0], $0xffff;
	v2 =	vand.u32 $0x40, v8;
	v6 =	vshll.u32 v4, $0x7;
	v7 =	vor.u32 s19, v50  }
0x13f: {  	v8 =	vshll.u32 v9, $0x6;
	v9 =	vld.idx.msk [tilespmem:v17+s24+$0x0], $0xffff;
	v51 =	vor.u32 v6, v2;
	v2 =	vor.u32 s19, v49  }
0x140: {  	s20 =	simm.s32 $0x3;
	v10 =	vand.u32 $0x40, v10;
	v6 =	vld.idx.msk [tilespmem:v16+s24+$0x0], $0xffff;
	v8 =	vand.u32 $0x40, v8;
	v11 =	vor.u32 s19, v51  }
0x141: {  	v52 =	vor.u32 v13, v10;
	v53 =	vor.u32 v15, v8;
	v15 =	vor.u32 s20, v20;
	v54 =	vld.idx.msk [tilespmem:v14+s29+$0x0], $0xffff  }
0x142: {  	v19 =	vor.u32 s9, v52;
	v18 =	vld.idx.msk [tilespmem:v0+s29+$0x0], $0xffff  }
0x143: {  	v12 =	vshll.u32 v12, $0x6;
	v10 =	vor.u32 s19, v53;
	v8 =	vld.idx.msk [tilespmem:v7+s31+$0x0], $0xffff  }
0x144: {  	v12 =	vand.u32 $0x40, v12;
	v14 =	vor.u32 s20, v50;
	v2 =	vld.idx.msk [tilespmem:v2+s31+$0x0], $0xffff  }
0x145: {  	v13 =	vshll.u32 v17, $0x7;
	v0 =	vor.u32 s14, v50;
	v9 =	vshll.u32 v9, $0x6;
	v11 =	vld.idx.msk [tilespmem:v11+s31+$0x0], $0xffff  }
0x146: {  	v7 =	vor.u32 s19, v52;
	v9 =	vand.u32 $0x40, v9;
	v6 =	vshll.u32 v6, $0x6;
	v55 =	vld.idx.msk [tilespmem:v15+s29+$0x0], $0xffff  }
0x147: {  	v56 =	vor.u32 v13, v9;
	v9 =	vor.u32 s14, v52;
	v13 =	vshll.u32 v1, $0x7;
	v31 =	vld.idx.msk [tilespmem:v19+s31+$0x0], $0xffff  }
0x148: {  	[tilespmem:$0x1FDE0] =	vst v16;
	v6 =	vand.u32 $0x40, v6;
	v15 =	vshll.u32 v16, $0x7;
	v16 =	vor.u32 s9, v51;
	v26 =	vld.idx.msk [tilespmem:v10+s31+$0x0], $0xffff  }
0x149: {  	v58 =	vor.u32 v13, v12;
	v12 =	vor.u32 s19, v56;
	v59 =	vor.u32 v15, v6;
	v15 =	vld.idx.msk [tilespmem:v14+s31+$0x0], $0xffff  }
0x14a: {  	v10 =	vor.u32 s14, v49;
	v0 =	vld.idx.msk [tilespmem:v0+s31+$0x0], $0xffff  }
0x14b: {  	v13 =	vld.idx.msk [tilespmem:v7+s31+$0x0], $0xffff;
	v7 =	vor.u32 s19, v58  }
0x14c: {  	v6 =	vor.u32 s9, v50;
	v9 =	vld.idx.msk [tilespmem:v9+s31+$0x0], $0xffff  }
0x14d: {  	[tilespmem:$0x1FDC0] =	vst v17;
	v17 =	vor.u32 s19, v59;
	v22 =	vld.idx.msk [tilespmem:v16+s31+$0x0], $0xffff  }
0x14e: {  	v16 =	vor.u32 s14, v58;
	v12 =	vld.idx.msk [tilespmem:v12+s31+$0x0], $0xffff  }
0x14f: {  	v24 =	vor.u32 s9, v49;
	v10 =	vld.idx.msk [tilespmem:v10+s31+$0x0], $0xffff  }
0x150: {  	v21 =	vld.idx.msk [tilespmem:v7+s31+$0x0], $0xffff;
	v7 =	vor.u32 s9, v20  }
0x151: {  	v27 =	vor.u32 s14, v51;
	v6 =	vld.idx.msk [tilespmem:v6+s31+$0x0], $0xffff  }
0x152: {  	v38 =	vor.u32 s20, v49;
	v25 =	vor.u32 s9, v58;
	v17 =	vld.idx.msk [tilespmem:v17+s31+$0x0], $0xffff  }
0x153: {  	v33 =	vor.u32 s20, v51;
	v29 =	vor.u32 s9, v56;
	v23 =	vmul.f32 v11, v18;
	v11 =	vld.idx.msk [tilespmem:v16+s31+$0x0], $0xffff  }
0x154: {  	v36 =	vor.u32 s20, v52;
	v34 =	vor.u32 s9, v53;
	v16 =	vmul.f32 v13, v18;
	v13 =	vld.idx.msk [tilespmem:v24+s31+$0x0], $0xffff  }
0x155: {  	v14 =	vimm.f32 $0.0e+00;
	v61 =	vor.u32 s14, v56;
	v57 =	vmul.f32 v15, v55;
	v15 =	vld.idx.msk [tilespmem:v7+s29+$0x0], $0xffff  }
0x156: {  	[tilespmem:$0x1FDF0] =	vst v20;
	v28 =	vor.u32 s14, v59;
	v20 =	vmul.f32 v2, v18;
	v62 =	vmul.f32 v9, v54;
	v9 =	vld.idx.msk [tilespmem:v27+s31+$0x0], $0xffff  }
0x157: {  	v32 =	vor.u32 s20, v59;
	v27 =	vmul.f32 v8, v18;
	v63 =	vmul.f32 v12, v18;
	v12 =	vld.idx.msk [tilespmem:v25+s31+$0x0], $0xffff  }
0x158: {  	v41 =	vor.u32 s20, v56;
	v40 =	vld.idx.msk [tilespmem:v29+s31+$0x0], $0xffff;
	v25 =	vmul.f32 v10, v54;
	v10 =	vmul.f32 v0, v54  }
0x159: {  	v19 =	vor.u32 s20, v58;
	v2 =	vmul.f32 v17, v18;
	v60 =	vmul.f32 v21, v18  }
0x15a: {  	v29 =	vld.idx.msk [tilespmem:v36+s31+$0x0], $0xffff;
	v7 =	vor.u32 s9, v59;
	v0 =	vmul.f32 v11, v54;
	v8 =	vmul.f32 v22, v15  }
0x15b: {  	[tilespmem:$0x1FD70] =	vst v5;
	v30 =	vld.idx.msk [tilespmem:v28+s31+$0x0], $0xffff;
	v21 =	vor.u32 s20, v53;
	v6 =	vmul.f32 v6, v15;
	v11 =	vmul.f32 v13, v15  }
0x15c: {  	[tilespmem:$0x1FD80] =	vst v3;
	v24 =	vld.idx.msk [tilespmem:v32+s31+$0x0], $0xffff;
	v32 =	vmul.f32 v31, v15;
	v31 =	vor.u32 s14, v53;
	v35 =	vmul.f32 v12, v15  }
0x15d: {  	[tilespmem:$0x1FD90] =	vst v4;
	v17 =	vld.idx.msk [tilespmem:v33+s31+$0x0], $0xffff;
	v36 =	vmul.f32 v40, v15;
	v12 =	vimm.f32 $0.0e+00;
	v33 =	vadd.f32 v6, v14  }
0x15e: {  	v28 =	vld.idx.msk [tilespmem:v41+s31+$0x0], $0xffff;
	v37 =	vadd.f32 v8, v14;
	v22 =	vadd.f32 v11, v14;
	v8 =	vmul.f32 v26, v18  }
0x15f: {  	p1 =	por p2, p2;
	[tilespmem:$0x1FDD0] =	vst v1;
	s19 =	simm.s32 $0x4;
	v13 =	vld.idx.msk [tilespmem:v38+s31+$0x0], $0xffff;
	v26 =	vimm.f32 $0.0e+00;
	v18 =	vimm.f32 $0.0e+00;
	v6 =	vimm.f32 $0.0e+00  }
.LBB2_6:
0x160: {  	v21 =	vld.idx.msk [tilespmem:v21+s31+$0x0], $0xffff  }
0x161: {  	s11 =	sadd.s32 $0x1, s19;
	v9 =	vmul.f32 v9, v54;
	v1 =	vld [tilespmem:$0x1FDF0];
	v11 =	vadd.f32 v23, v37  }
0x162: {  	s9 =	smov.u32 s19;
	v7 =	vld.idx.msk [tilespmem:v7+s31+$0x0], $0xffff;
	v14 =	vadd.f32 v36, v14;
	v44 =	vor.u32 s11, v50;
	v26 =	vadd.f32 v35, v26  }
0x163: {  	v34 =	vld.idx.msk [tilespmem:v34+s31+$0x0], $0xffff;
	v18 =	vadd.f32 v32, v18;
	v45 =	vor.u32 s11, v49;
	v27 =	vadd.f32 v27, v33;
	s20 =	sadd.s32 $0x2, s9  }
0x164: {  	v19 =	vld.idx.msk [tilespmem:v19+s31+$0x0], $0xffff;
	v46 =	vor.u32 s11, v51;
	v41 =	vor.u32 s11, v52;
	v47 =	vor.u32 s20, v50  }
0x165: {  	v33 =	vld.idx.msk [tilespmem:v61+s31+$0x0], $0xffff;
	v9 =	vadd.f32 v9, v11;
	v16 =	vadd.f32 v16, v18;
	v23 =	vmul.f32 v30, v54  }
0x166: {  	v18 =	vld.idx.msk [tilespmem:v31+s31+$0x0], $0xffff;
	v30 =	vor.u32 s9, v51;
	v29 =	vmul.f32 v29, v55;
	v17 =	vmul.f32 v17, v55  }
0x167: {  	v24 =	vmul.f32 v24, v55;
	v40 =	vmul.f32 v13, v55;
	v43 =	vor.u32 s11, v1;
	v36 =	vld.idx.msk [tilespmem:v44+s31+$0x0], $0xffff  }
0x168: {  	v7 =	vmul.f32 v7, v15;
	v15 =	vmul.f32 v34, v15;
	v13 =	vadd.f32 v17, v9;
	v17 =	vld.idx.msk [tilespmem:v45+s31+$0x0], $0xffff  }
0x169: {  	s13 =	sadd.s32 $0x3, s9;
	v28 =	vmul.f32 v28, v55;
	v31 =	vor.u32 s20, v1;
	v32 =	vmul.f32 v21, v55;
	v35 =	vld.idx.msk [tilespmem:v46+s31+$0x0], $0xffff  }
0x16a: {  	v19 =	vmul.f32 v19, v55;
	v55 =	vor.u32 s13, v1;
	v41 =	vld.idx.msk [tilespmem:v41+s31+$0x0], $0xffff;
	v6 =	vadd.f32 v15, v6  }
0x16b: {  	v9 =	vor.u32 s11, v53;
	v12 =	vadd.f32 v7, v12;
	v7 =	vadd.f32 v20, v22;
	v22 =	vld.idx.msk [tilespmem:v47+s31+$0x0], $0xffff  }
0x16c: {  	v21 =	vor.u32 s20, v51;
	v6 =	vadd.f32 v8, v6;
	v8 =	vld.idx.msk [tilespmem:v30+s31+$0x0], $0xffff  }
0x16d: {  	v20 =	vor.u32 s20, v52;
	v11 =	vld.idx.msk [tilespmem:v43+s29+$0x0], $0xffff  }
0x16e: {  	v48 =	vor.u32 s13, v50;
	v31 =	vld.idx.msk [tilespmem:v31+s29+$0x0], $0xffff  }
0x16f: {  	v10 =	vadd.f32 v10, v27;
	v27 =	vor.u32 s9, v52;
	v55 =	vld.idx.msk [tilespmem:v55+s29+$0x0], $0xffff  }
0x170: {  	v38 =	vor.u32 s20, v59;
	v15 =	vor.u32 s9, v1;
	v44 =	vld.idx.msk [tilespmem:v9+s31+$0x0], $0xffff  }
0x171: {  	v61 =	vor.u32 s20, v56;
	v3 =	vor.u32 s13, v56;
	v47 =	vor.u32 s9, v58;
	v9 =	vld.idx.msk [tilespmem:v21+s31+$0x0], $0xffff  }
0x172: {  	v14 =	vadd.f32 v63, v14;
	v42 =	vmul.f32 v18, v54;
	v18 =	vor.u32 s11, v56;
	v39 =	vld.idx.msk [tilespmem:v20+s31+$0x0], $0xffff  }
0x173: {  	v33 =	vmul.f32 v33, v54;
	v7 =	vadd.f32 v25, v7;
	v25 =	vor.u32 s11, v58;
	v20 =	vld.idx.msk [tilespmem:v48+s31+$0x0], $0xffff  }
0x174: {  	v16 =	vadd.f32 v62, v16;
	v62 =	vor.u32 s9, v49;
	v30 =	vor.u32 s20, v58;
	v48 =	vld.idx.msk [tilespmem:v27+s31+$0x0], $0xffff  }
0x175: {  	v34 =	vor.u32 s9, v53;
	v14 =	vadd.f32 v33, v14;
	v2 =	vadd.f32 v2, v12;
	v15 =	vld.idx.msk [tilespmem:v15+s29+$0x0], $0xffff  }
0x176: {  	v45 =	vor.u32 s13, v59;
	v46 =	vor.u32 s13, v51;
	v43 =	vor.u32 s20, v49;
	v47 =	vld.idx.msk [tilespmem:v47+s31+$0x0], $0xffff  }
0x177: {  	v14 =	vadd.f32 v28, v14;
	v21 =	vor.u32 s9, v50;
	v2 =	vadd.f32 v23, v2;
	v37 =	vld.idx.msk [tilespmem:v18+s31+$0x0], $0xffff  }
0x178: {  	v1 =	vor.u32 s13, v49;
	v28 =	vadd.f32 v57, v10;
	v18 =	vadd.f32 v29, v16;
	v16 =	vld.idx.msk [tilespmem:v25+s31+$0x0], $0xffff  }
0x179: {  	v33 =	vor.u32 s9, v56;
	v12 =	vadd.f32 v24, v2;
	v25 =	vadd.f32 v60, v26;
	v24 =	vld.idx.msk [tilespmem:v30+s31+$0x0], $0xffff  }
0x17a: {  	v40 =	vadd.f32 v40, v7;
	v30 =	vld.idx.msk [tilespmem:v38+s31+$0x0], $0xffff;
	v54 =	vmovc v31;
	v31 =	vor.u32 s11, v59;
	v23 =	vmul.f32 v35, v11  }
0x17b: {  	v43 =	vld.idx.msk [tilespmem:v43+s31+$0x0], $0xffff;
	v27 =	vmul.f32 v36, v11;
	v0 =	vadd.f32 v0, v25;
	v10 =	vmul.f32 v22, v54  }
0x17c: {  	v29 =	vor.u32 s13, v52;
	v4 =	vld.idx.msk [tilespmem:v21+s31+$0x0], $0xffff;
	v5 =	vmul.f32 v20, v55;
	v20 =	vmul.f32 v17, v11  }
0x17d: {  	v8 =	vmul.f32 v8, v15;
	v26 =	vadd.f32 v19, v0;
	v0 =	vadd.f32 v42, v6;
	v42 =	vld.idx.msk [tilespmem:v62+s31+$0x0], $0xffff  }
0x17e: {  	v7 =	vor.u32 s9, v59;
	v35 =	vmul.f32 v47, v15;
	v63 =	vmul.f32 v37, v11;
	v57 =	vmovc v5;
	v5 =	vld.idx.msk [tilespmem:v33+s31+$0x0], $0xffff  }
0x17f: {  	p2 =	sne.s32 s19, $0x3C;
	v21 =	vor.u32 s13, v53;
	v62 =	vmul.f32 v39, v54;
	v60 =	vmul.f32 v16, v11;
	v31 =	vld.idx.msk [tilespmem:v31+s31+$0x0], $0xffff  }
.Ltmp1:
0x180: {  	v17 =	vld.idx.msk [tilespmem:v46+s31+$0x0], $0xffff;
	v16 =	vmul.f32 v41, v11;
	v37 =	vadd.f32 v8, v13;
	v8 =	vmul.f32 v44, v11;
	(pc) =	sbr.rel @p2 .LBB2_6-.Ltmp1, $4  }
0x181: {  	v19 =	vor.u32 s13, v58;
	v29 =	vld.idx.msk [tilespmem:v29+s31+$0x0], $0xffff;
	v25 =	vmul.f32 v43, v54;
	v4 =	vmul.f32 v4, v15  }
0x182: {  	v13 =	vld.idx.msk [tilespmem:v1+s31+$0x0], $0xffff;
	v6 =	vadd.f32 v32, v0;
	v0 =	vmul.f32 v24, v54;
	v22 =	vmul.f32 v42, v15  }
0x183: {  	v24 =	vld.idx.msk [tilespmem:v45+s31+$0x0], $0xffff;
	v32 =	vmul.f32 v48, v15;
	v33 =	vadd.f32 v4, v28;
	v36 =	vmul.f32 v5, v15  }
0x184: {  	s19 =	sadd.s32 $0x4, s19;
	v28 =	vld.idx.msk [tilespmem:v3+s31+$0x0], $0xffff;
	v2 =	vmul.f32 v31, v11;
	v31 =	vor.u32 s20, v53;
	v22 =	vadd.f32 v22, v40  }
0x185: {  	_ =	sdelay $0x3  }
0x186: {  	v1 =	vld.idx.msk [tilespmem:v34+s31+$0x0], $0xffff  }
0x187: {  	v3 =	vld.idx.msk [tilespmem:v7+s31+$0x0], $0xffff;
	_ =	sdelay $0x1  }
0x188: {  	v7 =	vld.idx.msk [tilespmem:v31+s31+$0x0], $0xffff  }
0x189: {  	v5 =	vmul.f32 v9, v54;
	v9 =	vld.idx.msk [tilespmem:v21+s31+$0x0], $0xffff  }
0x18a: {  	v59 =	vld.idx.msk [tilespmem:v61+s31+$0x0], $0xffff;
	v1 =	vmul.f32 v1, v15  }
0x18b: {  	v3 =	vmul.f32 v3, v15  }
0x18c: {  	v1 =	vadd.f32 v1, v6  }
0x18d: {  	v11 =	vadd.f32 v36, v14;
	v7 =	vmul.f32 v7, v54;
	v3 =	vadd.f32 v3, v12  }
0x18e: {  	v1 =	vadd.f32 v8, v1;
	v8 =	vmul.f32 v9, v55;
	v9 =	vadd.f32 v20, v22  }
0x18f: {  	v11 =	vadd.f32 v63, v11;
	v2 =	vadd.f32 v2, v3;
	v3 =	vmul.f32 v59, v54  }
0x190: {  	v1 =	vadd.f32 v7, v1;
	v7 =	vmul.f32 v13, v55;
	v9 =	vadd.f32 v25, v9  }
0x191: {  	v3 =	vadd.f32 v3, v11;
	v11 =	vld [tilespmem:$0x1FDB0]  }
0x192: {  	v7 =	vadd.f32 v7, v9;
	v9 =	vld [tilespmem:$0x1FDE0];
	_ =	sdelay $0x1  }
0x193: {  	v15 =	vmul.f32 v30, v54  }
0x194: {  	v4 =	vadd.f32 v23, v37  }
0x195: {  	v18 =	vadd.f32 v32, v18;
	v61 =	vmul.f32 v24, v55;
	v2 =	vadd.f32 v15, v2  }
0x196: {  	v4 =	vadd.f32 v5, v4;
	v1 =	vadd.f32 v8, v1  }
0x197: {  	v5 =	vadd.f32 v16, v18;
	v2 =	vadd.f32 v61, v2  }
0x198: {  	v12 =	vld.idx.msk [tilespmem:v19+s31+$0x0], $0xffff;
	[tilespmem:v11+s17+$0x0] =	vst.idx.msk $0xffff, v1  }
0x199: {  	[tilespmem:v9+s17+$0x0] =	vst.idx.msk $0xffff, v2;
	v2 =	vadd.f32 v62, v5;
	v5 =	vld [tilespmem:$0x1FDC0];
	_ =	sdelay $0x1  }
0x19a: {  	v14 =	vadd.f32 v35, v26;
	_ =	sdelay $0x1  }
0x19b: {  	v13 =	vadd.f32 v60, v14;
	v14 =	vmul.f32 v28, v55;
	_ =	sdelay $0x1  }
0x19c: {  	v3 =	vadd.f32 v14, v3  }
0x19d: {  	v6 =	vmul.f32 v29, v55  }
0x19e: {  	[tilespmem:v5+s17+$0x0] =	vst.idx.msk $0xffff, v3;
	v5 =	vld [tilespmem:$0x1FD70]  }
0x19f: {  	v2 =	vadd.f32 v6, v2;
	v6 =	vld [tilespmem:$0x1FDD0];
	_ =	sdelay $0x3  }
0x1a0: {  	v8 =	vmul.f32 v12, v55;
	v0 =	vadd.f32 v0, v13;
	_ =	sdelay $0x1  }
0x1a1: {  	v0 =	vadd.f32 v8, v0;
	v3 =	vmul.f32 v17, v55  }
0x1a2: {  	[tilespmem:v5+s17+$0x0] =	vst.idx.msk $0xffff, v7  }
0x1a3: {  	[tilespmem:v6+s17+$0x0] =	vst.idx.msk $0xffff, v0;
	v0 =	vadd.f32 v3, v4;
	v3 =	vld [tilespmem:$0x1FD80];
	_ =	sdelay $0x1  }
0x1a4: {  	v58 =	vadd.f32 v27, v33;
	_ =	sdelay $0x1  }
0x1a5: {  	v1 =	vadd.f32 v10, v58;
	_ =	sdelay $0x1  }
0x1a6: {  	v1 =	vadd.f32 v57, v1;
	_ =	sdelay $0x1  }
0x1a7: {  	[tilespmem:v3+s17+$0x0] =	vst.idx.msk $0xffff, v1;
	v1 =	vld [tilespmem:$0x1FDA0];
	_ =	sdelay $0x7  }
0x1a8: {  	[tilespmem:v1+s17+$0x0] =	vst.idx.msk $0xffff, v2;
	v1 =	vld [tilespmem:$0x1FD90];
	_ =	sdelay $0x2  }
0x1a9: {  	s9 =	sadd.s32 $0x0, s2  }
0x1aa: {  	v5 =	vmov s9;
	_ =	sdelay $0x3  }
0x1ab: {  	[tilespmem:v1+s17+$0x0] =	vst.idx.msk $0xffff, v0  }
0x1ac: {  	v0 =	vld.idx.msk [tilespmem:v5+s3+$0x0], $0xffff;
	_ =	sdelay $0x4  }
0x1ad: {  	v0 =	vshll.u32 v0, $0x6  }
0x1ae: {  	v1 =	vshll.u32 v5, $0x7;
	v0 =	vand.u32 $0x40, v0  }
0x1af: {  	v5 =	vlaneseq.u32;
	v0 =	vor.u32 v1, v0  }
0x1b0: {  	v2 =	vor.u32 v5, v0  }
0x1b1: {  	v10 =	vld [tilespmem:$0x1FFD0];
	_ =	sdelay $0x3  }
0x1b2: {  	v3 =	vor.u32 v5, v1;
	v2 =	vld.idx.msk [tilespmem:v2+s29+$0x0], $0xffff  }
0x1b3: {  	v4 =	vor.u32 v10, v0  }
0x1b4: {  	v11 =	vld [tilespmem:$0x1FFE0];
	_ =	sdelay $0x2  }
0x1b5: {  	[tilespmem:v3+s21+$0x0] =	vst.idx.msk $0xffff, v2  }
0x1b6: {  	v3 =	vor.u32 v10, v1;
	v2 =	vld.idx.msk [tilespmem:v4+s29+$0x0], $0xffff  }
0x1b7: {  	v4 =	vor.u32 v11, v0  }
0x1b8: {  	v12 =	vld [tilespmem:$0x1FFF0];
	_ =	sdelay $0x2  }
0x1b9: {  	[tilespmem:v3+s21+$0x0] =	vst.idx.msk $0xffff, v2  }
0x1ba: {  	v3 =	vor.u32 v11, v1;
	v2 =	vld.idx.msk [tilespmem:v4+s29+$0x0], $0xffff  }
0x1bb: {  	v0 =	vor.u32 v12, v0;
	_ =	sdelay $0x3  }
0x1bc: {  	[tilespmem:v3+s21+$0x0] =	vst.idx.msk $0xffff, v2  }
0x1bd: {  	s11 =	sadd.s32 $0x1, s2;
	v6 =	vor.u32 v12, v1;
	v2 =	vld.idx.msk [tilespmem:v0+s29+$0x0], $0xffff  }
0x1be: {  	s9 =	simm.s32 $0x2;
	v0 =	vmov s11  }
.LBB2_8:
0x1bf: {  	_ =	sdelay $0x2  }
0x1c0: {  	p2 =	sne.s32 s9, $0xF;
	s11 =	smov.u32 s9;
	s9 =	sadd.s32 $0x1, s9;
	[tilespmem:v6+s21+$0x0] =	vst.idx.msk $0xffff, v2  }
0x1c1: {  	v1 =	vld.idx.msk [tilespmem:v0+s3+$0x0], $0xffff;
	_ =	sdelay $0x5  }
0x1c2: {  	v1 =	vshll.u32 v1, $0x6  }
0x1c3: {  	v0 =	vshll.u32 v0, $0x7;
	v1 =	vand.u32 $0x40, v1  }
0x1c4: {  	v1 =	vor.u32 v0, v1  }
0x1c5: {  	v2 =	vor.u32 v5, v1;
	_ =	sdelay $0x4  }
0x1c6: {  	v2 =	vld.idx.msk [tilespmem:v2+s29+$0x0], $0xffff  }
0x1c7: {  	v3 =	vor.u32 v5, v0  }
0x1c8: {  	v4 =	vor.u32 v10, v1;
	_ =	sdelay $0x3  }
0x1c9: {  	[tilespmem:v3+s21+$0x0] =	vst.idx.msk $0xffff, v2  }
0x1ca: {  	v2 =	vld.idx.msk [tilespmem:v4+s29+$0x0], $0xffff  }
0x1cb: {  	v3 =	vor.u32 v10, v0  }
0x1cc: {  	v4 =	vor.u32 v11, v1;
	_ =	sdelay $0x3  }
0x1cd: {  	[tilespmem:v3+s21+$0x0] =	vst.idx.msk $0xffff, v2  }
0x1ce: {  	v2 =	vld.idx.msk [tilespmem:v4+s29+$0x0], $0xffff  }
0x1cf: {  	v3 =	vor.u32 v11, v0  }
0x1d0: {  	v1 =	vor.u32 v12, v1;
	_ =	sdelay $0x2  }
.Ltmp2:
0x1d1: {  	(pc) =	sbr.rel @p2 .LBB2_8-.Ltmp2, $4  }
0x1d2: {  	[tilespmem:v3+s21+$0x0] =	vst.idx.msk $0xffff, v2  }
0x1d3: {  	v2 =	vld.idx.msk [tilespmem:v1+s29+$0x0], $0xffff  }
0x1d4: {  	s11 =	sadd.s32 s2, s11;
	v6 =	vor.u32 v12, v0  }
0x1d5: {  	v0 =	vmov s11  }
0x1d6: {  	_ =	sdelay $0x3  }
0x1d7: {  	[tilespmem:v6+s21+$0x0] =	vst.idx.msk $0xffff, v2  }
0x1d8: {  	v1 =	vld.idx.msk [tilespmem:v0+s3+$0x0], $0xffff;
	_ =	sdelay $0x4  }
0x1d9: {  	v1 =	vshll.u32 v1, $0x6  }
0x1da: {  	v62 =	vshll.u32 v0, $0x7;
	v1 =	vand.u32 $0x40, v1  }
0x1db: {  	v1 =	vor.u32 v62, v1  }
0x1dc: {  	v63 =	vor.u32 v5, v1;
	_ =	sdelay $0x4  }
0x1dd: {  	v3 =	vor.u32 v5, v62;
	v2 =	vld.idx.msk [tilespmem:v63+s29+$0x0], $0xffff  }
0x1de: {  	v4 =	vor.u32 v10, v1;
	_ =	sdelay $0x3  }
0x1df: {  	[tilespmem:v3+s21+$0x0] =	vst.idx.msk $0xffff, v2  }
0x1e0: {  	v3 =	vor.u32 v10, v62;
	v2 =	vld.idx.msk [tilespmem:v4+s29+$0x0], $0xffff  }
0x1e1: {  	v4 =	vor.u32 v11, v1;
	_ =	sdelay $0x3  }
0x1e2: {  	[tilespmem:v3+s21+$0x0] =	vst.idx.msk $0xffff, v2  }
0x1e3: {  	v3 =	vor.u32 v11, v62;
	v2 =	vld.idx.msk [tilespmem:v4+s29+$0x0], $0xffff  }
0x1e4: {  	v1 =	vor.u32 v12, v1;
	_ =	sdelay $0x3  }
0x1e5: {  	[tilespmem:v3+s21+$0x0] =	vst.idx.msk $0xffff, v2  }
0x1e6: {  	v0 =	vor.u32 v12, v62;
	v1 =	vld.idx.msk [tilespmem:v1+s29+$0x0], $0xffff  }
.Ltmp3:
0x1e7: {  	_ = 	snop;
	(pc) =	sbr.rel @p1 .LBB2_5-.Ltmp3, $2  }
0x1e8: {  	_ =	sdelay $0x2  }
0x1e9: {  	s9 =	simm.s32 $0x1;
	p2 =	por $0x0, $0x0;
	[tilespmem:v0+s21+$0x0] =	vst.idx.msk $0xffff, v1  }
0x1ea: {  	s2 =	sadd.s32 s7, s15  }
0x1eb: {  	[hbm4b:s2+s3] =	stream.linear.scatter [tilespmem:s17], [sflag:$0x3], $0x100, $0x38;
	[tilespmem:$0x14300] =	vst v63  }
0x1ec: {  	_ =	swait.ge [sflag:s18], $0x100  }
0x1ed: {  	s20 =	sshll.u32 s15, $0x4;
	p1 =	seq.s32 s30, $0x7;
	[sflag:s18] =	ssyncset.done $0x0  }
.Ltmp4:
0x1ee: {  	s2 =	sadd.s32 s8, s20;
	[sflag:s18] =	ssyncadd.s32 $0xFFFFFF00;
	(pc) =	sbr.rel @p1 .LBB2_12-.Ltmp4, $4  }
0x1ef: {  	[hbm4b:s2+s3] =	stream.linear.scatter [tilespmem:s21], [sflag:$0x3], $0x1000, $0x38;
	[tilespmem:$0x14300] =	vst v63  }
0x1f0: {  	_ =	swait.ge [sflag:s18], $0x1000  }
0x1f1: {  	[sflag:s18] =	ssyncset.done $0x0  }
0x1f2: {  	[sflag:s18] =	ssyncadd.s32 $0xFFFFF000  }
0x1f3: {  	s2 =	rddreg [dreg:$0x8]  }
0x1f4: {  	s2 =	sadd.s32 s4, s2  }
0x1f5: {  	s4 =	sshrl.u32 s2, $0x3  }
0x1f6: {  	s4 =	sadd.s32 s1, s4  }
0x1f7: {  	[tilespmem:s3], [sflag:$0x3] =	stream.linear.gather [hbm4b:s4+s3], $0x20, $0x38;
	[tilespmem:$0x14300] =	vst v63  }
0x1f8: {  	_ =	swait.ge [sflag:s18], $0x20  }
0x1f9: {  	[sflag:s18] =	ssyncset.done $0x0  }
0x1fa: {  	s13 =	sadd.s32 s5, s2;
	[sflag:s18] =	ssyncadd.s32 $0xFFFFFFE0  }
0x1fb: {  	[tilespmem:s24], [sflag:$0x3] =	stream.linear.gather [hbm4b:s13+s3], $0x80, $0x38;
	[tilespmem:$0x14300] =	vst v63  }
0x1fc: {  	_ =	swait.ge [sflag:s18], $0x80  }
0x1fd: {  	[sflag:s18] =	ssyncset.done $0x0  }
0x1fe: {  	s14 =	simm.s32 $0x180;
	s2 =	sadd.s32 s2, s12;
	[sflag:s18] =	ssyncadd.s32 $0xFFFFFF80  }
0x1ff: {  	[tilespmem:s14], [sflag:$0x3] =	stream.linear.gather [hbm4b:s2+s3], $0x80, $0x38;
	[tilespmem:$0x14300] =	vst v63  }
0x200: {  	_ =	swait.ge [sflag:s18], $0x80  }
0x201: {  	[sflag:s18] =	ssyncset.done $0x0  }
0x202: {  	[sflag:s18] =	ssyncadd.s32 $0xFFFFFF80  }
0x203: {  	v0 =	vld [tilespmem:$0x0]  }
0x204: {  	v1 =	vld [tilespmem:$0x10]  }
0x205: {  	v2 =	vld [tilespmem:$0x100]  }
0x206: {  	v3 =	vld [tilespmem:$0x110]  }
0x207: {  	v4 =	vld [tilespmem:$0x120]  }
0x208: {  	v5 =	vld [tilespmem:$0x130];
	v0 =	vshra.s32 v0, $0x1  }
0x209: {  	v36 =	vld [tilespmem:$0x140];
	v35 =	vshra.s32 v1, $0x1;
	[tilespmem:$0x80] =	vst v0  }
0x20a: {  	v38 =	vld [tilespmem:$0x150];
	v37 =	vshra.s32 v2, $0x1;
	[tilespmem:$0x90] =	vst v35  }
0x20b: {  	v40 =	vld [tilespmem:$0x160];
	v39 =	vshra.s32 v3, $0x1;
	[tilespmem:$0x300] =	vst v37  }
0x20c: {  	v42 =	vld [tilespmem:$0x170];
	v41 =	vshra.s32 v4, $0x1;
	[tilespmem:$0x310] =	vst v39  }
0x20d: {  	v44 =	vld [tilespmem:$0x180];
	v43 =	vshra.s32 v5, $0x1;
	[tilespmem:$0x320] =	vst v41  }
0x20e: {  	v46 =	vld [tilespmem:$0x190];
	v45 =	vshra.s32 v36, $0x1;
	[tilespmem:$0x330] =	vst v43  }
0x20f: {  	v48 =	vld [tilespmem:$0x1A0];
	v47 =	vshra.s32 v38, $0x1;
	[tilespmem:$0x340] =	vst v45  }
0x210: {  	v50 =	vld [tilespmem:$0x1B0];
	v49 =	vshra.s32 v40, $0x1;
	[tilespmem:$0x350] =	vst v47  }
0x211: {  	v52 =	vld [tilespmem:$0x1C0];
	v51 =	vshra.s32 v42, $0x1;
	[tilespmem:$0x360] =	vst v49  }
0x212: {  	v54 =	vld [tilespmem:$0x1D0];
	v53 =	vshra.s32 v44, $0x1;
	[tilespmem:$0x370] =	vst v51  }
0x213: {  	v56 =	vld [tilespmem:$0x1E0];
	v55 =	vshra.s32 v46, $0x1;
	[tilespmem:$0x380] =	vst v53  }
0x214: {  	v58 =	vld [tilespmem:$0x1F0];
	v57 =	vshra.s32 v48, $0x1;
	[tilespmem:$0x390] =	vst v55  }
0x215: {  	v59 =	vshra.s32 v50, $0x1;
	[tilespmem:$0x3A0] =	vst v57  }
0x216: {  	v60 =	vshra.s32 v52, $0x1;
	[tilespmem:$0x3B0] =	vst v59  }
0x217: {  	v61 =	vshra.s32 v54, $0x1;
	[tilespmem:$0x3C0] =	vst v60  }
0x218: {  	v62 =	vshra.s32 v56, $0x1;
	[tilespmem:$0x3D0] =	vst v61  }
0x219: {  	v63 =	vshra.s32 v58, $0x1;
	[tilespmem:$0x3E0] =	vst v62  }
0x21a: {  	[tilespmem:$0x3F0] =	vst v63  }
0x21b: {  	[tilespmem:s29], [sflag:$0x1] =	stream.indirect.gather [hbm4b:s6+s26], $0x80, s28, s26, $0xb8;
	[tilespmem:$0x14300] =	vst v63  }
0x21c: {  	s15 =	simm.s32 $0x300  }
0x21d: {  	[tilespmem:s31], [sflag:$0x1] =	stream.indirect.gather [hbm4b:s6+s28], $0x80, s15, s28, $0xb8;
	[tilespmem:$0x14300] =	vst v63  }
0x21e: {  	s19 =	simm.s32 $0x380;
	s20 =	simm.s32 $0x6500  }
0x21f: {  	[tilespmem:s20], [sflag:$0x1] =	stream.indirect.gather [hbm4b:s6+s28], $0x80, s19, s28, $0xb8;
	[tilespmem:$0x14300] =	vst v63  }
.LBB2_12:
0x220: {  	_ =	swait.ge [sflag:s23], $0x1000  }
0x221: {  	[sflag:s23] =	ssyncset.done $0x0  }
0x222: {  	[sflag:s23] =	ssyncadd.s32 $0xFFFFF000  }
0x223: {  	_ =	swait.ge [sflag:s23], $0x4000  }
0x224: {  	[sflag:s23] =	ssyncset.done $0x0  }
0x225: {  	[sflag:s23] =	ssyncadd.s32 $0xFFFFC000  }
0x226: {  	_ =	swait.ge [sflag:s23], $0x4000  }
0x227: {  	s30 =	sadd.s32 $0x1, s30;
	s4 =	simm.s32 $0x0;
	[sflag:s23] =	ssyncset.done $0x0  }
0x228: {  	p2 =	por $0x1, $0x1;
	s2 =	simm.s32 $0x0;
	[sflag:s23] =	ssyncadd.s32 $0xFFFFC000  }
.LBB2_13:
0x229: {  	v10 =	vld [tilespmem:$0x1FFC0];
	_ =	sdelay $0x3  }
0x22a: {  	s15 =	sshll.u32 s2, $0x4  }
0x22b: {  	s2 =	sshll.u32 s2, $0x7;
	v0 =	vor.u32 s15, v11;
	v1 =	vor.u32 $0x100, v10  }
0x22c: {  	s9 =	sor.u32 $0x3, s2;
	v2 =	vor.u32 $0x103, v10;
	v1 =	vor.u32 s2, v1  }
0x22d: {  	s11 =	sor.u32 $0x5, s2;
	v4 =	vor.u32 $0x105, v10;
	v2 =	vor.u32 s9, v2  }
0x22e: {  	s19 =	sor.u32 $0x7, s2;
	v5 =	vor.u32 $0x107, v10;
	v4 =	vor.u32 s11, v4  }
0x22f: {  	s13 =	sor.u32 $0x1, s2;
	v8 =	vor.u32 $0x101, v10;
	v5 =	vor.u32 s19, v5  }
0x230: {  	v3 =	vld.idx.msk [tilespmem:v0+s4+$0x0], $0xffff;
	v8 =	vor.u32 s13, v8  }
0x231: {  	v11 =	vmov s9;
	v7 =	vor.u32 $0x106, v10;
	s9 =	sor.u32 $0x6, s2;
	v6 =	vld.idx.msk [tilespmem:v1+s24+$0x0], $0xffff  }
0x232: {  	v13 =	vlaneseq.u32;
	s20 =	sor.u32 $0x2, s2;
	v7 =	vor.u32 s9, v7;
	v2 =	vld.idx.msk [tilespmem:v2+s24+$0x0], $0xffff  }
0x233: {  	s14 =	sor.u32 $0x4, s2;
	v13 =	vmul.u32 $0x400, v13;
	v17 =	vmov s20;
	v12 =	vmov s11;
	[tilespmem:$0x1FCE0] =	vst v11;
	v4 =	vld.idx.msk [tilespmem:v4+s24+$0x0], $0xffff  }
0x234: {  	v16 =	vmov s14;
	v14 =	vmov s19;
	v11 =	vshll.u32 v11, $0x7;
	[tilespmem:$0x1FCF0] =	vst v12;
	v5 =	vld.idx.msk [tilespmem:v5+s24+$0x0], $0xffff  }
0x235: {  	v12 =	vshll.u32 v12, $0x7;
	[tilespmem:$0x1FD00] =	vst v14;
	v14 =	vshll.u32 v14, $0x7;
	v9 =	vor.u32 $0x102, v10;
	v8 =	vld.idx.msk [tilespmem:v8+s24+$0x0], $0xffff  }
0x236: {  	v13 =	vor.u32 $0x8000, v13;
	v10 =	vor.u32 $0x104, v10;
	v9 =	vor.u32 s20, v9  }
0x237: {  	v10 =	vor.u32 s14, v10;
	v0 =	vshll.u32 v0, $0x7;
	v3 =	vshll.u32 v3, $0x6;
	v7 =	vld.idx.msk [tilespmem:v7+s24+$0x0], $0xffff  }
0x238: {  	v15 =	vmov s9;
	v1 =	vshll.u32 v1, $0x7;
	v3 =	vand.u32 $0x40, v3  }
0x239: {  	v18 =	vor.u32 v0, v3;
	v6 =	vshll.u32 v6, $0x6;
	v2 =	vshll.u32 v2, $0x6  }
0x23a: {  	v4 =	vshll.u32 v4, $0x6;
	v5 =	vshll.u32 v5, $0x6;
	v8 =	vshll.u32 v8, $0x6  }
0x23b: {  	s19 =	simm.s32 $0x2;
	v0 =	vand.u32 $0x40, v2;
	v2 =	vor.u32 v13, v11;
	v3 =	vand.u32 $0x40, v4  }
0x23c: {  	s20 =	simm.s32 $0x3;
	v4 =	vor.u32 v13, v12;
	v7 =	vshll.u32 v7, $0x6;
	v11 =	vor.u32 s19, v18  }
0x23d: {  	s11 =	simm.s32 $0x1;
	v6 =	vand.u32 $0x40, v6;
	v12 =	vor.u32 s20, v18;
	v47 =	vor.u32 v2, v0  }
0x23e: {  	v48 =	vor.u32 v4, v3;
	v0 =	vor.u32 s11, v18;
	v2 =	vld.idx.msk [tilespmem:v9+s24+$0x0], $0xffff;
	v3 =	vand.u32 $0x40, v5  }
0x23f: {  	v4 =	vor.u32 v13, v14;
	v9 =	vld.idx.msk [tilespmem:v10+s24+$0x0], $0xffff;
	v7 =	vand.u32 $0x40, v7;
	v5 =	vor.u32 s11, v48  }
0x240: {  	v53 =	vor.u32 v1, v6;
	v49 =	vor.u32 v4, v3;
	v3 =	vor.u32 s11, v47  }
0x241: {  	[tilespmem:$0x1FD10] =	vst v15;
	v6 =	vshll.u32 v17, $0x7;
	v4 =	vshll.u32 v15, $0x7;
	v15 =	vor.u32 s19, v47;
	v54 =	vld.idx.msk [tilespmem:v11+s29+$0x0], $0xffff  }
0x242: {  	v14 =	vshll.u32 v16, $0x7;
	v10 =	vor.u32 s11, v49;
	v4 =	vor.u32 v13, v4;
	v52 =	vld.idx.msk [tilespmem:v12+s29+$0x0], $0xffff  }
0x243: {  	[tilespmem:$0x1FD20] =	vst v17;
	v17 =	vor.u32 s4, v18;
	v51 =	vor.u32 v4, v7;
	v4 =	vld.idx.msk [tilespmem:v0+s29+$0x0], $0xffff;
	v0 =	vor.u32 s19, v48  }
0x244: {  	v2 =	vshll.u32 v2, $0x6;
	v7 =	vshll.u32 v9, $0x6;
	v9 =	vor.u32 s11, v53;
	v1 =	vld.idx.msk [tilespmem:v5+s31+$0x0], $0xffff  }
0x245: {  	v6 =	vor.u32 v13, v6;
	v11 =	vor.u32 s20, v48;
	v3 =	vld.idx.msk [tilespmem:v3+s31+$0x0], $0xffff;
	v2 =	vand.u32 $0x40, v2  }
0x246: {  	[tilespmem:$0x1FD50] =	vst v18;
	v5 =	vor.u32 s11, v51;
	v18 =	vld.idx.msk [tilespmem:v15+s31+$0x0], $0xffff;
	v57 =	vor.u32 v6, v2;
	v2 =	vor.u32 s19, v51  }
0x247: {  	v10 =	vld.idx.msk [tilespmem:v10+s31+$0x0], $0xffff;
	v6 =	vand.u32 $0x40, v7;
	v7 =	vor.u32 v13, v14;
	v14 =	vmov s13  }
0x248: {  	v58 =	vor.u32 v7, v6;
	v6 =	vor.u32 s11, v57;
	[tilespmem:$0x1FD40] =	vst v14;
	v14 =	vshll.u32 v14, $0x7;
	v0 =	vld.idx.msk [tilespmem:v0+s31+$0x0], $0xffff  }
0x249: {  	v8 =	vand.u32 $0x40, v8;
	v27 =	vor.u32 s4, v57;
	v12 =	vor.u32 v13, v14;
	v7 =	vld.idx.msk [tilespmem:v9+s31+$0x0], $0xffff  }
0x24a: {  	v13 =	vor.u32 s4, v49;
	v59 =	vor.u32 v12, v8;
	v8 =	vld.idx.msk [tilespmem:v11+s31+$0x0], $0xffff  }
0x24b: {  	v20 =	vor.u32 s19, v58;
	v5 =	vld.idx.msk [tilespmem:v5+s31+$0x0], $0xffff  }
0x24c: {  	v9 =	vor.u32 s11, v58;
	v14 =	vld.idx.msk [tilespmem:v2+s31+$0x0], $0xffff  }
0x24d: {  	v12 =	vor.u32 s4, v51;
	v6 =	vld.idx.msk [tilespmem:v6+s31+$0x0], $0xffff  }
0x24e: {  	v11 =	vor.u32 s11, v59;
	v34 =	vmul.f32 v18, v54;
	v18 =	vld.idx.msk [tilespmem:v27+s31+$0x0], $0xffff  }
0x24f: {  	v15 =	vmov s2;
	v2 =	vor.u32 s4, v48;
	v13 =	vld.idx.msk [tilespmem:v13+s31+$0x0], $0xffff  }
0x250: {  	[tilespmem:$0x1FD60] =	vst v15;
	v15 =	vmul.f32 v3, v4;
	v3 =	vld.idx.msk [tilespmem:v20+s31+$0x0], $0xffff  }
0x251: {  	v21 =	vor.u32 s4, v47;
	v9 =	vld.idx.msk [tilespmem:v9+s31+$0x0], $0xffff  }
0x252: {  	[tilespmem:$0x1FD30] =	vst v16;
	v16 =	vimm.f32 $0.0e+00;
	v25 =	vor.u32 s4, v53;
	v23 =	vor.u32 s19, v59;
	v12 =	vld.idx.msk [tilespmem:v12+s31+$0x0], $0xffff  }
0x253: {  	v26 =	vor.u32 s19, v49;
	v29 =	vor.u32 s20, v49;
	v24 =	vor.u32 s4, v58;
	v11 =	vld.idx.msk [tilespmem:v11+s31+$0x0], $0xffff  }
0x254: {  	v30 =	vor.u32 s20, v51;
	v28 =	vor.u32 s20, v59;
	v19 =	vmul.f32 v10, v4;
	v22 =	vld.idx.msk [tilespmem:v2+s31+$0x0], $0xffff  }
0x255: {  	v61 =	vor.u32 s19, v57;
	v27 =	vmul.f32 v1, v4;
	v55 =	vmul.f32 v8, v52;
	v2 =	vld.idx.msk [tilespmem:v17+s29+$0x0], $0xffff  }
0x256: {  	v38 =	vor.u32 s20, v57;
	v20 =	vmul.f32 v0, v54;
	v17 =	vmul.f32 v5, v4;
	v5 =	vld.idx.msk [tilespmem:v21+s31+$0x0], $0xffff  }
0x257: {  	v8 =	vor.u32 s4, v59;
	v7 =	vmul.f32 v7, v4;
	v31 =	vld.idx.msk [tilespmem:v23+s31+$0x0], $0xffff;
	v10 =	vmul.f32 v14, v54  }
0x258: {  	v23 =	vor.u32 s20, v58;
	v62 =	vmul.f32 v6, v4;
	v6 =	vld.idx.msk [tilespmem:v24+s31+$0x0], $0xffff;
	v63 =	vmul.f32 v3, v54  }
0x259: {  	v14 =	vor.u32 s20, v47;
	v24 =	vld.idx.msk [tilespmem:v28+s31+$0x0], $0xffff;
	v60 =	vmul.f32 v9, v4;
	v0 =	vmul.f32 v11, v4  }
0x25a: {  	v21 =	vor.u32 s20, v53;
	v28 =	vld.idx.msk [tilespmem:v30+s31+$0x0], $0xffff;
	v1 =	vmul.f32 v13, v2;
	v11 =	vmul.f32 v22, v2  }
0x25b: {  	v9 =	vld.idx.msk [tilespmem:v26+s31+$0x0], $0xffff;
	v26 =	vimm.f32 $0.0e+00;
	v3 =	vmul.f32 v5, v2;
	v32 =	vmul.f32 v12, v2  }
0x25c: {  	v13 =	vld.idx.msk [tilespmem:v29+s31+$0x0], $0xffff;
	v29 =	vor.u32 s19, v53;
	v36 =	vmul.f32 v18, v2;
	v18 =	vimm.f32 $0.0e+00  }
0x25d: {  	v30 =	vld.idx.msk [tilespmem:v38+s31+$0x0], $0xffff;
	v12 =	vimm.f32 $0.0e+00;
	v35 =	vmul.f32 v6, v2;
	v33 =	vadd.f32 v11, v16  }
0x25e: {  	p1 =	por p2, p2;
	s2 =	simm.s32 $0x4;
	v14 =	vld.idx.msk [tilespmem:v14+s31+$0x0], $0xffff;
	v6 =	vimm.f32 $0.0e+00;
	v37 =	vadd.f32 v1, v16;
	v22 =	vadd.f32 v3, v16  }
.LBB2_14:
0x25f: {  	_ =	sdelay $0x1  }
0x260: {  	v5 =	vld.idx.msk [tilespmem:v21+s31+$0x0], $0xffff  }
0x261: {  	s11 =	sadd.s32 $0x1, s2;
	v46 =	vld [tilespmem:$0x1FD50]  }
0x262: {  	v4 =	vmul.f32 v9, v54;
	v21 =	vld.idx.msk [tilespmem:v23+s31+$0x0], $0xffff;
	v23 =	vor.u32 s11, v48  }
0x263: {  	s9 =	smov.u32 s2;
	v8 =	vld.idx.msk [tilespmem:v8+s31+$0x0], $0xffff;
	v1 =	vadd.f32 v19, v37;
	v11 =	vadd.f32 v32, v18;
	v18 =	vor.u32 s11, v47  }
0x264: {  	v29 =	vld.idx.msk [tilespmem:v29+s31+$0x0], $0xffff;
	v42 =	vor.u32 s9, v51  }
0x265: {  	v25 =	vld.idx.msk [tilespmem:v25+s31+$0x0], $0xffff;
	v1 =	vadd.f32 v4, v1;
	v4 =	vor.u32 s11, v49  }
0x266: {  	s19 =	sadd.s32 $0x2, s9;
	v3 =	vmul.f32 v31, v54;
	v31 =	vld.idx.msk [tilespmem:v61+s31+$0x0], $0xffff;
	v13 =	vmul.f32 v13, v52;
	v9 =	vor.u32 s11, v46  }
0x267: {  	v16 =	vadd.f32 v36, v16;
	v26 =	vadd.f32 v35, v26;
	s13 =	sadd.s32 $0x3, s9;
	v44 =	vor.u32 s19, v46;
	v36 =	vld.idx.msk [tilespmem:v23+s31+$0x0], $0xffff  }
0x268: {  	v35 =	vmul.f32 v14, v52;
	v45 =	vor.u32 s13, v46;
	v14 =	vadd.f32 v13, v1;
	v13 =	vld.idx.msk [tilespmem:v18+s31+$0x0], $0xffff  }
0x269: {  	v19 =	vor.u32 s9, v49;
	v39 =	vor.u32 s11, v57;
	v23 =	vor.u32 s11, v51;
	v42 =	vld.idx.msk [tilespmem:v42+s31+$0x0], $0xffff  }
0x26a: {  	v28 =	vmul.f32 v28, v52;
	v8 =	vmul.f32 v8, v2;
	v1 =	vor.u32 s11, v53;
	v4 =	vld.idx.msk [tilespmem:v4+s31+$0x0], $0xffff  }
0x26b: {  	v17 =	vadd.f32 v17, v11;
	v24 =	vmul.f32 v24, v52;
	v30 =	vmul.f32 v30, v52;
	v11 =	vld.idx.msk [tilespmem:v9+s29+$0x0], $0xffff  }
0x26c: {  	v37 =	vmul.f32 v21, v52;
	v12 =	vadd.f32 v8, v12;
	v8 =	vadd.f32 v15, v22;
	v21 =	vld.idx.msk [tilespmem:v44+s29+$0x0], $0xffff  }
0x26d: {  	v5 =	vmul.f32 v5, v52;
	v10 =	vadd.f32 v10, v17;
	v17 =	vor.u32 s11, v59;
	v52 =	vld.idx.msk [tilespmem:v45+s29+$0x0], $0xffff  }
0x26e: {  	v15 =	vor.u32 s19, v51;
	v8 =	vadd.f32 v34, v8;
	v56 =	vld.idx.msk [tilespmem:v23+s31+$0x0], $0xffff  }
0x26f: {  	v38 =	vor.u32 s13, v48;
	v16 =	vadd.f32 v62, v16;
	v62 =	vor.u32 s19, v58;
	v1 =	vld.idx.msk [tilespmem:v1+s31+$0x0], $0xffff  }
0x270: {  	v31 =	vmul.f32 v31, v54;
	v0 =	vadd.f32 v0, v12;
	v45 =	vadd.f32 v35, v8;
	v35 =	vld.idx.msk [tilespmem:v39+s31+$0x0], $0xffff  }
0x271: {  	v27 =	vadd.f32 v27, v33;
	v50 =	vor.u32 s11, v58;
	v9 =	vor.u32 s19, v48;
	v39 =	vld.idx.msk [tilespmem:v19+s31+$0x0], $0xffff  }
0x272: {  	v18 =	vor.u32 s19, v49;
	v0 =	vadd.f32 v3, v0;
	v3 =	vadd.f32 v31, v16;
	v31 =	vld.idx.msk [tilespmem:v17+s31+$0x0], $0xffff  }
0x273: {  	v32 =	vor.u32 s9, v47;
	v43 =	vor.u32 s9, v58;
	v33 =	vor.u32 s19, v59;
	v44 =	vld.idx.msk [tilespmem:v15+s31+$0x0], $0xffff  }
0x274: {  	v40 =	vor.u32 s13, v59;
	v2 =	vmul.f32 v25, v2;
	v23 =	vor.u32 s19, v47;
	v15 =	vld.idx.msk [tilespmem:v38+s31+$0x0], $0xffff  }
0x275: {  	v20 =	vadd.f32 v20, v27;
	v27 =	vor.u32 s9, v48;
	v16 =	vadd.f32 v30, v3;
	v3 =	vld.idx.msk [tilespmem:v62+s31+$0x0], $0xffff  }
0x276: {  	v41 =	vor.u32 s13, v49;
	v2 =	vadd.f32 v2, v6;
	v6 =	vor.u32 s9, v46;
	v22 =	vld.idx.msk [tilespmem:v9+s31+$0x0], $0xffff  }
0x277: {  	v61 =	vor.u32 s19, v57;
	v29 =	vmul.f32 v29, v54;
	v9 =	vld.idx.msk [tilespmem:v18+s31+$0x0], $0xffff;
	v54 =	vmovc v21;
	v21 =	vadd.f32 v60, v26  }
0x278: {  	v25 =	vor.u32 s9, v53;
	v7 =	vadd.f32 v7, v2;
	v18 =	vadd.f32 v28, v10;
	v10 =	vld.idx.msk [tilespmem:v50+s31+$0x0], $0xffff  }
0x279: {  	v8 =	vor.u32 s9, v59;
	v38 =	vor.u32 s13, v47;
	v34 =	vld.idx.msk [tilespmem:v23+s31+$0x0], $0xffff;
	v2 =	vadd.f32 v63, v21  }
0x27a: {  	v12 =	vadd.f32 v24, v0;
	v0 =	vadd.f32 v29, v7;
	v63 =	vld.idx.msk [tilespmem:v27+s31+$0x0], $0xffff;
	v27 =	vor.u32 s9, v57  }
0x27b: {  	v19 =	vmul.f32 v4, v11;
	v17 =	vmul.f32 v56, v11;
	v26 =	vadd.f32 v37, v2;
	v2 =	vld.idx.msk [tilespmem:v6+s29+$0x0], $0xffff  }
0x27c: {  	v7 =	vld.idx.msk [tilespmem:v32+s31+$0x0], $0xffff;
	v28 =	vor.u32 s13, v51;
	v62 =	vmul.f32 v35, v11;
	v46 =	vmul.f32 v15, v52  }
0x27d: {  	v24 =	vld.idx.msk [tilespmem:v40+s31+$0x0], $0xffff;
	v15 =	vmul.f32 v13, v11;
	v6 =	vadd.f32 v5, v0;
	v0 =	vmul.f32 v31, v11  }
0x27e: {  	v50 =	vor.u32 s13, v57;
	v5 =	vld.idx.msk [tilespmem:v43+s31+$0x0], $0xffff;
	v60 =	vmul.f32 v10, v11;
	v10 =	vmul.f32 v44, v54  }
0x27f: {  	p2 =	sne.s32 s2, $0x3C;
	v4 =	vadd.f32 v55, v20;
	v20 =	vmul.f32 v22, v54;
	v34 =	vmul.f32 v34, v54;
	v22 =	vld.idx.msk [tilespmem:v27+s31+$0x0], $0xffff  }
.Ltmp5:
0x280: {  	v29 =	vor.u32 s19, v53;
	v13 =	vld.idx.msk [tilespmem:v41+s31+$0x0], $0xffff;
	v27 =	vmul.f32 v36, v11;
	v30 =	vmul.f32 v39, v2;
	(pc) =	sbr.rel @p2 .LBB2_14-.Ltmp5, $4  }
0x281: {  	v23 =	vor.u32 s13, v58;
	v31 =	vld.idx.msk [tilespmem:v33+s31+$0x0], $0xffff;
	v56 =	vmul.f32 v63, v2;
	v63 =	vmul.f32 v3, v54  }
0x282: {  	v21 =	vor.u32 s13, v53;
	v55 =	vmovc v46;
	v28 =	vld.idx.msk [tilespmem:v28+s31+$0x0], $0xffff;
	v3 =	vmul.f32 v7, v2;
	v32 =	vmul.f32 v42, v2  }
0x283: {  	v35 =	vmul.f32 v5, v2;
	v7 =	vmul.f32 v1, v11;
	v37 =	vadd.f32 v30, v14;
	v14 =	vld.idx.msk [tilespmem:v38+s31+$0x0], $0xffff  }
0x284: {  	s2 =	sadd.s32 $0x4, s2;
	v33 =	vadd.f32 v56, v4;
	v30 =	vld.idx.msk [tilespmem:v50+s31+$0x0], $0xffff;
	v36 =	vmul.f32 v22, v2;
	v22 =	vadd.f32 v3, v45  }
0x285: {  	_ =	sdelay $0x3  }
0x286: {  	v3 =	vld.idx.msk [tilespmem:v25+s31+$0x0], $0xffff  }
0x287: {  	v5 =	vld.idx.msk [tilespmem:v8+s31+$0x0], $0xffff;
	_ =	sdelay $0x2  }
0x288: {  	v57 =	vld.idx.msk [tilespmem:v29+s31+$0x0], $0xffff  }
0x289: {  	v3 =	vmul.f32 v3, v2  }
0x28a: {  	v2 =	vmul.f32 v5, v2  }
0x28b: {  	v1 =	vld.idx.msk [tilespmem:v21+s31+$0x0], $0xffff;
	v3 =	vadd.f32 v3, v6  }
0x28c: {  	v58 =	vld.idx.msk [tilespmem:v61+s31+$0x0], $0xffff;
	v2 =	vadd.f32 v2, v12  }
0x28d: {  	v61 =	vld [tilespmem:$0x1FFC0];
	v6 =	vmul.f32 v57, v54;
	v3 =	vadd.f32 v7, v3  }
0x28e: {  	v0 =	vadd.f32 v0, v2;
	v2 =	vld [tilespmem:$0x1FD60]  }
0x28f: {  	v3 =	vadd.f32 v6, v3;
	v6 =	vld [tilespmem:$0x1FD40];
	_ =	sdelay $0x1  }
0x290: {  	v4 =	vadd.f32 v19, v37  }
0x291: {  	v8 =	vmul.f32 v9, v54;
	v51 =	vadd.f32 v35, v26;
	v18 =	vadd.f32 v32, v18  }
0x292: {  	v9 =	vadd.f32 v36, v16;
	v53 =	vmul.f32 v31, v54;
	v2 =	vor.u32 v61, v2  }
0x293: {  	v11 =	vld.idx.msk [tilespmem:v23+s31+$0x0], $0xffff;
	v24 =	vmul.f32 v24, v52;
	v1 =	vmul.f32 v1, v52;
	v6 =	vor.u32 v61, v6  }
0x294: {  	v9 =	vadd.f32 v62, v9;
	v62 =	vld [tilespmem:$0x1FD20];
	v12 =	vmul.f32 v58, v54;
	v0 =	vadd.f32 v53, v0  }
0x295: {  	v56 =	vadd.f32 v27, v33;
	v1 =	vadd.f32 v1, v3;
	v3 =	vld [tilespmem:$0x1FCE0]  }
0x296: {  	v9 =	vadd.f32 v12, v9;
	v12 =	vld [tilespmem:$0x1FD30];
	v0 =	vadd.f32 v24, v0  }
0x297: {  	v4 =	vadd.f32 v8, v4;
	v8 =	vmul.f32 v28, v52;
	[tilespmem:v2+s17+$0x0] =	vst.idx.msk $0xffff, v1;
	v1 =	vld [tilespmem:$0x1FCF0]  }
0x298: {  	v17 =	vadd.f32 v17, v18;
	v14 =	vmul.f32 v14, v52;
	[tilespmem:v6+s17+$0x0] =	vst.idx.msk $0xffff, v0;
	v0 =	vld [tilespmem:$0x1FD10]  }
0x299: {  	v59 =	vmul.f32 v30, v52;
	v5 =	vadd.f32 v15, v22;
	v16 =	vor.u32 v61, v62;
	v6 =	vld [tilespmem:$0x1FD00]  }
0x29a: {  	v7 =	vadd.f32 v10, v17;
	v10 =	vadd.f32 v60, v51;
	v3 =	vor.u32 v61, v3  }
0x29b: {  	v11 =	vmul.f32 v11, v52;
	v5 =	vadd.f32 v34, v5;
	v12 =	vor.u32 v61, v12  }
0x29c: {  	v10 =	vadd.f32 v63, v10;
	v9 =	vadd.f32 v59, v9;
	v1 =	vor.u32 v61, v1  }
0x29d: {  	s2 =	sadd.s32 $0x0, s15;
	v15 =	vadd.f32 v20, v56;
	v2 =	vadd.f32 v14, v5;
	v0 =	vor.u32 v61, v0  }
0x29e: {  	v5 =	vadd.f32 v11, v10;
	[tilespmem:v16+s17+$0x0] =	vst.idx.msk $0xffff, v9;
	v9 =	vmov s2;
	v6 =	vor.u32 v61, v6  }
0x29f: {  	v10 =	vmul.f32 v13, v52;
	v11 =	vadd.f32 v55, v15;
	[tilespmem:v3+s17+$0x0] =	vst.idx.msk $0xffff, v2;
	v2 =	vor.u32 $0x20, v9  }
0x2a0: {  	v3 =	vadd.f32 v8, v7;
	[tilespmem:v12+s17+$0x0] =	vst.idx.msk $0xffff, v5  }
0x2a1: {  	v4 =	vadd.f32 v10, v4;
	[tilespmem:v1+s17+$0x0] =	vst.idx.msk $0xffff, v11  }
0x2a2: {  	[tilespmem:v0+s17+$0x0] =	vst.idx.msk $0xffff, v3  }
0x2a3: {  	[tilespmem:v6+s17+$0x0] =	vst.idx.msk $0xffff, v4  }
0x2a4: {  	v0 =	vld.idx.msk [tilespmem:v2+s3+$0x0], $0xffff;
	_ =	sdelay $0x4  }
0x2a5: {  	v0 =	vshll.u32 v0, $0x6  }
0x2a6: {  	v1 =	vshll.u32 v2, $0x7;
	v0 =	vand.u32 $0x40, v0  }
0x2a7: {  	v5 =	vlaneseq.u32;
	v0 =	vor.u32 v1, v0  }
0x2a8: {  	v1 =	vor.u32 v5, v0  }
0x2a9: {  	v10 =	vld [tilespmem:$0x1FFD0];
	_ =	sdelay $0x2  }
0x2aa: {  	v2 =	vshll.u32 v9, $0x7  }
0x2ab: {  	v3 =	vor.u32 v5, v2;
	v1 =	vld.idx.msk [tilespmem:v1+s29+$0x0], $0xffff  }
0x2ac: {  	v4 =	vor.u32 v10, v0  }
0x2ad: {  	v11 =	vld [tilespmem:$0x1FFE0];
	_ =	sdelay $0x2  }
0x2ae: {  	[tilespmem:v3+s21+$0x0] =	vst.idx.msk $0xffff, v1  }
0x2af: {  	v3 =	vor.u32 v10, v2;
	v1 =	vld.idx.msk [tilespmem:v4+s29+$0x0], $0xffff  }
0x2b0: {  	v4 =	vor.u32 v11, v0  }
0x2b1: {  	v12 =	vld [tilespmem:$0x1FFF0];
	_ =	sdelay $0x2  }
0x2b2: {  	[tilespmem:v3+s21+$0x0] =	vst.idx.msk $0xffff, v1  }
0x2b3: {  	v3 =	vor.u32 v11, v2;
	v1 =	vld.idx.msk [tilespmem:v4+s29+$0x0], $0xffff  }
0x2b4: {  	v0 =	vor.u32 v12, v0;
	_ =	sdelay $0x3  }
0x2b5: {  	s20 =	sadd.s32 $0x1, s15;
	[tilespmem:v3+s21+$0x0] =	vst.idx.msk $0xffff, v1  }
0x2b6: {  	v7 =	vor.u32 v12, v2;
	v1 =	vmov s20;
	v6 =	vld.idx.msk [tilespmem:v0+s29+$0x0], $0xffff  }
0x2b7: {  	s2 =	simm.s32 $0x2;
	v2 =	vor.u32 $0x20, v1;
	v0 =	vshll.u32 v1, $0x7  }
.LBB2_16:
0x2b8: {  	_ =	sdelay $0x2  }
0x2b9: {  	p2 =	sne.s32 s2, $0xF;
	s9 =	smov.u32 s2;
	s2 =	sadd.s32 $0x1, s2;
	[tilespmem:v7+s21+$0x0] =	vst.idx.msk $0xffff, v6  }
0x2ba: {  	v1 =	vld.idx.msk [tilespmem:v2+s3+$0x0], $0xffff;
	_ =	sdelay $0x5  }
0x2bb: {  	v1 =	vshll.u32 v1, $0x6  }
0x2bc: {  	v2 =	vshll.u32 v2, $0x7;
	v1 =	vand.u32 $0x40, v1  }
0x2bd: {  	v1 =	vor.u32 v2, v1  }
0x2be: {  	v2 =	vor.u32 v5, v1;
	_ =	sdelay $0x4  }
0x2bf: {  	v2 =	vld.idx.msk [tilespmem:v2+s29+$0x0], $0xffff  }
0x2c0: {  	v3 =	vor.u32 v5, v0  }
0x2c1: {  	v4 =	vor.u32 v10, v1;
	_ =	sdelay $0x3  }
0x2c2: {  	[tilespmem:v3+s21+$0x0] =	vst.idx.msk $0xffff, v2  }
0x2c3: {  	v2 =	vld.idx.msk [tilespmem:v4+s29+$0x0], $0xffff  }
0x2c4: {  	v3 =	vor.u32 v10, v0  }
0x2c5: {  	v4 =	vor.u32 v11, v1;
	_ =	sdelay $0x3  }
0x2c6: {  	[tilespmem:v3+s21+$0x0] =	vst.idx.msk $0xffff, v2  }
0x2c7: {  	v2 =	vld.idx.msk [tilespmem:v4+s29+$0x0], $0xffff  }
0x2c8: {  	v3 =	vor.u32 v11, v0  }
0x2c9: {  	v1 =	vor.u32 v12, v1;
	_ =	sdelay $0x2  }
.Ltmp6:
0x2ca: {  	(pc) =	sbr.rel @p2 .LBB2_16-.Ltmp6, $4  }
0x2cb: {  	[tilespmem:v3+s21+$0x0] =	vst.idx.msk $0xffff, v2  }
0x2cc: {  	s9 =	sadd.s32 s15, s9;
	v6 =	vld.idx.msk [tilespmem:v1+s29+$0x0], $0xffff  }
0x2cd: {  	v7 =	vor.u32 v12, v0;
	v1 =	vmov s9  }
0x2ce: {  	v2 =	vor.u32 $0x20, v1;
	v0 =	vshll.u32 v1, $0x7  }
0x2cf: {  	_ =	sdelay $0x3  }
0x2d0: {  	[tilespmem:v7+s21+$0x0] =	vst.idx.msk $0xffff, v6  }
0x2d1: {  	v1 =	vld.idx.msk [tilespmem:v2+s3+$0x0], $0xffff;
	_ =	sdelay $0x4  }
0x2d2: {  	v1 =	vshll.u32 v1, $0x6  }
0x2d3: {  	v62 =	vshll.u32 v2, $0x7;
	v1 =	vand.u32 $0x40, v1  }
0x2d4: {  	v1 =	vor.u32 v62, v1  }
0x2d5: {  	v2 =	vor.u32 v5, v1;
	_ =	sdelay $0x4  }
0x2d6: {  	v3 =	vor.u32 v5, v0;
	v2 =	vld.idx.msk [tilespmem:v2+s29+$0x0], $0xffff  }
0x2d7: {  	v4 =	vor.u32 v10, v1;
	_ =	sdelay $0x3  }
0x2d8: {  	[tilespmem:v3+s21+$0x0] =	vst.idx.msk $0xffff, v2  }
0x2d9: {  	v3 =	vor.u32 v10, v0;
	v2 =	vld.idx.msk [tilespmem:v4+s29+$0x0], $0xffff  }
0x2da: {  	v4 =	vor.u32 v11, v1;
	_ =	sdelay $0x3  }
0x2db: {  	[tilespmem:v3+s21+$0x0] =	vst.idx.msk $0xffff, v2  }
0x2dc: {  	v3 =	vor.u32 v11, v0;
	v2 =	vld.idx.msk [tilespmem:v4+s29+$0x0], $0xffff  }
0x2dd: {  	v1 =	vor.u32 v12, v1;
	_ =	sdelay $0x3  }
0x2de: {  	[tilespmem:v3+s21+$0x0] =	vst.idx.msk $0xffff, v2  }
0x2df: {  	v63 =	vor.u32 v12, v0;
	v1 =	vld.idx.msk [tilespmem:v1+s29+$0x0], $0xffff  }
.Ltmp7:
0x2e0: {  	_ = 	snop;
	(pc) =	sbr.rel @p1 .LBB2_13-.Ltmp7, $2  }
0x2e1: {  	_ =	sdelay $0x2  }
0x2e2: {  	s2 =	simm.s32 $0x1;
	p2 =	por $0x0, $0x0;
	[tilespmem:v63+s21+$0x0] =	vst.idx.msk $0xffff, v1  }
0x2e3: {  	s2 =	sadd.s32 s7, s0  }
0x2e4: {  	[hbm4b:s2+s3] =	stream.linear.scatter [tilespmem:s17], [sflag:$0x3], $0x100, $0x38;
	[tilespmem:$0x14300] =	vst v63  }
0x2e5: {  	_ =	swait.ge [sflag:s18], $0x100  }
0x2e6: {  	s20 =	sshll.u32 s0, $0x4;
	p1 =	sne.s32 s30, $0x8;
	[sflag:s18] =	ssyncset.done $0x0  }
.Ltmp8:
0x2e7: {  	s0 =	sadd.s32 s8, s20;
	[sflag:s18] =	ssyncadd.s32 $0xFFFFFF00;
	(pc) =	sbr.rel @p1 .LBB2_4-.Ltmp8, $4  }
0x2e8: {  	[hbm4b:s0+s3] =	stream.linear.scatter [tilespmem:s21], [sflag:$0x3], $0x1000, $0x38;
	[tilespmem:$0x14300] =	vst v63  }
0x2e9: {  	_ =	swait.ge [sflag:s18], $0x1000  }
0x2ea: {  	[sflag:s18] =	ssyncset.done $0x0  }
0x2eb: {  	[sflag:s18] =	ssyncadd.s32 $0xFFFFF000  }
0x2ec: {  	s2 =	rddreg [dreg:$0xa]  }
0x2ed: {  	s0 =	rddreg [dreg:$0x9];
	s2 =	sadd.s32 $0x1, s2  }
0x2ee: {  	p1 =	sne.s32 s2, s0  }
.Ltmp9:
0x2ef: {  	_ = 	snop;
	(pc) =	sbr.rel @p1 .LBB2_1-.Ltmp9, $1  }
0x2f0: {  	_ =	sdelay $0x3  }
0x2f1: {  	_ =	sfence.sel $0x180000  }
0x2f2: {  	[bflag:$0x0] =	sbarrier.arrive $0xFFFF  }
0x2f3: {  	_ =	strace $0x90000047  }
0x2f4: {  	s0 =	stileid.u32;
	[bflag:$0x2] =	sbarrier.arrive $0xFFFF  }
0x2f5: {  	p0 =	sne.s32 s0, $0x0;
	s0 =	rddreg [dreg:$0x3]  }
0x2f6: {  	s0 =	sadd.s32 @!p0 $0x100000, s0  }
0x2f7: {  	[sflag:s0] =	ssyncadd.tile.s32 @!p0 $0x1;
	_ =	shalt  }
.Lfunc_end2:
_tile_overlayer_lowered:
.L_overlay_start_2:
0x2f8: {  	(tag) =	ssettag $0x2  }
0x2f9: {  	s0 =	rddreg [dreg:$0x0];
	s2 =	stileid.u32  }
0x2fa: {  	s1 =	rddreg [dreg:$0x1];
	p0 =	sne.s32 s2, $0x0  }
0x2fb: {  	s3 =	rddreg [dreg:$0x2];
	[bflag:$0x3] =	sbarrier.arrive $0xFFFF;
	s2 =	simm.s32 @!p0 $0x1C03  }
0x2fc: {  	[timem:s3], [sflag:s2] =	dma.local @!p0 [hbm:s0], s1  }
0x2fd: {  	s0 =	simm.s32 @!p0 $0x3  }
0x2fe: {  	_ =	swait.ge @!p0 [sflag:s0], s1  }
0x2ff: {  	s1 =	ssub.s32 @!p0 $0x0, s1;
	[sflag:s0] =	ssyncset.done @!p0 $0x0  }
0x300: {  	[sflag:s0] =	ssyncadd.s32 @!p0 s1  }
0x301: {  	[bflag:$0x3] =	sbarrier.arrive $0xFFFF  }
0x302: {  	_ =	shalt  }

</sc_bundles>
